<compile_context>
chip_gen: v7x
topology: tpu7x:2x2x1
jax: 0.10.2.dev20260603
libtpu: 0.0.44.dev20260713+nightly
codegen_flags: <defaults>
</compile_context>

<pallas_src>
import functools

import jax
import jax.numpy as jnp
from jax import lax
from jax.experimental import pallas as pl
from jax.experimental.pallas import tpu as pltpu
from jax.experimental.pallas import tpu_sc as plsc

_B = 4096
_F = 26
_E = 16
_D = _F * _E
_DP = 512
_BF = _B * _F

_NC = 2
_NS = 16
_NW = _NC * _NS
_ROWS_W = _B // _NW
_CB = 4
_CIDX = _CB * _F
_NCHUNK = _ROWS_W // _CB
_IDX_W = _ROWS_W * _F
_LINES_W = _ROWS_W * _DP // 128


def _sc_gather_body(idx_hbm, tbl_hbm, out_hbm,
                    idx_v, rows, pk0, pk1, sem, wsem):
    wid = lax.axis_index("s") * _NC + lax.axis_index("c")
    pltpu.sync_copy(idx_hbm.at[wid], idx_v)

    def issue(cc, carry):
        pltpu.async_copy(tbl_hbm.at[idx_v.at[cc]],
                         rows.at[pl.ds(cc * _CIDX, _CIDX)], sem)
        return carry

    lax.fori_loop(0, _NCHUNK, issue, 0)
    pltpu.make_async_copy(tbl_hbm.at[pl.ds(0, _IDX_W)], rows, sem).wait()

    paks = (pk0, pk1)

    def repack(jj, carry):
        for b in range(2):
            cc = 2 * jj + b
            pk = paks[b]

            @pl.when(jj > 0)
            def _():
                pltpu.make_async_copy(
                    out_hbm.at[wid, pl.ds(0, 16)], pk, wsem).wait()

            base = cc * _CIDX
            for p in range(_CIDX):
                line = (p // _F) * 4 + (p % _F) // 8
                off = ((p % _F) % 8) * 16
                pk[line, pl.ds(off, 16)] = rows[base + p, :]
            pltpu.async_copy(pk, out_hbm.at[wid, pl.ds(cc * 16, 16)], wsem)
        return carry

    lax.fori_loop(0, _NCHUNK // 2, repack, 0)
    for b in range(2):
        pltpu.make_async_copy(
            out_hbm.at[wid, pl.ds(0, 16)], paks[b], wsem).wait()


@functools.cache
def _make_sc_gather():
    return pl.kernel(
        _sc_gather_body,
        out_type=jax.ShapeDtypeStruct((_NW, _LINES_W, 128), jnp.float32),
        mesh=plsc.VectorSubcoreMesh(core_axis_name="c", subcore_axis_name="s"),
        compiler_params=pltpu.CompilerParams(
            use_tc_tiling_on_sc=False, needs_layout_passes=False),
        scratch_types=[
            pltpu.VMEM((_NCHUNK, _CIDX), jnp.int32),
            pltpu.VMEM((_IDX_W, _E), jnp.float32),
            pltpu.VMEM((16, 128), jnp.float32),
            pltpu.VMEM((16, 128), jnp.float32),
            pltpu.SemaphoreType.DMA,
            pltpu.SemaphoreType.DMA,
        ],
    )


_BLK = 512
_NBLK = _B // _BLK
_WPB = _BLK // _ROWS_W


def _stats_body(deep_ref, acc_ref):
    i = pl.program_id(0)
    blk = deep_ref[...].reshape(_BLK, _DP)[:, :_D]
    s = jnp.sum(blk, axis=0, keepdims=True)
    q = jnp.sum(blk * blk, axis=0, keepdims=True)
    sq = jnp.concatenate([s, q], axis=0)

    @pl.when(i == 0)
    def _():
        acc_ref[...] = sq

    @pl.when(i != 0)
    def _():
        acc_ref[...] += sq


def _mlp_body(stats_ref, gamma_ref, beta_ref, deep_ref, wide_ref,
              w1_ref, b1_ref, w2_ref, b2_ref, w3_ref, b3_ref, out_ref):
    inv_b = 1.0 / _B
    mean = stats_ref[0:1, :] * inv_b
    var = stats_ref[1:2, :] * inv_b - mean * mean
    scale = gamma_ref[...] * lax.rsqrt(var + 1e-5)
    shift = beta_ref[...] - mean * scale
    deep = deep_ref[...].reshape(_BLK, _DP)
    h = (deep[:, :_D] * scale + shift).astype(jnp.bfloat16)
    h1 = jnp.maximum(
        jnp.dot(h, w1_ref[...], preferred_element_type=jnp.float32)
        + b1_ref[...], 0.0).astype(jnp.bfloat16)
    h2 = jnp.maximum(
        jnp.dot(h1, w2_ref[...], preferred_element_type=jnp.float32)
        + b2_ref[...], 0.0)
    d = jnp.sum(h2 * w3_ref[...], axis=1, keepdims=True) + b3_ref[...]
    wide = wide_ref[...].reshape(_BLK, _DP)
    out_ref[...] = jax.nn.sigmoid(wide[:, :_D] + d)


def _tc_stats(deep):
    return pl.pallas_call(
        _stats_body,
        grid=(_NBLK,),
        in_specs=[pl.BlockSpec((_WPB, _LINES_W, 128), lambda i: (i, 0, 0))],
        out_specs=pl.BlockSpec((2, _D), lambda i: (0, 0)),
        out_shape=jax.ShapeDtypeStruct((2, _D), jnp.float32),
    )(deep)


def _tc_mlp(stats, gamma, beta, deep, wide, w1, b1, w2, b2, w3, b3):
    fixed = lambda i: (0, 0)
    return pl.pallas_call(
        _mlp_body,
        grid=(_NBLK,),
        in_specs=[
            pl.BlockSpec((2, _D), fixed),
            pl.BlockSpec((1, _D), fixed),
            pl.BlockSpec((1, _D), fixed),
            pl.BlockSpec((_WPB, _LINES_W, 128), lambda i: (i, 0, 0)),
            pl.BlockSpec((_WPB, _LINES_W, 128), lambda i: (i, 0, 0)),
            pl.BlockSpec((_D, 1024), fixed),
            pl.BlockSpec((1, 1024), fixed),
            pl.BlockSpec((1024, 512), fixed),
            pl.BlockSpec((1, 512), fixed),
            pl.BlockSpec((1, 512), fixed),
            pl.BlockSpec((1, 1), fixed),
        ],
        out_specs=pl.BlockSpec((_BLK, _D), lambda i: (i, 0)),
        out_shape=jax.ShapeDtypeStruct((_B, _D), jnp.float32),
    )(stats, gamma, beta, deep, wide, w1, b1, w2, b2, w3, b3)


def kernel(x, table_lr, table_deep, gamma, beta, W1, b1, W2, b2, W3, b3):
    idx = x.astype(jnp.int32).reshape(_NW, _NCHUNK, _CIDX)
    gather = _make_sc_gather()
    deep3 = gather(idx, table_deep)
    wide3 = gather(idx, table_lr)
    stats = _tc_stats(deep3)
    return _tc_mlp(stats, gamma.reshape(1, _D), beta.reshape(1, _D),
                   deep3, wide3, W1.astype(jnp.bfloat16), b1.reshape(1, 1024),
                   W2.astype(jnp.bfloat16), b2.reshape(1, 512),
                   W3.reshape(1, 512), b3.reshape(1, 1))

# --- scband reference (transcript-rebuilt; emitter-appended) ---
"""Pipeline reference for scband-demo-module-25512105739109 (READ-ONLY COPY).

The authoritative reference and input builder live on the scoring server;
editing this copy changes nothing except your own understanding.
"""

import jax, jax.numpy as jnp
import numpy as np

B = 4096
F = 26
V = 100000
E = 16
D = F * E  # 416, emb_output_size = feature_count * embedding_size


def setup_inputs(seed: int = 0) -> dict:
    key = jax.random.key(seed)
    ks = jax.random.split(key, 12)
    x = jax.random.randint(ks[0], (B, F), 0, V)
    # Two EmbeddingSumConcat tables (wide / lr and deep), NormalTensorInitializer(var=0.01) -> std=0.1
    table_lr = jax.random.normal(ks[1], (V, E), dtype=jnp.float32) * 0.1
    table_deep = jax.random.normal(ks[2], (V, E), dtype=jnp.float32) * 0.1
    # ms.nn.Normalization params
    gamma = jnp.ones((D,), dtype=jnp.float32)
    beta = jnp.zeros((D,), dtype=jnp.float32)
    # Dense MLP: D -> 1024 -> 512 -> 1
    W1 = jax.random.normal(ks[3], (D, 1024), dtype=jnp.float32) * (1.0 / np.sqrt(D))
    b1 = jnp.zeros((1024,), dtype=jnp.float32)
    W2 = jax.random.normal(ks[4], (1024, 512), dtype=jnp.float32) * (1.0 / np.sqrt(1024))
    b2 = jnp.zeros((512,), dtype=jnp.float32)
    W3 = jax.random.normal(ks[5], (512, 1), dtype=jnp.float32) * (1.0 / np.sqrt(512))
    b3 = jnp.zeros((1,), dtype=jnp.float32)
    return {"x": x, "table_lr": table_lr, "table_deep": table_deep, "gamma": gamma, "beta": beta,
            "W1": W1, "b1": b1, "W2": W2, "b2": b2, "W3": W3, "b3": b3}


def reference(x, table_lr, table_deep, gamma, beta, W1, b1, W2, b2, W3, b3):
    # EmbeddingSumConcat: gather per-field embeddings and concat -> [B, F*E]
    wide = jnp.take(table_lr, x, axis=0).reshape(x.shape[0], -1)      # lr_layer output [B, D]
    deep = jnp.take(table_deep, x, axis=0).reshape(x.shape[0], -1)    # deep_layer output [B, D]
    # ms.nn.Normalization over features (batch-norm style, training stats)
    mean = jnp.mean(deep, axis=0)
    var = jnp.var(deep, axis=0)
    deep = (deep - mean) / jnp.sqrt(var + 1e-5) * gamma + beta
    # Dense MLP
    h = jax.nn.relu(deep @ W1 + b1)
    h = jax.nn.relu(h @ W2 + b2)
    d = h @ W3 + b3                  # [B, 1]
    # torch.add(wide, deep) broadcasts [B, D] + [B, 1] -> [B, D]
    s = wide + d
    return jax.nn.sigmoid(s)

if __name__ == "__main__":
    import jax
    _d = setup_inputs()
    print(jax.jit(kernel)(*tuple(_d.values())))

</pallas_src>

<mosaic_0001>
#map = affine_map<(d0, d1) -> (0, 0, 0)>
#map1 = affine_map<(d0, d1) -> (0, 0)>
module attributes {stable_mosaic.version = 14 : i64} {
  func.func @_sc_gather_body(%arg0: i32, %arg1: i32, %arg2: memref<32x32x104xi32, #tpu.memory_space<hbm>>, %arg3: memref<100000x16xf32, #tpu.memory_space<hbm>>, %arg4: memref<32x512x128xf32, #tpu.memory_space<hbm>>, %arg5: memref<32x104xi32, #tpu.memory_space<vmem>>, %arg6: memref<3328x16xf32, #tpu.memory_space<vmem>>, %arg7: memref<16x128xf32, #tpu.memory_space<vmem>>, %arg8: memref<16x128xf32, #tpu.memory_space<vmem>>, %arg9: memref<!tpu.dma_semaphore, #tpu.memory_space<semaphore_mem>>, %arg10: memref<!tpu.dma_semaphore, #tpu.memory_space<semaphore_mem>>) attributes {dimension_semantics = [#tpu.dimension_semantics<core_parallel>, #tpu.dimension_semantics<subcore_parallel>], iteration_bounds = array<i64: 2, 16>, scalar_prefetch = 0 : i64, scratch_operands = 6 : i64, tpu.core_type = #tpu.core_type<sc_vector_subcore>, window_params = [{transform_indices = #map}, {transform_indices = #map1}, {transform_indices = #map}]} {
    %mul3A = arith.constant 2 : i32
    %mul3A_0 = arith.muli %arg1, %mul3A : i32
    %add3A = arith.addi %mul3A_0, %arg0 : i32
    "tpu.region"() ({
      %run_scoped3A = tpu.sem_alloc : memref<!tpu.dma_semaphore, #tpu.memory_space<semaphore_mem>>
      %dma_start3A = arith.constant 0 : i32
      %dma_start3A_33 = arith.constant 0 : i32
      %dma_start3A_34 = tpu.memref_slice %arg2[%add3A, %dma_start3A, %dma_start3A_33] : memref<32x32x104xi32, #tpu.memory_space<hbm>> -> memref<1x32x104xi32, #tpu.memory_space<hbm>>
      %dma_start3A_35 = tpu.memref_squeeze %dma_start3A_34 : memref<1x32x104xi32, #tpu.memory_space<hbm>> -> memref<32x104xi32, #tpu.memory_space<hbm>>
      %dma_start3A_36 = arith.constant 0 : i32
      %dma_start3A_37 = arith.constant 0 : i32
      %dma_start3A_38 = tpu.memref_slice %arg2[%add3A, %dma_start3A_36, %dma_start3A_37] : memref<32x32x104xi32, #tpu.memory_space<hbm>> -> memref<1x32x104xi32, #tpu.memory_space<hbm>>
      %dma_start3A_39 = tpu.memref_squeeze %dma_start3A_38 : memref<1x32x104xi32, #tpu.memory_space<hbm>> -> memref<32x104xi32, #tpu.memory_space<hbm>>
      tpu.enqueue_dma source(%dma_start3A_39 : memref<32x104xi32, #tpu.memory_space<hbm>>) target(%arg5 : memref<32x104xi32, #tpu.memory_space<vmem>>) target_semaphore(%run_scoped3A : memref<!tpu.dma_semaphore, #tpu.memory_space<semaphore_mem>>)
      %dma_wait3A_40 = arith.constant 0 : i32
      %dma_wait3A_41 = arith.constant 0 : i32
      %dma_wait3A_42 = tpu.memref_slice %arg2[%add3A, %dma_wait3A_40, %dma_wait3A_41] : memref<32x32x104xi32, #tpu.memory_space<hbm>> -> memref<1x32x104xi32, #tpu.memory_space<hbm>>
      %dma_wait3A_43 = tpu.memref_squeeze %dma_wait3A_42 : memref<1x32x104xi32, #tpu.memory_space<hbm>> -> memref<32x104xi32, #tpu.memory_space<hbm>>
      %dma_wait3A_44 = arith.constant 0 : i32
      %dma_wait3A_45 = arith.constant 0 : i32
      %dma_wait3A_46 = tpu.memref_slice %arg2[%add3A, %dma_wait3A_44, %dma_wait3A_45] : memref<32x32x104xi32, #tpu.memory_space<hbm>> -> memref<1x32x104xi32, #tpu.memory_space<hbm>>
      %dma_wait3A_47 = tpu.memref_squeeze %dma_wait3A_46 : memref<1x32x104xi32, #tpu.memory_space<hbm>> -> memref<32x104xi32, #tpu.memory_space<hbm>>
      tpu.wait_dma2 semaphore(%run_scoped3A : memref<!tpu.dma_semaphore, #tpu.memory_space<semaphore_mem>>) src(%dma_wait3A_47 : memref<32x104xi32, #tpu.memory_space<hbm>>) dst(%arg5 : memref<32x104xi32, #tpu.memory_space<vmem>>)
      tpu.yield
    }) : () -> ()
    %scan3A = arith.constant 0 : i32
    %scan3A_1 = arith.constant 0 : i32
    %scan3A_2 = arith.constant 32 : i32
    %scan3A_3 = arith.addi %scan3A_1, %scan3A_2 : i32
    %scan3A_4 = arith.constant 1 : i32
    scf.for %scan3A_33 = %scan3A_1 to %scan3A_3 step %scan3A_4  : i32 {
      %mul3A_34 = arith.constant 104 : i32
      %mul3A_35 = arith.muli %scan3A_33, %mul3A_34 : i32
      %dma_start3A = arith.constant 0 : i32
      %dma_start3A_36 = tpu.memref_slice %arg6[%mul3A_35, %dma_start3A] : memref<3328x16xf32, #tpu.memory_space<vmem>> -> memref<104x16xf32, #tpu.memory_space<vmem>>
      %dma_start3A_37 = arith.constant 0 : i32
      %dma_start3A_38 = tpu.memref_slice %arg5[%scan3A_33, %dma_start3A_37] : memref<32x104xi32, #tpu.memory_space<vmem>> -> memref<1x104xi32, #tpu.memory_space<vmem>>
      %dma_start3A_39 = tpu.memref_squeeze %dma_start3A_38 : memref<1x104xi32, #tpu.memory_space<vmem>> -> memref<104xi32, #tpu.memory_space<vmem>>
      %dma_start3A_40 = arith.constant 0 : i32
      %dma_start3A_41 = arith.constant 0 : i32
      %dma_start3A_42 = tpu.memref_slice %arg3[%dma_start3A_40, %dma_start3A_41] : memref<100000x16xf32, #tpu.memory_space<hbm>> -> memref<100000x16xf32, #tpu.memory_space<hbm>>
      tpu.enqueue_indirect_dma source(%dma_start3A_42 : memref<100000x16xf32, #tpu.memory_space<hbm>>) target(%dma_start3A_36 : memref<104x16xf32, #tpu.memory_space<vmem>>) offsets(%dma_start3A_39 : memref<104xi32, #tpu.memory_space<vmem>>) semaphore(%arg9 : memref<!tpu.dma_semaphore, #tpu.memory_space<semaphore_mem>>)
    }
    %scan3A_5 = arith.constant 32 : i32
    %dma_wait3A = arith.constant 0 : i32
    %dma_wait3A_6 = arith.constant 0 : i32
    %dma_wait3A_7 = tpu.memref_slice %arg3[%dma_wait3A, %dma_wait3A_6] : memref<100000x16xf32, #tpu.memory_space<hbm>> -> memref<3328x16xf32, #tpu.memory_space<hbm>>
    %dma_wait3A_8 = arith.constant 0 : i32
    %dma_wait3A_9 = arith.constant 0 : i32
    %dma_wait3A_10 = tpu.memref_slice %arg3[%dma_wait3A_8, %dma_wait3A_9] : memref<100000x16xf32, #tpu.memory_space<hbm>> -> memref<3328x16xf32, #tpu.memory_space<hbm>>
    tpu.wait_dma2 semaphore(%arg9 : memref<!tpu.dma_semaphore, #tpu.memory_space<semaphore_mem>>) src(%dma_wait3A_10 : memref<3328x16xf32, #tpu.memory_space<hbm>>) dst(%arg6 : memref<3328x16xf32, #tpu.memory_space<vmem>>)
    %scan3A_11 = arith.constant 0 : i32
    %scan3A_12 = arith.constant 0 : i32
    %scan3A_13 = arith.constant 16 : i32
    %scan3A_14 = arith.addi %scan3A_12, %scan3A_13 : i32
    %scan3A_15 = arith.constant 1 : i32
    scf.for %scan3A_33 = %scan3A_12 to %scan3A_14 step %scan3A_15  : i32 {
      %mul3A_34 = arith.constant 2 : i32
      %mul3A_35 = arith.muli %mul3A_34, %scan3A_33 : i32
      %add3A_36 = arith.constant 0 : i32
      %add3A_37 = arith.addi %mul3A_35, %add3A_36 : i32
      %gt3A = arith.constant 0 : i32
      %gt3A_38 = arith.cmpi sgt, %scan3A_33, %gt3A : i32
      %convert_element_type3A = arith.extui %gt3A_38 : i1 to i32
      %cond3A = arith.constant 0 : i32
      %cond3A_39 = arith.cmpi ne, %convert_element_type3A, %cond3A : i32
      scf.if %cond3A_39 {
        %dma_wait3A_1938 = arith.constant 0 : i32
        %dma_wait3A_1939 = arith.constant 0 : i32
        %dma_wait3A_1940 = tpu.memref_slice %arg4[%add3A, %dma_wait3A_1938, %dma_wait3A_1939] : memref<32x512x128xf32, #tpu.memory_space<hbm>> -> memref<1x16x128xf32, #tpu.memory_space<hbm>>
        %dma_wait3A_1941 = tpu.memref_squeeze %dma_wait3A_1940 : memref<1x16x128xf32, #tpu.memory_space<hbm>> -> memref<16x128xf32, #tpu.memory_space<hbm>>
        %dma_wait3A_1942 = arith.constant 0 : i32
        %dma_wait3A_1943 = arith.constant 0 : i32
        %dma_wait3A_1944 = tpu.memref_slice %arg4[%add3A, %dma_wait3A_1942, %dma_wait3A_1943] : memref<32x512x128xf32, #tpu.memory_space<hbm>> -> memref<1x16x128xf32, #tpu.memory_space<hbm>>
        %dma_wait3A_1945 = tpu.memref_squeeze %dma_wait3A_1944 : memref<1x16x128xf32, #tpu.memory_space<hbm>> -> memref<16x128xf32, #tpu.memory_space<hbm>>
        tpu.wait_dma2 semaphore(%arg10 : memref<!tpu.dma_semaphore, #tpu.memory_space<semaphore_mem>>) src(%dma_wait3A_1945 : memref<16x128xf32, #tpu.memory_space<hbm>>) dst(%arg7 : memref<16x128xf32, #tpu.memory_space<vmem>>)
      } else {
      }
      %mul3A_40 = arith.constant 104 : i32
      %mul3A_41 = arith.muli %add3A_37, %mul3A_40 : i32
      %add3A_42 = arith.constant 0 : i32
      %add3A_43 = arith.addi %mul3A_41, %add3A_42 : i32
      %get3A = arith.index_cast %add3A_43 : i32 to index
      %get3A_44 = arith.constant 0 : index
      %get3A_45 = tpu.vector_load %arg6[%get3A, %get3A_44] {strides = array<i32>} : memref<3328x16xf32, #tpu.memory_space<vmem>>, vector<16xf32>,
      %swap3A = arith.constant 0 : i32
      %swap3A_46 = arith.index_cast %swap3A : i32 to index
      %swap3A_47 = arith.constant 0 : index
      %swap3A_48 = tpu.vector_load %arg7[%swap3A_46, %swap3A_47] {strides = array<i32>} : memref<16x128xf32, #tpu.memory_space<vmem>>, vector<16xf32>,
      tpu.vector_store %arg7[%swap3A_46, %swap3A_47], %get3A_45 {strides = array<i32>} : memref<16x128xf32, #tpu.memory_space<vmem>>, vector<16xf32>,
      %add3A_49 = arith.constant 1 : i32
      %add3A_50 = arith.addi %mul3A_41, %add3A_49 : i32
      %get3A_51 = arith.index_cast %add3A_50 : i32 to index
      %get3A_52 = arith.constant 0 : index
      %get3A_53 = tpu.vector_load %arg6[%get3A_51, %get3A_52] {strides = array<i32>} : memref<3328x16xf32, #tpu.memory_space<vmem>>, vector<16xf32>,
      %swap3A_54 = arith.constant 0 : i32
      %swap3A_55 = arith.index_cast %swap3A_54 : i32 to index
      %swap3A_56 = arith.constant 16 : index
      %swap3A_57 = tpu.vector_load %arg7[%swap3A_55, %swap3A_56] {strides = array<i32>} : memref<16x128xf32, #tpu.memory_space<vmem>>, vector<16xf32>,
      tpu.vector_store %arg7[%swap3A_55, %swap3A_56], %get3A_53 {strides = array<i32>} : memref<16x128xf32, #tpu.memory_space<vmem>>, vector<16xf32>,
      %add3A_58 = arith.constant 2 : i32
      %add3A_59 = arith.addi %mul3A_41, %add3A_58 : i32
      %get3A_60 = arith.index_cast %add3A_59 : i32 to index
      %get3A_61 = arith.constant 0 : index
      %get3A_62 = tpu.vector_load %arg6[%get3A_60, %get3A_61] {strides = array<i32>} : memref<3328x16xf32, #tpu.memory_space<vmem>>, vector<16xf32>,
      %swap3A_63 = arith.constant 0 : i32
      %swap3A_64 = arith.index_cast %swap3A_63 : i32 to index
      %swap3A_65 = arith.constant 32 : index
      %swap3A_66 = tpu.vector_load %arg7[%swap3A_64, %swap3A_65] {strides = array<i32>} : memref<16x128xf32, #tpu.memory_space<vmem>>, vector<16xf32>,
      tpu.vector_store %arg7[%swap3A_64, %swap3A_65], %get3A_62 {strides = array<i32>} : memref<16x128xf32, #tpu.memory_space<vmem>>, vector<16xf32>,
      %add3A_67 = arith.constant 3 : i32
      %add3A_68 = arith.addi %mul3A_41, %add3A_67 : i32
      %get3A_69 = arith.index_cast %add3A_68 : i32 to index
      %get3A_70 = arith.constant 0 : index
      %get3A_71 = tpu.vector_load %arg6[%get3A_69, %get3A_70] {strides = array<i32>} : memref<3328x16xf32, #tpu.memory_space<vmem>>, vector<16xf32>,
      %swap3A_72 = arith.constant 0 : i32
      %swap3A_73 = arith.index_cast %swap3A_72 : i32 to index
      %swap3A_74 = arith.constant 48 : index
      %swap3A_75 = tpu.vector_load %arg7[%swap3A_73, %swap3A_74] {strides = array<i32>} : memref<16x128xf32, #tpu.memory_space<vmem>>, vector<16xf32>,
      tpu.vector_store %arg7[%swap3A_73, %swap3A_74], %get3A_71 {strides = array<i32>} : memref<16x128xf32, #tpu.memory_space<vmem>>, vector<16xf32>,
      %add3A_76 = arith.constant 4 : i32
      %add3A_77 = arith.addi %mul3A_41, %add3A_76 : i32
      %get3A_78 = arith.index_cast %add3A_77 : i32 to index
      %get3A_79 = arith.constant 0 : index
      %get3A_80 = tpu.vector_load %arg6[%get3A_78, %get3A_79] {strides = array<i32>} : memref<3328x16xf32, #tpu.memory_space<vmem>>, vector<16xf32>,
      %swap3A_81 = arith.constant 0 : i32
      %swap3A_82 = arith.index_cast %swap3A_81 : i32 to index
      %swap3A_83 = arith.constant 64 : index
      %swap3A_84 = tpu.vector_load %arg7[%swap3A_82, %swap3A_83] {strides = array<i32>} : memref<16x128xf32, #tpu.memory_space<vmem>>, vector<16xf32>,
      tpu.vector_store %arg7[%swap3A_82, %swap3A_83], %get3A_80 {strides = array<i32>} : memref<16x128xf32, #tpu.memory_space<vmem>>, vector<16xf32>,
      %add3A_85 = arith.constant 5 : i32
      %add3A_86 = arith.addi %mul3A_41, %add3A_85 : i32
      %get3A_87 = arith.index_cast %add3A_86 : i32 to index
      %get3A_88 = arith.constant 0 : index
      %get3A_89 = tpu.vector_load %arg6[%get3A_87, %get3A_88] {strides = array<i32>} : memref<3328x16xf32, #tpu.memory_space<vmem>>, vector<16xf32>,
      %swap3A_90 = arith.constant 0 : i32
      %swap3A_91 = arith.index_cast %swap3A_90 : i32 to index
      %swap3A_92 = arith.constant 80 : index
      %swap3A_93 = tpu.vector_load %arg7[%swap3A_91, %swap3A_92] {strides = array<i32>} : memref<16x128xf32, #tpu.memory_space<vmem>>, vector<16xf32>,
      tpu.vector_store %arg7[%swap3A_91, %swap3A_92], %get3A_89 {strides = array<i32>} : memref<16x128xf32, #tpu.memory_space<vmem>>, vector<16xf32>,
      %add3A_94 = arith.constant 6 : i32
      %add3A_95 = arith.addi %mul3A_41, %add3A_94 : i32
      %get3A_96 = arith.index_cast %add3A_95 : i32 to index
      %get3A_97 = arith.constant 0 : index
      %get3A_98 = tpu.vector_load %arg6[%get3A_96, %get3A_97] {strides = array<i32>} : memref<3328x16xf32, #tpu.memory_space<vmem>>, vector<16xf32>,
      %swap3A_99 = arith.constant 0 : i32
      %swap3A_100 = arith.index_cast %swap3A_99 : i32 to index
      %swap3A_101 = arith.constant 96 : index
      %swap3A_102 = tpu.vector_load %arg7[%swap3A_100, %swap3A_101] {strides = array<i32>} : memref<16x128xf32, #tpu.memory_space<vmem>>, vector<16xf32>,
      tpu.vector_store %arg7[%swap3A_100, %swap3A_101], %get3A_98 {strides = array<i32>} : memref<16x128xf32, #tpu.memory_space<vmem>>, vector<16xf32>,
      %add3A_103 = arith.constant 7 : i32
      %add3A_104 = arith.addi %mul3A_41, %add3A_103 : i32
      %get3A_105 = arith.index_cast %add3A_104 : i32 to index
      %get3A_106 = arith.constant 0 : index
      %get3A_107 = tpu.vector_load %arg6[%get3A_105, %get3A_106] {strides = array<i32>} : memref<3328x16xf32, #tpu.memory_space<vmem>>, vector<16xf32>,
      %swap3A_108 = arith.constant 0 : i32
      %swap3A_109 = arith.index_cast %swap3A_108 : i32 to index
      %swap3A_110 = arith.constant 112 : index
      %swap3A_111 = tpu.vector_load %arg7[%swap3A_109, %swap3A_110] {strides = array<i32>} : memref<16x128xf32, #tpu.memory_space<vmem>>, vector<16xf32>,
      tpu.vector_store %arg7[%swap3A_109, %swap3A_110], %get3A_107 {strides = array<i32>} : memref<16x128xf32, #tpu.memory_space<vmem>>, vector<16xf32>,
      %add3A_112 = arith.constant 8 : i32
      %add3A_113 = arith.addi %mul3A_41, %add3A_112 : i32
      %get3A_114 = arith.index_cast %add3A_113 : i32 to index
      %get3A_115 = arith.constant 0 : index
      %get3A_116 = tpu.vector_load %arg6[%get3A_114, %get3A_115] {strides = array<i32>} : memref<3328x16xf32, #tpu.memory_space<vmem>>, vector<16xf32>,
      %swap3A_117 = arith.constant 1 : i32
      %swap3A_118 = arith.index_cast %swap3A_117 : i32 to index
      %swap3A_119 = arith.constant 0 : index
      %swap3A_120 = tpu.vector_load %arg7[%swap3A_118, %swap3A_119] {strides = array<i32>} : memref<16x128xf32, #tpu.memory_space<vmem>>, vector<16xf32>,
      tpu.vector_store %arg7[%swap3A_118, %swap3A_119], %get3A_116 {strides = array<i32>} : memref<16x128xf32, #tpu.memory_space<vmem>>, vector<16xf32>,
      %add3A_121 = arith.constant 9 : i32
      %add3A_122 = arith.addi %mul3A_41, %add3A_121 : i32
      %get3A_123 = arith.index_cast %add3A_122 : i32 to index
      %get3A_124 = arith.constant 0 : index
      %get3A_125 = tpu.vector_load %arg6[%get3A_123, %get3A_124] {strides = array<i32>} : memref<3328x16xf32, #tpu.memory_space<vmem>>, vector<16xf32>,
      %swap3A_126 = arith.constant 1 : i32
      %swap3A_127 = arith.index_cast %swap3A_126 : i32 to index
      %swap3A_128 = arith.constant 16 : index
      %swap3A_129 = tpu.vector_load %arg7[%swap3A_127, %swap3A_128] {strides = array<i32>} : memref<16x128xf32, #tpu.memory_space<vmem>>, vector<16xf32>,
      tpu.vector_store %arg7[%swap3A_127, %swap3A_128], %get3A_125 {strides = array<i32>} : memref<16x128xf32, #tpu.memory_space<vmem>>, vector<16xf32>,
      %add3A_130 = arith.constant 10 : i32
      %add3A_131 = arith.addi %mul3A_41, %add3A_130 : i32
      %get3A_132 = arith.index_cast %add3A_131 : i32 to index
      %get3A_133 = arith.constant 0 : index
      %get3A_134 = tpu.vector_load %arg6[%get3A_132, %get3A_133] {strides = array<i32>} : memref<3328x16xf32, #tpu.memory_space<vmem>>, vector<16xf32>,
      %swap3A_135 = arith.constant 1 : i32
      %swap3A_136 = arith.index_cast %swap3A_135 : i32 to index
      %swap3A_137 = arith.constant 32 : index
      %swap3A_138 = tpu.vector_load %arg7[%swap3A_136, %swap3A_137] {strides = array<i32>} : memref<16x128xf32, #tpu.memory_space<vmem>>, vector<16xf32>,
      tpu.vector_store %arg7[%swap3A_136, %swap3A_137], %get3A_134 {strides = array<i32>} : memref<16x128xf32, #tpu.memory_space<vmem>>, vector<16xf32>,
      %add3A_139 = arith.constant 11 : i32
      %add3A_140 = arith.addi %mul3A_41, %add3A_139 : i32
      %get3A_141 = arith.index_cast %add3A_140 : i32 to index
      %get3A_142 = arith.constant 0 : index
      %get3A_143 = tpu.vector_load %arg6[%get3A_141, %get3A_142] {strides = array<i32>} : memref<3328x16xf32, #tpu.memory_space<vmem>>, vector<16xf32>,
      %swap3A_144 = arith.constant 1 : i32
      %swap3A_145 = arith.index_cast %swap3A_144 : i32 to index
      %swap3A_146 = arith.constant 48 : index
      %swap3A_147 = tpu.vector_load %arg7[%swap3A_145, %swap3A_146] {strides = array<i32>} : memref<16x128xf32, #tpu.memory_space<vmem>>, vector<16xf32>,
      tpu.vector_store %arg7[%swap3A_145, %swap3A_146], %get3A_143 {strides = array<i32>} : memref<16x128xf32, #tpu.memory_space<vmem>>, vector<16xf32>,
      %add3A_148 = arith.constant 12 : i32
      %add3A_149 = arith.addi %mul3A_41, %add3A_148 : i32
      %get3A_150 = arith.index_cast %add3A_149 : i32 to index
      %get3A_151 = arith.constant 0 : index
      %get3A_152 = tpu.vector_load %arg6[%get3A_150, %get3A_151] {strides = array<i32>} : memref<3328x16xf32, #tpu.memory_space<vmem>>, vector<16xf32>,
      %swap3A_153 = arith.constant 1 : i32
      %swap3A_154 = arith.index_cast %swap3A_153 : i32 to index
      %swap3A_155 = arith.constant 64 : index
      %swap3A_156 = tpu.vector_load %arg7[%swap3A_154, %swap3A_155] {strides = array<i32>} : memref<16x128xf32, #tpu.memory_space<vmem>>, vector<16xf32>,
      tpu.vector_store %arg7[%swap3A_154, %swap3A_155], %get3A_152 {strides = array<i32>} : memref<16x128xf32, #tpu.memory_space<vmem>>, vector<16xf32>,
      %add3A_157 = arith.constant 13 : i32
      %add3A_158 = arith.addi %mul3A_41, %add3A_157 : i32
      %get3A_159 = arith.index_cast %add3A_158 : i32 to index
      %get3A_160 = arith.constant 0 : index
      %get3A_161 = tpu.vector_load %arg6[%get3A_159, %get3A_160] {strides = array<i32>} : memref<3328x16xf32, #tpu.memory_space<vmem>>, vector<16xf32>,
      %swap3A_162 = arith.constant 1 : i32
      %swap3A_163 = arith.index_cast %swap3A_162 : i32 to index
      %swap3A_164 = arith.constant 80 : index
      %swap3A_165 = tpu.vector_load %arg7[%swap3A_163, %swap3A_164] {strides = array<i32>} : memref<16x128xf32, #tpu.memory_space<vmem>>, vector<16xf32>,
      tpu.vector_store %arg7[%swap3A_163, %swap3A_164], %get3A_161 {strides = array<i32>} : memref<16x128xf32, #tpu.memory_space<vmem>>, vector<16xf32>,
      %add3A_166 = arith.constant 14 : i32
      %add3A_167 = arith.addi %mul3A_41, %add3A_166 : i32
      %get3A_168 = arith.index_cast %add3A_167 : i32 to index
      %get3A_169 = arith.constant 0 : index
      %get3A_170 = tpu.vector_load %arg6[%get3A_168, %get3A_169] {strides = array<i32>} : memref<3328x16xf32, #tpu.memory_space<vmem>>, vector<16xf32>,
      %swap3A_171 = arith.constant 1 : i32
      %swap3A_172 = arith.index_cast %swap3A_171 : i32 to index
      %swap3A_173 = arith.constant 96 : index
      %swap3A_174 = tpu.vector_load %arg7[%swap3A_172, %swap3A_173] {strides = array<i32>} : memref<16x128xf32, #tpu.memory_space<vmem>>, vector<16xf32>,
      tpu.vector_store %arg7[%swap3A_172, %swap3A_173], %get3A_170 {strides = array<i32>} : memref<16x128xf32, #tpu.memory_space<vmem>>, vector<16xf32>,
      %add3A_175 = arith.constant 15 : i32
      %add3A_176 = arith.addi %mul3A_41, %add3A_175 : i32
      %get3A_177 = arith.index_cast %add3A_176 : i32 to index
      %get3A_178 = arith.constant 0 : index
      %get3A_179 = tpu.vector_load %arg6[%get3A_177, %get3A_178] {strides = array<i32>} : memref<3328x16xf32, #tpu.memory_space<vmem>>, vector<16xf32>,
      %swap3A_180 = arith.constant 1 : i32
      %swap3A_181 = arith.index_cast %swap3A_180 : i32 to index
      %swap3A_182 = arith.constant 112 : index
      %swap3A_183 = tpu.vector_load %arg7[%swap3A_181, %swap3A_182] {strides = array<i32>} : memref<16x128xf32, #tpu.memory_space<vmem>>, vector<16xf32>,
      tpu.vector_store %arg7[%swap3A_181, %swap3A_182], %get3A_179 {strides = array<i32>} : memref<16x128xf32, #tpu.memory_space<vmem>>, vector<16xf32>,
      %add3A_184 = arith.constant 16 : i32
      %add3A_185 = arith.addi %mul3A_41, %add3A_184 : i32
      %get3A_186 = arith.index_cast %add3A_185 : i32 to index
      %get3A_187 = arith.constant 0 : index
      %get3A_188 = tpu.vector_load %arg6[%get3A_186, %get3A_187] {strides = array<i32>} : memref<3328x16xf32, #tpu.memory_space<vmem>>, vector<16xf32>,
      %swap3A_189 = arith.constant 2 : i32
      %swap3A_190 = arith.index_cast %swap3A_189 : i32 to index
      %swap3A_191 = arith.constant 0 : index
      %swap3A_192 = tpu.vector_load %arg7[%swap3A_190, %swap3A_191] {strides = array<i32>} : memref<16x128xf32, #tpu.memory_space<vmem>>, vector<16xf32>,
      tpu.vector_store %arg7[%swap3A_190, %swap3A_191], %get3A_188 {strides = array<i32>} : memref<16x128xf32, #tpu.memory_space<vmem>>, vector<16xf32>,
      %add3A_193 = arith.constant 17 : i32
      %add3A_194 = arith.addi %mul3A_41, %add3A_193 : i32
      %get3A_195 = arith.index_cast %add3A_194 : i32 to index
      %get3A_196 = arith.constant 0 : index
      %get3A_197 = tpu.vector_load %arg6[%get3A_195, %get3A_196] {strides = array<i32>} : memref<3328x16xf32, #tpu.memory_space<vmem>>, vector<16xf32>,
      %swap3A_198 = arith.constant 2 : i32
      %swap3A_199 = arith.index_cast %swap3A_198 : i32 to index
      %swap3A_200 = arith.constant 16 : index
      %swap3A_201 = tpu.vector_load %arg7[%swap3A_199, %swap3A_200] {strides = array<i32>} : memref<16x128xf32, #tpu.memory_space<vmem>>, vector<16xf32>,
      tpu.vector_store %arg7[%swap3A_199, %swap3A_200], %get3A_197 {strides = array<i32>} : memref<16x128xf32, #tpu.memory_space<vmem>>, vector<16xf32>,
      %add3A_202 = arith.constant 18 : i32
      %add3A_203 = arith.addi %mul3A_41, %add3A_202 : i32
      %get3A_204 = arith.index_cast %add3A_203 : i32 to index
      %get3A_205 = arith.constant 0 : index
      %get3A_206 = tpu.vector_load %arg6[%get3A_204, %get3A_205] {strides = array<i32>} : memref<3328x16xf32, #tpu.memory_space<vmem>>, vector<16xf32>,
      %swap3A_207 = arith.constant 2 : i32
      %swap3A_208 = arith.index_cast %swap3A_207 : i32 to index
      %swap3A_209 = arith.constant 32 : index
      %swap3A_210 = tpu.vector_load %arg7[%swap3A_208, %swap3A_209] {strides = array<i32>} : memref<16x128xf32, #tpu.memory_space<vmem>>, vector<16xf32>,
      tpu.vector_store %arg7[%swap3A_208, %swap3A_209], %get3A_206 {strides = array<i32>} : memref<16x128xf32, #tpu.memory_space<vmem>>, vector<16xf32>,
      %add3A_211 = arith.constant 19 : i32
      %add3A_212 = arith.addi %mul3A_41, %add3A_211 : i32
      %get3A_213 = arith.index_cast %add3A_212 : i32 to index
      %get3A_214 = arith.constant 0 : index
      %get3A_215 = tpu.vector_load %arg6[%get3A_213, %get3A_214] {strides = array<i32>} : memref<3328x16xf32, #tpu.memory_space<vmem>>, vector<16xf32>,
      %swap3A_216 = arith.constant 2 : i32
      %swap3A_217 = arith.index_cast %swap3A_216 : i32 to index
      %swap3A_218 = arith.constant 48 : index
      %swap3A_219 = tpu.vector_load %arg7[%swap3A_217, %swap3A_218] {strides = array<i32>} : memref<16x128xf32, #tpu.memory_space<vmem>>, vector<16xf32>,
      tpu.vector_store %arg7[%swap3A_217, %swap3A_218], %get3A_215 {strides = array<i32>} : memref<16x128xf32, #tpu.memory_space<vmem>>, vector<16xf32>,
      %add3A_220 = arith.constant 20 : i32
      %add3A_221 = arith.addi %mul3A_41, %add3A_220 : i32
      %get3A_222 = arith.index_cast %add3A_221 : i32 to index
      %get3A_223 = arith.constant 0 : index
      %get3A_224 = tpu.vector_load %arg6[%get3A_222, %get3A_223] {strides = array<i32>} : memref<3328x16xf32, #tpu.memory_space<vmem>>, vector<16xf32>,
      %swap3A_225 = arith.constant 2 : i32
      %swap3A_226 = arith.index_cast %swap3A_225 : i32 to index
      %swap3A_227 = arith.constant 64 : index
      %swap3A_228 = tpu.vector_load %arg7[%swap3A_226, %swap3A_227] {strides = array<i32>} : memref<16x128xf32, #tpu.memory_space<vmem>>, vector<16xf32>,
      tpu.vector_store %arg7[%swap3A_226, %swap3A_227], %get3A_224 {strides = array<i32>} : memref<16x128xf32, #tpu.memory_space<vmem>>, vector<16xf32>,
      %add3A_229 = arith.constant 21 : i32
      %add3A_230 = arith.addi %mul3A_41, %add3A_229 : i32
      %get3A_231 = arith.index_cast %add3A_230 : i32 to index
      %get3A_232 = arith.constant 0 : index
      %get3A_233 = tpu.vector_load %arg6[%get3A_231, %get3A_232] {strides = array<i32>} : memref<3328x16xf32, #tpu.memory_space<vmem>>, vector<16xf32>,
      %swap3A_234 = arith.constant 2 : i32
      %swap3A_235 = arith.index_cast %swap3A_234 : i32 to index
      %swap3A_236 = arith.constant 80 : index
      %swap3A_237 = tpu.vector_load %arg7[%swap3A_235, %swap3A_236] {strides = array<i32>} : memref<16x128xf32, #tpu.memory_space<vmem>>, vector<16xf32>,
      tpu.vector_store %arg7[%swap3A_235, %swap3A_236], %get3A_233 {strides = array<i32>} : memref<16x128xf32, #tpu.memory_space<vmem>>, vector<16xf32>,
      %add3A_238 = arith.constant 22 : i32
      %add3A_239 = arith.addi %mul3A_41, %add3A_238 : i32
      %get3A_240 = arith.index_cast %add3A_239 : i32 to index
      %get3A_241 = arith.constant 0 : index
      %get3A_242 = tpu.vector_load %arg6[%get3A_240, %get3A_241] {strides = array<i32>} : memref<3328x16xf32, #tpu.memory_space<vmem>>, vector<16xf32>,
      %swap3A_243 = arith.constant 2 : i32
      %swap3A_244 = arith.index_cast %swap3A_243 : i32 to index
      %swap3A_245 = arith.constant 96 : index
      %swap3A_246 = tpu.vector_load %arg7[%swap3A_244, %swap3A_245] {strides = array<i32>} : memref<16x128xf32, #tpu.memory_space<vmem>>, vector<16xf32>,
      tpu.vector_store %arg7[%swap3A_244, %swap3A_245], %get3A_242 {strides = array<i32>} : memref<16x128xf32, #tpu.memory_space<vmem>>, vector<16xf32>,
      %add3A_247 = arith.constant 23 : i32
      %add3A_248 = arith.addi %mul3A_41, %add3A_247 : i32
      %get3A_249 = arith.index_cast %add3A_248 : i32 to index
      %get3A_250 = arith.constant 0 : index
      %get3A_251 = tpu.vector_load %arg6[%get3A_249, %get3A_250] {strides = array<i32>} : memref<3328x16xf32, #tpu.memory_space<vmem>>, vector<16xf32>,
      %swap3A_252 = arith.constant 2 : i32
      %swap3A_253 = arith.index_cast %swap3A_252 : i32 to index
      %swap3A_254 = arith.constant 112 : index
      %swap3A_255 = tpu.vector_load %arg7[%swap3A_253, %swap3A_254] {strides = array<i32>} : memref<16x128xf32, #tpu.memory_space<vmem>>, vector<16xf32>,
      tpu.vector_store %arg7[%swap3A_253, %swap3A_254], %get3A_251 {strides = array<i32>} : memref<16x128xf32, #tpu.memory_space<vmem>>, vector<16xf32>,
      %add3A_256 = arith.constant 24 : i32
      %add3A_257 = arith.addi %mul3A_41, %add3A_256 : i32
      %get3A_258 = arith.index_cast %add3A_257 : i32 to index
      %get3A_259 = arith.constant 0 : index
      %get3A_260 = tpu.vector_load %arg6[%get3A_258, %get3A_259] {strides = array<i32>} : memref<3328x16xf32, #tpu.memory_space<vmem>>, vector<16xf32>,
      %swap3A_261 = arith.constant 3 : i32
      %swap3A_262 = arith.index_cast %swap3A_261 : i32 to index
      %swap3A_263 = arith.constant 0 : index
      %swap3A_264 = tpu.vector_load %arg7[%swap3A_262, %swap3A_263] {strides = array<i32>} : memref<16x128xf32, #tpu.memory_space<vmem>>, vector<16xf32>,
      tpu.vector_store %arg7[%swap3A_262, %swap3A_263], %get3A_260 {strides = array<i32>} : memref<16x128xf32, #tpu.memory_space<vmem>>, vector<16xf32>,
      %add3A_265 = arith.constant 25 : i32
      %add3A_266 = arith.addi %mul3A_41, %add3A_265 : i32
      %get3A_267 = arith.index_cast %add3A_266 : i32 to index
      %get3A_268 = arith.constant 0 : index
      %get3A_269 = tpu.vector_load %arg6[%get3A_267, %get3A_268] {strides = array<i32>} : memref<3328x16xf32, #tpu.memory_space<vmem>>, vector<16xf32>,
      %swap3A_270 = arith.constant 3 : i32
      %swap3A_271 = arith.index_cast %swap3A_270 : i32 to index
      %swap3A_272 = arith.constant 16 : index
      %swap3A_273 = tpu.vector_load %arg7[%swap3A_271, %swap3A_272] {strides = array<i32>} : memref<16x128xf32, #tpu.memory_space<vmem>>, vector<16xf32>,
      tpu.vector_store %arg7[%swap3A_271, %swap3A_272], %get3A_269 {strides = array<i32>} : memref<16x128xf32, #tpu.memory_space<vmem>>, vector<16xf32>,
      %add3A_274 = arith.constant 26 : i32
      %add3A_275 = arith.addi %mul3A_41, %add3A_274 : i32
      %get3A_276 = arith.index_cast %add3A_275 : i32 to index
      %get3A_277 = arith.constant 0 : index
      %get3A_278 = tpu.vector_load %arg6[%get3A_276, %get3A_277] {strides = array<i32>} : memref<3328x16xf32, #tpu.memory_space<vmem>>, vector<16xf32>,
      %swap3A_279 = arith.constant 4 : i32
      %swap3A_280 = arith.index_cast %swap3A_279 : i32 to index
      %swap3A_281 = arith.constant 0 : index
      %swap3A_282 = tpu.vector_load %arg7[%swap3A_280, %swap3A_281] {strides = array<i32>} : memref<16x128xf32, #tpu.memory_space<vmem>>, vector<16xf32>,
      tpu.vector_store %arg7[%swap3A_280, %swap3A_281], %get3A_278 {strides = array<i32>} : memref<16x128xf32, #tpu.memory_space<vmem>>, vector<16xf32>,
      %add3A_283 = arith.constant 27 : i32
      %add3A_284 = arith.addi %mul3A_41, %add3A_283 : i32
      %get3A_285 = arith.index_cast %add3A_284 : i32 to index
      %get3A_286 = arith.constant 0 : index
      %get3A_287 = tpu.vector_load %arg6[%get3A_285, %get3A_286] {strides = array<i32>} : memref<3328x16xf32, #tpu.memory_space<vmem>>, vector<16xf32>,
      %swap3A_288 = arith.constant 4 : i32
      %swap3A_289 = arith.index_cast %swap3A_288 : i32 to index
      %swap3A_290 = arith.constant 16 : index
      %swap3A_291 = tpu.vector_load %arg7[%swap3A_289, %swap3A_290] {strides = array<i32>} : memref<16x128xf32, #tpu.memory_space<vmem>>, vector<16xf32>,
      tpu.vector_store %arg7[%swap3A_289, %swap3A_290], %get3A_287 {strides = array<i32>} : memref<16x128xf32, #tpu.memory_space<vmem>>, vector<16xf32>,
      %add3A_292 = arith.constant 28 : i32
      %add3A_293 = arith.addi %mul3A_41, %add3A_292 : i32
      %get3A_294 = arith.index_cast %add3A_293 : i32 to index
      %get3A_295 = arith.constant 0 : index
      %get3A_296 = tpu.vector_load %arg6[%get3A_294, %get3A_295] {strides = array<i32>} : memref<3328x16xf32, #tpu.memory_space<vmem>>, vector<16xf32>,
      %swap3A_297 = arith.constant 4 : i32
      %swap3A_298 = arith.index_cast %swap3A_297 : i32 to index
      %swap3A_299 = arith.constant 32 : index
      %swap3A_300 = tpu.vector_load %arg7[%swap3A_298, %swap3A_299] {strides = array<i32>} : memref<16x128xf32, #tpu.memory_space<vmem>>, vector<16xf32>,
      tpu.vector_store %arg7[%swap3A_298, %swap3A_299], %get3A_296 {strides = array<i32>} : memref<16x128xf32, #tpu.memory_space<vmem>>, vector<16xf32>,
      %add3A_301 = arith.constant 29 : i32
      %add3A_302 = arith.addi %mul3A_41, %add3A_301 : i32
      %get3A_303 = arith.index_cast %add3A_302 : i32 to index
      %get3A_304 = arith.constant 0 : index
      %get3A_305 = tpu.vector_load %arg6[%get3A_303, %get3A_304] {strides = array<i32>} : memref<3328x16xf32, #tpu.memory_space<vmem>>, vector<16xf32>,
      %swap3A_306 = arith.constant 4 : i32
      %swap3A_307 = arith.index_cast %swap3A_306 : i32 to index
      %swap3A_308 = arith.constant 48 : index
      %swap3A_309 = tpu.vector_load %arg7[%swap3A_307, %swap3A_308] {strides = array<i32>} : memref<16x128xf32, #tpu.memory_space<vmem>>, vector<16xf32>,
      tpu.vector_store %arg7[%swap3A_307, %swap3A_308], %get3A_305 {strides = array<i32>} : memref<16x128xf32, #tpu.memory_space<vmem>>, vector<16xf32>,
      %add3A_310 = arith.constant 30 : i32
      %add3A_311 = arith.addi %mul3A_41, %add3A_310 : i32
      %get3A_312 = arith.index_cast %add3A_311 : i32 to index
      %get3A_313 = arith.constant 0 : index
      %get3A_314 = tpu.vector_load %arg6[%get3A_312, %get3A_313] {strides = array<i32>} : memref<3328x16xf32, #tpu.memory_space<vmem>>, vector<16xf32>,
      %swap3A_315 = arith.constant 4 : i32
      %swap3A_316 = arith.index_cast %swap3A_315 : i32 to index
      %swap3A_317 = arith.constant 64 : index
      %swap3A_318 = tpu.vector_load %arg7[%swap3A_316, %swap3A_317] {strides = array<i32>} : memref<16x128xf32, #tpu.memory_space<vmem>>, vector<16xf32>,
      tpu.vector_store %arg7[%swap3A_316, %swap3A_317], %get3A_314 {strides = array<i32>} : memref<16x128xf32, #tpu.memory_space<vmem>>, vector<16xf32>,
      %add3A_319 = arith.constant 31 : i32
      %add3A_320 = arith.addi %mul3A_41, %add3A_319 : i32
      %get3A_321 = arith.index_cast %add3A_320 : i32 to index
      %get3A_322 = arith.constant 0 : index
      %get3A_323 = tpu.vector_load %arg6[%get3A_321, %get3A_322] {strides = array<i32>} : memref<3328x16xf32, #tpu.memory_space<vmem>>, vector<16xf32>,
      %swap3A_324 = arith.constant 4 : i32
      %swap3A_325 = arith.index_cast %swap3A_324 : i32 to index
      %swap3A_326 = arith.constant 80 : index
      %swap3A_327 = tpu.vector_load %arg7[%swap3A_325, %swap3A_326] {strides = array<i32>} : memref<16x128xf32, #tpu.memory_space<vmem>>, vector<16xf32>,
      tpu.vector_store %arg7[%swap3A_325, %swap3A_326], %get3A_323 {strides = array<i32>} : memref<16x128xf32, #tpu.memory_space<vmem>>, vector<16xf32>,
      %add3A_328 = arith.constant 32 : i32
      %add3A_329 = arith.addi %mul3A_41, %add3A_328 : i32
      %get3A_330 = arith.index_cast %add3A_329 : i32 to index
      %get3A_331 = arith.constant 0 : index
      %get3A_332 = tpu.vector_load %arg6[%get3A_330, %get3A_331] {strides = array<i32>} : memref<3328x16xf32, #tpu.memory_space<vmem>>, vector<16xf32>,
      %swap3A_333 = arith.constant 4 : i32
      %swap3A_334 = arith.index_cast %swap3A_333 : i32 to index
      %swap3A_335 = arith.constant 96 : index
      %swap3A_336 = tpu.vector_load %arg7[%swap3A_334, %swap3A_335] {strides = array<i32>} : memref<16x128xf32, #tpu.memory_space<vmem>>, vector<16xf32>,
      tpu.vector_store %arg7[%swap3A_334, %swap3A_335], %get3A_332 {strides = array<i32>} : memref<16x128xf32, #tpu.memory_space<vmem>>, vector<16xf32>,
      %add3A_337 = arith.constant 33 : i32
      %add3A_338 = arith.addi %mul3A_41, %add3A_337 : i32
      %get3A_339 = arith.index_cast %add3A_338 : i32 to index
      %get3A_340 = arith.constant 0 : index
      %get3A_341 = tpu.vector_load %arg6[%get3A_339, %get3A_340] {strides = array<i32>} : memref<3328x16xf32, #tpu.memory_space<vmem>>, vector<16xf32>,
      %swap3A_342 = arith.constant 4 : i32
      %swap3A_343 = arith.index_cast %swap3A_342 : i32 to index
      %swap3A_344 = arith.constant 112 : index
      %swap3A_345 = tpu.vector_load %arg7[%swap3A_343, %swap3A_344] {strides = array<i32>} : memref<16x128xf32, #tpu.memory_space<vmem>>, vector<16xf32>,
      tpu.vector_store %arg7[%swap3A_343, %swap3A_344], %get3A_341 {strides = array<i32>} : memref<16x128xf32, #tpu.memory_space<vmem>>, vector<16xf32>,
      %add3A_346 = arith.constant 34 : i32
      %add3A_347 = arith.addi %mul3A_41, %add3A_346 : i32
      %get3A_348 = arith.index_cast %add3A_347 : i32 to index
      %get3A_349 = arith.constant 0 : index
      %get3A_350 = tpu.vector_load %arg6[%get3A_348, %get3A_349] {strides = array<i32>} : memref<3328x16xf32, #tpu.memory_space<vmem>>, vector<16xf32>,
      %swap3A_351 = arith.constant 5 : i32
      %swap3A_352 = arith.index_cast %swap3A_351 : i32 to index
      %swap3A_353 = arith.constant 0 : index
      %swap3A_354 = tpu.vector_load %arg7[%swap3A_352, %swap3A_353] {strides = array<i32>} : memref<16x128xf32, #tpu.memory_space<vmem>>, vector<16xf32>,
      tpu.vector_store %arg7[%swap3A_352, %swap3A_353], %get3A_350 {strides = array<i32>} : memref<16x128xf32, #tpu.memory_space<vmem>>, vector<16xf32>,
      %add3A_355 = arith.constant 35 : i32
      %add3A_356 = arith.addi %mul3A_41, %add3A_355 : i32
      %get3A_357 = arith.index_cast %add3A_356 : i32 to index
      %get3A_358 = arith.constant 0 : index
      %get3A_359 = tpu.vector_load %arg6[%get3A_357, %get3A_358] {strides = array<i32>} : memref<3328x16xf32, #tpu.memory_space<vmem>>, vector<16xf32>,
      %swap3A_360 = arith.constant 5 : i32
      %swap3A_361 = arith.index_cast %swap3A_360 : i32 to index
      %swap3A_362 = arith.constant 16 : index
      %swap3A_363 = tpu.vector_load %arg7[%swap3A_361, %swap3A_362] {strides = array<i32>} : memref<16x128xf32, #tpu.memory_space<vmem>>, vector<16xf32>,
      tpu.vector_store %arg7[%swap3A_361, %swap3A_362], %get3A_359 {strides = array<i32>} : memref<16x128xf32, #tpu.memory_space<vmem>>, vector<16xf32>,
      %add3A_364 = arith.constant 36 : i32
      %add3A_365 = arith.addi %mul3A_41, %add3A_364 : i32
      %get3A_366 = arith.index_cast %add3A_365 : i32 to index
      %get3A_367 = arith.constant 0 : index
      %get3A_368 = tpu.vector_load %arg6[%get3A_366, %get3A_367] {strides = array<i32>} : memref<3328x16xf32, #tpu.memory_space<vmem>>, vector<16xf32>,
      %swap3A_369 = arith.constant 5 : i32
      %swap3A_370 = arith.index_cast %swap3A_369 : i32 to index
      %swap3A_371 = arith.constant 32 : index
      %swap3A_372 = tpu.vector_load %arg7[%swap3A_370, %swap3A_371] {strides = array<i32>} : memref<16x128xf32, #tpu.memory_space<vmem>>, vector<16xf32>,
      tpu.vector_store %arg7[%swap3A_370, %swap3A_371], %get3A_368 {strides = array<i32>} : memref<16x128xf32, #tpu.memory_space<vmem>>, vector<16xf32>,
      %add3A_373 = arith.constant 37 : i32
      %add3A_374 = arith.addi %mul3A_41, %add3A_373 : i32
      %get3A_375 = arith.index_cast %add3A_374 : i32 to index
      %get3A_376 = arith.constant 0 : index
      %get3A_377 = tpu.vector_load %arg6[%get3A_375, %get3A_376] {strides = array<i32>} : memref<3328x16xf32, #tpu.memory_space<vmem>>, vector<16xf32>,
      %swap3A_378 = arith.constant 5 : i32
      %swap3A_379 = arith.index_cast %swap3A_378 : i32 to index
      %swap3A_380 = arith.constant 48 : index
      %swap3A_381 = tpu.vector_load %arg7[%swap3A_379, %swap3A_380] {strides = array<i32>} : memref<16x128xf32, #tpu.memory_space<vmem>>, vector<16xf32>,
      tpu.vector_store %arg7[%swap3A_379, %swap3A_380], %get3A_377 {strides = array<i32>} : memref<16x128xf32, #tpu.memory_space<vmem>>, vector<16xf32>,
      %add3A_382 = arith.constant 38 : i32
      %add3A_383 = arith.addi %mul3A_41, %add3A_382 : i32
      %get3A_384 = arith.index_cast %add3A_383 : i32 to index
      %get3A_385 = arith.constant 0 : index
      %get3A_386 = tpu.vector_load %arg6[%get3A_384, %get3A_385] {strides = array<i32>} : memref<3328x16xf32, #tpu.memory_space<vmem>>, vector<16xf32>,
      %swap3A_387 = arith.constant 5 : i32
      %swap3A_388 = arith.index_cast %swap3A_387 : i32 to index
      %swap3A_389 = arith.constant 64 : index
      %swap3A_390 = tpu.vector_load %arg7[%swap3A_388, %swap3A_389] {strides = array<i32>} : memref<16x128xf32, #tpu.memory_space<vmem>>, vector<16xf32>,
      tpu.vector_store %arg7[%swap3A_388, %swap3A_389], %get3A_386 {strides = array<i32>} : memref<16x128xf32, #tpu.memory_space<vmem>>, vector<16xf32>,
      %add3A_391 = arith.constant 39 : i32
      %add3A_392 = arith.addi %mul3A_41, %add3A_391 : i32
      %get3A_393 = arith.index_cast %add3A_392 : i32 to index
      %get3A_394 = arith.constant 0 : index
      %get3A_395 = tpu.vector_load %arg6[%get3A_393, %get3A_394] {strides = array<i32>} : memref<3328x16xf32, #tpu.memory_space<vmem>>, vector<16xf32>,
      %swap3A_396 = arith.constant 5 : i32
      %swap3A_397 = arith.index_cast %swap3A_396 : i32 to index
      %swap3A_398 = arith.constant 80 : index
      %swap3A_399 = tpu.vector_load %arg7[%swap3A_397, %swap3A_398] {strides = array<i32>} : memref<16x128xf32, #tpu.memory_space<vmem>>, vector<16xf32>,
      tpu.vector_store %arg7[%swap3A_397, %swap3A_398], %get3A_395 {strides = array<i32>} : memref<16x128xf32, #tpu.memory_space<vmem>>, vector<16xf32>,
      %add3A_400 = arith.constant 40 : i32
      %add3A_401 = arith.addi %mul3A_41, %add3A_400 : i32
      %get3A_402 = arith.index_cast %add3A_401 : i32 to index
      %get3A_403 = arith.constant 0 : index
      %get3A_404 = tpu.vector_load %arg6[%get3A_402, %get3A_403] {strides = array<i32>} : memref<3328x16xf32, #tpu.memory_space<vmem>>, vector<16xf32>,
      %swap3A_405 = arith.constant 5 : i32
      %swap3A_406 = arith.index_cast %swap3A_405 : i32 to index
      %swap3A_407 = arith.constant 96 : index
      %swap3A_408 = tpu.vector_load %arg7[%swap3A_406, %swap3A_407] {strides = array<i32>} : memref<16x128xf32, #tpu.memory_space<vmem>>, vector<16xf32>,
      tpu.vector_store %arg7[%swap3A_406, %swap3A_407], %get3A_404 {strides = array<i32>} : memref<16x128xf32, #tpu.memory_space<vmem>>, vector<16xf32>,
      %add3A_409 = arith.constant 41 : i32
      %add3A_410 = arith.addi %mul3A_41, %add3A_409 : i32
      %get3A_411 = arith.index_cast %add3A_410 : i32 to index
      %get3A_412 = arith.constant 0 : index
      %get3A_413 = tpu.vector_load %arg6[%get3A_411, %get3A_412] {strides = array<i32>} : memref<3328x16xf32, #tpu.memory_space<vmem>>, vector<16xf32>,
      %swap3A_414 = arith.constant 5 : i32
      %swap3A_415 = arith.index_cast %swap3A_414 : i32 to index
      %swap3A_416 = arith.constant 112 : index
      %swap3A_417 = tpu.vector_load %arg7[%swap3A_415, %swap3A_416] {strides = array<i32>} : memref<16x128xf32, #tpu.memory_space<vmem>>, vector<16xf32>,
      tpu.vector_store %arg7[%swap3A_415, %swap3A_416], %get3A_413 {strides = array<i32>} : memref<16x128xf32, #tpu.memory_space<vmem>>, vector<16xf32>,
      %add3A_418 = arith.constant 42 : i32
      %add3A_419 = arith.addi %mul3A_41, %add3A_418 : i32
      %get3A_420 = arith.index_cast %add3A_419 : i32 to index
      %get3A_421 = arith.constant 0 : index
      %get3A_422 = tpu.vector_load %arg6[%get3A_420, %get3A_421] {strides = array<i32>} : memref<3328x16xf32, #tpu.memory_space<vmem>>, vector<16xf32>,
      %swap3A_423 = arith.constant 6 : i32
      %swap3A_424 = arith.index_cast %swap3A_423 : i32 to index
      %swap3A_425 = arith.constant 0 : index
      %swap3A_426 = tpu.vector_load %arg7[%swap3A_424, %swap3A_425] {strides = array<i32>} : memref<16x128xf32, #tpu.memory_space<vmem>>, vector<16xf32>,
      tpu.vector_store %arg7[%swap3A_424, %swap3A_425], %get3A_422 {strides = array<i32>} : memref<16x128xf32, #tpu.memory_space<vmem>>, vector<16xf32>,
      %add3A_427 = arith.constant 43 : i32
      %add3A_428 = arith.addi %mul3A_41, %add3A_427 : i32
      %get3A_429 = arith.index_cast %add3A_428 : i32 to index
      %get3A_430 = arith.constant 0 : index
      %get3A_431 = tpu.vector_load %arg6[%get3A_429, %get3A_430] {strides = array<i32>} : memref<3328x16xf32, #tpu.memory_space<vmem>>, vector<16xf32>,
      %swap3A_432 = arith.constant 6 : i32
      %swap3A_433 = arith.index_cast %swap3A_432 : i32 to index
      %swap3A_434 = arith.constant 16 : index
      %swap3A_435 = tpu.vector_load %arg7[%swap3A_433, %swap3A_434] {strides = array<i32>} : memref<16x128xf32, #tpu.memory_space<vmem>>, vector<16xf32>,
      tpu.vector_store %arg7[%swap3A_433, %swap3A_434], %get3A_431 {strides = array<i32>} : memref<16x128xf32, #tpu.memory_space<vmem>>, vector<16xf32>,
      %add3A_436 = arith.constant 44 : i32
      %add3A_437 = arith.addi %mul3A_41, %add3A_436 : i32
      %get3A_438 = arith.index_cast %add3A_437 : i32 to index
      %get3A_439 = arith.constant 0 : index
      %get3A_440 = tpu.vector_load %arg6[%get3A_438, %get3A_439] {strides = array<i32>} : memref<3328x16xf32, #tpu.memory_space<vmem>>, vector<16xf32>,
      %swap3A_441 = arith.constant 6 : i32
      %swap3A_442 = arith.index_cast %swap3A_441 : i32 to index
      %swap3A_443 = arith.constant 32 : index
      %swap3A_444 = tpu.vector_load %arg7[%swap3A_442, %swap3A_443] {strides = array<i32>} : memref<16x128xf32, #tpu.memory_space<vmem>>, vector<16xf32>,
      tpu.vector_store %arg7[%swap3A_442, %swap3A_443], %get3A_440 {strides = array<i32>} : memref<16x128xf32, #tpu.memory_space<vmem>>, vector<16xf32>,
      %add3A_445 = arith.constant 45 : i32
      %add3A_446 = arith.addi %mul3A_41, %add3A_445 : i32
      %get3A_447 = arith.index_cast %add3A_446 : i32 to index
      %get3A_448 = arith.constant 0 : index
      %get3A_449 = tpu.vector_load %arg6[%get3A_447, %get3A_448] {strides = array<i32>} : memref<3328x16xf32, #tpu.memory_space<vmem>>, vector<16xf32>,
      %swap3A_450 = arith.constant 6 : i32
      %swap3A_451 = arith.index_cast %swap3A_450 : i32 to index
      %swap3A_452 = arith.constant 48 : index
      %swap3A_453 = tpu.vector_load %arg7[%swap3A_451, %swap3A_452] {strides = array<i32>} : memref<16x128xf32, #tpu.memory_space<vmem>>, vector<16xf32>,
      tpu.vector_store %arg7[%swap3A_451, %swap3A_452], %get3A_449 {strides = array<i32>} : memref<16x128xf32, #tpu.memory_space<vmem>>, vector<16xf32>,
      %add3A_454 = arith.constant 46 : i32
      %add3A_455 = arith.addi %mul3A_41, %add3A_454 : i32
      %get3A_456 = arith.index_cast %add3A_455 : i32 to index
      %get3A_457 = arith.constant 0 : index
      %get3A_458 = tpu.vector_load %arg6[%get3A_456, %get3A_457] {strides = array<i32>} : memref<3328x16xf32, #tpu.memory_space<vmem>>, vector<16xf32>,
      %swap3A_459 = arith.constant 6 : i32
      %swap3A_460 = arith.index_cast %swap3A_459 : i32 to index
      %swap3A_461 = arith.constant 64 : index
      %swap3A_462 = tpu.vector_load %arg7[%swap3A_460, %swap3A_461] {strides = array<i32>} : memref<16x128xf32, #tpu.memory_space<vmem>>, vector<16xf32>,
      tpu.vector_store %arg7[%swap3A_460, %swap3A_461], %get3A_458 {strides = array<i32>} : memref<16x128xf32, #tpu.memory_space<vmem>>, vector<16xf32>,
      %add3A_463 = arith.constant 47 : i32
      %add3A_464 = arith.addi %mul3A_41, %add3A_463 : i32
      %get3A_465 = arith.index_cast %add3A_464 : i32 to index
      %get3A_466 = arith.constant 0 : index
      %get3A_467 = tpu.vector_load %arg6[%get3A_465, %get3A_466] {strides = array<i32>} : memref<3328x16xf32, #tpu.memory_space<vmem>>, vector<16xf32>,
      %swap3A_468 = arith.constant 6 : i32
      %swap3A_469 = arith.index_cast %swap3A_468 : i32 to index
      %swap3A_470 = arith.constant 80 : index
      %swap3A_471 = tpu.vector_load %arg7[%swap3A_469, %swap3A_470] {strides = array<i32>} : memref<16x128xf32, #tpu.memory_space<vmem>>, vector<16xf32>,
      tpu.vector_store %arg7[%swap3A_469, %swap3A_470], %get3A_467 {strides = array<i32>} : memref<16x128xf32, #tpu.memory_space<vmem>>, vector<16xf32>,
      %add3A_472 = arith.constant 48 : i32
      %add3A_473 = arith.addi %mul3A_41, %add3A_472 : i32
      %get3A_474 = arith.index_cast %add3A_473 : i32 to index
      %get3A_475 = arith.constant 0 : index
      %get3A_476 = tpu.vector_load %arg6[%get3A_474, %get3A_475] {strides = array<i32>} : memref<3328x16xf32, #tpu.memory_space<vmem>>, vector<16xf32>,
      %swap3A_477 = arith.constant 6 : i32
      %swap3A_478 = arith.index_cast %swap3A_477 : i32 to index
      %swap3A_479 = arith.constant 96 : index
      %swap3A_480 = tpu.vector_load %arg7[%swap3A_478, %swap3A_479] {strides = array<i32>} : memref<16x128xf32, #tpu.memory_space<vmem>>, vector<16xf32>,
      tpu.vector_store %arg7[%swap3A_478, %swap3A_479], %get3A_476 {strides = array<i32>} : memref<16x128xf32, #tpu.memory_space<vmem>>, vector<16xf32>,
      %add3A_481 = arith.constant 49 : i32
      %add3A_482 = arith.addi %mul3A_41, %add3A_481 : i32
      %get3A_483 = arith.index_cast %add3A_482 : i32 to index
      %get3A_484 = arith.constant 0 : index
      %get3A_485 = tpu.vector_load %arg6[%get3A_483, %get3A_484] {strides = array<i32>} : memref<3328x16xf32, #tpu.memory_space<vmem>>, vector<16xf32>,
      %swap3A_486 = arith.constant 6 : i32
      %swap3A_487 = arith.index_cast %swap3A_486 : i32 to index
      %swap3A_488 = arith.constant 112 : index
      %swap3A_489 = tpu.vector_load %arg7[%swap3A_487, %swap3A_488] {strides = array<i32>} : memref<16x128xf32, #tpu.memory_space<vmem>>, vector<16xf32>,
      tpu.vector_store %arg7[%swap3A_487, %swap3A_488], %get3A_485 {strides = array<i32>} : memref<16x128xf32, #tpu.memory_space<vmem>>, vector<16xf32>,
      %add3A_490 = arith.constant 50 : i32
      %add3A_491 = arith.addi %mul3A_41, %add3A_490 : i32
      %get3A_492 = arith.index_cast %add3A_491 : i32 to index
      %get3A_493 = arith.constant 0 : index
      %get3A_494 = tpu.vector_load %arg6[%get3A_492, %get3A_493] {strides = array<i32>} : memref<3328x16xf32, #tpu.memory_space<vmem>>, vector<16xf32>,
      %swap3A_495 = arith.constant 7 : i32
      %swap3A_496 = arith.index_cast %swap3A_495 : i32 to index
      %swap3A_497 = arith.constant 0 : index
      %swap3A_498 = tpu.vector_load %arg7[%swap3A_496, %swap3A_497] {strides = array<i32>} : memref<16x128xf32, #tpu.memory_space<vmem>>, vector<16xf32>,
      tpu.vector_store %arg7[%swap3A_496, %swap3A_497], %get3A_494 {strides = array<i32>} : memref<16x128xf32, #tpu.memory_space<vmem>>, vector<16xf32>,
      %add3A_499 = arith.constant 51 : i32
      %add3A_500 = arith.addi %mul3A_41, %add3A_499 : i32
      %get3A_501 = arith.index_cast %add3A_500 : i32 to index
      %get3A_502 = arith.constant 0 : index
      %get3A_503 = tpu.vector_load %arg6[%get3A_501, %get3A_502] {strides = array<i32>} : memref<3328x16xf32, #tpu.memory_space<vmem>>, vector<16xf32>,
      %swap3A_504 = arith.constant 7 : i32
      %swap3A_505 = arith.index_cast %swap3A_504 : i32 to index
      %swap3A_506 = arith.constant 16 : index
      %swap3A_507 = tpu.vector_load %arg7[%swap3A_505, %swap3A_506] {strides = array<i32>} : memref<16x128xf32, #tpu.memory_space<vmem>>, vector<16xf32>,
      tpu.vector_store %arg7[%swap3A_505, %swap3A_506], %get3A_503 {strides = array<i32>} : memref<16x128xf32, #tpu.memory_space<vmem>>, vector<16xf32>,
      %add3A_508 = arith.constant 52 : i32
      %add3A_509 = arith.addi %mul3A_41, %add3A_508 : i32
      %get3A_510 = arith.index_cast %add3A_509 : i32 to index
      %get3A_511 = arith.constant 0 : index
      %get3A_512 = tpu.vector_load %arg6[%get3A_510, %get3A_511] {strides = array<i32>} : memref<3328x16xf32, #tpu.memory_space<vmem>>, vector<16xf32>,
      %swap3A_513 = arith.constant 8 : i32
      %swap3A_514 = arith.index_cast %swap3A_513 : i32 to index
      %swap3A_515 = arith.constant 0 : index
      %swap3A_516 = tpu.vector_load %arg7[%swap3A_514, %swap3A_515] {strides = array<i32>} : memref<16x128xf32, #tpu.memory_space<vmem>>, vector<16xf32>,
      tpu.vector_store %arg7[%swap3A_514, %swap3A_515], %get3A_512 {strides = array<i32>} : memref<16x128xf32, #tpu.memory_space<vmem>>, vector<16xf32>,
      %add3A_517 = arith.constant 53 : i32
      %add3A_518 = arith.addi %mul3A_41, %add3A_517 : i32
      %get3A_519 = arith.index_cast %add3A_518 : i32 to index
      %get3A_520 = arith.constant 0 : index
      %get3A_521 = tpu.vector_load %arg6[%get3A_519, %get3A_520] {strides = array<i32>} : memref<3328x16xf32, #tpu.memory_space<vmem>>, vector<16xf32>,
      %swap3A_522 = arith.constant 8 : i32
      %swap3A_523 = arith.index_cast %swap3A_522 : i32 to index
      %swap3A_524 = arith.constant 16 : index
      %swap3A_525 = tpu.vector_load %arg7[%swap3A_523, %swap3A_524] {strides = array<i32>} : memref<16x128xf32, #tpu.memory_space<vmem>>, vector<16xf32>,
      tpu.vector_store %arg7[%swap3A_523, %swap3A_524], %get3A_521 {strides = array<i32>} : memref<16x128xf32, #tpu.memory_space<vmem>>, vector<16xf32>,
      %add3A_526 = arith.constant 54 : i32
      %add3A_527 = arith.addi %mul3A_41, %add3A_526 : i32
      %get3A_528 = arith.index_cast %add3A_527 : i32 to index
      %get3A_529 = arith.constant 0 : index
      %get3A_530 = tpu.vector_load %arg6[%get3A_528, %get3A_529] {strides = array<i32>} : memref<3328x16xf32, #tpu.memory_space<vmem>>, vector<16xf32>,
      %swap3A_531 = arith.constant 8 : i32
      %swap3A_532 = arith.index_cast %swap3A_531 : i32 to index
      %swap3A_533 = arith.constant 32 : index
      %swap3A_534 = tpu.vector_load %arg7[%swap3A_532, %swap3A_533] {strides = array<i32>} : memref<16x128xf32, #tpu.memory_space<vmem>>, vector<16xf32>,
      tpu.vector_store %arg7[%swap3A_532, %swap3A_533], %get3A_530 {strides = array<i32>} : memref<16x128xf32, #tpu.memory_space<vmem>>, vector<16xf32>,
      %add3A_535 = arith.constant 55 : i32
      %add3A_536 = arith.addi %mul3A_41, %add3A_535 : i32
      %get3A_537 = arith.index_cast %add3A_536 : i32 to index
      %get3A_538 = arith.constant 0 : index
      %get3A_539 = tpu.vector_load %arg6[%get3A_537, %get3A_538] {strides = array<i32>} : memref<3328x16xf32, #tpu.memory_space<vmem>>, vector<16xf32>,
      %swap3A_540 = arith.constant 8 : i32
      %swap3A_541 = arith.index_cast %swap3A_540 : i32 to index
      %swap3A_542 = arith.constant 48 : index
      %swap3A_543 = tpu.vector_load %arg7[%swap3A_541, %swap3A_542] {strides = array<i32>} : memref<16x128xf32, #tpu.memory_space<vmem>>, vector<16xf32>,
      tpu.vector_store %arg7[%swap3A_541, %swap3A_542], %get3A_539 {strides = array<i32>} : memref<16x128xf32, #tpu.memory_space<vmem>>, vector<16xf32>,
      %add3A_544 = arith.constant 56 : i32
      %add3A_545 = arith.addi %mul3A_41, %add3A_544 : i32
      %get3A_546 = arith.index_cast %add3A_545 : i32 to index
      %get3A_547 = arith.constant 0 : index
      %get3A_548 = tpu.vector_load %arg6[%get3A_546, %get3A_547] {strides = array<i32>} : memref<3328x16xf32, #tpu.memory_space<vmem>>, vector<16xf32>,
      %swap3A_549 = arith.constant 8 : i32
      %swap3A_550 = arith.index_cast %swap3A_549 : i32 to index
      %swap3A_551 = arith.constant 64 : index
      %swap3A_552 = tpu.vector_load %arg7[%swap3A_550, %swap3A_551] {strides = array<i32>} : memref<16x128xf32, #tpu.memory_space<vmem>>, vector<16xf32>,
      tpu.vector_store %arg7[%swap3A_550, %swap3A_551], %get3A_548 {strides = array<i32>} : memref<16x128xf32, #tpu.memory_space<vmem>>, vector<16xf32>,
      %add3A_553 = arith.constant 57 : i32
      %add3A_554 = arith.addi %mul3A_41, %add3A_553 : i32
      %get3A_555 = arith.index_cast %add3A_554 : i32 to index
      %get3A_556 = arith.constant 0 : index
      %get3A_557 = tpu.vector_load %arg6[%get3A_555, %get3A_556] {strides = array<i32>} : memref<3328x16xf32, #tpu.memory_space<vmem>>, vector<16xf32>,
      %swap3A_558 = arith.constant 8 : i32
      %swap3A_559 = arith.index_cast %swap3A_558 : i32 to index
      %swap3A_560 = arith.constant 80 : index
      %swap3A_561 = tpu.vector_load %arg7[%swap3A_559, %swap3A_560] {strides = array<i32>} : memref<16x128xf32, #tpu.memory_space<vmem>>, vector<16xf32>,
      tpu.vector_store %arg7[%swap3A_559, %swap3A_560], %get3A_557 {strides = array<i32>} : memref<16x128xf32, #tpu.memory_space<vmem>>, vector<16xf32>,
      %add3A_562 = arith.constant 58 : i32
      %add3A_563 = arith.addi %mul3A_41, %add3A_562 : i32
      %get3A_564 = arith.index_cast %add3A_563 : i32 to index
      %get3A_565 = arith.constant 0 : index
      %get3A_566 = tpu.vector_load %arg6[%get3A_564, %get3A_565] {strides = array<i32>} : memref<3328x16xf32, #tpu.memory_space<vmem>>, vector<16xf32>,
      %swap3A_567 = arith.constant 8 : i32
      %swap3A_568 = arith.index_cast %swap3A_567 : i32 to index
      %swap3A_569 = arith.constant 96 : index
      %swap3A_570 = tpu.vector_load %arg7[%swap3A_568, %swap3A_569] {strides = array<i32>} : memref<16x128xf32, #tpu.memory_space<vmem>>, vector<16xf32>,
      tpu.vector_store %arg7[%swap3A_568, %swap3A_569], %get3A_566 {strides = array<i32>} : memref<16x128xf32, #tpu.memory_space<vmem>>, vector<16xf32>,
      %add3A_571 = arith.constant 59 : i32
      %add3A_572 = arith.addi %mul3A_41, %add3A_571 : i32
      %get3A_573 = arith.index_cast %add3A_572 : i32 to index
      %get3A_574 = arith.constant 0 : index
      %get3A_575 = tpu.vector_load %arg6[%get3A_573, %get3A_574] {strides = array<i32>} : memref<3328x16xf32, #tpu.memory_space<vmem>>, vector<16xf32>,
      %swap3A_576 = arith.constant 8 : i32
      %swap3A_577 = arith.index_cast %swap3A_576 : i32 to index
      %swap3A_578 = arith.constant 112 : index
      %swap3A_579 = tpu.vector_load %arg7[%swap3A_577, %swap3A_578] {strides = array<i32>} : memref<16x128xf32, #tpu.memory_space<vmem>>, vector<16xf32>,
      tpu.vector_store %arg7[%swap3A_577, %swap3A_578], %get3A_575 {strides = array<i32>} : memref<16x128xf32, #tpu.memory_space<vmem>>, vector<16xf32>,
      %add3A_580 = arith.constant 60 : i32
      %add3A_581 = arith.addi %mul3A_41, %add3A_580 : i32
      %get3A_582 = arith.index_cast %add3A_581 : i32 to index
      %get3A_583 = arith.constant 0 : index
      %get3A_584 = tpu.vector_load %arg6[%get3A_582, %get3A_583] {strides = array<i32>} : memref<3328x16xf32, #tpu.memory_space<vmem>>, vector<16xf32>,
      %swap3A_585 = arith.constant 9 : i32
      %swap3A_586 = arith.index_cast %swap3A_585 : i32 to index
      %swap3A_587 = arith.constant 0 : index
      %swap3A_588 = tpu.vector_load %arg7[%swap3A_586, %swap3A_587] {strides = array<i32>} : memref<16x128xf32, #tpu.memory_space<vmem>>, vector<16xf32>,
      tpu.vector_store %arg7[%swap3A_586, %swap3A_587], %get3A_584 {strides = array<i32>} : memref<16x128xf32, #tpu.memory_space<vmem>>, vector<16xf32>,
      %add3A_589 = arith.constant 61 : i32
      %add3A_590 = arith.addi %mul3A_41, %add3A_589 : i32
      %get3A_591 = arith.index_cast %add3A_590 : i32 to index
      %get3A_592 = arith.constant 0 : index
      %get3A_593 = tpu.vector_load %arg6[%get3A_591, %get3A_592] {strides = array<i32>} : memref<3328x16xf32, #tpu.memory_space<vmem>>, vector<16xf32>,
      %swap3A_594 = arith.constant 9 : i32
      %swap3A_595 = arith.index_cast %swap3A_594 : i32 to index
      %swap3A_596 = arith.constant 16 : index
      %swap3A_597 = tpu.vector_load %arg7[%swap3A_595, %swap3A_596] {strides = array<i32>} : memref<16x128xf32, #tpu.memory_space<vmem>>, vector<16xf32>,
      tpu.vector_store %arg7[%swap3A_595, %swap3A_596], %get3A_593 {strides = array<i32>} : memref<16x128xf32, #tpu.memory_space<vmem>>, vector<16xf32>,
      %add3A_598 = arith.constant 62 : i32
      %add3A_599 = arith.addi %mul3A_41, %add3A_598 : i32
      %get3A_600 = arith.index_cast %add3A_599 : i32 to index
      %get3A_601 = arith.constant 0 : index
      %get3A_602 = tpu.vector_load %arg6[%get3A_600, %get3A_601] {strides = array<i32>} : memref<3328x16xf32, #tpu.memory_space<vmem>>, vector<16xf32>,
      %swap3A_603 = arith.constant 9 : i32
      %swap3A_604 = arith.index_cast %swap3A_603 : i32 to index
      %swap3A_605 = arith.constant 32 : index
      %swap3A_606 = tpu.vector_load %arg7[%swap3A_604, %swap3A_605] {strides = array<i32>} : memref<16x128xf32, #tpu.memory_space<vmem>>, vector<16xf32>,
      tpu.vector_store %arg7[%swap3A_604, %swap3A_605], %get3A_602 {strides = array<i32>} : memref<16x128xf32, #tpu.memory_space<vmem>>, vector<16xf32>,
      %add3A_607 = arith.constant 63 : i32
      %add3A_608 = arith.addi %mul3A_41, %add3A_607 : i32
      %get3A_609 = arith.index_cast %add3A_608 : i32 to index
      %get3A_610 = arith.constant 0 : index
      %get3A_611 = tpu.vector_load %arg6[%get3A_609, %get3A_610] {strides = array<i32>} : memref<3328x16xf32, #tpu.memory_space<vmem>>, vector<16xf32>,
      %swap3A_612 = arith.constant 9 : i32
      %swap3A_613 = arith.index_cast %swap3A_612 : i32 to index
      %swap3A_614 = arith.constant 48 : index
      %swap3A_615 = tpu.vector_load %arg7[%swap3A_613, %swap3A_614] {strides = array<i32>} : memref<16x128xf32, #tpu.memory_space<vmem>>, vector<16xf32>,
      tpu.vector_store %arg7[%swap3A_613, %swap3A_614], %get3A_611 {strides = array<i32>} : memref<16x128xf32, #tpu.memory_space<vmem>>, vector<16xf32>,
      %add3A_616 = arith.constant 64 : i32
      %add3A_617 = arith.addi %mul3A_41, %add3A_616 : i32
      %get3A_618 = arith.index_cast %add3A_617 : i32 to index
      %get3A_619 = arith.constant 0 : index
      %get3A_620 = tpu.vector_load %arg6[%get3A_618, %get3A_619] {strides = array<i32>} : memref<3328x16xf32, #tpu.memory_space<vmem>>, vector<16xf32>,
      %swap3A_621 = arith.constant 9 : i32
      %swap3A_622 = arith.index_cast %swap3A_621 : i32 to index
      %swap3A_623 = arith.constant 64 : index
      %swap3A_624 = tpu.vector_load %arg7[%swap3A_622, %swap3A_623] {strides = array<i32>} : memref<16x128xf32, #tpu.memory_space<vmem>>, vector<16xf32>,
      tpu.vector_store %arg7[%swap3A_622, %swap3A_623], %get3A_620 {strides = array<i32>} : memref<16x128xf32, #tpu.memory_space<vmem>>, vector<16xf32>,
      %add3A_625 = arith.constant 65 : i32
      %add3A_626 = arith.addi %mul3A_41, %add3A_625 : i32
      %get3A_627 = arith.index_cast %add3A_626 : i32 to index
      %get3A_628 = arith.constant 0 : index
      %get3A_629 = tpu.vector_load %arg6[%get3A_627, %get3A_628] {strides = array<i32>} : memref<3328x16xf32, #tpu.memory_space<vmem>>, vector<16xf32>,
      %swap3A_630 = arith.constant 9 : i32
      %swap3A_631 = arith.index_cast %swap3A_630 : i32 to index
      %swap3A_632 = arith.constant 80 : index
      %swap3A_633 = tpu.vector_load %arg7[%swap3A_631, %swap3A_632] {strides = array<i32>} : memref<16x128xf32, #tpu.memory_space<vmem>>, vector<16xf32>,
      tpu.vector_store %arg7[%swap3A_631, %swap3A_632], %get3A_629 {strides = array<i32>} : memref<16x128xf32, #tpu.memory_space<vmem>>, vector<16xf32>,
      %add3A_634 = arith.constant 66 : i32
      %add3A_635 = arith.addi %mul3A_41, %add3A_634 : i32
      %get3A_636 = arith.index_cast %add3A_635 : i32 to index
      %get3A_637 = arith.constant 0 : index
      %get3A_638 = tpu.vector_load %arg6[%get3A_636, %get3A_637] {strides = array<i32>} : memref<3328x16xf32, #tpu.memory_space<vmem>>, vector<16xf32>,
      %swap3A_639 = arith.constant 9 : i32
      %swap3A_640 = arith.index_cast %swap3A_639 : i32 to index
      %swap3A_641 = arith.constant 96 : index
      %swap3A_642 = tpu.vector_load %arg7[%swap3A_640, %swap3A_641] {strides = array<i32>} : memref<16x128xf32, #tpu.memory_space<vmem>>, vector<16xf32>,
      tpu.vector_store %arg7[%swap3A_640, %swap3A_641], %get3A_638 {strides = array<i32>} : memref<16x128xf32, #tpu.memory_space<vmem>>, vector<16xf32>,
      %add3A_643 = arith.constant 67 : i32
      %add3A_644 = arith.addi %mul3A_41, %add3A_643 : i32
      %get3A_645 = arith.index_cast %add3A_644 : i32 to index
      %get3A_646 = arith.constant 0 : index
      %get3A_647 = tpu.vector_load %arg6[%get3A_645, %get3A_646] {strides = array<i32>} : memref<3328x16xf32, #tpu.memory_space<vmem>>, vector<16xf32>,
      %swap3A_648 = arith.constant 9 : i32
      %swap3A_649 = arith.index_cast %swap3A_648 : i32 to index
      %swap3A_650 = arith.constant 112 : index
      %swap3A_651 = tpu.vector_load %arg7[%swap3A_649, %swap3A_650] {strides = array<i32>} : memref<16x128xf32, #tpu.memory_space<vmem>>, vector<16xf32>,
      tpu.vector_store %arg7[%swap3A_649, %swap3A_650], %get3A_647 {strides = array<i32>} : memref<16x128xf32, #tpu.memory_space<vmem>>, vector<16xf32>,
      %add3A_652 = arith.constant 68 : i32
      %add3A_653 = arith.addi %mul3A_41, %add3A_652 : i32
      %get3A_654 = arith.index_cast %add3A_653 : i32 to index
      %get3A_655 = arith.constant 0 : index
      %get3A_656 = tpu.vector_load %arg6[%get3A_654, %get3A_655] {strides = array<i32>} : memref<3328x16xf32, #tpu.memory_space<vmem>>, vector<16xf32>,
      %swap3A_657 = arith.constant 10 : i32
      %swap3A_658 = arith.index_cast %swap3A_657 : i32 to index
      %swap3A_659 = arith.constant 0 : index
      %swap3A_660 = tpu.vector_load %arg7[%swap3A_658, %swap3A_659] {strides = array<i32>} : memref<16x128xf32, #tpu.memory_space<vmem>>, vector<16xf32>,
      tpu.vector_store %arg7[%swap3A_658, %swap3A_659], %get3A_656 {strides = array<i32>} : memref<16x128xf32, #tpu.memory_space<vmem>>, vector<16xf32>,
      %add3A_661 = arith.constant 69 : i32
      %add3A_662 = arith.addi %mul3A_41, %add3A_661 : i32
      %get3A_663 = arith.index_cast %add3A_662 : i32 to index
      %get3A_664 = arith.constant 0 : index
      %get3A_665 = tpu.vector_load %arg6[%get3A_663, %get3A_664] {strides = array<i32>} : memref<3328x16xf32, #tpu.memory_space<vmem>>, vector<16xf32>,
      %swap3A_666 = arith.constant 10 : i32
      %swap3A_667 = arith.index_cast %swap3A_666 : i32 to index
      %swap3A_668 = arith.constant 16 : index
      %swap3A_669 = tpu.vector_load %arg7[%swap3A_667, %swap3A_668] {strides = array<i32>} : memref<16x128xf32, #tpu.memory_space<vmem>>, vector<16xf32>,
      tpu.vector_store %arg7[%swap3A_667, %swap3A_668], %get3A_665 {strides = array<i32>} : memref<16x128xf32, #tpu.memory_space<vmem>>, vector<16xf32>,
      %add3A_670 = arith.constant 70 : i32
      %add3A_671 = arith.addi %mul3A_41, %add3A_670 : i32
      %get3A_672 = arith.index_cast %add3A_671 : i32 to index
      %get3A_673 = arith.constant 0 : index
      %get3A_674 = tpu.vector_load %arg6[%get3A_672, %get3A_673] {strides = array<i32>} : memref<3328x16xf32, #tpu.memory_space<vmem>>, vector<16xf32>,
      %swap3A_675 = arith.constant 10 : i32
      %swap3A_676 = arith.index_cast %swap3A_675 : i32 to index
      %swap3A_677 = arith.constant 32 : index
      %swap3A_678 = tpu.vector_load %arg7[%swap3A_676, %swap3A_677] {strides = array<i32>} : memref<16x128xf32, #tpu.memory_space<vmem>>, vector<16xf32>,
      tpu.vector_store %arg7[%swap3A_676, %swap3A_677], %get3A_674 {strides = array<i32>} : memref<16x128xf32, #tpu.memory_space<vmem>>, vector<16xf32>,
      %add3A_679 = arith.constant 71 : i32
      %add3A_680 = arith.addi %mul3A_41, %add3A_679 : i32
      %get3A_681 = arith.index_cast %add3A_680 : i32 to index
      %get3A_682 = arith.constant 0 : index
      %get3A_683 = tpu.vector_load %arg6[%get3A_681, %get3A_682] {strides = array<i32>} : memref<3328x16xf32, #tpu.memory_space<vmem>>, vector<16xf32>,
      %swap3A_684 = arith.constant 10 : i32
      %swap3A_685 = arith.index_cast %swap3A_684 : i32 to index
      %swap3A_686 = arith.constant 48 : index
      %swap3A_687 = tpu.vector_load %arg7[%swap3A_685, %swap3A_686] {strides = array<i32>} : memref<16x128xf32, #tpu.memory_space<vmem>>, vector<16xf32>,
      tpu.vector_store %arg7[%swap3A_685, %swap3A_686], %get3A_683 {strides = array<i32>} : memref<16x128xf32, #tpu.memory_space<vmem>>, vector<16xf32>,
      %add3A_688 = arith.constant 72 : i32
      %add3A_689 = arith.addi %mul3A_41, %add3A_688 : i32
      %get3A_690 = arith.index_cast %add3A_689 : i32 to index
      %get3A_691 = arith.constant 0 : index
      %get3A_692 = tpu.vector_load %arg6[%get3A_690, %get3A_691] {strides = array<i32>} : memref<3328x16xf32, #tpu.memory_space<vmem>>, vector<16xf32>,
      %swap3A_693 = arith.constant 10 : i32
      %swap3A_694 = arith.index_cast %swap3A_693 : i32 to index
      %swap3A_695 = arith.constant 64 : index
      %swap3A_696 = tpu.vector_load %arg7[%swap3A_694, %swap3A_695] {strides = array<i32>} : memref<16x128xf32, #tpu.memory_space<vmem>>, vector<16xf32>,
      tpu.vector_store %arg7[%swap3A_694, %swap3A_695], %get3A_692 {strides = array<i32>} : memref<16x128xf32, #tpu.memory_space<vmem>>, vector<16xf32>,
      %add3A_697 = arith.constant 73 : i32
      %add3A_698 = arith.addi %mul3A_41, %add3A_697 : i32
      %get3A_699 = arith.index_cast %add3A_698 : i32 to index
      %get3A_700 = arith.constant 0 : index
      %get3A_701 = tpu.vector_load %arg6[%get3A_699, %get3A_700] {strides = array<i32>} : memref<3328x16xf32, #tpu.memory_space<vmem>>, vector<16xf32>,
      %swap3A_702 = arith.constant 10 : i32
      %swap3A_703 = arith.index_cast %swap3A_702 : i32 to index
      %swap3A_704 = arith.constant 80 : index
      %swap3A_705 = tpu.vector_load %arg7[%swap3A_703, %swap3A_704] {strides = array<i32>} : memref<16x128xf32, #tpu.memory_space<vmem>>, vector<16xf32>,
      tpu.vector_store %arg7[%swap3A_703, %swap3A_704], %get3A_701 {strides = array<i32>} : memref<16x128xf32, #tpu.memory_space<vmem>>, vector<16xf32>,
      %add3A_706 = arith.constant 74 : i32
      %add3A_707 = arith.addi %mul3A_41, %add3A_706 : i32
      %get3A_708 = arith.index_cast %add3A_707 : i32 to index
      %get3A_709 = arith.constant 0 : index
      %get3A_710 = tpu.vector_load %arg6[%get3A_708, %get3A_709] {strides = array<i32>} : memref<3328x16xf32, #tpu.memory_space<vmem>>, vector<16xf32>,
      %swap3A_711 = arith.constant 10 : i32
      %swap3A_712 = arith.index_cast %swap3A_711 : i32 to index
      %swap3A_713 = arith.constant 96 : index
      %swap3A_714 = tpu.vector_load %arg7[%swap3A_712, %swap3A_713] {strides = array<i32>} : memref<16x128xf32, #tpu.memory_space<vmem>>, vector<16xf32>,
      tpu.vector_store %arg7[%swap3A_712, %swap3A_713], %get3A_710 {strides = array<i32>} : memref<16x128xf32, #tpu.memory_space<vmem>>, vector<16xf32>,
      %add3A_715 = arith.constant 75 : i32
      %add3A_716 = arith.addi %mul3A_41, %add3A_715 : i32
      %get3A_717 = arith.index_cast %add3A_716 : i32 to index
      %get3A_718 = arith.constant 0 : index
      %get3A_719 = tpu.vector_load %arg6[%get3A_717, %get3A_718] {strides = array<i32>} : memref<3328x16xf32, #tpu.memory_space<vmem>>, vector<16xf32>,
      %swap3A_720 = arith.constant 10 : i32
      %swap3A_721 = arith.index_cast %swap3A_720 : i32 to index
      %swap3A_722 = arith.constant 112 : index
      %swap3A_723 = tpu.vector_load %arg7[%swap3A_721, %swap3A_722] {strides = array<i32>} : memref<16x128xf32, #tpu.memory_space<vmem>>, vector<16xf32>,
      tpu.vector_store %arg7[%swap3A_721, %swap3A_722], %get3A_719 {strides = array<i32>} : memref<16x128xf32, #tpu.memory_space<vmem>>, vector<16xf32>,
      %add3A_724 = arith.constant 76 : i32
      %add3A_725 = arith.addi %mul3A_41, %add3A_724 : i32
      %get3A_726 = arith.index_cast %add3A_725 : i32 to index
      %get3A_727 = arith.constant 0 : index
      %get3A_728 = tpu.vector_load %arg6[%get3A_726, %get3A_727] {strides = array<i32>} : memref<3328x16xf32, #tpu.memory_space<vmem>>, vector<16xf32>,
      %swap3A_729 = arith.constant 11 : i32
      %swap3A_730 = arith.index_cast %swap3A_729 : i32 to index
      %swap3A_731 = arith.constant 0 : index
      %swap3A_732 = tpu.vector_load %arg7[%swap3A_730, %swap3A_731] {strides = array<i32>} : memref<16x128xf32, #tpu.memory_space<vmem>>, vector<16xf32>,
      tpu.vector_store %arg7[%swap3A_730, %swap3A_731], %get3A_728 {strides = array<i32>} : memref<16x128xf32, #tpu.memory_space<vmem>>, vector<16xf32>,
      %add3A_733 = arith.constant 77 : i32
      %add3A_734 = arith.addi %mul3A_41, %add3A_733 : i32
      %get3A_735 = arith.index_cast %add3A_734 : i32 to index
      %get3A_736 = arith.constant 0 : index
      %get3A_737 = tpu.vector_load %arg6[%get3A_735, %get3A_736] {strides = array<i32>} : memref<3328x16xf32, #tpu.memory_space<vmem>>, vector<16xf32>,
      %swap3A_738 = arith.constant 11 : i32
      %swap3A_739 = arith.index_cast %swap3A_738 : i32 to index
      %swap3A_740 = arith.constant 16 : index
      %swap3A_741 = tpu.vector_load %arg7[%swap3A_739, %swap3A_740] {strides = array<i32>} : memref<16x128xf32, #tpu.memory_space<vmem>>, vector<16xf32>,
      tpu.vector_store %arg7[%swap3A_739, %swap3A_740], %get3A_737 {strides = array<i32>} : memref<16x128xf32, #tpu.memory_space<vmem>>, vector<16xf32>,
      %add3A_742 = arith.constant 78 : i32
      %add3A_743 = arith.addi %mul3A_41, %add3A_742 : i32
      %get3A_744 = arith.index_cast %add3A_743 : i32 to index
      %get3A_745 = arith.constant 0 : index
      %get3A_746 = tpu.vector_load %arg6[%get3A_744, %get3A_745] {strides = array<i32>} : memref<3328x16xf32, #tpu.memory_space<vmem>>, vector<16xf32>,
      %swap3A_747 = arith.constant 12 : i32
      %swap3A_748 = arith.index_cast %swap3A_747 : i32 to index
      %swap3A_749 = arith.constant 0 : index
      %swap3A_750 = tpu.vector_load %arg7[%swap3A_748, %swap3A_749] {strides = array<i32>} : memref<16x128xf32, #tpu.memory_space<vmem>>, vector<16xf32>,
      tpu.vector_store %arg7[%swap3A_748, %swap3A_749], %get3A_746 {strides = array<i32>} : memref<16x128xf32, #tpu.memory_space<vmem>>, vector<16xf32>,
      %add3A_751 = arith.constant 79 : i32
      %add3A_752 = arith.addi %mul3A_41, %add3A_751 : i32
      %get3A_753 = arith.index_cast %add3A_752 : i32 to index
      %get3A_754 = arith.constant 0 : index
      %get3A_755 = tpu.vector_load %arg6[%get3A_753, %get3A_754] {strides = array<i32>} : memref<3328x16xf32, #tpu.memory_space<vmem>>, vector<16xf32>,
      %swap3A_756 = arith.constant 12 : i32
      %swap3A_757 = arith.index_cast %swap3A_756 : i32 to index
      %swap3A_758 = arith.constant 16 : index
      %swap3A_759 = tpu.vector_load %arg7[%swap3A_757, %swap3A_758] {strides = array<i32>} : memref<16x128xf32, #tpu.memory_space<vmem>>, vector<16xf32>,
      tpu.vector_store %arg7[%swap3A_757, %swap3A_758], %get3A_755 {strides = array<i32>} : memref<16x128xf32, #tpu.memory_space<vmem>>, vector<16xf32>,
      %add3A_760 = arith.constant 80 : i32
      %add3A_761 = arith.addi %mul3A_41, %add3A_760 : i32
      %get3A_762 = arith.index_cast %add3A_761 : i32 to index
      %get3A_763 = arith.constant 0 : index
      %get3A_764 = tpu.vector_load %arg6[%get3A_762, %get3A_763] {strides = array<i32>} : memref<3328x16xf32, #tpu.memory_space<vmem>>, vector<16xf32>,
      %swap3A_765 = arith.constant 12 : i32
      %swap3A_766 = arith.index_cast %swap3A_765 : i32 to index
      %swap3A_767 = arith.constant 32 : index
      %swap3A_768 = tpu.vector_load %arg7[%swap3A_766, %swap3A_767] {strides = array<i32>} : memref<16x128xf32, #tpu.memory_space<vmem>>, vector<16xf32>,
      tpu.vector_store %arg7[%swap3A_766, %swap3A_767], %get3A_764 {strides = array<i32>} : memref<16x128xf32, #tpu.memory_space<vmem>>, vector<16xf32>,
      %add3A_769 = arith.constant 81 : i32
      %add3A_770 = arith.addi %mul3A_41, %add3A_769 : i32
      %get3A_771 = arith.index_cast %add3A_770 : i32 to index
      %get3A_772 = arith.constant 0 : index
      %get3A_773 = tpu.vector_load %arg6[%get3A_771, %get3A_772] {strides = array<i32>} : memref<3328x16xf32, #tpu.memory_space<vmem>>, vector<16xf32>,
      %swap3A_774 = arith.constant 12 : i32
      %swap3A_775 = arith.index_cast %swap3A_774 : i32 to index
      %swap3A_776 = arith.constant 48 : index
      %swap3A_777 = tpu.vector_load %arg7[%swap3A_775, %swap3A_776] {strides = array<i32>} : memref<16x128xf32, #tpu.memory_space<vmem>>, vector<16xf32>,
      tpu.vector_store %arg7[%swap3A_775, %swap3A_776], %get3A_773 {strides = array<i32>} : memref<16x128xf32, #tpu.memory_space<vmem>>, vector<16xf32>,
      %add3A_778 = arith.constant 82 : i32
      %add3A_779 = arith.addi %mul3A_41, %add3A_778 : i32
      %get3A_780 = arith.index_cast %add3A_779 : i32 to index
      %get3A_781 = arith.constant 0 : index
      %get3A_782 = tpu.vector_load %arg6[%get3A_780, %get3A_781] {strides = array<i32>} : memref<3328x16xf32, #tpu.memory_space<vmem>>, vector<16xf32>,
      %swap3A_783 = arith.constant 12 : i32
      %swap3A_784 = arith.index_cast %swap3A_783 : i32 to index
      %swap3A_785 = arith.constant 64 : index
      %swap3A_786 = tpu.vector_load %arg7[%swap3A_784, %swap3A_785] {strides = array<i32>} : memref<16x128xf32, #tpu.memory_space<vmem>>, vector<16xf32>,
      tpu.vector_store %arg7[%swap3A_784, %swap3A_785], %get3A_782 {strides = array<i32>} : memref<16x128xf32, #tpu.memory_space<vmem>>, vector<16xf32>,
      %add3A_787 = arith.constant 83 : i32
      %add3A_788 = arith.addi %mul3A_41, %add3A_787 : i32
      %get3A_789 = arith.index_cast %add3A_788 : i32 to index
      %get3A_790 = arith.constant 0 : index
      %get3A_791 = tpu.vector_load %arg6[%get3A_789, %get3A_790] {strides = array<i32>} : memref<3328x16xf32, #tpu.memory_space<vmem>>, vector<16xf32>,
      %swap3A_792 = arith.constant 12 : i32
      %swap3A_793 = arith.index_cast %swap3A_792 : i32 to index
      %swap3A_794 = arith.constant 80 : index
      %swap3A_795 = tpu.vector_load %arg7[%swap3A_793, %swap3A_794] {strides = array<i32>} : memref<16x128xf32, #tpu.memory_space<vmem>>, vector<16xf32>,
      tpu.vector_store %arg7[%swap3A_793, %swap3A_794], %get3A_791 {strides = array<i32>} : memref<16x128xf32, #tpu.memory_space<vmem>>, vector<16xf32>,
      %add3A_796 = arith.constant 84 : i32
      %add3A_797 = arith.addi %mul3A_41, %add3A_796 : i32
      %get3A_798 = arith.index_cast %add3A_797 : i32 to index
      %get3A_799 = arith.constant 0 : index
      %get3A_800 = tpu.vector_load %arg6[%get3A_798, %get3A_799] {strides = array<i32>} : memref<3328x16xf32, #tpu.memory_space<vmem>>, vector<16xf32>,
      %swap3A_801 = arith.constant 12 : i32
      %swap3A_802 = arith.index_cast %swap3A_801 : i32 to index
      %swap3A_803 = arith.constant 96 : index
      %swap3A_804 = tpu.vector_load %arg7[%swap3A_802, %swap3A_803] {strides = array<i32>} : memref<16x128xf32, #tpu.memory_space<vmem>>, vector<16xf32>,
      tpu.vector_store %arg7[%swap3A_802, %swap3A_803], %get3A_800 {strides = array<i32>} : memref<16x128xf32, #tpu.memory_space<vmem>>, vector<16xf32>,
      %add3A_805 = arith.constant 85 : i32
      %add3A_806 = arith.addi %mul3A_41, %add3A_805 : i32
      %get3A_807 = arith.index_cast %add3A_806 : i32 to index
      %get3A_808 = arith.constant 0 : index
      %get3A_809 = tpu.vector_load %arg6[%get3A_807, %get3A_808] {strides = array<i32>} : memref<3328x16xf32, #tpu.memory_space<vmem>>, vector<16xf32>,
      %swap3A_810 = arith.constant 12 : i32
      %swap3A_811 = arith.index_cast %swap3A_810 : i32 to index
      %swap3A_812 = arith.constant 112 : index
      %swap3A_813 = tpu.vector_load %arg7[%swap3A_811, %swap3A_812] {strides = array<i32>} : memref<16x128xf32, #tpu.memory_space<vmem>>, vector<16xf32>,
      tpu.vector_store %arg7[%swap3A_811, %swap3A_812], %get3A_809 {strides = array<i32>} : memref<16x128xf32, #tpu.memory_space<vmem>>, vector<16xf32>,
      %add3A_814 = arith.constant 86 : i32
      %add3A_815 = arith.addi %mul3A_41, %add3A_814 : i32
      %get3A_816 = arith.index_cast %add3A_815 : i32 to index
      %get3A_817 = arith.constant 0 : index
      %get3A_818 = tpu.vector_load %arg6[%get3A_816, %get3A_817] {strides = array<i32>} : memref<3328x16xf32, #tpu.memory_space<vmem>>, vector<16xf32>,
      %swap3A_819 = arith.constant 13 : i32
      %swap3A_820 = arith.index_cast %swap3A_819 : i32 to index
      %swap3A_821 = arith.constant 0 : index
      %swap3A_822 = tpu.vector_load %arg7[%swap3A_820, %swap3A_821] {strides = array<i32>} : memref<16x128xf32, #tpu.memory_space<vmem>>, vector<16xf32>,
      tpu.vector_store %arg7[%swap3A_820, %swap3A_821], %get3A_818 {strides = array<i32>} : memref<16x128xf32, #tpu.memory_space<vmem>>, vector<16xf32>,
      %add3A_823 = arith.constant 87 : i32
      %add3A_824 = arith.addi %mul3A_41, %add3A_823 : i32
      %get3A_825 = arith.index_cast %add3A_824 : i32 to index
      %get3A_826 = arith.constant 0 : index
      %get3A_827 = tpu.vector_load %arg6[%get3A_825, %get3A_826] {strides = array<i32>} : memref<3328x16xf32, #tpu.memory_space<vmem>>, vector<16xf32>,
      %swap3A_828 = arith.constant 13 : i32
      %swap3A_829 = arith.index_cast %swap3A_828 : i32 to index
      %swap3A_830 = arith.constant 16 : index
      %swap3A_831 = tpu.vector_load %arg7[%swap3A_829, %swap3A_830] {strides = array<i32>} : memref<16x128xf32, #tpu.memory_space<vmem>>, vector<16xf32>,
      tpu.vector_store %arg7[%swap3A_829, %swap3A_830], %get3A_827 {strides = array<i32>} : memref<16x128xf32, #tpu.memory_space<vmem>>, vector<16xf32>,
      %add3A_832 = arith.constant 88 : i32
      %add3A_833 = arith.addi %mul3A_41, %add3A_832 : i32
      %get3A_834 = arith.index_cast %add3A_833 : i32 to index
      %get3A_835 = arith.constant 0 : index
      %get3A_836 = tpu.vector_load %arg6[%get3A_834, %get3A_835] {strides = array<i32>} : memref<3328x16xf32, #tpu.memory_space<vmem>>, vector<16xf32>,
      %swap3A_837 = arith.constant 13 : i32
      %swap3A_838 = arith.index_cast %swap3A_837 : i32 to index
      %swap3A_839 = arith.constant 32 : index
      %swap3A_840 = tpu.vector_load %arg7[%swap3A_838, %swap3A_839] {strides = array<i32>} : memref<16x128xf32, #tpu.memory_space<vmem>>, vector<16xf32>,
      tpu.vector_store %arg7[%swap3A_838, %swap3A_839], %get3A_836 {strides = array<i32>} : memref<16x128xf32, #tpu.memory_space<vmem>>, vector<16xf32>,
      %add3A_841 = arith.constant 89 : i32
      %add3A_842 = arith.addi %mul3A_41, %add3A_841 : i32
      %get3A_843 = arith.index_cast %add3A_842 : i32 to index
      %get3A_844 = arith.constant 0 : index
      %get3A_845 = tpu.vector_load %arg6[%get3A_843, %get3A_844] {strides = array<i32>} : memref<3328x16xf32, #tpu.memory_space<vmem>>, vector<16xf32>,
      %swap3A_846 = arith.constant 13 : i32
      %swap3A_847 = arith.index_cast %swap3A_846 : i32 to index
      %swap3A_848 = arith.constant 48 : index
      %swap3A_849 = tpu.vector_load %arg7[%swap3A_847, %swap3A_848] {strides = array<i32>} : memref<16x128xf32, #tpu.memory_space<vmem>>, vector<16xf32>,
      tpu.vector_store %arg7[%swap3A_847, %swap3A_848], %get3A_845 {strides = array<i32>} : memref<16x128xf32, #tpu.memory_space<vmem>>, vector<16xf32>,
      %add3A_850 = arith.constant 90 : i32
      %add3A_851 = arith.addi %mul3A_41, %add3A_850 : i32
      %get3A_852 = arith.index_cast %add3A_851 : i32 to index
      %get3A_853 = arith.constant 0 : index
      %get3A_854 = tpu.vector_load %arg6[%get3A_852, %get3A_853] {strides = array<i32>} : memref<3328x16xf32, #tpu.memory_space<vmem>>, vector<16xf32>,
      %swap3A_855 = arith.constant 13 : i32
      %swap3A_856 = arith.index_cast %swap3A_855 : i32 to index
      %swap3A_857 = arith.constant 64 : index
      %swap3A_858 = tpu.vector_load %arg7[%swap3A_856, %swap3A_857] {strides = array<i32>} : memref<16x128xf32, #tpu.memory_space<vmem>>, vector<16xf32>,
      tpu.vector_store %arg7[%swap3A_856, %swap3A_857], %get3A_854 {strides = array<i32>} : memref<16x128xf32, #tpu.memory_space<vmem>>, vector<16xf32>,
      %add3A_859 = arith.constant 91 : i32
      %add3A_860 = arith.addi %mul3A_41, %add3A_859 : i32
      %get3A_861 = arith.index_cast %add3A_860 : i32 to index
      %get3A_862 = arith.constant 0 : index
      %get3A_863 = tpu.vector_load %arg6[%get3A_861, %get3A_862] {strides = array<i32>} : memref<3328x16xf32, #tpu.memory_space<vmem>>, vector<16xf32>,
      %swap3A_864 = arith.constant 13 : i32
      %swap3A_865 = arith.index_cast %swap3A_864 : i32 to index
      %swap3A_866 = arith.constant 80 : index
      %swap3A_867 = tpu.vector_load %arg7[%swap3A_865, %swap3A_866] {strides = array<i32>} : memref<16x128xf32, #tpu.memory_space<vmem>>, vector<16xf32>,
      tpu.vector_store %arg7[%swap3A_865, %swap3A_866], %get3A_863 {strides = array<i32>} : memref<16x128xf32, #tpu.memory_space<vmem>>, vector<16xf32>,
      %add3A_868 = arith.constant 92 : i32
      %add3A_869 = arith.addi %mul3A_41, %add3A_868 : i32
      %get3A_870 = arith.index_cast %add3A_869 : i32 to index
      %get3A_871 = arith.constant 0 : index
      %get3A_872 = tpu.vector_load %arg6[%get3A_870, %get3A_871] {strides = array<i32>} : memref<3328x16xf32, #tpu.memory_space<vmem>>, vector<16xf32>,
      %swap3A_873 = arith.constant 13 : i32
      %swap3A_874 = arith.index_cast %swap3A_873 : i32 to index
      %swap3A_875 = arith.constant 96 : index
      %swap3A_876 = tpu.vector_load %arg7[%swap3A_874, %swap3A_875] {strides = array<i32>} : memref<16x128xf32, #tpu.memory_space<vmem>>, vector<16xf32>,
      tpu.vector_store %arg7[%swap3A_874, %swap3A_875], %get3A_872 {strides = array<i32>} : memref<16x128xf32, #tpu.memory_space<vmem>>, vector<16xf32>,
      %add3A_877 = arith.constant 93 : i32
      %add3A_878 = arith.addi %mul3A_41, %add3A_877 : i32
      %get3A_879 = arith.index_cast %add3A_878 : i32 to index
      %get3A_880 = arith.constant 0 : index
      %get3A_881 = tpu.vector_load %arg6[%get3A_879, %get3A_880] {strides = array<i32>} : memref<3328x16xf32, #tpu.memory_space<vmem>>, vector<16xf32>,
      %swap3A_882 = arith.constant 13 : i32
      %swap3A_883 = arith.index_cast %swap3A_882 : i32 to index
      %swap3A_884 = arith.constant 112 : index
      %swap3A_885 = tpu.vector_load %arg7[%swap3A_883, %swap3A_884] {strides = array<i32>} : memref<16x128xf32, #tpu.memory_space<vmem>>, vector<16xf32>,
      tpu.vector_store %arg7[%swap3A_883, %swap3A_884], %get3A_881 {strides = array<i32>} : memref<16x128xf32, #tpu.memory_space<vmem>>, vector<16xf32>,
      %add3A_886 = arith.constant 94 : i32
      %add3A_887 = arith.addi %mul3A_41, %add3A_886 : i32
      %get3A_888 = arith.index_cast %add3A_887 : i32 to index
      %get3A_889 = arith.constant 0 : index
      %get3A_890 = tpu.vector_load %arg6[%get3A_888, %get3A_889] {strides = array<i32>} : memref<3328x16xf32, #tpu.memory_space<vmem>>, vector<16xf32>,
      %swap3A_891 = arith.constant 14 : i32
      %swap3A_892 = arith.index_cast %swap3A_891 : i32 to index
      %swap3A_893 = arith.constant 0 : index
      %swap3A_894 = tpu.vector_load %arg7[%swap3A_892, %swap3A_893] {strides = array<i32>} : memref<16x128xf32, #tpu.memory_space<vmem>>, vector<16xf32>,
      tpu.vector_store %arg7[%swap3A_892, %swap3A_893], %get3A_890 {strides = array<i32>} : memref<16x128xf32, #tpu.memory_space<vmem>>, vector<16xf32>,
      %add3A_895 = arith.constant 95 : i32
      %add3A_896 = arith.addi %mul3A_41, %add3A_895 : i32
      %get3A_897 = arith.index_cast %add3A_896 : i32 to index
      %get3A_898 = arith.constant 0 : index
      %get3A_899 = tpu.vector_load %arg6[%get3A_897, %get3A_898] {strides = array<i32>} : memref<3328x16xf32, #tpu.memory_space<vmem>>, vector<16xf32>,
      %swap3A_900 = arith.constant 14 : i32
      %swap3A_901 = arith.index_cast %swap3A_900 : i32 to index
      %swap3A_902 = arith.constant 16 : index
      %swap3A_903 = tpu.vector_load %arg7[%swap3A_901, %swap3A_902] {strides = array<i32>} : memref<16x128xf32, #tpu.memory_space<vmem>>, vector<16xf32>,
      tpu.vector_store %arg7[%swap3A_901, %swap3A_902], %get3A_899 {strides = array<i32>} : memref<16x128xf32, #tpu.memory_space<vmem>>, vector<16xf32>,
      %add3A_904 = arith.constant 96 : i32
      %add3A_905 = arith.addi %mul3A_41, %add3A_904 : i32
      %get3A_906 = arith.index_cast %add3A_905 : i32 to index
      %get3A_907 = arith.constant 0 : index
      %get3A_908 = tpu.vector_load %arg6[%get3A_906, %get3A_907] {strides = array<i32>} : memref<3328x16xf32, #tpu.memory_space<vmem>>, vector<16xf32>,
      %swap3A_909 = arith.constant 14 : i32
      %swap3A_910 = arith.index_cast %swap3A_909 : i32 to index
      %swap3A_911 = arith.constant 32 : index
      %swap3A_912 = tpu.vector_load %arg7[%swap3A_910, %swap3A_911] {strides = array<i32>} : memref<16x128xf32, #tpu.memory_space<vmem>>, vector<16xf32>,
      tpu.vector_store %arg7[%swap3A_910, %swap3A_911], %get3A_908 {strides = array<i32>} : memref<16x128xf32, #tpu.memory_space<vmem>>, vector<16xf32>,
      %add3A_913 = arith.constant 97 : i32
      %add3A_914 = arith.addi %mul3A_41, %add3A_913 : i32
      %get3A_915 = arith.index_cast %add3A_914 : i32 to index
      %get3A_916 = arith.constant 0 : index
      %get3A_917 = tpu.vector_load %arg6[%get3A_915, %get3A_916] {strides = array<i32>} : memref<3328x16xf32, #tpu.memory_space<vmem>>, vector<16xf32>,
      %swap3A_918 = arith.constant 14 : i32
      %swap3A_919 = arith.index_cast %swap3A_918 : i32 to index
      %swap3A_920 = arith.constant 48 : index
      %swap3A_921 = tpu.vector_load %arg7[%swap3A_919, %swap3A_920] {strides = array<i32>} : memref<16x128xf32, #tpu.memory_space<vmem>>, vector<16xf32>,
      tpu.vector_store %arg7[%swap3A_919, %swap3A_920], %get3A_917 {strides = array<i32>} : memref<16x128xf32, #tpu.memory_space<vmem>>, vector<16xf32>,
      %add3A_922 = arith.constant 98 : i32
      %add3A_923 = arith.addi %mul3A_41, %add3A_922 : i32
      %get3A_924 = arith.index_cast %add3A_923 : i32 to index
      %get3A_925 = arith.constant 0 : index
      %get3A_926 = tpu.vector_load %arg6[%get3A_924, %get3A_925] {strides = array<i32>} : memref<3328x16xf32, #tpu.memory_space<vmem>>, vector<16xf32>,
      %swap3A_927 = arith.constant 14 : i32
      %swap3A_928 = arith.index_cast %swap3A_927 : i32 to index
      %swap3A_929 = arith.constant 64 : index
      %swap3A_930 = tpu.vector_load %arg7[%swap3A_928, %swap3A_929] {strides = array<i32>} : memref<16x128xf32, #tpu.memory_space<vmem>>, vector<16xf32>,
      tpu.vector_store %arg7[%swap3A_928, %swap3A_929], %get3A_926 {strides = array<i32>} : memref<16x128xf32, #tpu.memory_space<vmem>>, vector<16xf32>,
      %add3A_931 = arith.constant 99 : i32
      %add3A_932 = arith.addi %mul3A_41, %add3A_931 : i32
      %get3A_933 = arith.index_cast %add3A_932 : i32 to index
      %get3A_934 = arith.constant 0 : index
      %get3A_935 = tpu.vector_load %arg6[%get3A_933, %get3A_934] {strides = array<i32>} : memref<3328x16xf32, #tpu.memory_space<vmem>>, vector<16xf32>,
      %swap3A_936 = arith.constant 14 : i32
      %swap3A_937 = arith.index_cast %swap3A_936 : i32 to index
      %swap3A_938 = arith.constant 80 : index
      %swap3A_939 = tpu.vector_load %arg7[%swap3A_937, %swap3A_938] {strides = array<i32>} : memref<16x128xf32, #tpu.memory_space<vmem>>, vector<16xf32>,
      tpu.vector_store %arg7[%swap3A_937, %swap3A_938], %get3A_935 {strides = array<i32>} : memref<16x128xf32, #tpu.memory_space<vmem>>, vector<16xf32>,
      %add3A_940 = arith.constant 100 : i32
      %add3A_941 = arith.addi %mul3A_41, %add3A_940 : i32
      %get3A_942 = arith.index_cast %add3A_941 : i32 to index
      %get3A_943 = arith.constant 0 : index
      %get3A_944 = tpu.vector_load %arg6[%get3A_942, %get3A_943] {strides = array<i32>} : memref<3328x16xf32, #tpu.memory_space<vmem>>, vector<16xf32>,
      %swap3A_945 = arith.constant 14 : i32
      %swap3A_946 = arith.index_cast %swap3A_945 : i32 to index
      %swap3A_947 = arith.constant 96 : index
      %swap3A_948 = tpu.vector_load %arg7[%swap3A_946, %swap3A_947] {strides = array<i32>} : memref<16x128xf32, #tpu.memory_space<vmem>>, vector<16xf32>,
      tpu.vector_store %arg7[%swap3A_946, %swap3A_947], %get3A_944 {strides = array<i32>} : memref<16x128xf32, #tpu.memory_space<vmem>>, vector<16xf32>,
      %add3A_949 = arith.constant 101 : i32
      %add3A_950 = arith.addi %mul3A_41, %add3A_949 : i32
      %get3A_951 = arith.index_cast %add3A_950 : i32 to index
      %get3A_952 = arith.constant 0 : index
      %get3A_953 = tpu.vector_load %arg6[%get3A_951, %get3A_952] {strides = array<i32>} : memref<3328x16xf32, #tpu.memory_space<vmem>>, vector<16xf32>,
      %swap3A_954 = arith.constant 14 : i32
      %swap3A_955 = arith.index_cast %swap3A_954 : i32 to index
      %swap3A_956 = arith.constant 112 : index
      %swap3A_957 = tpu.vector_load %arg7[%swap3A_955, %swap3A_956] {strides = array<i32>} : memref<16x128xf32, #tpu.memory_space<vmem>>, vector<16xf32>,
      tpu.vector_store %arg7[%swap3A_955, %swap3A_956], %get3A_953 {strides = array<i32>} : memref<16x128xf32, #tpu.memory_space<vmem>>, vector<16xf32>,
      %add3A_958 = arith.constant 102 : i32
      %add3A_959 = arith.addi %mul3A_41, %add3A_958 : i32
      %get3A_960 = arith.index_cast %add3A_959 : i32 to index
      %get3A_961 = arith.constant 0 : index
      %get3A_962 = tpu.vector_load %arg6[%get3A_960, %get3A_961] {strides = array<i32>} : memref<3328x16xf32, #tpu.memory_space<vmem>>, vector<16xf32>,
      %swap3A_963 = arith.constant 15 : i32
      %swap3A_964 = arith.index_cast %swap3A_963 : i32 to index
      %swap3A_965 = arith.constant 0 : index
      %swap3A_966 = tpu.vector_load %arg7[%swap3A_964, %swap3A_965] {strides = array<i32>} : memref<16x128xf32, #tpu.memory_space<vmem>>, vector<16xf32>,
      tpu.vector_store %arg7[%swap3A_964, %swap3A_965], %get3A_962 {strides = array<i32>} : memref<16x128xf32, #tpu.memory_space<vmem>>, vector<16xf32>,
      %add3A_967 = arith.constant 103 : i32
      %add3A_968 = arith.addi %mul3A_41, %add3A_967 : i32
      %get3A_969 = arith.index_cast %add3A_968 : i32 to index
      %get3A_970 = arith.constant 0 : index
      %get3A_971 = tpu.vector_load %arg6[%get3A_969, %get3A_970] {strides = array<i32>} : memref<3328x16xf32, #tpu.memory_space<vmem>>, vector<16xf32>,
      %swap3A_972 = arith.constant 15 : i32
      %swap3A_973 = arith.index_cast %swap3A_972 : i32 to index
      %swap3A_974 = arith.constant 16 : index
      %swap3A_975 = tpu.vector_load %arg7[%swap3A_973, %swap3A_974] {strides = array<i32>} : memref<16x128xf32, #tpu.memory_space<vmem>>, vector<16xf32>,
      tpu.vector_store %arg7[%swap3A_973, %swap3A_974], %get3A_971 {strides = array<i32>} : memref<16x128xf32, #tpu.memory_space<vmem>>, vector<16xf32>,
      %mul3A_976 = arith.constant 16 : i32
      %mul3A_977 = arith.muli %add3A_37, %mul3A_976 : i32
      %dma_start3A = arith.constant 0 : i32
      %dma_start3A_978 = tpu.memref_slice %arg4[%add3A, %mul3A_977, %dma_start3A] : memref<32x512x128xf32, #tpu.memory_space<hbm>> -> memref<1x16x128xf32, #tpu.memory_space<hbm>>
      %dma_start3A_979 = tpu.memref_squeeze %dma_start3A_978 : memref<1x16x128xf32, #tpu.memory_space<hbm>> -> memref<16x128xf32, #tpu.memory_space<hbm>>
      %dma_start3A_980 = arith.constant 0 : i32
      %dma_start3A_981 = tpu.memref_slice %arg4[%add3A, %mul3A_977, %dma_start3A_980] : memref<32x512x128xf32, #tpu.memory_space<hbm>> -> memref<1x16x128xf32, #tpu.memory_space<hbm>>
      %dma_start3A_982 = tpu.memref_squeeze %dma_start3A_981 : memref<1x16x128xf32, #tpu.memory_space<hbm>> -> memref<16x128xf32, #tpu.memory_space<hbm>>
      tpu.enqueue_dma source(%arg7 : memref<16x128xf32, #tpu.memory_space<vmem>>) target(%dma_start3A_982 : memref<16x128xf32, #tpu.memory_space<hbm>>) target_semaphore(%arg10 : memref<!tpu.dma_semaphore, #tpu.memory_space<semaphore_mem>>)
      %mul3A_983 = arith.constant 2 : i32
      %mul3A_984 = arith.muli %mul3A_983, %scan3A_33 : i32
      %add3A_985 = arith.constant 1 : i32
      %add3A_986 = arith.addi %mul3A_984, %add3A_985 : i32
      %gt3A_987 = arith.constant 0 : i32
      %gt3A_988 = arith.cmpi sgt, %scan3A_33, %gt3A_987 : i32
      %convert_element_type3A_989 = arith.extui %gt3A_988 : i1 to i32
      %cond3A_990 = arith.constant 0 : i32
      %cond3A_991 = arith.cmpi ne, %convert_element_type3A_989, %cond3A_990 : i32
      scf.if %cond3A_991 {
        %dma_wait3A_1938 = arith.constant 0 : i32
        %dma_wait3A_1939 = arith.constant 0 : i32
        %dma_wait3A_1940 = tpu.memref_slice %arg4[%add3A, %dma_wait3A_1938, %dma_wait3A_1939] : memref<32x512x128xf32, #tpu.memory_space<hbm>> -> memref<1x16x128xf32, #tpu.memory_space<hbm>>
        %dma_wait3A_1941 = tpu.memref_squeeze %dma_wait3A_1940 : memref<1x16x128xf32, #tpu.memory_space<hbm>> -> memref<16x128xf32, #tpu.memory_space<hbm>>
        %dma_wait3A_1942 = arith.constant 0 : i32
        %dma_wait3A_1943 = arith.constant 0 : i32
        %dma_wait3A_1944 = tpu.memref_slice %arg4[%add3A, %dma_wait3A_1942, %dma_wait3A_1943] : memref<32x512x128xf32, #tpu.memory_space<hbm>> -> memref<1x16x128xf32, #tpu.memory_space<hbm>>
        %dma_wait3A_1945 = tpu.memref_squeeze %dma_wait3A_1944 : memref<1x16x128xf32, #tpu.memory_space<hbm>> -> memref<16x128xf32, #tpu.memory_space<hbm>>
        tpu.wait_dma2 semaphore(%arg10 : memref<!tpu.dma_semaphore, #tpu.memory_space<semaphore_mem>>) src(%dma_wait3A_1945 : memref<16x128xf32, #tpu.memory_space<hbm>>) dst(%arg8 : memref<16x128xf32, #tpu.memory_space<vmem>>)
      } else {
      }
      %mul3A_992 = arith.constant 104 : i32
      %mul3A_993 = arith.muli %add3A_986, %mul3A_992 : i32
      %add3A_994 = arith.constant 0 : i32
      %add3A_995 = arith.addi %mul3A_993, %add3A_994 : i32
      %get3A_996 = arith.index_cast %add3A_995 : i32 to index
      %get3A_997 = arith.constant 0 : index
      %get3A_998 = tpu.vector_load %arg6[%get3A_996, %get3A_997] {strides = array<i32>} : memref<3328x16xf32, #tpu.memory_space<vmem>>, vector<16xf32>,
      %swap3A_999 = arith.constant 0 : i32
      %swap3A_1000 = arith.index_cast %swap3A_999 : i32 to index
      %swap3A_1001 = arith.constant 0 : index
      %swap3A_1002 = tpu.vector_load %arg8[%swap3A_1000, %swap3A_1001] {strides = array<i32>} : memref<16x128xf32, #tpu.memory_space<vmem>>, vector<16xf32>,
      tpu.vector_store %arg8[%swap3A_1000, %swap3A_1001], %get3A_998 {strides = array<i32>} : memref<16x128xf32, #tpu.memory_space<vmem>>, vector<16xf32>,
      %add3A_1003 = arith.constant 1 : i32
      %add3A_1004 = arith.addi %mul3A_993, %add3A_1003 : i32
      %get3A_1005 = arith.index_cast %add3A_1004 : i32 to index
      %get3A_1006 = arith.constant 0 : index
      %get3A_1007 = tpu.vector_load %arg6[%get3A_1005, %get3A_1006] {strides = array<i32>} : memref<3328x16xf32, #tpu.memory_space<vmem>>, vector<16xf32>,
      %swap3A_1008 = arith.constant 0 : i32
      %swap3A_1009 = arith.index_cast %swap3A_1008 : i32 to index
      %swap3A_1010 = arith.constant 16 : index
      %swap3A_1011 = tpu.vector_load %arg8[%swap3A_1009, %swap3A_1010] {strides = array<i32>} : memref<16x128xf32, #tpu.memory_space<vmem>>, vector<16xf32>,
      tpu.vector_store %arg8[%swap3A_1009, %swap3A_1010], %get3A_1007 {strides = array<i32>} : memref<16x128xf32, #tpu.memory_space<vmem>>, vector<16xf32>,
      %add3A_1012 = arith.constant 2 : i32
      %add3A_1013 = arith.addi %mul3A_993, %add3A_1012 : i32
      %get3A_1014 = arith.index_cast %add3A_1013 : i32 to index
      %get3A_1015 = arith.constant 0 : index
      %get3A_1016 = tpu.vector_load %arg6[%get3A_1014, %get3A_1015] {strides = array<i32>} : memref<3328x16xf32, #tpu.memory_space<vmem>>, vector<16xf32>,
      %swap3A_1017 = arith.constant 0 : i32
      %swap3A_1018 = arith.index_cast %swap3A_1017 : i32 to index
      %swap3A_1019 = arith.constant 32 : index
      %swap3A_1020 = tpu.vector_load %arg8[%swap3A_1018, %swap3A_1019] {strides = array<i32>} : memref<16x128xf32, #tpu.memory_space<vmem>>, vector<16xf32>,
      tpu.vector_store %arg8[%swap3A_1018, %swap3A_1019], %get3A_1016 {strides = array<i32>} : memref<16x128xf32, #tpu.memory_space<vmem>>, vector<16xf32>,
      %add3A_1021 = arith.constant 3 : i32
      %add3A_1022 = arith.addi %mul3A_993, %add3A_1021 : i32
      %get3A_1023 = arith.index_cast %add3A_1022 : i32 to index
      %get3A_1024 = arith.constant 0 : index
      %get3A_1025 = tpu.vector_load %arg6[%get3A_1023, %get3A_1024] {strides = array<i32>} : memref<3328x16xf32, #tpu.memory_space<vmem>>, vector<16xf32>,
      %swap3A_1026 = arith.constant 0 : i32
      %swap3A_1027 = arith.index_cast %swap3A_1026 : i32 to index
      %swap3A_1028 = arith.constant 48 : index
      %swap3A_1029 = tpu.vector_load %arg8[%swap3A_1027, %swap3A_1028] {strides = array<i32>} : memref<16x128xf32, #tpu.memory_space<vmem>>, vector<16xf32>,
      tpu.vector_store %arg8[%swap3A_1027, %swap3A_1028], %get3A_1025 {strides = array<i32>} : memref<16x128xf32, #tpu.memory_space<vmem>>, vector<16xf32>,
      %add3A_1030 = arith.constant 4 : i32
      %add3A_1031 = arith.addi %mul3A_993, %add3A_1030 : i32
      %get3A_1032 = arith.index_cast %add3A_1031 : i32 to index
      %get3A_1033 = arith.constant 0 : index
      %get3A_1034 = tpu.vector_load %arg6[%get3A_1032, %get3A_1033] {strides = array<i32>} : memref<3328x16xf32, #tpu.memory_space<vmem>>, vector<16xf32>,
      %swap3A_1035 = arith.constant 0 : i32
      %swap3A_1036 = arith.index_cast %swap3A_1035 : i32 to index
      %swap3A_1037 = arith.constant 64 : index
      %swap3A_1038 = tpu.vector_load %arg8[%swap3A_1036, %swap3A_1037] {strides = array<i32>} : memref<16x128xf32, #tpu.memory_space<vmem>>, vector<16xf32>,
      tpu.vector_store %arg8[%swap3A_1036, %swap3A_1037], %get3A_1034 {strides = array<i32>} : memref<16x128xf32, #tpu.memory_space<vmem>>, vector<16xf32>,
      %add3A_1039 = arith.constant 5 : i32
      %add3A_1040 = arith.addi %mul3A_993, %add3A_1039 : i32
      %get3A_1041 = arith.index_cast %add3A_1040 : i32 to index
      %get3A_1042 = arith.constant 0 : index
      %get3A_1043 = tpu.vector_load %arg6[%get3A_1041, %get3A_1042] {strides = array<i32>} : memref<3328x16xf32, #tpu.memory_space<vmem>>, vector<16xf32>,
      %swap3A_1044 = arith.constant 0 : i32
      %swap3A_1045 = arith.index_cast %swap3A_1044 : i32 to index
      %swap3A_1046 = arith.constant 80 : index
      %swap3A_1047 = tpu.vector_load %arg8[%swap3A_1045, %swap3A_1046] {strides = array<i32>} : memref<16x128xf32, #tpu.memory_space<vmem>>, vector<16xf32>,
      tpu.vector_store %arg8[%swap3A_1045, %swap3A_1046], %get3A_1043 {strides = array<i32>} : memref<16x128xf32, #tpu.memory_space<vmem>>, vector<16xf32>,
      %add3A_1048 = arith.constant 6 : i32
      %add3A_1049 = arith.addi %mul3A_993, %add3A_1048 : i32
      %get3A_1050 = arith.index_cast %add3A_1049 : i32 to index
      %get3A_1051 = arith.constant 0 : index
      %get3A_1052 = tpu.vector_load %arg6[%get3A_1050, %get3A_1051] {strides = array<i32>} : memref<3328x16xf32, #tpu.memory_space<vmem>>, vector<16xf32>,
      %swap3A_1053 = arith.constant 0 : i32
      %swap3A_1054 = arith.index_cast %swap3A_1053 : i32 to index
      %swap3A_1055 = arith.constant 96 : index
      %swap3A_1056 = tpu.vector_load %arg8[%swap3A_1054, %swap3A_1055] {strides = array<i32>} : memref<16x128xf32, #tpu.memory_space<vmem>>, vector<16xf32>,
      tpu.vector_store %arg8[%swap3A_1054, %swap3A_1055], %get3A_1052 {strides = array<i32>} : memref<16x128xf32, #tpu.memory_space<vmem>>, vector<16xf32>,
      %add3A_1057 = arith.constant 7 : i32
      %add3A_1058 = arith.addi %mul3A_993, %add3A_1057 : i32
      %get3A_1059 = arith.index_cast %add3A_1058 : i32 to index
      %get3A_1060 = arith.constant 0 : index
      %get3A_1061 = tpu.vector_load %arg6[%get3A_1059, %get3A_1060] {strides = array<i32>} : memref<3328x16xf32, #tpu.memory_space<vmem>>, vector<16xf32>,
      %swap3A_1062 = arith.constant 0 : i32
      %swap3A_1063 = arith.index_cast %swap3A_1062 : i32 to index
      %swap3A_1064 = arith.constant 112 : index
      %swap3A_1065 = tpu.vector_load %arg8[%swap3A_1063, %swap3A_1064] {strides = array<i32>} : memref<16x128xf32, #tpu.memory_space<vmem>>, vector<16xf32>,
      tpu.vector_store %arg8[%swap3A_1063, %swap3A_1064], %get3A_1061 {strides = array<i32>} : memref<16x128xf32, #tpu.memory_space<vmem>>, vector<16xf32>,
      %add3A_1066 = arith.constant 8 : i32
      %add3A_1067 = arith.addi %mul3A_993, %add3A_1066 : i32
      %get3A_1068 = arith.index_cast %add3A_1067 : i32 to index
      %get3A_1069 = arith.constant 0 : index
      %get3A_1070 = tpu.vector_load %arg6[%get3A_1068, %get3A_1069] {strides = array<i32>} : memref<3328x16xf32, #tpu.memory_space<vmem>>, vector<16xf32>,
      %swap3A_1071 = arith.constant 1 : i32
      %swap3A_1072 = arith.index_cast %swap3A_1071 : i32 to index
      %swap3A_1073 = arith.constant 0 : index
      %swap3A_1074 = tpu.vector_load %arg8[%swap3A_1072, %swap3A_1073] {strides = array<i32>} : memref<16x128xf32, #tpu.memory_space<vmem>>, vector<16xf32>,
      tpu.vector_store %arg8[%swap3A_1072, %swap3A_1073], %get3A_1070 {strides = array<i32>} : memref<16x128xf32, #tpu.memory_space<vmem>>, vector<16xf32>,
      %add3A_1075 = arith.constant 9 : i32
      %add3A_1076 = arith.addi %mul3A_993, %add3A_1075 : i32
      %get3A_1077 = arith.index_cast %add3A_1076 : i32 to index
      %get3A_1078 = arith.constant 0 : index
      %get3A_1079 = tpu.vector_load %arg6[%get3A_1077, %get3A_1078] {strides = array<i32>} : memref<3328x16xf32, #tpu.memory_space<vmem>>, vector<16xf32>,
      %swap3A_1080 = arith.constant 1 : i32
      %swap3A_1081 = arith.index_cast %swap3A_1080 : i32 to index
      %swap3A_1082 = arith.constant 16 : index
      %swap3A_1083 = tpu.vector_load %arg8[%swap3A_1081, %swap3A_1082] {strides = array<i32>} : memref<16x128xf32, #tpu.memory_space<vmem>>, vector<16xf32>,
      tpu.vector_store %arg8[%swap3A_1081, %swap3A_1082], %get3A_1079 {strides = array<i32>} : memref<16x128xf32, #tpu.memory_space<vmem>>, vector<16xf32>,
      %add3A_1084 = arith.constant 10 : i32
      %add3A_1085 = arith.addi %mul3A_993, %add3A_1084 : i32
      %get3A_1086 = arith.index_cast %add3A_1085 : i32 to index
      %get3A_1087 = arith.constant 0 : index
      %get3A_1088 = tpu.vector_load %arg6[%get3A_1086, %get3A_1087] {strides = array<i32>} : memref<3328x16xf32, #tpu.memory_space<vmem>>, vector<16xf32>,
      %swap3A_1089 = arith.constant 1 : i32
      %swap3A_1090 = arith.index_cast %swap3A_1089 : i32 to index
      %swap3A_1091 = arith.constant 32 : index
      %swap3A_1092 = tpu.vector_load %arg8[%swap3A_1090, %swap3A_1091] {strides = array<i32>} : memref<16x128xf32, #tpu.memory_space<vmem>>, vector<16xf32>,
      tpu.vector_store %arg8[%swap3A_1090, %swap3A_1091], %get3A_1088 {strides = array<i32>} : memref<16x128xf32, #tpu.memory_space<vmem>>, vector<16xf32>,
      %add3A_1093 = arith.constant 11 : i32
      %add3A_1094 = arith.addi %mul3A_993, %add3A_1093 : i32
      %get3A_1095 = arith.index_cast %add3A_1094 : i32 to index
      %get3A_1096 = arith.constant 0 : index
      %get3A_1097 = tpu.vector_load %arg6[%get3A_1095, %get3A_1096] {strides = array<i32>} : memref<3328x16xf32, #tpu.memory_space<vmem>>, vector<16xf32>,
      %swap3A_1098 = arith.constant 1 : i32
      %swap3A_1099 = arith.index_cast %swap3A_1098 : i32 to index
      %swap3A_1100 = arith.constant 48 : index
      %swap3A_1101 = tpu.vector_load %arg8[%swap3A_1099, %swap3A_1100] {strides = array<i32>} : memref<16x128xf32, #tpu.memory_space<vmem>>, vector<16xf32>,
      tpu.vector_store %arg8[%swap3A_1099, %swap3A_1100], %get3A_1097 {strides = array<i32>} : memref<16x128xf32, #tpu.memory_space<vmem>>, vector<16xf32>,
      %add3A_1102 = arith.constant 12 : i32
      %add3A_1103 = arith.addi %mul3A_993, %add3A_1102 : i32
      %get3A_1104 = arith.index_cast %add3A_1103 : i32 to index
      %get3A_1105 = arith.constant 0 : index
      %get3A_1106 = tpu.vector_load %arg6[%get3A_1104, %get3A_1105] {strides = array<i32>} : memref<3328x16xf32, #tpu.memory_space<vmem>>, vector<16xf32>,
      %swap3A_1107 = arith.constant 1 : i32
      %swap3A_1108 = arith.index_cast %swap3A_1107 : i32 to index
      %swap3A_1109 = arith.constant 64 : index
      %swap3A_1110 = tpu.vector_load %arg8[%swap3A_1108, %swap3A_1109] {strides = array<i32>} : memref<16x128xf32, #tpu.memory_space<vmem>>, vector<16xf32>,
      tpu.vector_store %arg8[%swap3A_1108, %swap3A_1109], %get3A_1106 {strides = array<i32>} : memref<16x128xf32, #tpu.memory_space<vmem>>, vector<16xf32>,
      %add3A_1111 = arith.constant 13 : i32
      %add3A_1112 = arith.addi %mul3A_993, %add3A_1111 : i32
      %get3A_1113 = arith.index_cast %add3A_1112 : i32 to index
      %get3A_1114 = arith.constant 0 : index
      %get3A_1115 = tpu.vector_load %arg6[%get3A_1113, %get3A_1114] {strides = array<i32>} : memref<3328x16xf32, #tpu.memory_space<vmem>>, vector<16xf32>,
      %swap3A_1116 = arith.constant 1 : i32
      %swap3A_1117 = arith.index_cast %swap3A_1116 : i32 to index
      %swap3A_1118 = arith.constant 80 : index
      %swap3A_1119 = tpu.vector_load %arg8[%swap3A_1117, %swap3A_1118] {strides = array<i32>} : memref<16x128xf32, #tpu.memory_space<vmem>>, vector<16xf32>,
      tpu.vector_store %arg8[%swap3A_1117, %swap3A_1118], %get3A_1115 {strides = array<i32>} : memref<16x128xf32, #tpu.memory_space<vmem>>, vector<16xf32>,
      %add3A_1120 = arith.constant 14 : i32
      %add3A_1121 = arith.addi %mul3A_993, %add3A_1120 : i32
      %get3A_1122 = arith.index_cast %add3A_1121 : i32 to index
      %get3A_1123 = arith.constant 0 : index
      %get3A_1124 = tpu.vector_load %arg6[%get3A_1122, %get3A_1123] {strides = array<i32>} : memref<3328x16xf32, #tpu.memory_space<vmem>>, vector<16xf32>,
      %swap3A_1125 = arith.constant 1 : i32
      %swap3A_1126 = arith.index_cast %swap3A_1125 : i32 to index
      %swap3A_1127 = arith.constant 96 : index
      %swap3A_1128 = tpu.vector_load %arg8[%swap3A_1126, %swap3A_1127] {strides = array<i32>} : memref<16x128xf32, #tpu.memory_space<vmem>>, vector<16xf32>,
      tpu.vector_store %arg8[%swap3A_1126, %swap3A_1127], %get3A_1124 {strides = array<i32>} : memref<16x128xf32, #tpu.memory_space<vmem>>, vector<16xf32>,
      %add3A_1129 = arith.constant 15 : i32
      %add3A_1130 = arith.addi %mul3A_993, %add3A_1129 : i32
      %get3A_1131 = arith.index_cast %add3A_1130 : i32 to index
      %get3A_1132 = arith.constant 0 : index
      %get3A_1133 = tpu.vector_load %arg6[%get3A_1131, %get3A_1132] {strides = array<i32>} : memref<3328x16xf32, #tpu.memory_space<vmem>>, vector<16xf32>,
      %swap3A_1134 = arith.constant 1 : i32
      %swap3A_1135 = arith.index_cast %swap3A_1134 : i32 to index
      %swap3A_1136 = arith.constant 112 : index
      %swap3A_1137 = tpu.vector_load %arg8[%swap3A_1135, %swap3A_1136] {strides = array<i32>} : memref<16x128xf32, #tpu.memory_space<vmem>>, vector<16xf32>,
      tpu.vector_store %arg8[%swap3A_1135, %swap3A_1136], %get3A_1133 {strides = array<i32>} : memref<16x128xf32, #tpu.memory_space<vmem>>, vector<16xf32>,
      %add3A_1138 = arith.constant 16 : i32
      %add3A_1139 = arith.addi %mul3A_993, %add3A_1138 : i32
      %get3A_1140 = arith.index_cast %add3A_1139 : i32 to index
      %get3A_1141 = arith.constant 0 : index
      %get3A_1142 = tpu.vector_load %arg6[%get3A_1140, %get3A_1141] {strides = array<i32>} : memref<3328x16xf32, #tpu.memory_space<vmem>>, vector<16xf32>,
      %swap3A_1143 = arith.constant 2 : i32
      %swap3A_1144 = arith.index_cast %swap3A_1143 : i32 to index
      %swap3A_1145 = arith.constant 0 : index
      %swap3A_1146 = tpu.vector_load %arg8[%swap3A_1144, %swap3A_1145] {strides = array<i32>} : memref<16x128xf32, #tpu.memory_space<vmem>>, vector<16xf32>,
      tpu.vector_store %arg8[%swap3A_1144, %swap3A_1145], %get3A_1142 {strides = array<i32>} : memref<16x128xf32, #tpu.memory_space<vmem>>, vector<16xf32>,
      %add3A_1147 = arith.constant 17 : i32
      %add3A_1148 = arith.addi %mul3A_993, %add3A_1147 : i32
      %get3A_1149 = arith.index_cast %add3A_1148 : i32 to index
      %get3A_1150 = arith.constant 0 : index
      %get3A_1151 = tpu.vector_load %arg6[%get3A_1149, %get3A_1150] {strides = array<i32>} : memref<3328x16xf32, #tpu.memory_space<vmem>>, vector<16xf32>,
      %swap3A_1152 = arith.constant 2 : i32
      %swap3A_1153 = arith.index_cast %swap3A_1152 : i32 to index
      %swap3A_1154 = arith.constant 16 : index
      %swap3A_1155 = tpu.vector_load %arg8[%swap3A_1153, %swap3A_1154] {strides = array<i32>} : memref<16x128xf32, #tpu.memory_space<vmem>>, vector<16xf32>,
      tpu.vector_store %arg8[%swap3A_1153, %swap3A_1154], %get3A_1151 {strides = array<i32>} : memref<16x128xf32, #tpu.memory_space<vmem>>, vector<16xf32>,
      %add3A_1156 = arith.constant 18 : i32
      %add3A_1157 = arith.addi %mul3A_993, %add3A_1156 : i32
      %get3A_1158 = arith.index_cast %add3A_1157 : i32 to index
      %get3A_1159 = arith.constant 0 : index
      %get3A_1160 = tpu.vector_load %arg6[%get3A_1158, %get3A_1159] {strides = array<i32>} : memref<3328x16xf32, #tpu.memory_space<vmem>>, vector<16xf32>,
      %swap3A_1161 = arith.constant 2 : i32
      %swap3A_1162 = arith.index_cast %swap3A_1161 : i32 to index
      %swap3A_1163 = arith.constant 32 : index
      %swap3A_1164 = tpu.vector_load %arg8[%swap3A_1162, %swap3A_1163] {strides = array<i32>} : memref<16x128xf32, #tpu.memory_space<vmem>>, vector<16xf32>,
      tpu.vector_store %arg8[%swap3A_1162, %swap3A_1163], %get3A_1160 {strides = array<i32>} : memref<16x128xf32, #tpu.memory_space<vmem>>, vector<16xf32>,
      %add3A_1165 = arith.constant 19 : i32
      %add3A_1166 = arith.addi %mul3A_993, %add3A_1165 : i32
      %get3A_1167 = arith.index_cast %add3A_1166 : i32 to index
      %get3A_1168 = arith.constant 0 : index
      %get3A_1169 = tpu.vector_load %arg6[%get3A_1167, %get3A_1168] {strides = array<i32>} : memref<3328x16xf32, #tpu.memory_space<vmem>>, vector<16xf32>,
      %swap3A_1170 = arith.constant 2 : i32
      %swap3A_1171 = arith.index_cast %swap3A_1170 : i32 to index
      %swap3A_1172 = arith.constant 48 : index
      %swap3A_1173 = tpu.vector_load %arg8[%swap3A_1171, %swap3A_1172] {strides = array<i32>} : memref<16x128xf32, #tpu.memory_space<vmem>>, vector<16xf32>,
      tpu.vector_store %arg8[%swap3A_1171, %swap3A_1172], %get3A_1169 {strides = array<i32>} : memref<16x128xf32, #tpu.memory_space<vmem>>, vector<16xf32>,
      %add3A_1174 = arith.constant 20 : i32
      %add3A_1175 = arith.addi %mul3A_993, %add3A_1174 : i32
      %get3A_1176 = arith.index_cast %add3A_1175 : i32 to index
      %get3A_1177 = arith.constant 0 : index
      %get3A_1178 = tpu.vector_load %arg6[%get3A_1176, %get3A_1177] {strides = array<i32>} : memref<3328x16xf32, #tpu.memory_space<vmem>>, vector<16xf32>,
      %swap3A_1179 = arith.constant 2 : i32
      %swap3A_1180 = arith.index_cast %swap3A_1179 : i32 to index
      %swap3A_1181 = arith.constant 64 : index
      %swap3A_1182 = tpu.vector_load %arg8[%swap3A_1180, %swap3A_1181] {strides = array<i32>} : memref<16x128xf32, #tpu.memory_space<vmem>>, vector<16xf32>,
      tpu.vector_store %arg8[%swap3A_1180, %swap3A_1181], %get3A_1178 {strides = array<i32>} : memref<16x128xf32, #tpu.memory_space<vmem>>, vector<16xf32>,
      %add3A_1183 = arith.constant 21 : i32
      %add3A_1184 = arith.addi %mul3A_993, %add3A_1183 : i32
      %get3A_1185 = arith.index_cast %add3A_1184 : i32 to index
      %get3A_1186 = arith.constant 0 : index
      %get3A_1187 = tpu.vector_load %arg6[%get3A_1185, %get3A_1186] {strides = array<i32>} : memref<3328x16xf32, #tpu.memory_space<vmem>>, vector<16xf32>,
      %swap3A_1188 = arith.constant 2 : i32
      %swap3A_1189 = arith.index_cast %swap3A_1188 : i32 to index
      %swap3A_1190 = arith.constant 80 : index
      %swap3A_1191 = tpu.vector_load %arg8[%swap3A_1189, %swap3A_1190] {strides = array<i32>} : memref<16x128xf32, #tpu.memory_space<vmem>>, vector<16xf32>,
      tpu.vector_store %arg8[%swap3A_1189, %swap3A_1190], %get3A_1187 {strides = array<i32>} : memref<16x128xf32, #tpu.memory_space<vmem>>, vector<16xf32>,
      %add3A_1192 = arith.constant 22 : i32
      %add3A_1193 = arith.addi %mul3A_993, %add3A_1192 : i32
      %get3A_1194 = arith.index_cast %add3A_1193 : i32 to index
      %get3A_1195 = arith.constant 0 : index
      %get3A_1196 = tpu.vector_load %arg6[%get3A_1194, %get3A_1195] {strides = array<i32>} : memref<3328x16xf32, #tpu.memory_space<vmem>>, vector<16xf32>,
      %swap3A_1197 = arith.constant 2 : i32
      %swap3A_1198 = arith.index_cast %swap3A_1197 : i32 to index
      %swap3A_1199 = arith.constant 96 : index
      %swap3A_1200 = tpu.vector_load %arg8[%swap3A_1198, %swap3A_1199] {strides = array<i32>} : memref<16x128xf32, #tpu.memory_space<vmem>>, vector<16xf32>,
      tpu.vector_store %arg8[%swap3A_1198, %swap3A_1199], %get3A_1196 {strides = array<i32>} : memref<16x128xf32, #tpu.memory_space<vmem>>, vector<16xf32>,
      %add3A_1201 = arith.constant 23 : i32
      %add3A_1202 = arith.addi %mul3A_993, %add3A_1201 : i32
      %get3A_1203 = arith.index_cast %add3A_1202 : i32 to index
      %get3A_1204 = arith.constant 0 : index
      %get3A_1205 = tpu.vector_load %arg6[%get3A_1203, %get3A_1204] {strides = array<i32>} : memref<3328x16xf32, #tpu.memory_space<vmem>>, vector<16xf32>,
      %swap3A_1206 = arith.constant 2 : i32
      %swap3A_1207 = arith.index_cast %swap3A_1206 : i32 to index
      %swap3A_1208 = arith.constant 112 : index
      %swap3A_1209 = tpu.vector_load %arg8[%swap3A_1207, %swap3A_1208] {strides = array<i32>} : memref<16x128xf32, #tpu.memory_space<vmem>>, vector<16xf32>,
      tpu.vector_store %arg8[%swap3A_1207, %swap3A_1208], %get3A_1205 {strides = array<i32>} : memref<16x128xf32, #tpu.memory_space<vmem>>, vector<16xf32>,
      %add3A_1210 = arith.constant 24 : i32
      %add3A_1211 = arith.addi %mul3A_993, %add3A_1210 : i32
      %get3A_1212 = arith.index_cast %add3A_1211 : i32 to index
      %get3A_1213 = arith.constant 0 : index
      %get3A_1214 = tpu.vector_load %arg6[%get3A_1212, %get3A_1213] {strides = array<i32>} : memref<3328x16xf32, #tpu.memory_space<vmem>>, vector<16xf32>,
      %swap3A_1215 = arith.constant 3 : i32
      %swap3A_1216 = arith.index_cast %swap3A_1215 : i32 to index
      %swap3A_1217 = arith.constant 0 : index
      %swap3A_1218 = tpu.vector_load %arg8[%swap3A_1216, %swap3A_1217] {strides = array<i32>} : memref<16x128xf32, #tpu.memory_space<vmem>>, vector<16xf32>,
      tpu.vector_store %arg8[%swap3A_1216, %swap3A_1217], %get3A_1214 {strides = array<i32>} : memref<16x128xf32, #tpu.memory_space<vmem>>, vector<16xf32>,
      %add3A_1219 = arith.constant 25 : i32
      %add3A_1220 = arith.addi %mul3A_993, %add3A_1219 : i32
      %get3A_1221 = arith.index_cast %add3A_1220 : i32 to index
      %get3A_1222 = arith.constant 0 : index
      %get3A_1223 = tpu.vector_load %arg6[%get3A_1221, %get3A_1222] {strides = array<i32>} : memref<3328x16xf32, #tpu.memory_space<vmem>>, vector<16xf32>,
      %swap3A_1224 = arith.constant 3 : i32
      %swap3A_1225 = arith.index_cast %swap3A_1224 : i32 to index
      %swap3A_1226 = arith.constant 16 : index
      %swap3A_1227 = tpu.vector_load %arg8[%swap3A_1225, %swap3A_1226] {strides = array<i32>} : memref<16x128xf32, #tpu.memory_space<vmem>>, vector<16xf32>,
      tpu.vector_store %arg8[%swap3A_1225, %swap3A_1226], %get3A_1223 {strides = array<i32>} : memref<16x128xf32, #tpu.memory_space<vmem>>, vector<16xf32>,
      %add3A_1228 = arith.constant 26 : i32
      %add3A_1229 = arith.addi %mul3A_993, %add3A_1228 : i32
      %get3A_1230 = arith.index_cast %add3A_1229 : i32 to index
      %get3A_1231 = arith.constant 0 : index
      %get3A_1232 = tpu.vector_load %arg6[%get3A_1230, %get3A_1231] {strides = array<i32>} : memref<3328x16xf32, #tpu.memory_space<vmem>>, vector<16xf32>,
      %swap3A_1233 = arith.constant 4 : i32
      %swap3A_1234 = arith.index_cast %swap3A_1233 : i32 to index
      %swap3A_1235 = arith.constant 0 : index
      %swap3A_1236 = tpu.vector_load %arg8[%swap3A_1234, %swap3A_1235] {strides = array<i32>} : memref<16x128xf32, #tpu.memory_space<vmem>>, vector<16xf32>,
      tpu.vector_store %arg8[%swap3A_1234, %swap3A_1235], %get3A_1232 {strides = array<i32>} : memref<16x128xf32, #tpu.memory_space<vmem>>, vector<16xf32>,
      %add3A_1237 = arith.constant 27 : i32
      %add3A_1238 = arith.addi %mul3A_993, %add3A_1237 : i32
      %get3A_1239 = arith.index_cast %add3A_1238 : i32 to index
      %get3A_1240 = arith.constant 0 : index
      %get3A_1241 = tpu.vector_load %arg6[%get3A_1239, %get3A_1240] {strides = array<i32>} : memref<3328x16xf32, #tpu.memory_space<vmem>>, vector<16xf32>,
      %swap3A_1242 = arith.constant 4 : i32
      %swap3A_1243 = arith.index_cast %swap3A_1242 : i32 to index
      %swap3A_1244 = arith.constant 16 : index
      %swap3A_1245 = tpu.vector_load %arg8[%swap3A_1243, %swap3A_1244] {strides = array<i32>} : memref<16x128xf32, #tpu.memory_space<vmem>>, vector<16xf32>,
      tpu.vector_store %arg8[%swap3A_1243, %swap3A_1244], %get3A_1241 {strides = array<i32>} : memref<16x128xf32, #tpu.memory_space<vmem>>, vector<16xf32>,
      %add3A_1246 = arith.constant 28 : i32
      %add3A_1247 = arith.addi %mul3A_993, %add3A_1246 : i32
      %get3A_1248 = arith.index_cast %add3A_1247 : i32 to index
      %get3A_1249 = arith.constant 0 : index
      %get3A_1250 = tpu.vector_load %arg6[%get3A_1248, %get3A_1249] {strides = array<i32>} : memref<3328x16xf32, #tpu.memory_space<vmem>>, vector<16xf32>,
      %swap3A_1251 = arith.constant 4 : i32
      %swap3A_1252 = arith.index_cast %swap3A_1251 : i32 to index
      %swap3A_1253 = arith.constant 32 : index
      %swap3A_1254 = tpu.vector_load %arg8[%swap3A_1252, %swap3A_1253] {strides = array<i32>} : memref<16x128xf32, #tpu.memory_space<vmem>>, vector<16xf32>,
      tpu.vector_store %arg8[%swap3A_1252, %swap3A_1253], %get3A_1250 {strides = array<i32>} : memref<16x128xf32, #tpu.memory_space<vmem>>, vector<16xf32>,
      %add3A_1255 = arith.constant 29 : i32
      %add3A_1256 = arith.addi %mul3A_993, %add3A_1255 : i32
      %get3A_1257 = arith.index_cast %add3A_1256 : i32 to index
      %get3A_1258 = arith.constant 0 : index
      %get3A_1259 = tpu.vector_load %arg6[%get3A_1257, %get3A_1258] {strides = array<i32>} : memref<3328x16xf32, #tpu.memory_space<vmem>>, vector<16xf32>,
      %swap3A_1260 = arith.constant 4 : i32
      %swap3A_1261 = arith.index_cast %swap3A_1260 : i32 to index
      %swap3A_1262 = arith.constant 48 : index
      %swap3A_1263 = tpu.vector_load %arg8[%swap3A_1261, %swap3A_1262] {strides = array<i32>} : memref<16x128xf32, #tpu.memory_space<vmem>>, vector<16xf32>,
      tpu.vector_store %arg8[%swap3A_1261, %swap3A_1262], %get3A_1259 {strides = array<i32>} : memref<16x128xf32, #tpu.memory_space<vmem>>, vector<16xf32>,
      %add3A_1264 = arith.constant 30 : i32
      %add3A_1265 = arith.addi %mul3A_993, %add3A_1264 : i32
      %get3A_1266 = arith.index_cast %add3A_1265 : i32 to index
      %get3A_1267 = arith.constant 0 : index
      %get3A_1268 = tpu.vector_load %arg6[%get3A_1266, %get3A_1267] {strides = array<i32>} : memref<3328x16xf32, #tpu.memory_space<vmem>>, vector<16xf32>,
      %swap3A_1269 = arith.constant 4 : i32
      %swap3A_1270 = arith.index_cast %swap3A_1269 : i32 to index
      %swap3A_1271 = arith.constant 64 : index
      %swap3A_1272 = tpu.vector_load %arg8[%swap3A_1270, %swap3A_1271] {strides = array<i32>} : memref<16x128xf32, #tpu.memory_space<vmem>>, vector<16xf32>,
      tpu.vector_store %arg8[%swap3A_1270, %swap3A_1271], %get3A_1268 {strides = array<i32>} : memref<16x128xf32, #tpu.memory_space<vmem>>, vector<16xf32>,
      %add3A_1273 = arith.constant 31 : i32
      %add3A_1274 = arith.addi %mul3A_993, %add3A_1273 : i32
      %get3A_1275 = arith.index_cast %add3A_1274 : i32 to index
      %get3A_1276 = arith.constant 0 : index
      %get3A_1277 = tpu.vector_load %arg6[%get3A_1275, %get3A_1276] {strides = array<i32>} : memref<3328x16xf32, #tpu.memory_space<vmem>>, vector<16xf32>,
      %swap3A_1278 = arith.constant 4 : i32
      %swap3A_1279 = arith.index_cast %swap3A_1278 : i32 to index
      %swap3A_1280 = arith.constant 80 : index
      %swap3A_1281 = tpu.vector_load %arg8[%swap3A_1279, %swap3A_1280] {strides = array<i32>} : memref<16x128xf32, #tpu.memory_space<vmem>>, vector<16xf32>,
      tpu.vector_store %arg8[%swap3A_1279, %swap3A_1280], %get3A_1277 {strides = array<i32>} : memref<16x128xf32, #tpu.memory_space<vmem>>, vector<16xf32>,
      %add3A_1282 = arith.constant 32 : i32
      %add3A_1283 = arith.addi %mul3A_993, %add3A_1282 : i32
      %get3A_1284 = arith.index_cast %add3A_1283 : i32 to index
      %get3A_1285 = arith.constant 0 : index
      %get3A_1286 = tpu.vector_load %arg6[%get3A_1284, %get3A_1285] {strides = array<i32>} : memref<3328x16xf32, #tpu.memory_space<vmem>>, vector<16xf32>,
      %swap3A_1287 = arith.constant 4 : i32
      %swap3A_1288 = arith.index_cast %swap3A_1287 : i32 to index
      %swap3A_1289 = arith.constant 96 : index
      %swap3A_1290 = tpu.vector_load %arg8[%swap3A_1288, %swap3A_1289] {strides = array<i32>} : memref<16x128xf32, #tpu.memory_space<vmem>>, vector<16xf32>,
      tpu.vector_store %arg8[%swap3A_1288, %swap3A_1289], %get3A_1286 {strides = array<i32>} : memref<16x128xf32, #tpu.memory_space<vmem>>, vector<16xf32>,
      %add3A_1291 = arith.constant 33 : i32
      %add3A_1292 = arith.addi %mul3A_993, %add3A_1291 : i32
      %get3A_1293 = arith.index_cast %add3A_1292 : i32 to index
      %get3A_1294 = arith.constant 0 : index
      %get3A_1295 = tpu.vector_load %arg6[%get3A_1293, %get3A_1294] {strides = array<i32>} : memref<3328x16xf32, #tpu.memory_space<vmem>>, vector<16xf32>,
      %swap3A_1296 = arith.constant 4 : i32
      %swap3A_1297 = arith.index_cast %swap3A_1296 : i32 to index
      %swap3A_1298 = arith.constant 112 : index
      %swap3A_1299 = tpu.vector_load %arg8[%swap3A_1297, %swap3A_1298] {strides = array<i32>} : memref<16x128xf32, #tpu.memory_space<vmem>>, vector<16xf32>,
      tpu.vector_store %arg8[%swap3A_1297, %swap3A_1298], %get3A_1295 {strides = array<i32>} : memref<16x128xf32, #tpu.memory_space<vmem>>, vector<16xf32>,
      %add3A_1300 = arith.constant 34 : i32
      %add3A_1301 = arith.addi %mul3A_993, %add3A_1300 : i32
      %get3A_1302 = arith.index_cast %add3A_1301 : i32 to index
      %get3A_1303 = arith.constant 0 : index
      %get3A_1304 = tpu.vector_load %arg6[%get3A_1302, %get3A_1303] {strides = array<i32>} : memref<3328x16xf32, #tpu.memory_space<vmem>>, vector<16xf32>,
      %swap3A_1305 = arith.constant 5 : i32
      %swap3A_1306 = arith.index_cast %swap3A_1305 : i32 to index
      %swap3A_1307 = arith.constant 0 : index
      %swap3A_1308 = tpu.vector_load %arg8[%swap3A_1306, %swap3A_1307] {strides = array<i32>} : memref<16x128xf32, #tpu.memory_space<vmem>>, vector<16xf32>,
      tpu.vector_store %arg8[%swap3A_1306, %swap3A_1307], %get3A_1304 {strides = array<i32>} : memref<16x128xf32, #tpu.memory_space<vmem>>, vector<16xf32>,
      %add3A_1309 = arith.constant 35 : i32
      %add3A_1310 = arith.addi %mul3A_993, %add3A_1309 : i32
      %get3A_1311 = arith.index_cast %add3A_1310 : i32 to index
      %get3A_1312 = arith.constant 0 : index
      %get3A_1313 = tpu.vector_load %arg6[%get3A_1311, %get3A_1312] {strides = array<i32>} : memref<3328x16xf32, #tpu.memory_space<vmem>>, vector<16xf32>,
      %swap3A_1314 = arith.constant 5 : i32
      %swap3A_1315 = arith.index_cast %swap3A_1314 : i32 to index
      %swap3A_1316 = arith.constant 16 : index
      %swap3A_1317 = tpu.vector_load %arg8[%swap3A_1315, %swap3A_1316] {strides = array<i32>} : memref<16x128xf32, #tpu.memory_space<vmem>>, vector<16xf32>,
      tpu.vector_store %arg8[%swap3A_1315, %swap3A_1316], %get3A_1313 {strides = array<i32>} : memref<16x128xf32, #tpu.memory_space<vmem>>, vector<16xf32>,
      %add3A_1318 = arith.constant 36 : i32
      %add3A_1319 = arith.addi %mul3A_993, %add3A_1318 : i32
      %get3A_1320 = arith.index_cast %add3A_1319 : i32 to index
      %get3A_1321 = arith.constant 0 : index
      %get3A_1322 = tpu.vector_load %arg6[%get3A_1320, %get3A_1321] {strides = array<i32>} : memref<3328x16xf32, #tpu.memory_space<vmem>>, vector<16xf32>,
      %swap3A_1323 = arith.constant 5 : i32
      %swap3A_1324 = arith.index_cast %swap3A_1323 : i32 to index
      %swap3A_1325 = arith.constant 32 : index
      %swap3A_1326 = tpu.vector_load %arg8[%swap3A_1324, %swap3A_1325] {strides = array<i32>} : memref<16x128xf32, #tpu.memory_space<vmem>>, vector<16xf32>,
      tpu.vector_store %arg8[%swap3A_1324, %swap3A_1325], %get3A_1322 {strides = array<i32>} : memref<16x128xf32, #tpu.memory_space<vmem>>, vector<16xf32>,
      %add3A_1327 = arith.constant 37 : i32
      %add3A_1328 = arith.addi %mul3A_993, %add3A_1327 : i32
      %get3A_1329 = arith.index_cast %add3A_1328 : i32 to index
      %get3A_1330 = arith.constant 0 : index
      %get3A_1331 = tpu.vector_load %arg6[%get3A_1329, %get3A_1330] {strides = array<i32>} : memref<3328x16xf32, #tpu.memory_space<vmem>>, vector<16xf32>,
      %swap3A_1332 = arith.constant 5 : i32
      %swap3A_1333 = arith.index_cast %swap3A_1332 : i32 to index
      %swap3A_1334 = arith.constant 48 : index
      %swap3A_1335 = tpu.vector_load %arg8[%swap3A_1333, %swap3A_1334] {strides = array<i32>} : memref<16x128xf32, #tpu.memory_space<vmem>>, vector<16xf32>,
      tpu.vector_store %arg8[%swap3A_1333, %swap3A_1334], %get3A_1331 {strides = array<i32>} : memref<16x128xf32, #tpu.memory_space<vmem>>, vector<16xf32>,
      %add3A_1336 = arith.constant 38 : i32
      %add3A_1337 = arith.addi %mul3A_993, %add3A_1336 : i32
      %get3A_1338 = arith.index_cast %add3A_1337 : i32 to index
      %get3A_1339 = arith.constant 0 : index
      %get3A_1340 = tpu.vector_load %arg6[%get3A_1338, %get3A_1339] {strides = array<i32>} : memref<3328x16xf32, #tpu.memory_space<vmem>>, vector<16xf32>,
      %swap3A_1341 = arith.constant 5 : i32
      %swap3A_1342 = arith.index_cast %swap3A_1341 : i32 to index
      %swap3A_1343 = arith.constant 64 : index
      %swap3A_1344 = tpu.vector_load %arg8[%swap3A_1342, %swap3A_1343] {strides = array<i32>} : memref<16x128xf32, #tpu.memory_space<vmem>>, vector<16xf32>,
      tpu.vector_store %arg8[%swap3A_1342, %swap3A_1343], %get3A_1340 {strides = array<i32>} : memref<16x128xf32, #tpu.memory_space<vmem>>, vector<16xf32>,
      %add3A_1345 = arith.constant 39 : i32
      %add3A_1346 = arith.addi %mul3A_993, %add3A_1345 : i32
      %get3A_1347 = arith.index_cast %add3A_1346 : i32 to index
      %get3A_1348 = arith.constant 0 : index
      %get3A_1349 = tpu.vector_load %arg6[%get3A_1347, %get3A_1348] {strides = array<i32>} : memref<3328x16xf32, #tpu.memory_space<vmem>>, vector<16xf32>,
      %swap3A_1350 = arith.constant 5 : i32
      %swap3A_1351 = arith.index_cast %swap3A_1350 : i32 to index
      %swap3A_1352 = arith.constant 80 : index
      %swap3A_1353 = tpu.vector_load %arg8[%swap3A_1351, %swap3A_1352] {strides = array<i32>} : memref<16x128xf32, #tpu.memory_space<vmem>>, vector<16xf32>,
      tpu.vector_store %arg8[%swap3A_1351, %swap3A_1352], %get3A_1349 {strides = array<i32>} : memref<16x128xf32, #tpu.memory_space<vmem>>, vector<16xf32>,
      %add3A_1354 = arith.constant 40 : i32
      %add3A_1355 = arith.addi %mul3A_993, %add3A_1354 : i32
      %get3A_1356 = arith.index_cast %add3A_1355 : i32 to index
      %get3A_1357 = arith.constant 0 : index
      %get3A_1358 = tpu.vector_load %arg6[%get3A_1356, %get3A_1357] {strides = array<i32>} : memref<3328x16xf32, #tpu.memory_space<vmem>>, vector<16xf32>,
      %swap3A_1359 = arith.constant 5 : i32
      %swap3A_1360 = arith.index_cast %swap3A_1359 : i32 to index
      %swap3A_1361 = arith.constant 96 : index
      %swap3A_1362 = tpu.vector_load %arg8[%swap3A_1360, %swap3A_1361] {strides = array<i32>} : memref<16x128xf32, #tpu.memory_space<vmem>>, vector<16xf32>,
      tpu.vector_store %arg8[%swap3A_1360, %swap3A_1361], %get3A_1358 {strides = array<i32>} : memref<16x128xf32, #tpu.memory_space<vmem>>, vector<16xf32>,
      %add3A_1363 = arith.constant 41 : i32
      %add3A_1364 = arith.addi %mul3A_993, %add3A_1363 : i32
      %get3A_1365 = arith.index_cast %add3A_1364 : i32 to index
      %get3A_1366 = arith.constant 0 : index
      %get3A_1367 = tpu.vector_load %arg6[%get3A_1365, %get3A_1366] {strides = array<i32>} : memref<3328x16xf32, #tpu.memory_space<vmem>>, vector<16xf32>,
      %swap3A_1368 = arith.constant 5 : i32
      %swap3A_1369 = arith.index_cast %swap3A_1368 : i32 to index
      %swap3A_1370 = arith.constant 112 : index
      %swap3A_1371 = tpu.vector_load %arg8[%swap3A_1369, %swap3A_1370] {strides = array<i32>} : memref<16x128xf32, #tpu.memory_space<vmem>>, vector<16xf32>,
      tpu.vector_store %arg8[%swap3A_1369, %swap3A_1370], %get3A_1367 {strides = array<i32>} : memref<16x128xf32, #tpu.memory_space<vmem>>, vector<16xf32>,
      %add3A_1372 = arith.constant 42 : i32
      %add3A_1373 = arith.addi %mul3A_993, %add3A_1372 : i32
      %get3A_1374 = arith.index_cast %add3A_1373 : i32 to index
      %get3A_1375 = arith.constant 0 : index
      %get3A_1376 = tpu.vector_load %arg6[%get3A_1374, %get3A_1375] {strides = array<i32>} : memref<3328x16xf32, #tpu.memory_space<vmem>>, vector<16xf32>,
      %swap3A_1377 = arith.constant 6 : i32
      %swap3A_1378 = arith.index_cast %swap3A_1377 : i32 to index
      %swap3A_1379 = arith.constant 0 : index
      %swap3A_1380 = tpu.vector_load %arg8[%swap3A_1378, %swap3A_1379] {strides = array<i32>} : memref<16x128xf32, #tpu.memory_space<vmem>>, vector<16xf32>,
      tpu.vector_store %arg8[%swap3A_1378, %swap3A_1379], %get3A_1376 {strides = array<i32>} : memref<16x128xf32, #tpu.memory_space<vmem>>, vector<16xf32>,
      %add3A_1381 = arith.constant 43 : i32
      %add3A_1382 = arith.addi %mul3A_993, %add3A_1381 : i32
      %get3A_1383 = arith.index_cast %add3A_1382 : i32 to index
      %get3A_1384 = arith.constant 0 : index
      %get3A_1385 = tpu.vector_load %arg6[%get3A_1383, %get3A_1384] {strides = array<i32>} : memref<3328x16xf32, #tpu.memory_space<vmem>>, vector<16xf32>,
      %swap3A_1386 = arith.constant 6 : i32
      %swap3A_1387 = arith.index_cast %swap3A_1386 : i32 to index
      %swap3A_1388 = arith.constant 16 : index
      %swap3A_1389 = tpu.vector_load %arg8[%swap3A_1387, %swap3A_1388] {strides = array<i32>} : memref<16x128xf32, #tpu.memory_space<vmem>>, vector<16xf32>,
      tpu.vector_store %arg8[%swap3A_1387, %swap3A_1388], %get3A_1385 {strides = array<i32>} : memref<16x128xf32, #tpu.memory_space<vmem>>, vector<16xf32>,
      %add3A_1390 = arith.constant 44 : i32
      %add3A_1391 = arith.addi %mul3A_993, %add3A_1390 : i32
      %get3A_1392 = arith.index_cast %add3A_1391 : i32 to index
      %get3A_1393 = arith.constant 0 : index
      %get3A_1394 = tpu.vector_load %arg6[%get3A_1392, %get3A_1393] {strides = array<i32>} : memref<3328x16xf32, #tpu.memory_space<vmem>>, vector<16xf32>,
      %swap3A_1395 = arith.constant 6 : i32
      %swap3A_1396 = arith.index_cast %swap3A_1395 : i32 to index
      %swap3A_1397 = arith.constant 32 : index
      %swap3A_1398 = tpu.vector_load %arg8[%swap3A_1396, %swap3A_1397] {strides = array<i32>} : memref<16x128xf32, #tpu.memory_space<vmem>>, vector<16xf32>,
      tpu.vector_store %arg8[%swap3A_1396, %swap3A_1397], %get3A_1394 {strides = array<i32>} : memref<16x128xf32, #tpu.memory_space<vmem>>, vector<16xf32>,
      %add3A_1399 = arith.constant 45 : i32
      %add3A_1400 = arith.addi %mul3A_993, %add3A_1399 : i32
      %get3A_1401 = arith.index_cast %add3A_1400 : i32 to index
      %get3A_1402 = arith.constant 0 : index
      %get3A_1403 = tpu.vector_load %arg6[%get3A_1401, %get3A_1402] {strides = array<i32>} : memref<3328x16xf32, #tpu.memory_space<vmem>>, vector<16xf32>,
      %swap3A_1404 = arith.constant 6 : i32
      %swap3A_1405 = arith.index_cast %swap3A_1404 : i32 to index
      %swap3A_1406 = arith.constant 48 : index
      %swap3A_1407 = tpu.vector_load %arg8[%swap3A_1405, %swap3A_1406] {strides = array<i32>} : memref<16x128xf32, #tpu.memory_space<vmem>>, vector<16xf32>,
      tpu.vector_store %arg8[%swap3A_1405, %swap3A_1406], %get3A_1403 {strides = array<i32>} : memref<16x128xf32, #tpu.memory_space<vmem>>, vector<16xf32>,
      %add3A_1408 = arith.constant 46 : i32
      %add3A_1409 = arith.addi %mul3A_993, %add3A_1408 : i32
      %get3A_1410 = arith.index_cast %add3A_1409 : i32 to index
      %get3A_1411 = arith.constant 0 : index
      %get3A_1412 = tpu.vector_load %arg6[%get3A_1410, %get3A_1411] {strides = array<i32>} : memref<3328x16xf32, #tpu.memory_space<vmem>>, vector<16xf32>,
      %swap3A_1413 = arith.constant 6 : i32
      %swap3A_1414 = arith.index_cast %swap3A_1413 : i32 to index
      %swap3A_1415 = arith.constant 64 : index
      %swap3A_1416 = tpu.vector_load %arg8[%swap3A_1414, %swap3A_1415] {strides = array<i32>} : memref<16x128xf32, #tpu.memory_space<vmem>>, vector<16xf32>,
      tpu.vector_store %arg8[%swap3A_1414, %swap3A_1415], %get3A_1412 {strides = array<i32>} : memref<16x128xf32, #tpu.memory_space<vmem>>, vector<16xf32>,
      %add3A_1417 = arith.constant 47 : i32
      %add3A_1418 = arith.addi %mul3A_993, %add3A_1417 : i32
      %get3A_1419 = arith.index_cast %add3A_1418 : i32 to index
      %get3A_1420 = arith.constant 0 : index
      %get3A_1421 = tpu.vector_load %arg6[%get3A_1419, %get3A_1420] {strides = array<i32>} : memref<3328x16xf32, #tpu.memory_space<vmem>>, vector<16xf32>,
      %swap3A_1422 = arith.constant 6 : i32
      %swap3A_1423 = arith.index_cast %swap3A_1422 : i32 to index
      %swap3A_1424 = arith.constant 80 : index
      %swap3A_1425 = tpu.vector_load %arg8[%swap3A_1423, %swap3A_1424] {strides = array<i32>} : memref<16x128xf32, #tpu.memory_space<vmem>>, vector<16xf32>,
      tpu.vector_store %arg8[%swap3A_1423, %swap3A_1424], %get3A_1421 {strides = array<i32>} : memref<16x128xf32, #tpu.memory_space<vmem>>, vector<16xf32>,
      %add3A_1426 = arith.constant 48 : i32
      %add3A_1427 = arith.addi %mul3A_993, %add3A_1426 : i32
      %get3A_1428 = arith.index_cast %add3A_1427 : i32 to index
      %get3A_1429 = arith.constant 0 : index
      %get3A_1430 = tpu.vector_load %arg6[%get3A_1428, %get3A_1429] {strides = array<i32>} : memref<3328x16xf32, #tpu.memory_space<vmem>>, vector<16xf32>,
      %swap3A_1431 = arith.constant 6 : i32
      %swap3A_1432 = arith.index_cast %swap3A_1431 : i32 to index
      %swap3A_1433 = arith.constant 96 : index
      %swap3A_1434 = tpu.vector_load %arg8[%swap3A_1432, %swap3A_1433] {strides = array<i32>} : memref<16x128xf32, #tpu.memory_space<vmem>>, vector<16xf32>,
      tpu.vector_store %arg8[%swap3A_1432, %swap3A_1433], %get3A_1430 {strides = array<i32>} : memref<16x128xf32, #tpu.memory_space<vmem>>, vector<16xf32>,
      %add3A_1435 = arith.constant 49 : i32
      %add3A_1436 = arith.addi %mul3A_993, %add3A_1435 : i32
      %get3A_1437 = arith.index_cast %add3A_1436 : i32 to index
      %get3A_1438 = arith.constant 0 : index
      %get3A_1439 = tpu.vector_load %arg6[%get3A_1437, %get3A_1438] {strides = array<i32>} : memref<3328x16xf32, #tpu.memory_space<vmem>>, vector<16xf32>,
      %swap3A_1440 = arith.constant 6 : i32
      %swap3A_1441 = arith.index_cast %swap3A_1440 : i32 to index
      %swap3A_1442 = arith.constant 112 : index
      %swap3A_1443 = tpu.vector_load %arg8[%swap3A_1441, %swap3A_1442] {strides = array<i32>} : memref<16x128xf32, #tpu.memory_space<vmem>>, vector<16xf32>,
      tpu.vector_store %arg8[%swap3A_1441, %swap3A_1442], %get3A_1439 {strides = array<i32>} : memref<16x128xf32, #tpu.memory_space<vmem>>, vector<16xf32>,
      %add3A_1444 = arith.constant 50 : i32
      %add3A_1445 = arith.addi %mul3A_993, %add3A_1444 : i32
      %get3A_1446 = arith.index_cast %add3A_1445 : i32 to index
      %get3A_1447 = arith.constant 0 : index
      %get3A_1448 = tpu.vector_load %arg6[%get3A_1446, %get3A_1447] {strides = array<i32>} : memref<3328x16xf32, #tpu.memory_space<vmem>>, vector<16xf32>,
      %swap3A_1449 = arith.constant 7 : i32
      %swap3A_1450 = arith.index_cast %swap3A_1449 : i32 to index
      %swap3A_1451 = arith.constant 0 : index
      %swap3A_1452 = tpu.vector_load %arg8[%swap3A_1450, %swap3A_1451] {strides = array<i32>} : memref<16x128xf32, #tpu.memory_space<vmem>>, vector<16xf32>,
      tpu.vector_store %arg8[%swap3A_1450, %swap3A_1451], %get3A_1448 {strides = array<i32>} : memref<16x128xf32, #tpu.memory_space<vmem>>, vector<16xf32>,
      %add3A_1453 = arith.constant 51 : i32
      %add3A_1454 = arith.addi %mul3A_993, %add3A_1453 : i32
      %get3A_1455 = arith.index_cast %add3A_1454 : i32 to index
      %get3A_1456 = arith.constant 0 : index
      %get3A_1457 = tpu.vector_load %arg6[%get3A_1455, %get3A_1456] {strides = array<i32>} : memref<3328x16xf32, #tpu.memory_space<vmem>>, vector<16xf32>,
      %swap3A_1458 = arith.constant 7 : i32
      %swap3A_1459 = arith.index_cast %swap3A_1458 : i32 to index
      %swap3A_1460 = arith.constant 16 : index
      %swap3A_1461 = tpu.vector_load %arg8[%swap3A_1459, %swap3A_1460] {strides = array<i32>} : memref<16x128xf32, #tpu.memory_space<vmem>>, vector<16xf32>,
      tpu.vector_store %arg8[%swap3A_1459, %swap3A_1460], %get3A_1457 {strides = array<i32>} : memref<16x128xf32, #tpu.memory_space<vmem>>, vector<16xf32>,
      %add3A_1462 = arith.constant 52 : i32
      %add3A_1463 = arith.addi %mul3A_993, %add3A_1462 : i32
      %get3A_1464 = arith.index_cast %add3A_1463 : i32 to index
      %get3A_1465 = arith.constant 0 : index
      %get3A_1466 = tpu.vector_load %arg6[%get3A_1464, %get3A_1465] {strides = array<i32>} : memref<3328x16xf32, #tpu.memory_space<vmem>>, vector<16xf32>,
      %swap3A_1467 = arith.constant 8 : i32
      %swap3A_1468 = arith.index_cast %swap3A_1467 : i32 to index
      %swap3A_1469 = arith.constant 0 : index
      %swap3A_1470 = tpu.vector_load %arg8[%swap3A_1468, %swap3A_1469] {strides = array<i32>} : memref<16x128xf32, #tpu.memory_space<vmem>>, vector<16xf32>,
      tpu.vector_store %arg8[%swap3A_1468, %swap3A_1469], %get3A_1466 {strides = array<i32>} : memref<16x128xf32, #tpu.memory_space<vmem>>, vector<16xf32>,
      %add3A_1471 = arith.constant 53 : i32
      %add3A_1472 = arith.addi %mul3A_993, %add3A_1471 : i32
      %get3A_1473 = arith.index_cast %add3A_1472 : i32 to index
      %get3A_1474 = arith.constant 0 : index
      %get3A_1475 = tpu.vector_load %arg6[%get3A_1473, %get3A_1474] {strides = array<i32>} : memref<3328x16xf32, #tpu.memory_space<vmem>>, vector<16xf32>,
      %swap3A_1476 = arith.constant 8 : i32
      %swap3A_1477 = arith.index_cast %swap3A_1476 : i32 to index
      %swap3A_1478 = arith.constant 16 : index
      %swap3A_1479 = tpu.vector_load %arg8[%swap3A_1477, %swap3A_1478] {strides = array<i32>} : memref<16x128xf32, #tpu.memory_space<vmem>>, vector<16xf32>,
      tpu.vector_store %arg8[%swap3A_1477, %swap3A_1478], %get3A_1475 {strides = array<i32>} : memref<16x128xf32, #tpu.memory_space<vmem>>, vector<16xf32>,
      %add3A_1480 = arith.constant 54 : i32
      %add3A_1481 = arith.addi %mul3A_993, %add3A_1480 : i32
      %get3A_1482 = arith.index_cast %add3A_1481 : i32 to index
      %get3A_1483 = arith.constant 0 : index
      %get3A_1484 = tpu.vector_load %arg6[%get3A_1482, %get3A_1483] {strides = array<i32>} : memref<3328x16xf32, #tpu.memory_space<vmem>>, vector<16xf32>,
      %swap3A_1485 = arith.constant 8 : i32
      %swap3A_1486 = arith.index_cast %swap3A_1485 : i32 to index
      %swap3A_1487 = arith.constant 32 : index
      %swap3A_1488 = tpu.vector_load %arg8[%swap3A_1486, %swap3A_1487] {strides = array<i32>} : memref<16x128xf32, #tpu.memory_space<vmem>>, vector<16xf32>,
      tpu.vector_store %arg8[%swap3A_1486, %swap3A_1487], %get3A_1484 {strides = array<i32>} : memref<16x128xf32, #tpu.memory_space<vmem>>, vector<16xf32>,
      %add3A_1489 = arith.constant 55 : i32
      %add3A_1490 = arith.addi %mul3A_993, %add3A_1489 : i32
      %get3A_1491 = arith.index_cast %add3A_1490 : i32 to index
      %get3A_1492 = arith.constant 0 : index
      %get3A_1493 = tpu.vector_load %arg6[%get3A_1491, %get3A_1492] {strides = array<i32>} : memref<3328x16xf32, #tpu.memory_space<vmem>>, vector<16xf32>,
      %swap3A_1494 = arith.constant 8 : i32
      %swap3A_1495 = arith.index_cast %swap3A_1494 : i32 to index
      %swap3A_1496 = arith.constant 48 : index
      %swap3A_1497 = tpu.vector_load %arg8[%swap3A_1495, %swap3A_1496] {strides = array<i32>} : memref<16x128xf32, #tpu.memory_space<vmem>>, vector<16xf32>,
      tpu.vector_store %arg8[%swap3A_1495, %swap3A_1496], %get3A_1493 {strides = array<i32>} : memref<16x128xf32, #tpu.memory_space<vmem>>, vector<16xf32>,
      %add3A_1498 = arith.constant 56 : i32
      %add3A_1499 = arith.addi %mul3A_993, %add3A_1498 : i32
      %get3A_1500 = arith.index_cast %add3A_1499 : i32 to index
      %get3A_1501 = arith.constant 0 : index
      %get3A_1502 = tpu.vector_load %arg6[%get3A_1500, %get3A_1501] {strides = array<i32>} : memref<3328x16xf32, #tpu.memory_space<vmem>>, vector<16xf32>,
      %swap3A_1503 = arith.constant 8 : i32
      %swap3A_1504 = arith.index_cast %swap3A_1503 : i32 to index
      %swap3A_1505 = arith.constant 64 : index
      %swap3A_1506 = tpu.vector_load %arg8[%swap3A_1504, %swap3A_1505] {strides = array<i32>} : memref<16x128xf32, #tpu.memory_space<vmem>>, vector<16xf32>,
      tpu.vector_store %arg8[%swap3A_1504, %swap3A_1505], %get3A_1502 {strides = array<i32>} : memref<16x128xf32, #tpu.memory_space<vmem>>, vector<16xf32>,
      %add3A_1507 = arith.constant 57 : i32
      %add3A_1508 = arith.addi %mul3A_993, %add3A_1507 : i32
      %get3A_1509 = arith.index_cast %add3A_1508 : i32 to index
      %get3A_1510 = arith.constant 0 : index
      %get3A_1511 = tpu.vector_load %arg6[%get3A_1509, %get3A_1510] {strides = array<i32>} : memref<3328x16xf32, #tpu.memory_space<vmem>>, vector<16xf32>,
      %swap3A_1512 = arith.constant 8 : i32
      %swap3A_1513 = arith.index_cast %swap3A_1512 : i32 to index
      %swap3A_1514 = arith.constant 80 : index
      %swap3A_1515 = tpu.vector_load %arg8[%swap3A_1513, %swap3A_1514] {strides = array<i32>} : memref<16x128xf32, #tpu.memory_space<vmem>>, vector<16xf32>,
      tpu.vector_store %arg8[%swap3A_1513, %swap3A_1514], %get3A_1511 {strides = array<i32>} : memref<16x128xf32, #tpu.memory_space<vmem>>, vector<16xf32>,
      %add3A_1516 = arith.constant 58 : i32
      %add3A_1517 = arith.addi %mul3A_993, %add3A_1516 : i32
      %get3A_1518 = arith.index_cast %add3A_1517 : i32 to index
      %get3A_1519 = arith.constant 0 : index
      %get3A_1520 = tpu.vector_load %arg6[%get3A_1518, %get3A_1519] {strides = array<i32>} : memref<3328x16xf32, #tpu.memory_space<vmem>>, vector<16xf32>,
      %swap3A_1521 = arith.constant 8 : i32
      %swap3A_1522 = arith.index_cast %swap3A_1521 : i32 to index
      %swap3A_1523 = arith.constant 96 : index
      %swap3A_1524 = tpu.vector_load %arg8[%swap3A_1522, %swap3A_1523] {strides = array<i32>} : memref<16x128xf32, #tpu.memory_space<vmem>>, vector<16xf32>,
      tpu.vector_store %arg8[%swap3A_1522, %swap3A_1523], %get3A_1520 {strides = array<i32>} : memref<16x128xf32, #tpu.memory_space<vmem>>, vector<16xf32>,
      %add3A_1525 = arith.constant 59 : i32
      %add3A_1526 = arith.addi %mul3A_993, %add3A_1525 : i32
      %get3A_1527 = arith.index_cast %add3A_1526 : i32 to index
      %get3A_1528 = arith.constant 0 : index
      %get3A_1529 = tpu.vector_load %arg6[%get3A_1527, %get3A_1528] {strides = array<i32>} : memref<3328x16xf32, #tpu.memory_space<vmem>>, vector<16xf32>,
      %swap3A_1530 = arith.constant 8 : i32
      %swap3A_1531 = arith.index_cast %swap3A_1530 : i32 to index
      %swap3A_1532 = arith.constant 112 : index
      %swap3A_1533 = tpu.vector_load %arg8[%swap3A_1531, %swap3A_1532] {strides = array<i32>} : memref<16x128xf32, #tpu.memory_space<vmem>>, vector<16xf32>,
      tpu.vector_store %arg8[%swap3A_1531, %swap3A_1532], %get3A_1529 {strides = array<i32>} : memref<16x128xf32, #tpu.memory_space<vmem>>, vector<16xf32>,
      %add3A_1534 = arith.constant 60 : i32
      %add3A_1535 = arith.addi %mul3A_993, %add3A_1534 : i32
      %get3A_1536 = arith.index_cast %add3A_1535 : i32 to index
      %get3A_1537 = arith.constant 0 : index
      %get3A_1538 = tpu.vector_load %arg6[%get3A_1536, %get3A_1537] {strides = array<i32>} : memref<3328x16xf32, #tpu.memory_space<vmem>>, vector<16xf32>,
      %swap3A_1539 = arith.constant 9 : i32
      %swap3A_1540 = arith.index_cast %swap3A_1539 : i32 to index
      %swap3A_1541 = arith.constant 0 : index
      %swap3A_1542 = tpu.vector_load %arg8[%swap3A_1540, %swap3A_1541] {strides = array<i32>} : memref<16x128xf32, #tpu.memory_space<vmem>>, vector<16xf32>,
      tpu.vector_store %arg8[%swap3A_1540, %swap3A_1541], %get3A_1538 {strides = array<i32>} : memref<16x128xf32, #tpu.memory_space<vmem>>, vector<16xf32>,
      %add3A_1543 = arith.constant 61 : i32
      %add3A_1544 = arith.addi %mul3A_993, %add3A_1543 : i32
      %get3A_1545 = arith.index_cast %add3A_1544 : i32 to index
      %get3A_1546 = arith.constant 0 : index
      %get3A_1547 = tpu.vector_load %arg6[%get3A_1545, %get3A_1546] {strides = array<i32>} : memref<3328x16xf32, #tpu.memory_space<vmem>>, vector<16xf32>,
      %swap3A_1548 = arith.constant 9 : i32
      %swap3A_1549 = arith.index_cast %swap3A_1548 : i32 to index
      %swap3A_1550 = arith.constant 16 : index
      %swap3A_1551 = tpu.vector_load %arg8[%swap3A_1549, %swap3A_1550] {strides = array<i32>} : memref<16x128xf32, #tpu.memory_space<vmem>>, vector<16xf32>,
      tpu.vector_store %arg8[%swap3A_1549, %swap3A_1550], %get3A_1547 {strides = array<i32>} : memref<16x128xf32, #tpu.memory_space<vmem>>, vector<16xf32>,
      %add3A_1552 = arith.constant 62 : i32
      %add3A_1553 = arith.addi %mul3A_993, %add3A_1552 : i32
      %get3A_1554 = arith.index_cast %add3A_1553 : i32 to index
      %get3A_1555 = arith.constant 0 : index
      %get3A_1556 = tpu.vector_load %arg6[%get3A_1554, %get3A_1555] {strides = array<i32>} : memref<3328x16xf32, #tpu.memory_space<vmem>>, vector<16xf32>,
      %swap3A_1557 = arith.constant 9 : i32
      %swap3A_1558 = arith.index_cast %swap3A_1557 : i32 to index
      %swap3A_1559 = arith.constant 32 : index
      %swap3A_1560 = tpu.vector_load %arg8[%swap3A_1558, %swap3A_1559] {strides = array<i32>} : memref<16x128xf32, #tpu.memory_space<vmem>>, vector<16xf32>,
      tpu.vector_store %arg8[%swap3A_1558, %swap3A_1559], %get3A_1556 {strides = array<i32>} : memref<16x128xf32, #tpu.memory_space<vmem>>, vector<16xf32>,
      %add3A_1561 = arith.constant 63 : i32
      %add3A_1562 = arith.addi %mul3A_993, %add3A_1561 : i32
      %get3A_1563 = arith.index_cast %add3A_1562 : i32 to index
      %get3A_1564 = arith.constant 0 : index
      %get3A_1565 = tpu.vector_load %arg6[%get3A_1563, %get3A_1564] {strides = array<i32>} : memref<3328x16xf32, #tpu.memory_space<vmem>>, vector<16xf32>,
      %swap3A_1566 = arith.constant 9 : i32
      %swap3A_1567 = arith.index_cast %swap3A_1566 : i32 to index
      %swap3A_1568 = arith.constant 48 : index
      %swap3A_1569 = tpu.vector_load %arg8[%swap3A_1567, %swap3A_1568] {strides = array<i32>} : memref<16x128xf32, #tpu.memory_space<vmem>>, vector<16xf32>,
      tpu.vector_store %arg8[%swap3A_1567, %swap3A_1568], %get3A_1565 {strides = array<i32>} : memref<16x128xf32, #tpu.memory_space<vmem>>, vector<16xf32>,
      %add3A_1570 = arith.constant 64 : i32
      %add3A_1571 = arith.addi %mul3A_993, %add3A_1570 : i32
      %get3A_1572 = arith.index_cast %add3A_1571 : i32 to index
      %get3A_1573 = arith.constant 0 : index
      %get3A_1574 = tpu.vector_load %arg6[%get3A_1572, %get3A_1573] {strides = array<i32>} : memref<3328x16xf32, #tpu.memory_space<vmem>>, vector<16xf32>,
      %swap3A_1575 = arith.constant 9 : i32
      %swap3A_1576 = arith.index_cast %swap3A_1575 : i32 to index
      %swap3A_1577 = arith.constant 64 : index
      %swap3A_1578 = tpu.vector_load %arg8[%swap3A_1576, %swap3A_1577] {strides = array<i32>} : memref<16x128xf32, #tpu.memory_space<vmem>>, vector<16xf32>,
      tpu.vector_store %arg8[%swap3A_1576, %swap3A_1577], %get3A_1574 {strides = array<i32>} : memref<16x128xf32, #tpu.memory_space<vmem>>, vector<16xf32>,
      %add3A_1579 = arith.constant 65 : i32
      %add3A_1580 = arith.addi %mul3A_993, %add3A_1579 : i32
      %get3A_1581 = arith.index_cast %add3A_1580 : i32 to index
      %get3A_1582 = arith.constant 0 : index
      %get3A_1583 = tpu.vector_load %arg6[%get3A_1581, %get3A_1582] {strides = array<i32>} : memref<3328x16xf32, #tpu.memory_space<vmem>>, vector<16xf32>,
      %swap3A_1584 = arith.constant 9 : i32
      %swap3A_1585 = arith.index_cast %swap3A_1584 : i32 to index
      %swap3A_1586 = arith.constant 80 : index
      %swap3A_1587 = tpu.vector_load %arg8[%swap3A_1585, %swap3A_1586] {strides = array<i32>} : memref<16x128xf32, #tpu.memory_space<vmem>>, vector<16xf32>,
      tpu.vector_store %arg8[%swap3A_1585, %swap3A_1586], %get3A_1583 {strides = array<i32>} : memref<16x128xf32, #tpu.memory_space<vmem>>, vector<16xf32>,
      %add3A_1588 = arith.constant 66 : i32
      %add3A_1589 = arith.addi %mul3A_993, %add3A_1588 : i32
      %get3A_1590 = arith.index_cast %add3A_1589 : i32 to index
      %get3A_1591 = arith.constant 0 : index
      %get3A_1592 = tpu.vector_load %arg6[%get3A_1590, %get3A_1591] {strides = array<i32>} : memref<3328x16xf32, #tpu.memory_space<vmem>>, vector<16xf32>,
      %swap3A_1593 = arith.constant 9 : i32
      %swap3A_1594 = arith.index_cast %swap3A_1593 : i32 to index
      %swap3A_1595 = arith.constant 96 : index
      %swap3A_1596 = tpu.vector_load %arg8[%swap3A_1594, %swap3A_1595] {strides = array<i32>} : memref<16x128xf32, #tpu.memory_space<vmem>>, vector<16xf32>,
      tpu.vector_store %arg8[%swap3A_1594, %swap3A_1595], %get3A_1592 {strides = array<i32>} : memref<16x128xf32, #tpu.memory_space<vmem>>, vector<16xf32>,
      %add3A_1597 = arith.constant 67 : i32
      %add3A_1598 = arith.addi %mul3A_993, %add3A_1597 : i32
      %get3A_1599 = arith.index_cast %add3A_1598 : i32 to index
      %get3A_1600 = arith.constant 0 : index
      %get3A_1601 = tpu.vector_load %arg6[%get3A_1599, %get3A_1600] {strides = array<i32>} : memref<3328x16xf32, #tpu.memory_space<vmem>>, vector<16xf32>,
      %swap3A_1602 = arith.constant 9 : i32
      %swap3A_1603 = arith.index_cast %swap3A_1602 : i32 to index
      %swap3A_1604 = arith.constant 112 : index
      %swap3A_1605 = tpu.vector_load %arg8[%swap3A_1603, %swap3A_1604] {strides = array<i32>} : memref<16x128xf32, #tpu.memory_space<vmem>>, vector<16xf32>,
      tpu.vector_store %arg8[%swap3A_1603, %swap3A_1604], %get3A_1601 {strides = array<i32>} : memref<16x128xf32, #tpu.memory_space<vmem>>, vector<16xf32>,
      %add3A_1606 = arith.constant 68 : i32
      %add3A_1607 = arith.addi %mul3A_993, %add3A_1606 : i32
      %get3A_1608 = arith.index_cast %add3A_1607 : i32 to index
      %get3A_1609 = arith.constant 0 : index
      %get3A_1610 = tpu.vector_load %arg6[%get3A_1608, %get3A_1609] {strides = array<i32>} : memref<3328x16xf32, #tpu.memory_space<vmem>>, vector<16xf32>,
      %swap3A_1611 = arith.constant 10 : i32
      %swap3A_1612 = arith.index_cast %swap3A_1611 : i32 to index
      %swap3A_1613 = arith.constant 0 : index
      %swap3A_1614 = tpu.vector_load %arg8[%swap3A_1612, %swap3A_1613] {strides = array<i32>} : memref<16x128xf32, #tpu.memory_space<vmem>>, vector<16xf32>,
      tpu.vector_store %arg8[%swap3A_1612, %swap3A_1613], %get3A_1610 {strides = array<i32>} : memref<16x128xf32, #tpu.memory_space<vmem>>, vector<16xf32>,
      %add3A_1615 = arith.constant 69 : i32
      %add3A_1616 = arith.addi %mul3A_993, %add3A_1615 : i32
      %get3A_1617 = arith.index_cast %add3A_1616 : i32 to index
      %get3A_1618 = arith.constant 0 : index
      %get3A_1619 = tpu.vector_load %arg6[%get3A_1617, %get3A_1618] {strides = array<i32>} : memref<3328x16xf32, #tpu.memory_space<vmem>>, vector<16xf32>,
      %swap3A_1620 = arith.constant 10 : i32
      %swap3A_1621 = arith.index_cast %swap3A_1620 : i32 to index
      %swap3A_1622 = arith.constant 16 : index
      %swap3A_1623 = tpu.vector_load %arg8[%swap3A_1621, %swap3A_1622] {strides = array<i32>} : memref<16x128xf32, #tpu.memory_space<vmem>>, vector<16xf32>,
      tpu.vector_store %arg8[%swap3A_1621, %swap3A_1622], %get3A_1619 {strides = array<i32>} : memref<16x128xf32, #tpu.memory_space<vmem>>, vector<16xf32>,
      %add3A_1624 = arith.constant 70 : i32
      %add3A_1625 = arith.addi %mul3A_993, %add3A_1624 : i32
      %get3A_1626 = arith.index_cast %add3A_1625 : i32 to index
      %get3A_1627 = arith.constant 0 : index
      %get3A_1628 = tpu.vector_load %arg6[%get3A_1626, %get3A_1627] {strides = array<i32>} : memref<3328x16xf32, #tpu.memory_space<vmem>>, vector<16xf32>,
      %swap3A_1629 = arith.constant 10 : i32
      %swap3A_1630 = arith.index_cast %swap3A_1629 : i32 to index
      %swap3A_1631 = arith.constant 32 : index
      %swap3A_1632 = tpu.vector_load %arg8[%swap3A_1630, %swap3A_1631] {strides = array<i32>} : memref<16x128xf32, #tpu.memory_space<vmem>>, vector<16xf32>,
      tpu.vector_store %arg8[%swap3A_1630, %swap3A_1631], %get3A_1628 {strides = array<i32>} : memref<16x128xf32, #tpu.memory_space<vmem>>, vector<16xf32>,
      %add3A_1633 = arith.constant 71 : i32
      %add3A_1634 = arith.addi %mul3A_993, %add3A_1633 : i32
      %get3A_1635 = arith.index_cast %add3A_1634 : i32 to index
      %get3A_1636 = arith.constant 0 : index
      %get3A_1637 = tpu.vector_load %arg6[%get3A_1635, %get3A_1636] {strides = array<i32>} : memref<3328x16xf32, #tpu.memory_space<vmem>>, vector<16xf32>,
      %swap3A_1638 = arith.constant 10 : i32
      %swap3A_1639 = arith.index_cast %swap3A_1638 : i32 to index
      %swap3A_1640 = arith.constant 48 : index
      %swap3A_1641 = tpu.vector_load %arg8[%swap3A_1639, %swap3A_1640] {strides = array<i32>} : memref<16x128xf32, #tpu.memory_space<vmem>>, vector<16xf32>,
      tpu.vector_store %arg8[%swap3A_1639, %swap3A_1640], %get3A_1637 {strides = array<i32>} : memref<16x128xf32, #tpu.memory_space<vmem>>, vector<16xf32>,
      %add3A_1642 = arith.constant 72 : i32
      %add3A_1643 = arith.addi %mul3A_993, %add3A_1642 : i32
      %get3A_1644 = arith.index_cast %add3A_1643 : i32 to index
      %get3A_1645 = arith.constant 0 : index
      %get3A_1646 = tpu.vector_load %arg6[%get3A_1644, %get3A_1645] {strides = array<i32>} : memref<3328x16xf32, #tpu.memory_space<vmem>>, vector<16xf32>,
      %swap3A_1647 = arith.constant 10 : i32
      %swap3A_1648 = arith.index_cast %swap3A_1647 : i32 to index
      %swap3A_1649 = arith.constant 64 : index
      %swap3A_1650 = tpu.vector_load %arg8[%swap3A_1648, %swap3A_1649] {strides = array<i32>} : memref<16x128xf32, #tpu.memory_space<vmem>>, vector<16xf32>,
      tpu.vector_store %arg8[%swap3A_1648, %swap3A_1649], %get3A_1646 {strides = array<i32>} : memref<16x128xf32, #tpu.memory_space<vmem>>, vector<16xf32>,
      %add3A_1651 = arith.constant 73 : i32
      %add3A_1652 = arith.addi %mul3A_993, %add3A_1651 : i32
      %get3A_1653 = arith.index_cast %add3A_1652 : i32 to index
      %get3A_1654 = arith.constant 0 : index
      %get3A_1655 = tpu.vector_load %arg6[%get3A_1653, %get3A_1654] {strides = array<i32>} : memref<3328x16xf32, #tpu.memory_space<vmem>>, vector<16xf32>,
      %swap3A_1656 = arith.constant 10 : i32
      %swap3A_1657 = arith.index_cast %swap3A_1656 : i32 to index
      %swap3A_1658 = arith.constant 80 : index
      %swap3A_1659 = tpu.vector_load %arg8[%swap3A_1657, %swap3A_1658] {strides = array<i32>} : memref<16x128xf32, #tpu.memory_space<vmem>>, vector<16xf32>,
      tpu.vector_store %arg8[%swap3A_1657, %swap3A_1658], %get3A_1655 {strides = array<i32>} : memref<16x128xf32, #tpu.memory_space<vmem>>, vector<16xf32>,
      %add3A_1660 = arith.constant 74 : i32
      %add3A_1661 = arith.addi %mul3A_993, %add3A_1660 : i32
      %get3A_1662 = arith.index_cast %add3A_1661 : i32 to index
      %get3A_1663 = arith.constant 0 : index
      %get3A_1664 = tpu.vector_load %arg6[%get3A_1662, %get3A_1663] {strides = array<i32>} : memref<3328x16xf32, #tpu.memory_space<vmem>>, vector<16xf32>,
      %swap3A_1665 = arith.constant 10 : i32
      %swap3A_1666 = arith.index_cast %swap3A_1665 : i32 to index
      %swap3A_1667 = arith.constant 96 : index
      %swap3A_1668 = tpu.vector_load %arg8[%swap3A_1666, %swap3A_1667] {strides = array<i32>} : memref<16x128xf32, #tpu.memory_space<vmem>>, vector<16xf32>,
      tpu.vector_store %arg8[%swap3A_1666, %swap3A_1667], %get3A_1664 {strides = array<i32>} : memref<16x128xf32, #tpu.memory_space<vmem>>, vector<16xf32>,
      %add3A_1669 = arith.constant 75 : i32
      %add3A_1670 = arith.addi %mul3A_993, %add3A_1669 : i32
      %get3A_1671 = arith.index_cast %add3A_1670 : i32 to index
      %get3A_1672 = arith.constant 0 : index
      %get3A_1673 = tpu.vector_load %arg6[%get3A_1671, %get3A_1672] {strides = array<i32>} : memref<3328x16xf32, #tpu.memory_space<vmem>>, vector<16xf32>,
      %swap3A_1674 = arith.constant 10 : i32
      %swap3A_1675 = arith.index_cast %swap3A_1674 : i32 to index
      %swap3A_1676 = arith.constant 112 : index
      %swap3A_1677 = tpu.vector_load %arg8[%swap3A_1675, %swap3A_1676] {strides = array<i32>} : memref<16x128xf32, #tpu.memory_space<vmem>>, vector<16xf32>,
      tpu.vector_store %arg8[%swap3A_1675, %swap3A_1676], %get3A_1673 {strides = array<i32>} : memref<16x128xf32, #tpu.memory_space<vmem>>, vector<16xf32>,
      %add3A_1678 = arith.constant 76 : i32
      %add3A_1679 = arith.addi %mul3A_993, %add3A_1678 : i32
      %get3A_1680 = arith.index_cast %add3A_1679 : i32 to index
      %get3A_1681 = arith.constant 0 : index
      %get3A_1682 = tpu.vector_load %arg6[%get3A_1680, %get3A_1681] {strides = array<i32>} : memref<3328x16xf32, #tpu.memory_space<vmem>>, vector<16xf32>,
      %swap3A_1683 = arith.constant 11 : i32
      %swap3A_1684 = arith.index_cast %swap3A_1683 : i32 to index
      %swap3A_1685 = arith.constant 0 : index
      %swap3A_1686 = tpu.vector_load %arg8[%swap3A_1684, %swap3A_1685] {strides = array<i32>} : memref<16x128xf32, #tpu.memory_space<vmem>>, vector<16xf32>,
      tpu.vector_store %arg8[%swap3A_1684, %swap3A_1685], %get3A_1682 {strides = array<i32>} : memref<16x128xf32, #tpu.memory_space<vmem>>, vector<16xf32>,
      %add3A_1687 = arith.constant 77 : i32
      %add3A_1688 = arith.addi %mul3A_993, %add3A_1687 : i32
      %get3A_1689 = arith.index_cast %add3A_1688 : i32 to index
      %get3A_1690 = arith.constant 0 : index
      %get3A_1691 = tpu.vector_load %arg6[%get3A_1689, %get3A_1690] {strides = array<i32>} : memref<3328x16xf32, #tpu.memory_space<vmem>>, vector<16xf32>,
      %swap3A_1692 = arith.constant 11 : i32
      %swap3A_1693 = arith.index_cast %swap3A_1692 : i32 to index
      %swap3A_1694 = arith.constant 16 : index
      %swap3A_1695 = tpu.vector_load %arg8[%swap3A_1693, %swap3A_1694] {strides = array<i32>} : memref<16x128xf32, #tpu.memory_space<vmem>>, vector<16xf32>,
      tpu.vector_store %arg8[%swap3A_1693, %swap3A_1694], %get3A_1691 {strides = array<i32>} : memref<16x128xf32, #tpu.memory_space<vmem>>, vector<16xf32>,
      %add3A_1696 = arith.constant 78 : i32
      %add3A_1697 = arith.addi %mul3A_993, %add3A_1696 : i32
      %get3A_1698 = arith.index_cast %add3A_1697 : i32 to index
      %get3A_1699 = arith.constant 0 : index
      %get3A_1700 = tpu.vector_load %arg6[%get3A_1698, %get3A_1699] {strides = array<i32>} : memref<3328x16xf32, #tpu.memory_space<vmem>>, vector<16xf32>,
      %swap3A_1701 = arith.constant 12 : i32
      %swap3A_1702 = arith.index_cast %swap3A_1701 : i32 to index
      %swap3A_1703 = arith.constant 0 : index
      %swap3A_1704 = tpu.vector_load %arg8[%swap3A_1702, %swap3A_1703] {strides = array<i32>} : memref<16x128xf32, #tpu.memory_space<vmem>>, vector<16xf32>,
      tpu.vector_store %arg8[%swap3A_1702, %swap3A_1703], %get3A_1700 {strides = array<i32>} : memref<16x128xf32, #tpu.memory_space<vmem>>, vector<16xf32>,
      %add3A_1705 = arith.constant 79 : i32
      %add3A_1706 = arith.addi %mul3A_993, %add3A_1705 : i32
      %get3A_1707 = arith.index_cast %add3A_1706 : i32 to index
      %get3A_1708 = arith.constant 0 : index
      %get3A_1709 = tpu.vector_load %arg6[%get3A_1707, %get3A_1708] {strides = array<i32>} : memref<3328x16xf32, #tpu.memory_space<vmem>>, vector<16xf32>,
      %swap3A_1710 = arith.constant 12 : i32
      %swap3A_1711 = arith.index_cast %swap3A_1710 : i32 to index
      %swap3A_1712 = arith.constant 16 : index
      %swap3A_1713 = tpu.vector_load %arg8[%swap3A_1711, %swap3A_1712] {strides = array<i32>} : memref<16x128xf32, #tpu.memory_space<vmem>>, vector<16xf32>,
      tpu.vector_store %arg8[%swap3A_1711, %swap3A_1712], %get3A_1709 {strides = array<i32>} : memref<16x128xf32, #tpu.memory_space<vmem>>, vector<16xf32>,
      %add3A_1714 = arith.constant 80 : i32
      %add3A_1715 = arith.addi %mul3A_993, %add3A_1714 : i32
      %get3A_1716 = arith.index_cast %add3A_1715 : i32 to index
      %get3A_1717 = arith.constant 0 : index
      %get3A_1718 = tpu.vector_load %arg6[%get3A_1716, %get3A_1717] {strides = array<i32>} : memref<3328x16xf32, #tpu.memory_space<vmem>>, vector<16xf32>,
      %swap3A_1719 = arith.constant 12 : i32
      %swap3A_1720 = arith.index_cast %swap3A_1719 : i32 to index
      %swap3A_1721 = arith.constant 32 : index
      %swap3A_1722 = tpu.vector_load %arg8[%swap3A_1720, %swap3A_1721] {strides = array<i32>} : memref<16x128xf32, #tpu.memory_space<vmem>>, vector<16xf32>,
      tpu.vector_store %arg8[%swap3A_1720, %swap3A_1721], %get3A_1718 {strides = array<i32>} : memref<16x128xf32, #tpu.memory_space<vmem>>, vector<16xf32>,
      %add3A_1723 = arith.constant 81 : i32
      %add3A_1724 = arith.addi %mul3A_993, %add3A_1723 : i32
      %get3A_1725 = arith.index_cast %add3A_1724 : i32 to index
      %get3A_1726 = arith.constant 0 : index
      %get3A_1727 = tpu.vector_load %arg6[%get3A_1725, %get3A_1726] {strides = array<i32>} : memref<3328x16xf32, #tpu.memory_space<vmem>>, vector<16xf32>,
      %swap3A_1728 = arith.constant 12 : i32
      %swap3A_1729 = arith.index_cast %swap3A_1728 : i32 to index
      %swap3A_1730 = arith.constant 48 : index
      %swap3A_1731 = tpu.vector_load %arg8[%swap3A_1729, %swap3A_1730] {strides = array<i32>} : memref<16x128xf32, #tpu.memory_space<vmem>>, vector<16xf32>,
      tpu.vector_store %arg8[%swap3A_1729, %swap3A_1730], %get3A_1727 {strides = array<i32>} : memref<16x128xf32, #tpu.memory_space<vmem>>, vector<16xf32>,
      %add3A_1732 = arith.constant 82 : i32
      %add3A_1733 = arith.addi %mul3A_993, %add3A_1732 : i32
      %get3A_1734 = arith.index_cast %add3A_1733 : i32 to index
      %get3A_1735 = arith.constant 0 : index
      %get3A_1736 = tpu.vector_load %arg6[%get3A_1734, %get3A_1735] {strides = array<i32>} : memref<3328x16xf32, #tpu.memory_space<vmem>>, vector<16xf32>,
      %swap3A_1737 = arith.constant 12 : i32
      %swap3A_1738 = arith.index_cast %swap3A_1737 : i32 to index
      %swap3A_1739 = arith.constant 64 : index
      %swap3A_1740 = tpu.vector_load %arg8[%swap3A_1738, %swap3A_1739] {strides = array<i32>} : memref<16x128xf32, #tpu.memory_space<vmem>>, vector<16xf32>,
      tpu.vector_store %arg8[%swap3A_1738, %swap3A_1739], %get3A_1736 {strides = array<i32>} : memref<16x128xf32, #tpu.memory_space<vmem>>, vector<16xf32>,
      %add3A_1741 = arith.constant 83 : i32
      %add3A_1742 = arith.addi %mul3A_993, %add3A_1741 : i32
      %get3A_1743 = arith.index_cast %add3A_1742 : i32 to index
      %get3A_1744 = arith.constant 0 : index
      %get3A_1745 = tpu.vector_load %arg6[%get3A_1743, %get3A_1744] {strides = array<i32>} : memref<3328x16xf32, #tpu.memory_space<vmem>>, vector<16xf32>,
      %swap3A_1746 = arith.constant 12 : i32
      %swap3A_1747 = arith.index_cast %swap3A_1746 : i32 to index
      %swap3A_1748 = arith.constant 80 : index
      %swap3A_1749 = tpu.vector_load %arg8[%swap3A_1747, %swap3A_1748] {strides = array<i32>} : memref<16x128xf32, #tpu.memory_space<vmem>>, vector<16xf32>,
      tpu.vector_store %arg8[%swap3A_1747, %swap3A_1748], %get3A_1745 {strides = array<i32>} : memref<16x128xf32, #tpu.memory_space<vmem>>, vector<16xf32>,
      %add3A_1750 = arith.constant 84 : i32
      %add3A_1751 = arith.addi %mul3A_993, %add3A_1750 : i32
      %get3A_1752 = arith.index_cast %add3A_1751 : i32 to index
      %get3A_1753 = arith.constant 0 : index
      %get3A_1754 = tpu.vector_load %arg6[%get3A_1752, %get3A_1753] {strides = array<i32>} : memref<3328x16xf32, #tpu.memory_space<vmem>>, vector<16xf32>,
      %swap3A_1755 = arith.constant 12 : i32
      %swap3A_1756 = arith.index_cast %swap3A_1755 : i32 to index
      %swap3A_1757 = arith.constant 96 : index
      %swap3A_1758 = tpu.vector_load %arg8[%swap3A_1756, %swap3A_1757] {strides = array<i32>} : memref<16x128xf32, #tpu.memory_space<vmem>>, vector<16xf32>,
      tpu.vector_store %arg8[%swap3A_1756, %swap3A_1757], %get3A_1754 {strides = array<i32>} : memref<16x128xf32, #tpu.memory_space<vmem>>, vector<16xf32>,
      %add3A_1759 = arith.constant 85 : i32
      %add3A_1760 = arith.addi %mul3A_993, %add3A_1759 : i32
      %get3A_1761 = arith.index_cast %add3A_1760 : i32 to index
      %get3A_1762 = arith.constant 0 : index
      %get3A_1763 = tpu.vector_load %arg6[%get3A_1761, %get3A_1762] {strides = array<i32>} : memref<3328x16xf32, #tpu.memory_space<vmem>>, vector<16xf32>,
      %swap3A_1764 = arith.constant 12 : i32
      %swap3A_1765 = arith.index_cast %swap3A_1764 : i32 to index
      %swap3A_1766 = arith.constant 112 : index
      %swap3A_1767 = tpu.vector_load %arg8[%swap3A_1765, %swap3A_1766] {strides = array<i32>} : memref<16x128xf32, #tpu.memory_space<vmem>>, vector<16xf32>,
      tpu.vector_store %arg8[%swap3A_1765, %swap3A_1766], %get3A_1763 {strides = array<i32>} : memref<16x128xf32, #tpu.memory_space<vmem>>, vector<16xf32>,
      %add3A_1768 = arith.constant 86 : i32
      %add3A_1769 = arith.addi %mul3A_993, %add3A_1768 : i32
      %get3A_1770 = arith.index_cast %add3A_1769 : i32 to index
      %get3A_1771 = arith.constant 0 : index
      %get3A_1772 = tpu.vector_load %arg6[%get3A_1770, %get3A_1771] {strides = array<i32>} : memref<3328x16xf32, #tpu.memory_space<vmem>>, vector<16xf32>,
      %swap3A_1773 = arith.constant 13 : i32
      %swap3A_1774 = arith.index_cast %swap3A_1773 : i32 to index
      %swap3A_1775 = arith.constant 0 : index
      %swap3A_1776 = tpu.vector_load %arg8[%swap3A_1774, %swap3A_1775] {strides = array<i32>} : memref<16x128xf32, #tpu.memory_space<vmem>>, vector<16xf32>,
      tpu.vector_store %arg8[%swap3A_1774, %swap3A_1775], %get3A_1772 {strides = array<i32>} : memref<16x128xf32, #tpu.memory_space<vmem>>, vector<16xf32>,
      %add3A_1777 = arith.constant 87 : i32
      %add3A_1778 = arith.addi %mul3A_993, %add3A_1777 : i32
      %get3A_1779 = arith.index_cast %add3A_1778 : i32 to index
      %get3A_1780 = arith.constant 0 : index
      %get3A_1781 = tpu.vector_load %arg6[%get3A_1779, %get3A_1780] {strides = array<i32>} : memref<3328x16xf32, #tpu.memory_space<vmem>>, vector<16xf32>,
      %swap3A_1782 = arith.constant 13 : i32
      %swap3A_1783 = arith.index_cast %swap3A_1782 : i32 to index
      %swap3A_1784 = arith.constant 16 : index
      %swap3A_1785 = tpu.vector_load %arg8[%swap3A_1783, %swap3A_1784] {strides = array<i32>} : memref<16x128xf32, #tpu.memory_space<vmem>>, vector<16xf32>,
      tpu.vector_store %arg8[%swap3A_1783, %swap3A_1784], %get3A_1781 {strides = array<i32>} : memref<16x128xf32, #tpu.memory_space<vmem>>, vector<16xf32>,
      %add3A_1786 = arith.constant 88 : i32
      %add3A_1787 = arith.addi %mul3A_993, %add3A_1786 : i32
      %get3A_1788 = arith.index_cast %add3A_1787 : i32 to index
      %get3A_1789 = arith.constant 0 : index
      %get3A_1790 = tpu.vector_load %arg6[%get3A_1788, %get3A_1789] {strides = array<i32>} : memref<3328x16xf32, #tpu.memory_space<vmem>>, vector<16xf32>,
      %swap3A_1791 = arith.constant 13 : i32
      %swap3A_1792 = arith.index_cast %swap3A_1791 : i32 to index
      %swap3A_1793 = arith.constant 32 : index
      %swap3A_1794 = tpu.vector_load %arg8[%swap3A_1792, %swap3A_1793] {strides = array<i32>} : memref<16x128xf32, #tpu.memory_space<vmem>>, vector<16xf32>,
      tpu.vector_store %arg8[%swap3A_1792, %swap3A_1793], %get3A_1790 {strides = array<i32>} : memref<16x128xf32, #tpu.memory_space<vmem>>, vector<16xf32>,
      %add3A_1795 = arith.constant 89 : i32
      %add3A_1796 = arith.addi %mul3A_993, %add3A_1795 : i32
      %get3A_1797 = arith.index_cast %add3A_1796 : i32 to index
      %get3A_1798 = arith.constant 0 : index
      %get3A_1799 = tpu.vector_load %arg6[%get3A_1797, %get3A_1798] {strides = array<i32>} : memref<3328x16xf32, #tpu.memory_space<vmem>>, vector<16xf32>,
      %swap3A_1800 = arith.constant 13 : i32
      %swap3A_1801 = arith.index_cast %swap3A_1800 : i32 to index
      %swap3A_1802 = arith.constant 48 : index
      %swap3A_1803 = tpu.vector_load %arg8[%swap3A_1801, %swap3A_1802] {strides = array<i32>} : memref<16x128xf32, #tpu.memory_space<vmem>>, vector<16xf32>,
      tpu.vector_store %arg8[%swap3A_1801, %swap3A_1802], %get3A_1799 {strides = array<i32>} : memref<16x128xf32, #tpu.memory_space<vmem>>, vector<16xf32>,
      %add3A_1804 = arith.constant 90 : i32
      %add3A_1805 = arith.addi %mul3A_993, %add3A_1804 : i32
      %get3A_1806 = arith.index_cast %add3A_1805 : i32 to index
      %get3A_1807 = arith.constant 0 : index
      %get3A_1808 = tpu.vector_load %arg6[%get3A_1806, %get3A_1807] {strides = array<i32>} : memref<3328x16xf32, #tpu.memory_space<vmem>>, vector<16xf32>,
      %swap3A_1809 = arith.constant 13 : i32
      %swap3A_1810 = arith.index_cast %swap3A_1809 : i32 to index
      %swap3A_1811 = arith.constant 64 : index
      %swap3A_1812 = tpu.vector_load %arg8[%swap3A_1810, %swap3A_1811] {strides = array<i32>} : memref<16x128xf32, #tpu.memory_space<vmem>>, vector<16xf32>,
      tpu.vector_store %arg8[%swap3A_1810, %swap3A_1811], %get3A_1808 {strides = array<i32>} : memref<16x128xf32, #tpu.memory_space<vmem>>, vector<16xf32>,
      %add3A_1813 = arith.constant 91 : i32
      %add3A_1814 = arith.addi %mul3A_993, %add3A_1813 : i32
      %get3A_1815 = arith.index_cast %add3A_1814 : i32 to index
      %get3A_1816 = arith.constant 0 : index
      %get3A_1817 = tpu.vector_load %arg6[%get3A_1815, %get3A_1816] {strides = array<i32>} : memref<3328x16xf32, #tpu.memory_space<vmem>>, vector<16xf32>,
      %swap3A_1818 = arith.constant 13 : i32
      %swap3A_1819 = arith.index_cast %swap3A_1818 : i32 to index
      %swap3A_1820 = arith.constant 80 : index
      %swap3A_1821 = tpu.vector_load %arg8[%swap3A_1819, %swap3A_1820] {strides = array<i32>} : memref<16x128xf32, #tpu.memory_space<vmem>>, vector<16xf32>,
      tpu.vector_store %arg8[%swap3A_1819, %swap3A_1820], %get3A_1817 {strides = array<i32>} : memref<16x128xf32, #tpu.memory_space<vmem>>, vector<16xf32>,
      %add3A_1822 = arith.constant 92 : i32
      %add3A_1823 = arith.addi %mul3A_993, %add3A_1822 : i32
      %get3A_1824 = arith.index_cast %add3A_1823 : i32 to index
      %get3A_1825 = arith.constant 0 : index
      %get3A_1826 = tpu.vector_load %arg6[%get3A_1824, %get3A_1825] {strides = array<i32>} : memref<3328x16xf32, #tpu.memory_space<vmem>>, vector<16xf32>,
      %swap3A_1827 = arith.constant 13 : i32
      %swap3A_1828 = arith.index_cast %swap3A_1827 : i32 to index
      %swap3A_1829 = arith.constant 96 : index
      %swap3A_1830 = tpu.vector_load %arg8[%swap3A_1828, %swap3A_1829] {strides = array<i32>} : memref<16x128xf32, #tpu.memory_space<vmem>>, vector<16xf32>,
      tpu.vector_store %arg8[%swap3A_1828, %swap3A_1829], %get3A_1826 {strides = array<i32>} : memref<16x128xf32, #tpu.memory_space<vmem>>, vector<16xf32>,
      %add3A_1831 = arith.constant 93 : i32
      %add3A_1832 = arith.addi %mul3A_993, %add3A_1831 : i32
      %get3A_1833 = arith.index_cast %add3A_1832 : i32 to index
      %get3A_1834 = arith.constant 0 : index
      %get3A_1835 = tpu.vector_load %arg6[%get3A_1833, %get3A_1834] {strides = array<i32>} : memref<3328x16xf32, #tpu.memory_space<vmem>>, vector<16xf32>,
      %swap3A_1836 = arith.constant 13 : i32
      %swap3A_1837 = arith.index_cast %swap3A_1836 : i32 to index
      %swap3A_1838 = arith.constant 112 : index
      %swap3A_1839 = tpu.vector_load %arg8[%swap3A_1837, %swap3A_1838] {strides = array<i32>} : memref<16x128xf32, #tpu.memory_space<vmem>>, vector<16xf32>,
      tpu.vector_store %arg8[%swap3A_1837, %swap3A_1838], %get3A_1835 {strides = array<i32>} : memref<16x128xf32, #tpu.memory_space<vmem>>, vector<16xf32>,
      %add3A_1840 = arith.constant 94 : i32
      %add3A_1841 = arith.addi %mul3A_993, %add3A_1840 : i32
      %get3A_1842 = arith.index_cast %add3A_1841 : i32 to index
      %get3A_1843 = arith.constant 0 : index
      %get3A_1844 = tpu.vector_load %arg6[%get3A_1842, %get3A_1843] {strides = array<i32>} : memref<3328x16xf32, #tpu.memory_space<vmem>>, vector<16xf32>,
      %swap3A_1845 = arith.constant 14 : i32
      %swap3A_1846 = arith.index_cast %swap3A_1845 : i32 to index
      %swap3A_1847 = arith.constant 0 : index
      %swap3A_1848 = tpu.vector_load %arg8[%swap3A_1846, %swap3A_1847] {strides = array<i32>} : memref<16x128xf32, #tpu.memory_space<vmem>>, vector<16xf32>,
      tpu.vector_store %arg8[%swap3A_1846, %swap3A_1847], %get3A_1844 {strides = array<i32>} : memref<16x128xf32, #tpu.memory_space<vmem>>, vector<16xf32>,
      %add3A_1849 = arith.constant 95 : i32
      %add3A_1850 = arith.addi %mul3A_993, %add3A_1849 : i32
      %get3A_1851 = arith.index_cast %add3A_1850 : i32 to index
      %get3A_1852 = arith.constant 0 : index
      %get3A_1853 = tpu.vector_load %arg6[%get3A_1851, %get3A_1852] {strides = array<i32>} : memref<3328x16xf32, #tpu.memory_space<vmem>>, vector<16xf32>,
      %swap3A_1854 = arith.constant 14 : i32
      %swap3A_1855 = arith.index_cast %swap3A_1854 : i32 to index
      %swap3A_1856 = arith.constant 16 : index
      %swap3A_1857 = tpu.vector_load %arg8[%swap3A_1855, %swap3A_1856] {strides = array<i32>} : memref<16x128xf32, #tpu.memory_space<vmem>>, vector<16xf32>,
      tpu.vector_store %arg8[%swap3A_1855, %swap3A_1856], %get3A_1853 {strides = array<i32>} : memref<16x128xf32, #tpu.memory_space<vmem>>, vector<16xf32>,
      %add3A_1858 = arith.constant 96 : i32
      %add3A_1859 = arith.addi %mul3A_993, %add3A_1858 : i32
      %get3A_1860 = arith.index_cast %add3A_1859 : i32 to index
      %get3A_1861 = arith.constant 0 : index
      %get3A_1862 = tpu.vector_load %arg6[%get3A_1860, %get3A_1861] {strides = array<i32>} : memref<3328x16xf32, #tpu.memory_space<vmem>>, vector<16xf32>,
      %swap3A_1863 = arith.constant 14 : i32
      %swap3A_1864 = arith.index_cast %swap3A_1863 : i32 to index
      %swap3A_1865 = arith.constant 32 : index
      %swap3A_1866 = tpu.vector_load %arg8[%swap3A_1864, %swap3A_1865] {strides = array<i32>} : memref<16x128xf32, #tpu.memory_space<vmem>>, vector<16xf32>,
      tpu.vector_store %arg8[%swap3A_1864, %swap3A_1865], %get3A_1862 {strides = array<i32>} : memref<16x128xf32, #tpu.memory_space<vmem>>, vector<16xf32>,
      %add3A_1867 = arith.constant 97 : i32
      %add3A_1868 = arith.addi %mul3A_993, %add3A_1867 : i32
      %get3A_1869 = arith.index_cast %add3A_1868 : i32 to index
      %get3A_1870 = arith.constant 0 : index
      %get3A_1871 = tpu.vector_load %arg6[%get3A_1869, %get3A_1870] {strides = array<i32>} : memref<3328x16xf32, #tpu.memory_space<vmem>>, vector<16xf32>,
      %swap3A_1872 = arith.constant 14 : i32
      %swap3A_1873 = arith.index_cast %swap3A_1872 : i32 to index
      %swap3A_1874 = arith.constant 48 : index
      %swap3A_1875 = tpu.vector_load %arg8[%swap3A_1873, %swap3A_1874] {strides = array<i32>} : memref<16x128xf32, #tpu.memory_space<vmem>>, vector<16xf32>,
      tpu.vector_store %arg8[%swap3A_1873, %swap3A_1874], %get3A_1871 {strides = array<i32>} : memref<16x128xf32, #tpu.memory_space<vmem>>, vector<16xf32>,
      %add3A_1876 = arith.constant 98 : i32
      %add3A_1877 = arith.addi %mul3A_993, %add3A_1876 : i32
      %get3A_1878 = arith.index_cast %add3A_1877 : i32 to index
      %get3A_1879 = arith.constant 0 : index
      %get3A_1880 = tpu.vector_load %arg6[%get3A_1878, %get3A_1879] {strides = array<i32>} : memref<3328x16xf32, #tpu.memory_space<vmem>>, vector<16xf32>,
      %swap3A_1881 = arith.constant 14 : i32
      %swap3A_1882 = arith.index_cast %swap3A_1881 : i32 to index
      %swap3A_1883 = arith.constant 64 : index
      %swap3A_1884 = tpu.vector_load %arg8[%swap3A_1882, %swap3A_1883] {strides = array<i32>} : memref<16x128xf32, #tpu.memory_space<vmem>>, vector<16xf32>,
      tpu.vector_store %arg8[%swap3A_1882, %swap3A_1883], %get3A_1880 {strides = array<i32>} : memref<16x128xf32, #tpu.memory_space<vmem>>, vector<16xf32>,
      %add3A_1885 = arith.constant 99 : i32
      %add3A_1886 = arith.addi %mul3A_993, %add3A_1885 : i32
      %get3A_1887 = arith.index_cast %add3A_1886 : i32 to index
      %get3A_1888 = arith.constant 0 : index
      %get3A_1889 = tpu.vector_load %arg6[%get3A_1887, %get3A_1888] {strides = array<i32>} : memref<3328x16xf32, #tpu.memory_space<vmem>>, vector<16xf32>,
      %swap3A_1890 = arith.constant 14 : i32
      %swap3A_1891 = arith.index_cast %swap3A_1890 : i32 to index
      %swap3A_1892 = arith.constant 80 : index
      %swap3A_1893 = tpu.vector_load %arg8[%swap3A_1891, %swap3A_1892] {strides = array<i32>} : memref<16x128xf32, #tpu.memory_space<vmem>>, vector<16xf32>,
      tpu.vector_store %arg8[%swap3A_1891, %swap3A_1892], %get3A_1889 {strides = array<i32>} : memref<16x128xf32, #tpu.memory_space<vmem>>, vector<16xf32>,
      %add3A_1894 = arith.constant 100 : i32
      %add3A_1895 = arith.addi %mul3A_993, %add3A_1894 : i32
      %get3A_1896 = arith.index_cast %add3A_1895 : i32 to index
      %get3A_1897 = arith.constant 0 : index
      %get3A_1898 = tpu.vector_load %arg6[%get3A_1896, %get3A_1897] {strides = array<i32>} : memref<3328x16xf32, #tpu.memory_space<vmem>>, vector<16xf32>,
      %swap3A_1899 = arith.constant 14 : i32
      %swap3A_1900 = arith.index_cast %swap3A_1899 : i32 to index
      %swap3A_1901 = arith.constant 96 : index
      %swap3A_1902 = tpu.vector_load %arg8[%swap3A_1900, %swap3A_1901] {strides = array<i32>} : memref<16x128xf32, #tpu.memory_space<vmem>>, vector<16xf32>,
      tpu.vector_store %arg8[%swap3A_1900, %swap3A_1901], %get3A_1898 {strides = array<i32>} : memref<16x128xf32, #tpu.memory_space<vmem>>, vector<16xf32>,
      %add3A_1903 = arith.constant 101 : i32
      %add3A_1904 = arith.addi %mul3A_993, %add3A_1903 : i32
      %get3A_1905 = arith.index_cast %add3A_1904 : i32 to index
      %get3A_1906 = arith.constant 0 : index
      %get3A_1907 = tpu.vector_load %arg6[%get3A_1905, %get3A_1906] {strides = array<i32>} : memref<3328x16xf32, #tpu.memory_space<vmem>>, vector<16xf32>,
      %swap3A_1908 = arith.constant 14 : i32
      %swap3A_1909 = arith.index_cast %swap3A_1908 : i32 to index
      %swap3A_1910 = arith.constant 112 : index
      %swap3A_1911 = tpu.vector_load %arg8[%swap3A_1909, %swap3A_1910] {strides = array<i32>} : memref<16x128xf32, #tpu.memory_space<vmem>>, vector<16xf32>,
      tpu.vector_store %arg8[%swap3A_1909, %swap3A_1910], %get3A_1907 {strides = array<i32>} : memref<16x128xf32, #tpu.memory_space<vmem>>, vector<16xf32>,
      %add3A_1912 = arith.constant 102 : i32
      %add3A_1913 = arith.addi %mul3A_993, %add3A_1912 : i32
      %get3A_1914 = arith.index_cast %add3A_1913 : i32 to index
      %get3A_1915 = arith.constant 0 : index
      %get3A_1916 = tpu.vector_load %arg6[%get3A_1914, %get3A_1915] {strides = array<i32>} : memref<3328x16xf32, #tpu.memory_space<vmem>>, vector<16xf32>,
      %swap3A_1917 = arith.constant 15 : i32
      %swap3A_1918 = arith.index_cast %swap3A_1917 : i32 to index
      %swap3A_1919 = arith.constant 0 : index
      %swap3A_1920 = tpu.vector_load %arg8[%swap3A_1918, %swap3A_1919] {strides = array<i32>} : memref<16x128xf32, #tpu.memory_space<vmem>>, vector<16xf32>,
      tpu.vector_store %arg8[%swap3A_1918, %swap3A_1919], %get3A_1916 {strides = array<i32>} : memref<16x128xf32, #tpu.memory_space<vmem>>, vector<16xf32>,
      %add3A_1921 = arith.constant 103 : i32
      %add3A_1922 = arith.addi %mul3A_993, %add3A_1921 : i32
      %get3A_1923 = arith.index_cast %add3A_1922 : i32 to index
      %get3A_1924 = arith.constant 0 : index
      %get3A_1925 = tpu.vector_load %arg6[%get3A_1923, %get3A_1924] {strides = array<i32>} : memref<3328x16xf32, #tpu.memory_space<vmem>>, vector<16xf32>,
      %swap3A_1926 = arith.constant 15 : i32
      %swap3A_1927 = arith.index_cast %swap3A_1926 : i32 to index
      %swap3A_1928 = arith.constant 16 : index
      %swap3A_1929 = tpu.vector_load %arg8[%swap3A_1927, %swap3A_1928] {strides = array<i32>} : memref<16x128xf32, #tpu.memory_space<vmem>>, vector<16xf32>,
      tpu.vector_store %arg8[%swap3A_1927, %swap3A_1928], %get3A_1925 {strides = array<i32>} : memref<16x128xf32, #tpu.memory_space<vmem>>, vector<16xf32>,
      %mul3A_1930 = arith.constant 16 : i32
      %mul3A_1931 = arith.muli %add3A_986, %mul3A_1930 : i32
      %dma_start3A_1932 = arith.constant 0 : i32
      %dma_start3A_1933 = tpu.memref_slice %arg4[%add3A, %mul3A_1931, %dma_start3A_1932] : memref<32x512x128xf32, #tpu.memory_space<hbm>> -> memref<1x16x128xf32, #tpu.memory_space<hbm>>
      %dma_start3A_1934 = tpu.memref_squeeze %dma_start3A_1933 : memref<1x16x128xf32, #tpu.memory_space<hbm>> -> memref<16x128xf32, #tpu.memory_space<hbm>>
      %dma_start3A_1935 = arith.constant 0 : i32
      %dma_start3A_1936 = tpu.memref_slice %arg4[%add3A, %mul3A_1931, %dma_start3A_1935] : memref<32x512x128xf32, #tpu.memory_space<hbm>> -> memref<1x16x128xf32, #tpu.memory_space<hbm>>
      %dma_start3A_1937 = tpu.memref_squeeze %dma_start3A_1936 : memref<1x16x128xf32, #tpu.memory_space<hbm>> -> memref<16x128xf32, #tpu.memory_space<hbm>>
      tpu.enqueue_dma source(%arg8 : memref<16x128xf32, #tpu.memory_space<vmem>>) target(%dma_start3A_1937 : memref<16x128xf32, #tpu.memory_space<hbm>>) target_semaphore(%arg10 : memref<!tpu.dma_semaphore, #tpu.memory_space<semaphore_mem>>)
    }
    %scan3A_16 = arith.constant 16 : i32
    %dma_wait3A_17 = arith.constant 0 : i32
    %dma_wait3A_18 = arith.constant 0 : i32
    %dma_wait3A_19 = tpu.memref_slice %arg4[%add3A, %dma_wait3A_17, %dma_wait3A_18] : memref<32x512x128xf32, #tpu.memory_space<hbm>> -> memref<1x16x128xf32, #tpu.memory_space<hbm>>
    %dma_wait3A_20 = tpu.memref_squeeze %dma_wait3A_19 : memref<1x16x128xf32, #tpu.memory_space<hbm>> -> memref<16x128xf32, #tpu.memory_space<hbm>>
    %dma_wait3A_21 = arith.constant 0 : i32
    %dma_wait3A_22 = arith.constant 0 : i32
    %dma_wait3A_23 = tpu.memref_slice %arg4[%add3A, %dma_wait3A_21, %dma_wait3A_22] : memref<32x512x128xf32, #tpu.memory_space<hbm>> -> memref<1x16x128xf32, #tpu.memory_space<hbm>>
    %dma_wait3A_24 = tpu.memref_squeeze %dma_wait3A_23 : memref<1x16x128xf32, #tpu.memory_space<hbm>> -> memref<16x128xf32, #tpu.memory_space<hbm>>
    tpu.wait_dma2 semaphore(%arg10 : memref<!tpu.dma_semaphore, #tpu.memory_space<semaphore_mem>>) src(%dma_wait3A_24 : memref<16x128xf32, #tpu.memory_space<hbm>>) dst(%arg7 : memref<16x128xf32, #tpu.memory_space<vmem>>)
    %dma_wait3A_25 = arith.constant 0 : i32
    %dma_wait3A_26 = arith.constant 0 : i32
    %dma_wait3A_27 = tpu.memref_slice %arg4[%add3A, %dma_wait3A_25, %dma_wait3A_26] : memref<32x512x128xf32, #tpu.memory_space<hbm>> -> memref<1x16x128xf32, #tpu.memory_space<hbm>>
    %dma_wait3A_28 = tpu.memref_squeeze %dma_wait3A_27 : memref<1x16x128xf32, #tpu.memory_space<hbm>> -> memref<16x128xf32, #tpu.memory_space<hbm>>
    %dma_wait3A_29 = arith.constant 0 : i32
    %dma_wait3A_30 = arith.constant 0 : i32
    %dma_wait3A_31 = tpu.memref_slice %arg4[%add3A, %dma_wait3A_29, %dma_wait3A_30] : memref<32x512x128xf32, #tpu.memory_space<hbm>> -> memref<1x16x128xf32, #tpu.memory_space<hbm>>
    %dma_wait3A_32 = tpu.memref_squeeze %dma_wait3A_31 : memref<1x16x128xf32, #tpu.memory_space<hbm>> -> memref<16x128xf32, #tpu.memory_space<hbm>>
    tpu.wait_dma2 semaphore(%arg10 : memref<!tpu.dma_semaphore, #tpu.memory_space<semaphore_mem>>) src(%dma_wait3A_32 : memref<16x128xf32, #tpu.memory_space<hbm>>) dst(%arg8 : memref<16x128xf32, #tpu.memory_space<vmem>>)
    return
  }
}

#map = affine_map<(d0, d1) -> (0, 0, 0)>
#map1 = affine_map<(d0, d1) -> (0, 0)>
module attributes {stable_mosaic.version = 14 : i64} {
  func.func @_sc_gather_body(%arg0: i32, %arg1: i32, %arg2: memref<32x32x104xi32, #tpu.memory_space<hbm>>, %arg3: memref<100000x16xf32, #tpu.memory_space<hbm>>, %arg4: memref<32x512x128xf32, #tpu.memory_space<hbm>>, %arg5: memref<32x104xi32, #tpu.memory_space<vmem>>, %arg6: memref<3328x16xf32, #tpu.memory_space<vmem>>, %arg7: memref<16x128xf32, #tpu.memory_space<vmem>>, %arg8: memref<16x128xf32, #tpu.memory_space<vmem>>, %arg9: memref<!tpu.dma_semaphore, #tpu.memory_space<semaphore_mem>>, %arg10: memref<!tpu.dma_semaphore, #tpu.memory_space<semaphore_mem>>) attributes {dimension_semantics = [#tpu.dimension_semantics<core_parallel>, #tpu.dimension_semantics<subcore_parallel>], iteration_bounds = array<i64: 2, 16>, scalar_prefetch = 0 : i64, scratch_operands = 6 : i64, tpu.core_type = #tpu.core_type<sc_vector_subcore>, window_params = [{transform_indices = #map}, {transform_indices = #map1}, {transform_indices = #map}]} {
    %mul3A = arith.constant 2 : i32
    %mul3A_0 = arith.muli %arg1, %mul3A : i32
    %add3A = arith.addi %mul3A_0, %arg0 : i32
    "tpu.region"() ({
      %run_scoped3A = tpu.sem_alloc : memref<!tpu.dma_semaphore, #tpu.memory_space<semaphore_mem>>
      %dma_start3A = arith.constant 0 : i32
      %dma_start3A_33 = arith.constant 0 : i32
      %dma_start3A_34 = tpu.memref_slice %arg2[%add3A, %dma_start3A, %dma_start3A_33] : memref<32x32x104xi32, #tpu.memory_space<hbm>> -> memref<1x32x104xi32, #tpu.memory_space<hbm>>
      %dma_start3A_35 = tpu.memref_squeeze %dma_start3A_34 : memref<1x32x104xi32, #tpu.memory_space<hbm>> -> memref<32x104xi32, #tpu.memory_space<hbm>>
      %dma_start3A_36 = arith.constant 0 : i32
      %dma_start3A_37 = arith.constant 0 : i32
      %dma_start3A_38 = tpu.memref_slice %arg2[%add3A, %dma_start3A_36, %dma_start3A_37] : memref<32x32x104xi32, #tpu.memory_space<hbm>> -> memref<1x32x104xi32, #tpu.memory_space<hbm>>
      %dma_start3A_39 = tpu.memref_squeeze %dma_start3A_38 : memref<1x32x104xi32, #tpu.memory_space<hbm>> -> memref<32x104xi32, #tpu.memory_space<hbm>>
      tpu.enqueue_dma source(%dma_start3A_39 : memref<32x104xi32, #tpu.memory_space<hbm>>) target(%arg5 : memref<32x104xi32, #tpu.memory_space<vmem>>) target_semaphore(%run_scoped3A : memref<!tpu.dma_semaphore, #tpu.memory_space<semaphore_mem>>)
      %dma_wait3A_40 = arith.constant 0 : i32
      %dma_wait3A_41 = arith.constant 0 : i32
      %dma_wait3A_42 = tpu.memref_slice %arg2[%add3A, %dma_wait3A_40, %dma_wait3A_41] : memref<32x32x104xi32, #tpu.memory_space<hbm>> -> memref<1x32x104xi32, #tpu.memory_space<hbm>>
      %dma_wait3A_43 = tpu.memref_squeeze %dma_wait3A_42 : memref<1x32x104xi32, #tpu.memory_space<hbm>> -> memref<32x104xi32, #tpu.memory_space<hbm>>
      %dma_wait3A_44 = arith.constant 0 : i32
      %dma_wait3A_45 = arith.constant 0 : i32
      %dma_wait3A_46 = tpu.memref_slice %arg2[%add3A, %dma_wait3A_44, %dma_wait3A_45] : memref<32x32x104xi32, #tpu.memory_space<hbm>> -> memref<1x32x104xi32, #tpu.memory_space<hbm>>
      %dma_wait3A_47 = tpu.memref_squeeze %dma_wait3A_46 : memref<1x32x104xi32, #tpu.memory_space<hbm>> -> memref<32x104xi32, #tpu.memory_space<hbm>>
      tpu.wait_dma2 semaphore(%run_scoped3A : memref<!tpu.dma_semaphore, #tpu.memory_space<semaphore_mem>>) src(%dma_wait3A_47 : memref<32x104xi32, #tpu.memory_space<hbm>>) dst(%arg5 : memref<32x104xi32, #tpu.memory_space<vmem>>)
      tpu.yield
    }) : () -> ()
    %scan3A = arith.constant 0 : i32
    %scan3A_1 = arith.constant 0 : i32
    %scan3A_2 = arith.constant 32 : i32
    %scan3A_3 = arith.addi %scan3A_1, %scan3A_2 : i32
    %scan3A_4 = arith.constant 1 : i32
    scf.for %scan3A_33 = %scan3A_1 to %scan3A_3 step %scan3A_4  : i32 {
      %mul3A_34 = arith.constant 104 : i32
      %mul3A_35 = arith.muli %scan3A_33, %mul3A_34 : i32
      %dma_start3A = arith.constant 0 : i32
      %dma_start3A_36 = tpu.memref_slice %arg6[%mul3A_35, %dma_start3A] : memref<3328x16xf32, #tpu.memory_space<vmem>> -> memref<104x16xf32, #tpu.memory_space<vmem>>
      %dma_start3A_37 = arith.constant 0 : i32
      %dma_start3A_38 = tpu.memref_slice %arg5[%scan3A_33, %dma_start3A_37] : memref<32x104xi32, #tpu.memory_space<vmem>> -> memref<1x104xi32, #tpu.memory_space<vmem>>
      %dma_start3A_39 = tpu.memref_squeeze %dma_start3A_38 : memref<1x104xi32, #tpu.memory_space<vmem>> -> memref<104xi32, #tpu.memory_space<vmem>>
      %dma_start3A_40 = arith.constant 0 : i32
      %dma_start3A_41 = arith.constant 0 : i32
      %dma_start3A_42 = tpu.memref_slice %arg3[%dma_start3A_40, %dma_start3A_41] : memref<100000x16xf32, #tpu.memory_space<hbm>> -> memref<100000x16xf32, #tpu.memory_space<hbm>>
      tpu.enqueue_indirect_dma source(%dma_start3A_42 : memref<100000x16xf32, #tpu.memory_space<hbm>>) target(%dma_start3A_36 : memref<104x16xf32, #tpu.memory_space<vmem>>) offsets(%dma_start3A_39 : memref<104xi32, #tpu.memory_space<vmem>>) semaphore(%arg9 : memref<!tpu.dma_semaphore, #tpu.memory_space<semaphore_mem>>)
    }
    %scan3A_5 = arith.constant 32 : i32
    %dma_wait3A = arith.constant 0 : i32
    %dma_wait3A_6 = arith.constant 0 : i32
    %dma_wait3A_7 = tpu.memref_slice %arg3[%dma_wait3A, %dma_wait3A_6] : memref<100000x16xf32, #tpu.memory_space<hbm>> -> memref<3328x16xf32, #tpu.memory_space<hbm>>
    %dma_wait3A_8 = arith.constant 0 : i32
    %dma_wait3A_9 = arith.constant 0 : i32
    %dma_wait3A_10 = tpu.memref_slice %arg3[%dma_wait3A_8, %dma_wait3A_9] : memref<100000x16xf32, #tpu.memory_space<hbm>> -> memref<3328x16xf32, #tpu.memory_space<hbm>>
    tpu.wait_dma2 semaphore(%arg9 : memref<!tpu.dma_semaphore, #tpu.memory_space<semaphore_mem>>) src(%dma_wait3A_10 : memref<3328x16xf32, #tpu.memory_space<hbm>>) dst(%arg6 : memref<3328x16xf32, #tpu.memory_space<vmem>>)
    %scan3A_11 = arith.constant 0 : i32
    %scan3A_12 = arith.constant 0 : i32
    %scan3A_13 = arith.constant 16 : i32
    %scan3A_14 = arith.addi %scan3A_12, %scan3A_13 : i32
    %scan3A_15 = arith.constant 1 : i32
    scf.for %scan3A_33 = %scan3A_12 to %scan3A_14 step %scan3A_15  : i32 {
      %mul3A_34 = arith.constant 2 : i32
      %mul3A_35 = arith.muli %mul3A_34, %scan3A_33 : i32
      %add3A_36 = arith.constant 0 : i32
      %add3A_37 = arith.addi %mul3A_35, %add3A_36 : i32
      %gt3A = arith.constant 0 : i32
      %gt3A_38 = arith.cmpi sgt, %scan3A_33, %gt3A : i32
      %convert_element_type3A = arith.extui %gt3A_38 : i1 to i32
      %cond3A = arith.constant 0 : i32
      %cond3A_39 = arith.cmpi ne, %convert_element_type3A, %cond3A : i32
      scf.if %cond3A_39 {
        %dma_wait3A_1938 = arith.constant 0 : i32
        %dma_wait3A_1939 = arith.constant 0 : i32
        %dma_wait3A_1940 = tpu.memref_slice %arg4[%add3A, %dma_wait3A_1938, %dma_wait3A_1939] : memref<32x512x128xf32, #tpu.memory_space<hbm>> -> memref<1x16x128xf32, #tpu.memory_space<hbm>>
        %dma_wait3A_1941 = tpu.memref_squeeze %dma_wait3A_1940 : memref<1x16x128xf32, #tpu.memory_space<hbm>> -> memref<16x128xf32, #tpu.memory_space<hbm>>
        %dma_wait3A_1942 = arith.constant 0 : i32
        %dma_wait3A_1943 = arith.constant 0 : i32
        %dma_wait3A_1944 = tpu.memref_slice %arg4[%add3A, %dma_wait3A_1942, %dma_wait3A_1943] : memref<32x512x128xf32, #tpu.memory_space<hbm>> -> memref<1x16x128xf32, #tpu.memory_space<hbm>>
        %dma_wait3A_1945 = tpu.memref_squeeze %dma_wait3A_1944 : memref<1x16x128xf32, #tpu.memory_space<hbm>> -> memref<16x128xf32, #tpu.memory_space<hbm>>
        tpu.wait_dma2 semaphore(%arg10 : memref<!tpu.dma_semaphore, #tpu.memory_space<semaphore_mem>>) src(%dma_wait3A_1945 : memref<16x128xf32, #tpu.memory_space<hbm>>) dst(%arg7 : memref<16x128xf32, #tpu.memory_space<vmem>>)
      } else {
      }
      %mul3A_40 = arith.constant 104 : i32
      %mul3A_41 = arith.muli %add3A_37, %mul3A_40 : i32
      %add3A_42 = arith.constant 0 : i32
      %add3A_43 = arith.addi %mul3A_41, %add3A_42 : i32
      %get3A = arith.index_cast %add3A_43 : i32 to index
      %get3A_44 = arith.constant 0 : index
      %get3A_45 = tpu.vector_load %arg6[%get3A, %get3A_44] {strides = array<i32>} : memref<3328x16xf32, #tpu.memory_space<vmem>>, vector<16xf32>,
      %swap3A = arith.constant 0 : i32
      %swap3A_46 = arith.index_cast %swap3A : i32 to index
      %swap3A_47 = arith.constant 0 : index
      %swap3A_48 = tpu.vector_load %arg7[%swap3A_46, %swap3A_47] {strides = array<i32>} : memref<16x128xf32, #tpu.memory_space<vmem>>, vector<16xf32>,
      tpu.vector_store %arg7[%swap3A_46, %swap3A_47], %get3A_45 {strides = array<i32>} : memref<16x128xf32, #tpu.memory_space<vmem>>, vector<16xf32>,
      %add3A_49 = arith.constant 1 : i32
      %add3A_50 = arith.addi %mul3A_41, %add3A_49 : i32
      %get3A_51 = arith.index_cast %add3A_50 : i32 to index
      %get3A_52 = arith.constant 0 : index
      %get3A_53 = tpu.vector_load %arg6[%get3A_51, %get3A_52] {strides = array<i32>} : memref<3328x16xf32, #tpu.memory_space<vmem>>, vector<16xf32>,
      %swap3A_54 = arith.constant 0 : i32
      %swap3A_55 = arith.index_cast %swap3A_54 : i32 to index
      %swap3A_56 = arith.constant 16 : index
      %swap3A_57 = tpu.vector_load %arg7[%swap3A_55, %swap3A_56] {strides = array<i32>} : memref<16x128xf32, #tpu.memory_space<vmem>>, vector<16xf32>,
      tpu.vector_store %arg7[%swap3A_55, %swap3A_56], %get3A_53 {strides = array<i32>} : memref<16x128xf32, #tpu.memory_space<vmem>>, vector<16xf32>,
      %add3A_58 = arith.constant 2 : i32
      %add3A_59 = arith.addi %mul3A_41, %add3A_58 : i32
      %get3A_60 = arith.index_cast %add3A_59 : i32 to index
      %get3A_61 = arith.constant 0 : index
      %get3A_62 = tpu.vector_load %arg6[%get3A_60, %get3A_61] {strides = array<i32>} : memref<3328x16xf32, #tpu.memory_space<vmem>>, vector<16xf32>,
      %swap3A_63 = arith.constant 0 : i32
      %swap3A_64 = arith.index_cast %swap3A_63 : i32 to index
      %swap3A_65 = arith.constant 32 : index
      %swap3A_66 = tpu.vector_load %arg7[%swap3A_64, %swap3A_65] {strides = array<i32>} : memref<16x128xf32, #tpu.memory_space<vmem>>, vector<16xf32>,
      tpu.vector_store %arg7[%swap3A_64, %swap3A_65], %get3A_62 {strides = array<i32>} : memref<16x128xf32, #tpu.memory_space<vmem>>, vector<16xf32>,
      %add3A_67 = arith.constant 3 : i32
      %add3A_68 = arith.addi %mul3A_41, %add3A_67 : i32
      %get3A_69 = arith.index_cast %add3A_68 : i32 to index
      %get3A_70 = arith.constant 0 : index
      %get3A_71 = tpu.vector_load %arg6[%get3A_69, %get3A_70] {strides = array<i32>} : memref<3328x16xf32, #tpu.memory_space<vmem>>, vector<16xf32>,
      %swap3A_72 = arith.constant 0 : i32
      %swap3A_73 = arith.index_cast %swap3A_72 : i32 to index
      %swap3A_74 = arith.constant 48 : index
      %swap3A_75 = tpu.vector_load %arg7[%swap3A_73, %swap3A_74] {strides = array<i32>} : memref<16x128xf32, #tpu.memory_space<vmem>>, vector<16xf32>,
      tpu.vector_store %arg7[%swap3A_73, %swap3A_74], %get3A_71 {strides = array<i32>} : memref<16x128xf32, #tpu.memory_space<vmem>>, vector<16xf32>,
      %add3A_76 = arith.constant 4 : i32
      %add3A_77 = arith.addi %mul3A_41, %add3A_76 : i32
      %get3A_78 = arith.index_cast %add3A_77 : i32 to index
      %get3A_79 = arith.constant 0 : index
      %get3A_80 = tpu.vector_load %arg6[%get3A_78, %get3A_79] {strides = array<i32>} : memref<3328x16xf32, #tpu.memory_space<vmem>>, vector<16xf32>,
      %swap3A_81 = arith.constant 0 : i32
      %swap3A_82 = arith.index_cast %swap3A_81 : i32 to index
      %swap3A_83 = arith.constant 64 : index
      %swap3A_84 = tpu.vector_load %arg7[%swap3A_82, %swap3A_83] {strides = array<i32>} : memref<16x128xf32, #tpu.memory_space<vmem>>, vector<16xf32>,
      tpu.vector_store %arg7[%swap3A_82, %swap3A_83], %get3A_80 {strides = array<i32>} : memref<16x128xf32, #tpu.memory_space<vmem>>, vector<16xf32>,
      %add3A_85 = arith.constant 5 : i32
      %add3A_86 = arith.addi %mul3A_41, %add3A_85 : i32
      %get3A_87 = arith.index_cast %add3A_86 : i32 to index
      %get3A_88 = arith.constant 0 : index
      %get3A_89 = tpu.vector_load %arg6[%get3A_87, %get3A_88] {strides = array<i32>} : memref<3328x16xf32, #tpu.memory_space<vmem>>, vector<16xf32>,
      %swap3A_90 = arith.constant 0 : i32
      %swap3A_91 = arith.index_cast %swap3A_90 : i32 to index
      %swap3A_92 = arith.constant 80 : index
      %swap3A_93 = tpu.vector_load %arg7[%swap3A_91, %swap3A_92] {strides = array<i32>} : memref<16x128xf32, #tpu.memory_space<vmem>>, vector<16xf32>,
      tpu.vector_store %arg7[%swap3A_91, %swap3A_92], %get3A_89 {strides = array<i32>} : memref<16x128xf32, #tpu.memory_space<vmem>>, vector<16xf32>,
      %add3A_94 = arith.constant 6 : i32
      %add3A_95 = arith.addi %mul3A_41, %add3A_94 : i32
      %get3A_96 = arith.index_cast %add3A_95 : i32 to index
      %get3A_97 = arith.constant 0 : index
      %get3A_98 = tpu.vector_load %arg6[%get3A_96, %get3A_97] {strides = array<i32>} : memref<3328x16xf32, #tpu.memory_space<vmem>>, vector<16xf32>,
      %swap3A_99 = arith.constant 0 : i32
      %swap3A_100 = arith.index_cast %swap3A_99 : i32 to index
      %swap3A_101 = arith.constant 96 : index
      %swap3A_102 = tpu.vector_load %arg7[%swap3A_100, %swap3A_101] {strides = array<i32>} : memref<16x128xf32, #tpu.memory_space<vmem>>, vector<16xf32>,
      tpu.vector_store %arg7[%swap3A_100, %swap3A_101], %get3A_98 {strides = array<i32>} : memref<16x128xf32, #tpu.memory_space<vmem>>, vector<16xf32>,
      %add3A_103 = arith.constant 7 : i32
      %add3A_104 = arith.addi %mul3A_41, %add3A_103 : i32
      %get3A_105 = arith.index_cast %add3A_104 : i32 to index
      %get3A_106 = arith.constant 0 : index
      %get3A_107 = tpu.vector_load %arg6[%get3A_105, %get3A_106] {strides = array<i32>} : memref<3328x16xf32, #tpu.memory_space<vmem>>, vector<16xf32>,
      %swap3A_108 = arith.constant 0 : i32
      %swap3A_109 = arith.index_cast %swap3A_108 : i32 to index
      %swap3A_110 = arith.constant 112 : index
      %swap3A_111 = tpu.vector_load %arg7[%swap3A_109, %swap3A_110] {strides = array<i32>} : memref<16x128xf32, #tpu.memory_space<vmem>>, vector<16xf32>,
      tpu.vector_store %arg7[%swap3A_109, %swap3A_110], %get3A_107 {strides = array<i32>} : memref<16x128xf32, #tpu.memory_space<vmem>>, vector<16xf32>,
      %add3A_112 = arith.constant 8 : i32
      %add3A_113 = arith.addi %mul3A_41, %add3A_112 : i32
      %get3A_114 = arith.index_cast %add3A_113 : i32 to index
      %get3A_115 = arith.constant 0 : index
      %get3A_116 = tpu.vector_load %arg6[%get3A_114, %get3A_115] {strides = array<i32>} : memref<3328x16xf32, #tpu.memory_space<vmem>>, vector<16xf32>,
      %swap3A_117 = arith.constant 1 : i32
      %swap3A_118 = arith.index_cast %swap3A_117 : i32 to index
      %swap3A_119 = arith.constant 0 : index
      %swap3A_120 = tpu.vector_load %arg7[%swap3A_118, %swap3A_119] {strides = array<i32>} : memref<16x128xf32, #tpu.memory_space<vmem>>, vector<16xf32>,
      tpu.vector_store %arg7[%swap3A_118, %swap3A_119], %get3A_116 {strides = array<i32>} : memref<16x128xf32, #tpu.memory_space<vmem>>, vector<16xf32>,
      %add3A_121 = arith.constant 9 : i32
      %add3A_122 = arith.addi %mul3A_41, %add3A_121 : i32
      %get3A_123 = arith.index_cast %add3A_122 : i32 to index
      %get3A_124 = arith.constant 0 : index
      %get3A_125 = tpu.vector_load %arg6[%get3A_123, %get3A_124] {strides = array<i32>} : memref<3328x16xf32, #tpu.memory_space<vmem>>, vector<16xf32>,
      %swap3A_126 = arith.constant 1 : i32
      %swap3A_127 = arith.index_cast %swap3A_126 : i32 to index
      %swap3A_128 = arith.constant 16 : index
      %swap3A_129 = tpu.vector_load %arg7[%swap3A_127, %swap3A_128] {strides = array<i32>} : memref<16x128xf32, #tpu.memory_space<vmem>>, vector<16xf32>,
      tpu.vector_store %arg7[%swap3A_127, %swap3A_128], %get3A_125 {strides = array<i32>} : memref<16x128xf32, #tpu.memory_space<vmem>>, vector<16xf32>,
      %add3A_130 = arith.constant 10 : i32
      %add3A_131 = arith.addi %mul3A_41, %add3A_130 : i32
      %get3A_132 = arith.index_cast %add3A_131 : i32 to index
      %get3A_133 = arith.constant 0 : index
      %get3A_134 = tpu.vector_load %arg6[%get3A_132, %get3A_133] {strides = array<i32>} : memref<3328x16xf32, #tpu.memory_space<vmem>>, vector<16xf32>,
      %swap3A_135 = arith.constant 1 : i32
      %swap3A_136 = arith.index_cast %swap3A_135 : i32 to index
      %swap3A_137 = arith.constant 32 : index
      %swap3A_138 = tpu.vector_load %arg7[%swap3A_136, %swap3A_137] {strides = array<i32>} : memref<16x128xf32, #tpu.memory_space<vmem>>, vector<16xf32>,
      tpu.vector_store %arg7[%swap3A_136, %swap3A_137], %get3A_134 {strides = array<i32>} : memref<16x128xf32, #tpu.memory_space<vmem>>, vector<16xf32>,
      %add3A_139 = arith.constant 11 : i32
      %add3A_140 = arith.addi %mul3A_41, %add3A_139 : i32
      %get3A_141 = arith.index_cast %add3A_140 : i32 to index
      %get3A_142 = arith.constant 0 : index
      %get3A_143 = tpu.vector_load %arg6[%get3A_141, %get3A_142] {strides = array<i32>} : memref<3328x16xf32, #tpu.memory_space<vmem>>, vector<16xf32>,
      %swap3A_144 = arith.constant 1 : i32
      %swap3A_145 = arith.index_cast %swap3A_144 : i32 to index
      %swap3A_146 = arith.constant 48 : index
      %swap3A_147 = tpu.vector_load %arg7[%swap3A_145, %swap3A_146] {strides = array<i32>} : memref<16x128xf32, #tpu.memory_space<vmem>>, vector<16xf32>,
      tpu.vector_store %arg7[%swap3A_145, %swap3A_146], %get3A_143 {strides = array<i32>} : memref<16x128xf32, #tpu.memory_space<vmem>>, vector<16xf32>,
      %add3A_148 = arith.constant 12 : i32
      %add3A_149 = arith.addi %mul3A_41, %add3A_148 : i32
      %get3A_150 = arith.index_cast %add3A_149 : i32 to index
      %get3A_151 = arith.constant 0 : index
      %get3A_152 = tpu.vector_load %arg6[%get3A_150, %get3A_151] {strides = array<i32>} : memref<3328x16xf32, #tpu.memory_space<vmem>>, vector<16xf32>,
      %swap3A_153 = arith.constant 1 : i32
      %swap3A_154 = arith.index_cast %swap3A_153 : i32 to index
      %swap3A_155 = arith.constant 64 : index
      %swap3A_156 = tpu.vector_load %arg7[%swap3A_154, %swap3A_155] {strides = array<i32>} : memref<16x128xf32, #tpu.memory_space<vmem>>, vector<16xf32>,
      tpu.vector_store %arg7[%swap3A_154, %swap3A_155], %get3A_152 {strides = array<i32>} : memref<16x128xf32, #tpu.memory_space<vmem>>, vector<16xf32>,
      %add3A_157 = arith.constant 13 : i32
      %add3A_158 = arith.addi %mul3A_41, %add3A_157 : i32
      %get3A_159 = arith.index_cast %add3A_158 : i32 to index
      %get3A_160 = arith.constant 0 : index
      %get3A_161 = tpu.vector_load %arg6[%get3A_159, %get3A_160] {strides = array<i32>} : memref<3328x16xf32, #tpu.memory_space<vmem>>, vector<16xf32>,
      %swap3A_162 = arith.constant 1 : i32
      %swap3A_163 = arith.index_cast %swap3A_162 : i32 to index
      %swap3A_164 = arith.constant 80 : index
      %swap3A_165 = tpu.vector_load %arg7[%swap3A_163, %swap3A_164] {strides = array<i32>} : memref<16x128xf32, #tpu.memory_space<vmem>>, vector<16xf32>,
      tpu.vector_store %arg7[%swap3A_163, %swap3A_164], %get3A_161 {strides = array<i32>} : memref<16x128xf32, #tpu.memory_space<vmem>>, vector<16xf32>,
      %add3A_166 = arith.constant 14 : i32
      %add3A_167 = arith.addi %mul3A_41, %add3A_166 : i32
      %get3A_168 = arith.index_cast %add3A_167 : i32 to index
      %get3A_169 = arith.constant 0 : index
      %get3A_170 = tpu.vector_load %arg6[%get3A_168, %get3A_169] {strides = array<i32>} : memref<3328x16xf32, #tpu.memory_space<vmem>>, vector<16xf32>,
      %swap3A_171 = arith.constant 1 : i32
      %swap3A_172 = arith.index_cast %swap3A_171 : i32 to index
      %swap3A_173 = arith.constant 96 : index
      %swap3A_174 = tpu.vector_load %arg7[%swap3A_172, %swap3A_173] {strides = array<i32>} : memref<16x128xf32, #tpu.memory_space<vmem>>, vector<16xf32>,
      tpu.vector_store %arg7[%swap3A_172, %swap3A_173], %get3A_170 {strides = array<i32>} : memref<16x128xf32, #tpu.memory_space<vmem>>, vector<16xf32>,
      %add3A_175 = arith.constant 15 : i32
      %add3A_176 = arith.addi %mul3A_41, %add3A_175 : i32
      %get3A_177 = arith.index_cast %add3A_176 : i32 to index
      %get3A_178 = arith.constant 0 : index
      %get3A_179 = tpu.vector_load %arg6[%get3A_177, %get3A_178] {strides = array<i32>} : memref<3328x16xf32, #tpu.memory_space<vmem>>, vector<16xf32>,
      %swap3A_180 = arith.constant 1 : i32
      %swap3A_181 = arith.index_cast %swap3A_180 : i32 to index
      %swap3A_182 = arith.constant 112 : index
      %swap3A_183 = tpu.vector_load %arg7[%swap3A_181, %swap3A_182] {strides = array<i32>} : memref<16x128xf32, #tpu.memory_space<vmem>>, vector<16xf32>,
      tpu.vector_store %arg7[%swap3A_181, %swap3A_182], %get3A_179 {strides = array<i32>} : memref<16x128xf32, #tpu.memory_space<vmem>>, vector<16xf32>,
      %add3A_184 = arith.constant 16 : i32
      %add3A_185 = arith.addi %mul3A_41, %add3A_184 : i32
      %get3A_186 = arith.index_cast %add3A_185 : i32 to index
      %get3A_187 = arith.constant 0 : index
      %get3A_188 = tpu.vector_load %arg6[%get3A_186, %get3A_187] {strides = array<i32>} : memref<3328x16xf32, #tpu.memory_space<vmem>>, vector<16xf32>,
      %swap3A_189 = arith.constant 2 : i32
      %swap3A_190 = arith.index_cast %swap3A_189 : i32 to index
      %swap3A_191 = arith.constant 0 : index
      %swap3A_192 = tpu.vector_load %arg7[%swap3A_190, %swap3A_191] {strides = array<i32>} : memref<16x128xf32, #tpu.memory_space<vmem>>, vector<16xf32>,
      tpu.vector_store %arg7[%swap3A_190, %swap3A_191], %get3A_188 {strides = array<i32>} : memref<16x128xf32, #tpu.memory_space<vmem>>, vector<16xf32>,
      %add3A_193 = arith.constant 17 : i32
      %add3A_194 = arith.addi %mul3A_41, %add3A_193 : i32
      %get3A_195 = arith.index_cast %add3A_194 : i32 to index
      %get3A_196 = arith.constant 0 : index
      %get3A_197 = tpu.vector_load %arg6[%get3A_195, %get3A_196] {strides = array<i32>} : memref<3328x16xf32, #tpu.memory_space<vmem>>, vector<16xf32>,
      %swap3A_198 = arith.constant 2 : i32
      %swap3A_199 = arith.index_cast %swap3A_198 : i32 to index
      %swap3A_200 = arith.constant 16 : index
      %swap3A_201 = tpu.vector_load %arg7[%swap3A_199, %swap3A_200] {strides = array<i32>} : memref<16x128xf32, #tpu.memory_space<vmem>>, vector<16xf32>,
      tpu.vector_store %arg7[%swap3A_199, %swap3A_200], %get3A_197 {strides = array<i32>} : memref<16x128xf32, #tpu.memory_space<vmem>>, vector<16xf32>,
      %add3A_202 = arith.constant 18 : i32
      %add3A_203 = arith.addi %mul3A_41, %add3A_202 : i32
      %get3A_204 = arith.index_cast %add3A_203 : i32 to index
      %get3A_205 = arith.constant 0 : index
      %get3A_206 = tpu.vector_load %arg6[%get3A_204, %get3A_205] {strides = array<i32>} : memref<3328x16xf32, #tpu.memory_space<vmem>>, vector<16xf32>,
      %swap3A_207 = arith.constant 2 : i32
      %swap3A_208 = arith.index_cast %swap3A_207 : i32 to index
      %swap3A_209 = arith.constant 32 : index
      %swap3A_210 = tpu.vector_load %arg7[%swap3A_208, %swap3A_209] {strides = array<i32>} : memref<16x128xf32, #tpu.memory_space<vmem>>, vector<16xf32>,
      tpu.vector_store %arg7[%swap3A_208, %swap3A_209], %get3A_206 {strides = array<i32>} : memref<16x128xf32, #tpu.memory_space<vmem>>, vector<16xf32>,
      %add3A_211 = arith.constant 19 : i32
      %add3A_212 = arith.addi %mul3A_41, %add3A_211 : i32
      %get3A_213 = arith.index_cast %add3A_212 : i32 to index
      %get3A_214 = arith.constant 0 : index
      %get3A_215 = tpu.vector_load %arg6[%get3A_213, %get3A_214] {strides = array<i32>} : memref<3328x16xf32, #tpu.memory_space<vmem>>, vector<16xf32>,
      %swap3A_216 = arith.constant 2 : i32
      %swap3A_217 = arith.index_cast %swap3A_216 : i32 to index
      %swap3A_218 = arith.constant 48 : index
      %swap3A_219 = tpu.vector_load %arg7[%swap3A_217, %swap3A_218] {strides = array<i32>} : memref<16x128xf32, #tpu.memory_space<vmem>>, vector<16xf32>,
      tpu.vector_store %arg7[%swap3A_217, %swap3A_218], %get3A_215 {strides = array<i32>} : memref<16x128xf32, #tpu.memory_space<vmem>>, vector<16xf32>,
      %add3A_220 = arith.constant 20 : i32
      %add3A_221 = arith.addi %mul3A_41, %add3A_220 : i32
      %get3A_222 = arith.index_cast %add3A_221 : i32 to index
      %get3A_223 = arith.constant 0 : index
      %get3A_224 = tpu.vector_load %arg6[%get3A_222, %get3A_223] {strides = array<i32>} : memref<3328x16xf32, #tpu.memory_space<vmem>>, vector<16xf32>,
      %swap3A_225 = arith.constant 2 : i32
      %swap3A_226 = arith.index_cast %swap3A_225 : i32 to index
      %swap3A_227 = arith.constant 64 : index
      %swap3A_228 = tpu.vector_load %arg7[%swap3A_226, %swap3A_227] {strides = array<i32>} : memref<16x128xf32, #tpu.memory_space<vmem>>, vector<16xf32>,
      tpu.vector_store %arg7[%swap3A_226, %swap3A_227], %get3A_224 {strides = array<i32>} : memref<16x128xf32, #tpu.memory_space<vmem>>, vector<16xf32>,
      %add3A_229 = arith.constant 21 : i32
      %add3A_230 = arith.addi %mul3A_41, %add3A_229 : i32
      %get3A_231 = arith.index_cast %add3A_230 : i32 to index
      %get3A_232 = arith.constant 0 : index
      %get3A_233 = tpu.vector_load %arg6[%get3A_231, %get3A_232] {strides = array<i32>} : memref<3328x16xf32, #tpu.memory_space<vmem>>, vector<16xf32>,
      %swap3A_234 = arith.constant 2 : i32
      %swap3A_235 = arith.index_cast %swap3A_234 : i32 to index
      %swap3A_236 = arith.constant 80 : index
      %swap3A_237 = tpu.vector_load %arg7[%swap3A_235, %swap3A_236] {strides = array<i32>} : memref<16x128xf32, #tpu.memory_space<vmem>>, vector<16xf32>,
      tpu.vector_store %arg7[%swap3A_235, %swap3A_236], %get3A_233 {strides = array<i32>} : memref<16x128xf32, #tpu.memory_space<vmem>>, vector<16xf32>,
      %add3A_238 = arith.constant 22 : i32
      %add3A_239 = arith.addi %mul3A_41, %add3A_238 : i32
      %get3A_240 = arith.index_cast %add3A_239 : i32 to index
      %get3A_241 = arith.constant 0 : index
      %get3A_242 = tpu.vector_load %arg6[%get3A_240, %get3A_241] {strides = array<i32>} : memref<3328x16xf32, #tpu.memory_space<vmem>>, vector<16xf32>,
      %swap3A_243 = arith.constant 2 : i32
      %swap3A_244 = arith.index_cast %swap3A_243 : i32 to index
      %swap3A_245 = arith.constant 96 : index
      %swap3A_246 = tpu.vector_load %arg7[%swap3A_244, %swap3A_245] {strides = array<i32>} : memref<16x128xf32, #tpu.memory_space<vmem>>, vector<16xf32>,
      tpu.vector_store %arg7[%swap3A_244, %swap3A_245], %get3A_242 {strides = array<i32>} : memref<16x128xf32, #tpu.memory_space<vmem>>, vector<16xf32>,
      %add3A_247 = arith.constant 23 : i32
      %add3A_248 = arith.addi %mul3A_41, %add3A_247 : i32
      %get3A_249 = arith.index_cast %add3A_248 : i32 to index
      %get3A_250 = arith.constant 0 : index
      %get3A_251 = tpu.vector_load %arg6[%get3A_249, %get3A_250] {strides = array<i32>} : memref<3328x16xf32, #tpu.memory_space<vmem>>, vector<16xf32>,
      %swap3A_252 = arith.constant 2 : i32
      %swap3A_253 = arith.index_cast %swap3A_252 : i32 to index
      %swap3A_254 = arith.constant 112 : index
      %swap3A_255 = tpu.vector_load %arg7[%swap3A_253, %swap3A_254] {strides = array<i32>} : memref<16x128xf32, #tpu.memory_space<vmem>>, vector<16xf32>,
      tpu.vector_store %arg7[%swap3A_253, %swap3A_254], %get3A_251 {strides = array<i32>} : memref<16x128xf32, #tpu.memory_space<vmem>>, vector<16xf32>,
      %add3A_256 = arith.constant 24 : i32
      %add3A_257 = arith.addi %mul3A_41, %add3A_256 : i32
      %get3A_258 = arith.index_cast %add3A_257 : i32 to index
      %get3A_259 = arith.constant 0 : index
      %get3A_260 = tpu.vector_load %arg6[%get3A_258, %get3A_259] {strides = array<i32>} : memref<3328x16xf32, #tpu.memory_space<vmem>>, vector<16xf32>,
      %swap3A_261 = arith.constant 3 : i32
      %swap3A_262 = arith.index_cast %swap3A_261 : i32 to index
      %swap3A_263 = arith.constant 0 : index
      %swap3A_264 = tpu.vector_load %arg7[%swap3A_262, %swap3A_263] {strides = array<i32>} : memref<16x128xf32, #tpu.memory_space<vmem>>, vector<16xf32>,
      tpu.vector_store %arg7[%swap3A_262, %swap3A_263], %get3A_260 {strides = array<i32>} : memref<16x128xf32, #tpu.memory_space<vmem>>, vector<16xf32>,
      %add3A_265 = arith.constant 25 : i32
      %add3A_266 = arith.addi %mul3A_41, %add3A_265 : i32
      %get3A_267 = arith.index_cast %add3A_266 : i32 to index
      %get3A_268 = arith.constant 0 : index
      %get3A_269 = tpu.vector_load %arg6[%get3A_267, %get3A_268] {strides = array<i32>} : memref<3328x16xf32, #tpu.memory_space<vmem>>, vector<16xf32>,
      %swap3A_270 = arith.constant 3 : i32
      %swap3A_271 = arith.index_cast %swap3A_270 : i32 to index
      %swap3A_272 = arith.constant 16 : index
      %swap3A_273 = tpu.vector_load %arg7[%swap3A_271, %swap3A_272] {strides = array<i32>} : memref<16x128xf32, #tpu.memory_space<vmem>>, vector<16xf32>,
      tpu.vector_store %arg7[%swap3A_271, %swap3A_272], %get3A_269 {strides = array<i32>} : memref<16x128xf32, #tpu.memory_space<vmem>>, vector<16xf32>,
      %add3A_274 = arith.constant 26 : i32
      %add3A_275 = arith.addi %mul3A_41, %add3A_274 : i32
      %get3A_276 = arith.index_cast %add3A_275 : i32 to index
      %get3A_277 = arith.constant 0 : index
      %get3A_278 = tpu.vector_load %arg6[%get3A_276, %get3A_277] {strides = array<i32>} : memref<3328x16xf32, #tpu.memory_space<vmem>>, vector<16xf32>,
      %swap3A_279 = arith.constant 4 : i32
      %swap3A_280 = arith.index_cast %swap3A_279 : i32 to index
      %swap3A_281 = arith.constant 0 : index
      %swap3A_282 = tpu.vector_load %arg7[%swap3A_280, %swap3A_281] {strides = array<i32>} : memref<16x128xf32, #tpu.memory_space<vmem>>, vector<16xf32>,
      tpu.vector_store %arg7[%swap3A_280, %swap3A_281], %get3A_278 {strides = array<i32>} : memref<16x128xf32, #tpu.memory_space<vmem>>, vector<16xf32>,
      %add3A_283 = arith.constant 27 : i32
      %add3A_284 = arith.addi %mul3A_41, %add3A_283 : i32
      %get3A_285 = arith.index_cast %add3A_284 : i32 to index
      %get3A_286 = arith.constant 0 : index
      %get3A_287 = tpu.vector_load %arg6[%get3A_285, %get3A_286] {strides = array<i32>} : memref<3328x16xf32, #tpu.memory_space<vmem>>, vector<16xf32>,
      %swap3A_288 = arith.constant 4 : i32
      %swap3A_289 = arith.index_cast %swap3A_288 : i32 to index
      %swap3A_290 = arith.constant 16 : index
      %swap3A_291 = tpu.vector_load %arg7[%swap3A_289, %swap3A_290] {strides = array<i32>} : memref<16x128xf32, #tpu.memory_space<vmem>>, vector<16xf32>,
      tpu.vector_store %arg7[%swap3A_289, %swap3A_290], %get3A_287 {strides = array<i32>} : memref<16x128xf32, #tpu.memory_space<vmem>>, vector<16xf32>,
      %add3A_292 = arith.constant 28 : i32
      %add3A_293 = arith.addi %mul3A_41, %add3A_292 : i32
      %get3A_294 = arith.index_cast %add3A_293 : i32 to index
      %get3A_295 = arith.constant 0 : index
      %get3A_296 = tpu.vector_load %arg6[%get3A_294, %get3A_295] {strides = array<i32>} : memref<3328x16xf32, #tpu.memory_space<vmem>>, vector<16xf32>,
      %swap3A_297 = arith.constant 4 : i32
      %swap3A_298 = arith.index_cast %swap3A_297 : i32 to index
      %swap3A_299 = arith.constant 32 : index
      %swap3A_300 = tpu.vector_load %arg7[%swap3A_298, %swap3A_299] {strides = array<i32>} : memref<16x128xf32, #tpu.memory_space<vmem>>, vector<16xf32>,
      tpu.vector_store %arg7[%swap3A_298, %swap3A_299], %get3A_296 {strides = array<i32>} : memref<16x128xf32, #tpu.memory_space<vmem>>, vector<16xf32>,
      %add3A_301 = arith.constant 29 : i32
      %add3A_302 = arith.addi %mul3A_41, %add3A_301 : i32
      %get3A_303 = arith.index_cast %add3A_302 : i32 to index
      %get3A_304 = arith.constant 0 : index
      %get3A_305 = tpu.vector_load %arg6[%get3A_303, %get3A_304] {strides = array<i32>} : memref<3328x16xf32, #tpu.memory_space<vmem>>, vector<16xf32>,
      %swap3A_306 = arith.constant 4 : i32
      %swap3A_307 = arith.index_cast %swap3A_306 : i32 to index
      %swap3A_308 = arith.constant 48 : index
      %swap3A_309 = tpu.vector_load %arg7[%swap3A_307, %swap3A_308] {strides = array<i32>} : memref<16x128xf32, #tpu.memory_space<vmem>>, vector<16xf32>,
      tpu.vector_store %arg7[%swap3A_307, %swap3A_308], %get3A_305 {strides = array<i32>} : memref<16x128xf32, #tpu.memory_space<vmem>>, vector<16xf32>,
      %add3A_310 = arith.constant 30 : i32
      %add3A_311 = arith.addi %mul3A_41, %add3A_310 : i32
      %get3A_312 = arith.index_cast %add3A_311 : i32 to index
      %get3A_313 = arith.constant 0 : index
      %get3A_314 = tpu.vector_load %arg6[%get3A_312, %get3A_313] {strides = array<i32>} : memref<3328x16xf32, #tpu.memory_space<vmem>>, vector<16xf32>,
      %swap3A_315 = arith.constant 4 : i32
      %swap3A_316 = arith.index_cast %swap3A_315 : i32 to index
      %swap3A_317 = arith.constant 64 : index
      %swap3A_318 = tpu.vector_load %arg7[%swap3A_316, %swap3A_317] {strides = array<i32>} : memref<16x128xf32, #tpu.memory_space<vmem>>, vector<16xf32>,
      tpu.vector_store %arg7[%swap3A_316, %swap3A_317], %get3A_314 {strides = array<i32>} : memref<16x128xf32, #tpu.memory_space<vmem>>, vector<16xf32>,
      %add3A_319 = arith.constant 31 : i32
      %add3A_320 = arith.addi %mul3A_41, %add3A_319 : i32
      %get3A_321 = arith.index_cast %add3A_320 : i32 to index
      %get3A_322 = arith.constant 0 : index
      %get3A_323 = tpu.vector_load %arg6[%get3A_321, %get3A_322] {strides = array<i32>} : memref<3328x16xf32, #tpu.memory_space<vmem>>, vector<16xf32>,
      %swap3A_324 = arith.constant 4 : i32
      %swap3A_325 = arith.index_cast %swap3A_324 : i32 to index
      %swap3A_326 = arith.constant 80 : index
      %swap3A_327 = tpu.vector_load %arg7[%swap3A_325, %swap3A_326] {strides = array<i32>} : memref<16x128xf32, #tpu.memory_space<vmem>>, vector<16xf32>,
      tpu.vector_store %arg7[%swap3A_325, %swap3A_326], %get3A_323 {strides = array<i32>} : memref<16x128xf32, #tpu.memory_space<vmem>>, vector<16xf32>,
      %add3A_328 = arith.constant 32 : i32
      %add3A_329 = arith.addi %mul3A_41, %add3A_328 : i32
      %get3A_330 = arith.index_cast %add3A_329 : i32 to index
      %get3A_331 = arith.constant 0 : index
      %get3A_332 = tpu.vector_load %arg6[%get3A_330, %get3A_331] {strides = array<i32>} : memref<3328x16xf32, #tpu.memory_space<vmem>>, vector<16xf32>,
      %swap3A_333 = arith.constant 4 : i32
      %swap3A_334 = arith.index_cast %swap3A_333 : i32 to index
      %swap3A_335 = arith.constant 96 : index
      %swap3A_336 = tpu.vector_load %arg7[%swap3A_334, %swap3A_335] {strides = array<i32>} : memref<16x128xf32, #tpu.memory_space<vmem>>, vector<16xf32>,
      tpu.vector_store %arg7[%swap3A_334, %swap3A_335], %get3A_332 {strides = array<i32>} : memref<16x128xf32, #tpu.memory_space<vmem>>, vector<16xf32>,
      %add3A_337 = arith.constant 33 : i32
      %add3A_338 = arith.addi %mul3A_41, %add3A_337 : i32
      %get3A_339 = arith.index_cast %add3A_338 : i32 to index
      %get3A_340 = arith.constant 0 : index
      %get3A_341 = tpu.vector_load %arg6[%get3A_339, %get3A_340] {strides = array<i32>} : memref<3328x16xf32, #tpu.memory_space<vmem>>, vector<16xf32>,
      %swap3A_342 = arith.constant 4 : i32
      %swap3A_343 = arith.index_cast %swap3A_342 : i32 to index
      %swap3A_344 = arith.constant 112 : index
      %swap3A_345 = tpu.vector_load %arg7[%swap3A_343, %swap3A_344] {strides = array<i32>} : memref<16x128xf32, #tpu.memory_space<vmem>>, vector<16xf32>,
      tpu.vector_store %arg7[%swap3A_343, %swap3A_344], %get3A_341 {strides = array<i32>} : memref<16x128xf32, #tpu.memory_space<vmem>>, vector<16xf32>,
      %add3A_346 = arith.constant 34 : i32
      %add3A_347 = arith.addi %mul3A_41, %add3A_346 : i32
      %get3A_348 = arith.index_cast %add3A_347 : i32 to index
      %get3A_349 = arith.constant 0 : index
      %get3A_350 = tpu.vector_load %arg6[%get3A_348, %get3A_349] {strides = array<i32>} : memref<3328x16xf32, #tpu.memory_space<vmem>>, vector<16xf32>,
      %swap3A_351 = arith.constant 5 : i32
      %swap3A_352 = arith.index_cast %swap3A_351 : i32 to index
      %swap3A_353 = arith.constant 0 : index
      %swap3A_354 = tpu.vector_load %arg7[%swap3A_352, %swap3A_353] {strides = array<i32>} : memref<16x128xf32, #tpu.memory_space<vmem>>, vector<16xf32>,
      tpu.vector_store %arg7[%swap3A_352, %swap3A_353], %get3A_350 {strides = array<i32>} : memref<16x128xf32, #tpu.memory_space<vmem>>, vector<16xf32>,
      %add3A_355 = arith.constant 35 : i32
      %add3A_356 = arith.addi %mul3A_41, %add3A_355 : i32
      %get3A_357 = arith.index_cast %add3A_356 : i32 to index
      %get3A_358 = arith.constant 0 : index
      %get3A_359 = tpu.vector_load %arg6[%get3A_357, %get3A_358] {strides = array<i32>} : memref<3328x16xf32, #tpu.memory_space<vmem>>, vector<16xf32>,
      %swap3A_360 = arith.constant 5 : i32
      %swap3A_361 = arith.index_cast %swap3A_360 : i32 to index
      %swap3A_362 = arith.constant 16 : index
      %swap3A_363 = tpu.vector_load %arg7[%swap3A_361, %swap3A_362] {strides = array<i32>} : memref<16x128xf32, #tpu.memory_space<vmem>>, vector<16xf32>,
      tpu.vector_store %arg7[%swap3A_361, %swap3A_362], %get3A_359 {strides = array<i32>} : memref<16x128xf32, #tpu.memory_space<vmem>>, vector<16xf32>,
      %add3A_364 = arith.constant 36 : i32
      %add3A_365 = arith.addi %mul3A_41, %add3A_364 : i32
      %get3A_366 = arith.index_cast %add3A_365 : i32 to index
      %get3A_367 = arith.constant 0 : index
      %get3A_368 = tpu.vector_load %arg6[%get3A_366, %get3A_367] {strides = array<i32>} : memref<3328x16xf32, #tpu.memory_space<vmem>>, vector<16xf32>,
      %swap3A_369 = arith.constant 5 : i32
      %swap3A_370 = arith.index_cast %swap3A_369 : i32 to index
      %swap3A_371 = arith.constant 32 : index
      %swap3A_372 = tpu.vector_load %arg7[%swap3A_370, %swap3A_371] {strides = array<i32>} : memref<16x128xf32, #tpu.memory_space<vmem>>, vector<16xf32>,
      tpu.vector_store %arg7[%swap3A_370, %swap3A_371], %get3A_368 {strides = array<i32>} : memref<16x128xf32, #tpu.memory_space<vmem>>, vector<16xf32>,
      %add3A_373 = arith.constant 37 : i32
      %add3A_374 = arith.addi %mul3A_41, %add3A_373 : i32
      %get3A_375 = arith.index_cast %add3A_374 : i32 to index
      %get3A_376 = arith.constant 0 : index
      %get3A_377 = tpu.vector_load %arg6[%get3A_375, %get3A_376] {strides = array<i32>} : memref<3328x16xf32, #tpu.memory_space<vmem>>, vector<16xf32>,
      %swap3A_378 = arith.constant 5 : i32
      %swap3A_379 = arith.index_cast %swap3A_378 : i32 to index
      %swap3A_380 = arith.constant 48 : index
      %swap3A_381 = tpu.vector_load %arg7[%swap3A_379, %swap3A_380] {strides = array<i32>} : memref<16x128xf32, #tpu.memory_space<vmem>>, vector<16xf32>,
      tpu.vector_store %arg7[%swap3A_379, %swap3A_380], %get3A_377 {strides = array<i32>} : memref<16x128xf32, #tpu.memory_space<vmem>>, vector<16xf32>,
      %add3A_382 = arith.constant 38 : i32
      %add3A_383 = arith.addi %mul3A_41, %add3A_382 : i32
      %get3A_384 = arith.index_cast %add3A_383 : i32 to index
      %get3A_385 = arith.constant 0 : index
      %get3A_386 = tpu.vector_load %arg6[%get3A_384, %get3A_385] {strides = array<i32>} : memref<3328x16xf32, #tpu.memory_space<vmem>>, vector<16xf32>,
      %swap3A_387 = arith.constant 5 : i32
      %swap3A_388 = arith.index_cast %swap3A_387 : i32 to index
      %swap3A_389 = arith.constant 64 : index
      %swap3A_390 = tpu.vector_load %arg7[%swap3A_388, %swap3A_389] {strides = array<i32>} : memref<16x128xf32, #tpu.memory_space<vmem>>, vector<16xf32>,
      tpu.vector_store %arg7[%swap3A_388, %swap3A_389], %get3A_386 {strides = array<i32>} : memref<16x128xf32, #tpu.memory_space<vmem>>, vector<16xf32>,
      %add3A_391 = arith.constant 39 : i32
      %add3A_392 = arith.addi %mul3A_41, %add3A_391 : i32
      %get3A_393 = arith.index_cast %add3A_392 : i32 to index
      %get3A_394 = arith.constant 0 : index
      %get3A_395 = tpu.vector_load %arg6[%get3A_393, %get3A_394] {strides = array<i32>} : memref<3328x16xf32, #tpu.memory_space<vmem>>, vector<16xf32>,
      %swap3A_396 = arith.constant 5 : i32
      %swap3A_397 = arith.index_cast %swap3A_396 : i32 to index
      %swap3A_398 = arith.constant 80 : index
      %swap3A_399 = tpu.vector_load %arg7[%swap3A_397, %swap3A_398] {strides = array<i32>} : memref<16x128xf32, #tpu.memory_space<vmem>>, vector<16xf32>,
      tpu.vector_store %arg7[%swap3A_397, %swap3A_398], %get3A_395 {strides = array<i32>} : memref<16x128xf32, #tpu.memory_space<vmem>>, vector<16xf32>,
      %add3A_400 = arith.constant 40 : i32
      %add3A_401 = arith.addi %mul3A_41, %add3A_400 : i32
      %get3A_402 = arith.index_cast %add3A_401 : i32 to index
      %get3A_403 = arith.constant 0 : index
      %get3A_404 = tpu.vector_load %arg6[%get3A_402, %get3A_403] {strides = array<i32>} : memref<3328x16xf32, #tpu.memory_space<vmem>>, vector<16xf32>,
      %swap3A_405 = arith.constant 5 : i32
      %swap3A_406 = arith.index_cast %swap3A_405 : i32 to index
      %swap3A_407 = arith.constant 96 : index
      %swap3A_408 = tpu.vector_load %arg7[%swap3A_406, %swap3A_407] {strides = array<i32>} : memref<16x128xf32, #tpu.memory_space<vmem>>, vector<16xf32>,
      tpu.vector_store %arg7[%swap3A_406, %swap3A_407], %get3A_404 {strides = array<i32>} : memref<16x128xf32, #tpu.memory_space<vmem>>, vector<16xf32>,
      %add3A_409 = arith.constant 41 : i32
      %add3A_410 = arith.addi %mul3A_41, %add3A_409 : i32
      %get3A_411 = arith.index_cast %add3A_410 : i32 to index
      %get3A_412 = arith.constant 0 : index
      %get3A_413 = tpu.vector_load %arg6[%get3A_411, %get3A_412] {strides = array<i32>} : memref<3328x16xf32, #tpu.memory_space<vmem>>, vector<16xf32>,
      %swap3A_414 = arith.constant 5 : i32
      %swap3A_415 = arith.index_cast %swap3A_414 : i32 to index
      %swap3A_416 = arith.constant 112 : index
      %swap3A_417 = tpu.vector_load %arg7[%swap3A_415, %swap3A_416] {strides = array<i32>} : memref<16x128xf32, #tpu.memory_space<vmem>>, vector<16xf32>,
      tpu.vector_store %arg7[%swap3A_415, %swap3A_416], %get3A_413 {strides = array<i32>} : memref<16x128xf32, #tpu.memory_space<vmem>>, vector<16xf32>,
      %add3A_418 = arith.constant 42 : i32
      %add3A_419 = arith.addi %mul3A_41, %add3A_418 : i32
      %get3A_420 = arith.index_cast %add3A_419 : i32 to index
      %get3A_421 = arith.constant 0 : index
      %get3A_422 = tpu.vector_load %arg6[%get3A_420, %get3A_421] {strides = array<i32>} : memref<3328x16xf32, #tpu.memory_space<vmem>>, vector<16xf32>,
      %swap3A_423 = arith.constant 6 : i32
      %swap3A_424 = arith.index_cast %swap3A_423 : i32 to index
      %swap3A_425 = arith.constant 0 : index
      %swap3A_426 = tpu.vector_load %arg7[%swap3A_424, %swap3A_425] {strides = array<i32>} : memref<16x128xf32, #tpu.memory_space<vmem>>, vector<16xf32>,
      tpu.vector_store %arg7[%swap3A_424, %swap3A_425], %get3A_422 {strides = array<i32>} : memref<16x128xf32, #tpu.memory_space<vmem>>, vector<16xf32>,
      %add3A_427 = arith.constant 43 : i32
      %add3A_428 = arith.addi %mul3A_41, %add3A_427 : i32
      %get3A_429 = arith.index_cast %add3A_428 : i32 to index
      %get3A_430 = arith.constant 0 : index
      %get3A_431 = tpu.vector_load %arg6[%get3A_429, %get3A_430] {strides = array<i32>} : memref<3328x16xf32, #tpu.memory_space<vmem>>, vector<16xf32>,
      %swap3A_432 = arith.constant 6 : i32
      %swap3A_433 = arith.index_cast %swap3A_432 : i32 to index
      %swap3A_434 = arith.constant 16 : index
      %swap3A_435 = tpu.vector_load %arg7[%swap3A_433, %swap3A_434] {strides = array<i32>} : memref<16x128xf32, #tpu.memory_space<vmem>>, vector<16xf32>,
      tpu.vector_store %arg7[%swap3A_433, %swap3A_434], %get3A_431 {strides = array<i32>} : memref<16x128xf32, #tpu.memory_space<vmem>>, vector<16xf32>,
      %add3A_436 = arith.constant 44 : i32
      %add3A_437 = arith.addi %mul3A_41, %add3A_436 : i32
      %get3A_438 = arith.index_cast %add3A_437 : i32 to index
      %get3A_439 = arith.constant 0 : index
      %get3A_440 = tpu.vector_load %arg6[%get3A_438, %get3A_439] {strides = array<i32>} : memref<3328x16xf32, #tpu.memory_space<vmem>>, vector<16xf32>,
      %swap3A_441 = arith.constant 6 : i32
      %swap3A_442 = arith.index_cast %swap3A_441 : i32 to index
      %swap3A_443 = arith.constant 32 : index
      %swap3A_444 = tpu.vector_load %arg7[%swap3A_442, %swap3A_443] {strides = array<i32>} : memref<16x128xf32, #tpu.memory_space<vmem>>, vector<16xf32>,
      tpu.vector_store %arg7[%swap3A_442, %swap3A_443], %get3A_440 {strides = array<i32>} : memref<16x128xf32, #tpu.memory_space<vmem>>, vector<16xf32>,
      %add3A_445 = arith.constant 45 : i32
      %add3A_446 = arith.addi %mul3A_41, %add3A_445 : i32
      %get3A_447 = arith.index_cast %add3A_446 : i32 to index
      %get3A_448 = arith.constant 0 : index
      %get3A_449 = tpu.vector_load %arg6[%get3A_447, %get3A_448] {strides = array<i32>} : memref<3328x16xf32, #tpu.memory_space<vmem>>, vector<16xf32>,
      %swap3A_450 = arith.constant 6 : i32
      %swap3A_451 = arith.index_cast %swap3A_450 : i32 to index
      %swap3A_452 = arith.constant 48 : index
      %swap3A_453 = tpu.vector_load %arg7[%swap3A_451, %swap3A_452] {strides = array<i32>} : memref<16x128xf32, #tpu.memory_space<vmem>>, vector<16xf32>,
      tpu.vector_store %arg7[%swap3A_451, %swap3A_452], %get3A_449 {strides = array<i32>} : memref<16x128xf32, #tpu.memory_space<vmem>>, vector<16xf32>,
      %add3A_454 = arith.constant 46 : i32
      %add3A_455 = arith.addi %mul3A_41, %add3A_454 : i32
      %get3A_456 = arith.index_cast %add3A_455 : i32 to index
      %get3A_457 = arith.constant 0 : index
      %get3A_458 = tpu.vector_load %arg6[%get3A_456, %get3A_457] {strides = array<i32>} : memref<3328x16xf32, #tpu.memory_space<vmem>>, vector<16xf32>,
      %swap3A_459 = arith.constant 6 : i32
      %swap3A_460 = arith.index_cast %swap3A_459 : i32 to index
      %swap3A_461 = arith.constant 64 : index
      %swap3A_462 = tpu.vector_load %arg7[%swap3A_460, %swap3A_461] {strides = array<i32>} : memref<16x128xf32, #tpu.memory_space<vmem>>, vector<16xf32>,
      tpu.vector_store %arg7[%swap3A_460, %swap3A_461], %get3A_458 {strides = array<i32>} : memref<16x128xf32, #tpu.memory_space<vmem>>, vector<16xf32>,
      %add3A_463 = arith.constant 47 : i32
      %add3A_464 = arith.addi %mul3A_41, %add3A_463 : i32
      %get3A_465 = arith.index_cast %add3A_464 : i32 to index
      %get3A_466 = arith.constant 0 : index
      %get3A_467 = tpu.vector_load %arg6[%get3A_465, %get3A_466] {strides = array<i32>} : memref<3328x16xf32, #tpu.memory_space<vmem>>, vector<16xf32>,
      %swap3A_468 = arith.constant 6 : i32
      %swap3A_469 = arith.index_cast %swap3A_468 : i32 to index
      %swap3A_470 = arith.constant 80 : index
      %swap3A_471 = tpu.vector_load %arg7[%swap3A_469, %swap3A_470] {strides = array<i32>} : memref<16x128xf32, #tpu.memory_space<vmem>>, vector<16xf32>,
      tpu.vector_store %arg7[%swap3A_469, %swap3A_470], %get3A_467 {strides = array<i32>} : memref<16x128xf32, #tpu.memory_space<vmem>>, vector<16xf32>,
      %add3A_472 = arith.constant 48 : i32
      %add3A_473 = arith.addi %mul3A_41, %add3A_472 : i32
      %get3A_474 = arith.index_cast %add3A_473 : i32 to index
      %get3A_475 = arith.constant 0 : index
      %get3A_476 = tpu.vector_load %arg6[%get3A_474, %get3A_475] {strides = array<i32>} : memref<3328x16xf32, #tpu.memory_space<vmem>>, vector<16xf32>,
      %swap3A_477 = arith.constant 6 : i32
      %swap3A_478 = arith.index_cast %swap3A_477 : i32 to index
      %swap3A_479 = arith.constant 96 : index
      %swap3A_480 = tpu.vector_load %arg7[%swap3A_478, %swap3A_479] {strides = array<i32>} : memref<16x128xf32, #tpu.memory_space<vmem>>, vector<16xf32>,
      tpu.vector_store %arg7[%swap3A_478, %swap3A_479], %get3A_476 {strides = array<i32>} : memref<16x128xf32, #tpu.memory_space<vmem>>, vector<16xf32>,
      %add3A_481 = arith.constant 49 : i32
      %add3A_482 = arith.addi %mul3A_41, %add3A_481 : i32
      %get3A_483 = arith.index_cast %add3A_482 : i32 to index
      %get3A_484 = arith.constant 0 : index
      %get3A_485 = tpu.vector_load %arg6[%get3A_483, %get3A_484] {strides = array<i32>} : memref<3328x16xf32, #tpu.memory_space<vmem>>, vector<16xf32>,
      %swap3A_486 = arith.constant 6 : i32
      %swap3A_487 = arith.index_cast %swap3A_486 : i32 to index
      %swap3A_488 = arith.constant 112 : index
      %swap3A_489 = tpu.vector_load %arg7[%swap3A_487, %swap3A_488] {strides = array<i32>} : memref<16x128xf32, #tpu.memory_space<vmem>>, vector<16xf32>,
      tpu.vector_store %arg7[%swap3A_487, %swap3A_488], %get3A_485 {strides = array<i32>} : memref<16x128xf32, #tpu.memory_space<vmem>>, vector<16xf32>,
      %add3A_490 = arith.constant 50 : i32
      %add3A_491 = arith.addi %mul3A_41, %add3A_490 : i32
      %get3A_492 = arith.index_cast %add3A_491 : i32 to index
      %get3A_493 = arith.constant 0 : index
      %get3A_494 = tpu.vector_load %arg6[%get3A_492, %get3A_493] {strides = array<i32>} : memref<3328x16xf32, #tpu.memory_space<vmem>>, vector<16xf32>,
      %swap3A_495 = arith.constant 7 : i32
      %swap3A_496 = arith.index_cast %swap3A_495 : i32 to index
      %swap3A_497 = arith.constant 0 : index
      %swap3A_498 = tpu.vector_load %arg7[%swap3A_496, %swap3A_497] {strides = array<i32>} : memref<16x128xf32, #tpu.memory_space<vmem>>, vector<16xf32>,
      tpu.vector_store %arg7[%swap3A_496, %swap3A_497], %get3A_494 {strides = array<i32>} : memref<16x128xf32, #tpu.memory_space<vmem>>, vector<16xf32>,
      %add3A_499 = arith.constant 51 : i32
      %add3A_500 = arith.addi %mul3A_41, %add3A_499 : i32
      %get3A_501 = arith.index_cast %add3A_500 : i32 to index
      %get3A_502 = arith.constant 0 : index
      %get3A_503 = tpu.vector_load %arg6[%get3A_501, %get3A_502] {strides = array<i32>} : memref<3328x16xf32, #tpu.memory_space<vmem>>, vector<16xf32>,
      %swap3A_504 = arith.constant 7 : i32
      %swap3A_505 = arith.index_cast %swap3A_504 : i32 to index
      %swap3A_506 = arith.constant 16 : index
      %swap3A_507 = tpu.vector_load %arg7[%swap3A_505, %swap3A_506] {strides = array<i32>} : memref<16x128xf32, #tpu.memory_space<vmem>>, vector<16xf32>,
      tpu.vector_store %arg7[%swap3A_505, %swap3A_506], %get3A_503 {strides = array<i32>} : memref<16x128xf32, #tpu.memory_space<vmem>>, vector<16xf32>,
      %add3A_508 = arith.constant 52 : i32
      %add3A_509 = arith.addi %mul3A_41, %add3A_508 : i32
      %get3A_510 = arith.index_cast %add3A_509 : i32 to index
      %get3A_511 = arith.constant 0 : index
      %get3A_512 = tpu.vector_load %arg6[%get3A_510, %get3A_511] {strides = array<i32>} : memref<3328x16xf32, #tpu.memory_space<vmem>>, vector<16xf32>,
      %swap3A_513 = arith.constant 8 : i32
      %swap3A_514 = arith.index_cast %swap3A_513 : i32 to index
      %swap3A_515 = arith.constant 0 : index
      %swap3A_516 = tpu.vector_load %arg7[%swap3A_514, %swap3A_515] {strides = array<i32>} : memref<16x128xf32, #tpu.memory_space<vmem>>, vector<16xf32>,
      tpu.vector_store %arg7[%swap3A_514, %swap3A_515], %get3A_512 {strides = array<i32>} : memref<16x128xf32, #tpu.memory_space<vmem>>, vector<16xf32>,
      %add3A_517 = arith.constant 53 : i32
      %add3A_518 = arith.addi %mul3A_41, %add3A_517 : i32
      %get3A_519 = arith.index_cast %add3A_518 : i32 to index
      %get3A_520 = arith.constant 0 : index
      %get3A_521 = tpu.vector_load %arg6[%get3A_519, %get3A_520] {strides = array<i32>} : memref<3328x16xf32, #tpu.memory_space<vmem>>, vector<16xf32>,
      %swap3A_522 = arith.constant 8 : i32
      %swap3A_523 = arith.index_cast %swap3A_522 : i32 to index
      %swap3A_524 = arith.constant 16 : index
      %swap3A_525 = tpu.vector_load %arg7[%swap3A_523, %swap3A_524] {strides = array<i32>} : memref<16x128xf32, #tpu.memory_space<vmem>>, vector<16xf32>,
      tpu.vector_store %arg7[%swap3A_523, %swap3A_524], %get3A_521 {strides = array<i32>} : memref<16x128xf32, #tpu.memory_space<vmem>>, vector<16xf32>,
      %add3A_526 = arith.constant 54 : i32
      %add3A_527 = arith.addi %mul3A_41, %add3A_526 : i32
      %get3A_528 = arith.index_cast %add3A_527 : i32 to index
      %get3A_529 = arith.constant 0 : index
      %get3A_530 = tpu.vector_load %arg6[%get3A_528, %get3A_529] {strides = array<i32>} : memref<3328x16xf32, #tpu.memory_space<vmem>>, vector<16xf32>,
      %swap3A_531 = arith.constant 8 : i32
      %swap3A_532 = arith.index_cast %swap3A_531 : i32 to index
      %swap3A_533 = arith.constant 32 : index
      %swap3A_534 = tpu.vector_load %arg7[%swap3A_532, %swap3A_533] {strides = array<i32>} : memref<16x128xf32, #tpu.memory_space<vmem>>, vector<16xf32>,
      tpu.vector_store %arg7[%swap3A_532, %swap3A_533], %get3A_530 {strides = array<i32>} : memref<16x128xf32, #tpu.memory_space<vmem>>, vector<16xf32>,
      %add3A_535 = arith.constant 55 : i32
      %add3A_536 = arith.addi %mul3A_41, %add3A_535 : i32
      %get3A_537 = arith.index_cast %add3A_536 : i32 to index
      %get3A_538 = arith.constant 0 : index
      %get3A_539 = tpu.vector_load %arg6[%get3A_537, %get3A_538] {strides = array<i32>} : memref<3328x16xf32, #tpu.memory_space<vmem>>, vector<16xf32>,
      %swap3A_540 = arith.constant 8 : i32
      %swap3A_541 = arith.index_cast %swap3A_540 : i32 to index
      %swap3A_542 = arith.constant 48 : index
      %swap3A_543 = tpu.vector_load %arg7[%swap3A_541, %swap3A_542] {strides = array<i32>} : memref<16x128xf32, #tpu.memory_space<vmem>>, vector<16xf32>,
      tpu.vector_store %arg7[%swap3A_541, %swap3A_542], %get3A_539 {strides = array<i32>} : memref<16x128xf32, #tpu.memory_space<vmem>>, vector<16xf32>,
      %add3A_544 = arith.constant 56 : i32
      %add3A_545 = arith.addi %mul3A_41, %add3A_544 : i32
      %get3A_546 = arith.index_cast %add3A_545 : i32 to index
      %get3A_547 = arith.constant 0 : index
      %get3A_548 = tpu.vector_load %arg6[%get3A_546, %get3A_547] {strides = array<i32>} : memref<3328x16xf32, #tpu.memory_space<vmem>>, vector<16xf32>,
      %swap3A_549 = arith.constant 8 : i32
      %swap3A_550 = arith.index_cast %swap3A_549 : i32 to index
      %swap3A_551 = arith.constant 64 : index
      %swap3A_552 = tpu.vector_load %arg7[%swap3A_550, %swap3A_551] {strides = array<i32>} : memref<16x128xf32, #tpu.memory_space<vmem>>, vector<16xf32>,
      tpu.vector_store %arg7[%swap3A_550, %swap3A_551], %get3A_548 {strides = array<i32>} : memref<16x128xf32, #tpu.memory_space<vmem>>, vector<16xf32>,
      %add3A_553 = arith.constant 57 : i32
      %add3A_554 = arith.addi %mul3A_41, %add3A_553 : i32
      %get3A_555 = arith.index_cast %add3A_554 : i32 to index
      %get3A_556 = arith.constant 0 : index
      %get3A_557 = tpu.vector_load %arg6[%get3A_555, %get3A_556] {strides = array<i32>} : memref<3328x16xf32, #tpu.memory_space<vmem>>, vector<16xf32>,
      %swap3A_558 = arith.constant 8 : i32
      %swap3A_559 = arith.index_cast %swap3A_558 : i32 to index
      %swap3A_560 = arith.constant 80 : index
      %swap3A_561 = tpu.vector_load %arg7[%swap3A_559, %swap3A_560] {strides = array<i32>} : memref<16x128xf32, #tpu.memory_space<vmem>>, vector<16xf32>,
      tpu.vector_store %arg7[%swap3A_559, %swap3A_560], %get3A_557 {strides = array<i32>} : memref<16x128xf32, #tpu.memory_space<vmem>>, vector<16xf32>,
      %add3A_562 = arith.constant 58 : i32
      %add3A_563 = arith.addi %mul3A_41, %add3A_562 : i32
      %get3A_564 = arith.index_cast %add3A_563 : i32 to index
      %get3A_565 = arith.constant 0 : index
      %get3A_566 = tpu.vector_load %arg6[%get3A_564, %get3A_565] {strides = array<i32>} : memref<3328x16xf32, #tpu.memory_space<vmem>>, vector<16xf32>,
      %swap3A_567 = arith.constant 8 : i32
      %swap3A_568 = arith.index_cast %swap3A_567 : i32 to index
      %swap3A_569 = arith.constant 96 : index
      %swap3A_570 = tpu.vector_load %arg7[%swap3A_568, %swap3A_569] {strides = array<i32>} : memref<16x128xf32, #tpu.memory_space<vmem>>, vector<16xf32>,
      tpu.vector_store %arg7[%swap3A_568, %swap3A_569], %get3A_566 {strides = array<i32>} : memref<16x128xf32, #tpu.memory_space<vmem>>, vector<16xf32>,
      %add3A_571 = arith.constant 59 : i32
      %add3A_572 = arith.addi %mul3A_41, %add3A_571 : i32
      %get3A_573 = arith.index_cast %add3A_572 : i32 to index
      %get3A_574 = arith.constant 0 : index
      %get3A_575 = tpu.vector_load %arg6[%get3A_573, %get3A_574] {strides = array<i32>} : memref<3328x16xf32, #tpu.memory_space<vmem>>, vector<16xf32>,
      %swap3A_576 = arith.constant 8 : i32
      %swap3A_577 = arith.index_cast %swap3A_576 : i32 to index
      %swap3A_578 = arith.constant 112 : index
      %swap3A_579 = tpu.vector_load %arg7[%swap3A_577, %swap3A_578] {strides = array<i32>} : memref<16x128xf32, #tpu.memory_space<vmem>>, vector<16xf32>,
      tpu.vector_store %arg7[%swap3A_577, %swap3A_578], %get3A_575 {strides = array<i32>} : memref<16x128xf32, #tpu.memory_space<vmem>>, vector<16xf32>,
      %add3A_580 = arith.constant 60 : i32
      %add3A_581 = arith.addi %mul3A_41, %add3A_580 : i32
      %get3A_582 = arith.index_cast %add3A_581 : i32 to index
      %get3A_583 = arith.constant 0 : index
      %get3A_584 = tpu.vector_load %arg6[%get3A_582, %get3A_583] {strides = array<i32>} : memref<3328x16xf32, #tpu.memory_space<vmem>>, vector<16xf32>,
      %swap3A_585 = arith.constant 9 : i32
      %swap3A_586 = arith.index_cast %swap3A_585 : i32 to index
      %swap3A_587 = arith.constant 0 : index
      %swap3A_588 = tpu.vector_load %arg7[%swap3A_586, %swap3A_587] {strides = array<i32>} : memref<16x128xf32, #tpu.memory_space<vmem>>, vector<16xf32>,
      tpu.vector_store %arg7[%swap3A_586, %swap3A_587], %get3A_584 {strides = array<i32>} : memref<16x128xf32, #tpu.memory_space<vmem>>, vector<16xf32>,
      %add3A_589 = arith.constant 61 : i32
      %add3A_590 = arith.addi %mul3A_41, %add3A_589 : i32
      %get3A_591 = arith.index_cast %add3A_590 : i32 to index
      %get3A_592 = arith.constant 0 : index
      %get3A_593 = tpu.vector_load %arg6[%get3A_591, %get3A_592] {strides = array<i32>} : memref<3328x16xf32, #tpu.memory_space<vmem>>, vector<16xf32>,
      %swap3A_594 = arith.constant 9 : i32
      %swap3A_595 = arith.index_cast %swap3A_594 : i32 to index
      %swap3A_596 = arith.constant 16 : index
      %swap3A_597 = tpu.vector_load %arg7[%swap3A_595, %swap3A_596] {strides = array<i32>} : memref<16x128xf32, #tpu.memory_space<vmem>>, vector<16xf32>,
      tpu.vector_store %arg7[%swap3A_595, %swap3A_596], %get3A_593 {strides = array<i32>} : memref<16x128xf32, #tpu.memory_space<vmem>>, vector<16xf32>,
      %add3A_598 = arith.constant 62 : i32
      %add3A_599 = arith.addi %mul3A_41, %add3A_598 : i32
      %get3A_600 = arith.index_cast %add3A_599 : i32 to index
      %get3A_601 = arith.constant 0 : index
      %get3A_602 = tpu.vector_load %arg6[%get3A_600, %get3A_601] {strides = array<i32>} : memref<3328x16xf32, #tpu.memory_space<vmem>>, vector<16xf32>,
      %swap3A_603 = arith.constant 9 : i32
      %swap3A_604 = arith.index_cast %swap3A_603 : i32 to index
      %swap3A_605 = arith.constant 32 : index
      %swap3A_606 = tpu.vector_load %arg7[%swap3A_604, %swap3A_605] {strides = array<i32>} : memref<16x128xf32, #tpu.memory_space<vmem>>, vector<16xf32>,
      tpu.vector_store %arg7[%swap3A_604, %swap3A_605], %get3A_602 {strides = array<i32>} : memref<16x128xf32, #tpu.memory_space<vmem>>, vector<16xf32>,
      %add3A_607 = arith.constant 63 : i32
      %add3A_608 = arith.addi %mul3A_41, %add3A_607 : i32
      %get3A_609 = arith.index_cast %add3A_608 : i32 to index
      %get3A_610 = arith.constant 0 : index
      %get3A_611 = tpu.vector_load %arg6[%get3A_609, %get3A_610] {strides = array<i32>} : memref<3328x16xf32, #tpu.memory_space<vmem>>, vector<16xf32>,
      %swap3A_612 = arith.constant 9 : i32
      %swap3A_613 = arith.index_cast %swap3A_612 : i32 to index
      %swap3A_614 = arith.constant 48 : index
      %swap3A_615 = tpu.vector_load %arg7[%swap3A_613, %swap3A_614] {strides = array<i32>} : memref<16x128xf32, #tpu.memory_space<vmem>>, vector<16xf32>,
      tpu.vector_store %arg7[%swap3A_613, %swap3A_614], %get3A_611 {strides = array<i32>} : memref<16x128xf32, #tpu.memory_space<vmem>>, vector<16xf32>,
      %add3A_616 = arith.constant 64 : i32
      %add3A_617 = arith.addi %mul3A_41, %add3A_616 : i32
      %get3A_618 = arith.index_cast %add3A_617 : i32 to index
      %get3A_619 = arith.constant 0 : index
      %get3A_620 = tpu.vector_load %arg6[%get3A_618, %get3A_619] {strides = array<i32>} : memref<3328x16xf32, #tpu.memory_space<vmem>>, vector<16xf32>,
      %swap3A_621 = arith.constant 9 : i32
      %swap3A_622 = arith.index_cast %swap3A_621 : i32 to index
      %swap3A_623 = arith.constant 64 : index
      %swap3A_624 = tpu.vector_load %arg7[%swap3A_622, %swap3A_623] {strides = array<i32>} : memref<16x128xf32, #tpu.memory_space<vmem>>, vector<16xf32>,
      tpu.vector_store %arg7[%swap3A_622, %swap3A_623], %get3A_620 {strides = array<i32>} : memref<16x128xf32, #tpu.memory_space<vmem>>, vector<16xf32>,
      %add3A_625 = arith.constant 65 : i32
      %add3A_626 = arith.addi %mul3A_41, %add3A_625 : i32
      %get3A_627 = arith.index_cast %add3A_626 : i32 to index
      %get3A_628 = arith.constant 0 : index
      %get3A_629 = tpu.vector_load %arg6[%get3A_627, %get3A_628] {strides = array<i32>} : memref<3328x16xf32, #tpu.memory_space<vmem>>, vector<16xf32>,
      %swap3A_630 = arith.constant 9 : i32
      %swap3A_631 = arith.index_cast %swap3A_630 : i32 to index
      %swap3A_632 = arith.constant 80 : index
      %swap3A_633 = tpu.vector_load %arg7[%swap3A_631, %swap3A_632] {strides = array<i32>} : memref<16x128xf32, #tpu.memory_space<vmem>>, vector<16xf32>,
      tpu.vector_store %arg7[%swap3A_631, %swap3A_632], %get3A_629 {strides = array<i32>} : memref<16x128xf32, #tpu.memory_space<vmem>>, vector<16xf32>,
      %add3A_634 = arith.constant 66 : i32
      %add3A_635 = arith.addi %mul3A_41, %add3A_634 : i32
      %get3A_636 = arith.index_cast %add3A_635 : i32 to index
      %get3A_637 = arith.constant 0 : index
      %get3A_638 = tpu.vector_load %arg6[%get3A_636, %get3A_637] {strides = array<i32>} : memref<3328x16xf32, #tpu.memory_space<vmem>>, vector<16xf32>,
      %swap3A_639 = arith.constant 9 : i32
      %swap3A_640 = arith.index_cast %swap3A_639 : i32 to index
      %swap3A_641 = arith.constant 96 : index
      %swap3A_642 = tpu.vector_load %arg7[%swap3A_640, %swap3A_641] {strides = array<i32>} : memref<16x128xf32, #tpu.memory_space<vmem>>, vector<16xf32>,
      tpu.vector_store %arg7[%swap3A_640, %swap3A_641], %get3A_638 {strides = array<i32>} : memref<16x128xf32, #tpu.memory_space<vmem>>, vector<16xf32>,
      %add3A_643 = arith.constant 67 : i32
      %add3A_644 = arith.addi %mul3A_41, %add3A_643 : i32
      %get3A_645 = arith.index_cast %add3A_644 : i32 to index
      %get3A_646 = arith.constant 0 : index
      %get3A_647 = tpu.vector_load %arg6[%get3A_645, %get3A_646] {strides = array<i32>} : memref<3328x16xf32, #tpu.memory_space<vmem>>, vector<16xf32>,
      %swap3A_648 = arith.constant 9 : i32
      %swap3A_649 = arith.index_cast %swap3A_648 : i32 to index
      %swap3A_650 = arith.constant 112 : index
      %swap3A_651 = tpu.vector_load %arg7[%swap3A_649, %swap3A_650] {strides = array<i32>} : memref<16x128xf32, #tpu.memory_space<vmem>>, vector<16xf32>,
      tpu.vector_store %arg7[%swap3A_649, %swap3A_650], %get3A_647 {strides = array<i32>} : memref<16x128xf32, #tpu.memory_space<vmem>>, vector<16xf32>,
      %add3A_652 = arith.constant 68 : i32
      %add3A_653 = arith.addi %mul3A_41, %add3A_652 : i32
      %get3A_654 = arith.index_cast %add3A_653 : i32 to index
      %get3A_655 = arith.constant 0 : index
      %get3A_656 = tpu.vector_load %arg6[%get3A_654, %get3A_655] {strides = array<i32>} : memref<3328x16xf32, #tpu.memory_space<vmem>>, vector<16xf32>,
      %swap3A_657 = arith.constant 10 : i32
      %swap3A_658 = arith.index_cast %swap3A_657 : i32 to index
      %swap3A_659 = arith.constant 0 : index
      %swap3A_660 = tpu.vector_load %arg7[%swap3A_658, %swap3A_659] {strides = array<i32>} : memref<16x128xf32, #tpu.memory_space<vmem>>, vector<16xf32>,
      tpu.vector_store %arg7[%swap3A_658, %swap3A_659], %get3A_656 {strides = array<i32>} : memref<16x128xf32, #tpu.memory_space<vmem>>, vector<16xf32>,
      %add3A_661 = arith.constant 69 : i32
      %add3A_662 = arith.addi %mul3A_41, %add3A_661 : i32
      %get3A_663 = arith.index_cast %add3A_662 : i32 to index
      %get3A_664 = arith.constant 0 : index
      %get3A_665 = tpu.vector_load %arg6[%get3A_663, %get3A_664] {strides = array<i32>} : memref<3328x16xf32, #tpu.memory_space<vmem>>, vector<16xf32>,
      %swap3A_666 = arith.constant 10 : i32
      %swap3A_667 = arith.index_cast %swap3A_666 : i32 to index
      %swap3A_668 = arith.constant 16 : index
      %swap3A_669 = tpu.vector_load %arg7[%swap3A_667, %swap3A_668] {strides = array<i32>} : memref<16x128xf32, #tpu.memory_space<vmem>>, vector<16xf32>,
      tpu.vector_store %arg7[%swap3A_667, %swap3A_668], %get3A_665 {strides = array<i32>} : memref<16x128xf32, #tpu.memory_space<vmem>>, vector<16xf32>,
      %add3A_670 = arith.constant 70 : i32
      %add3A_671 = arith.addi %mul3A_41, %add3A_670 : i32
      %get3A_672 = arith.index_cast %add3A_671 : i32 to index
      %get3A_673 = arith.constant 0 : index
      %get3A_674 = tpu.vector_load %arg6[%get3A_672, %get3A_673] {strides = array<i32>} : memref<3328x16xf32, #tpu.memory_space<vmem>>, vector<16xf32>,
      %swap3A_675 = arith.constant 10 : i32
      %swap3A_676 = arith.index_cast %swap3A_675 : i32 to index
      %swap3A_677 = arith.constant 32 : index
      %swap3A_678 = tpu.vector_load %arg7[%swap3A_676, %swap3A_677] {strides = array<i32>} : memref<16x128xf32, #tpu.memory_space<vmem>>, vector<16xf32>,
      tpu.vector_store %arg7[%swap3A_676, %swap3A_677], %get3A_674 {strides = array<i32>} : memref<16x128xf32, #tpu.memory_space<vmem>>, vector<16xf32>,
      %add3A_679 = arith.constant 71 : i32
      %add3A_680 = arith.addi %mul3A_41, %add3A_679 : i32
      %get3A_681 = arith.index_cast %add3A_680 : i32 to index
      %get3A_682 = arith.constant 0 : index
      %get3A_683 = tpu.vector_load %arg6[%get3A_681, %get3A_682] {strides = array<i32>} : memref<3328x16xf32, #tpu.memory_space<vmem>>, vector<16xf32>,
      %swap3A_684 = arith.constant 10 : i32
      %swap3A_685 = arith.index_cast %swap3A_684 : i32 to index
      %swap3A_686 = arith.constant 48 : index
      %swap3A_687 = tpu.vector_load %arg7[%swap3A_685, %swap3A_686] {strides = array<i32>} : memref<16x128xf32, #tpu.memory_space<vmem>>, vector<16xf32>,
      tpu.vector_store %arg7[%swap3A_685, %swap3A_686], %get3A_683 {strides = array<i32>} : memref<16x128xf32, #tpu.memory_space<vmem>>, vector<16xf32>,
      %add3A_688 = arith.constant 72 : i32
      %add3A_689 = arith.addi %mul3A_41, %add3A_688 : i32
      %get3A_690 = arith.index_cast %add3A_689 : i32 to index
      %get3A_691 = arith.constant 0 : index
      %get3A_692 = tpu.vector_load %arg6[%get3A_690, %get3A_691] {strides = array<i32>} : memref<3328x16xf32, #tpu.memory_space<vmem>>, vector<16xf32>,
      %swap3A_693 = arith.constant 10 : i32
      %swap3A_694 = arith.index_cast %swap3A_693 : i32 to index
      %swap3A_695 = arith.constant 64 : index
      %swap3A_696 = tpu.vector_load %arg7[%swap3A_694, %swap3A_695] {strides = array<i32>} : memref<16x128xf32, #tpu.memory_space<vmem>>, vector<16xf32>,
      tpu.vector_store %arg7[%swap3A_694, %swap3A_695], %get3A_692 {strides = array<i32>} : memref<16x128xf32, #tpu.memory_space<vmem>>, vector<16xf32>,
      %add3A_697 = arith.constant 73 : i32
      %add3A_698 = arith.addi %mul3A_41, %add3A_697 : i32
      %get3A_699 = arith.index_cast %add3A_698 : i32 to index
      %get3A_700 = arith.constant 0 : index
      %get3A_701 = tpu.vector_load %arg6[%get3A_699, %get3A_700] {strides = array<i32>} : memref<3328x16xf32, #tpu.memory_space<vmem>>, vector<16xf32>,
      %swap3A_702 = arith.constant 10 : i32
      %swap3A_703 = arith.index_cast %swap3A_702 : i32 to index
      %swap3A_704 = arith.constant 80 : index
      %swap3A_705 = tpu.vector_load %arg7[%swap3A_703, %swap3A_704] {strides = array<i32>} : memref<16x128xf32, #tpu.memory_space<vmem>>, vector<16xf32>,
      tpu.vector_store %arg7[%swap3A_703, %swap3A_704], %get3A_701 {strides = array<i32>} : memref<16x128xf32, #tpu.memory_space<vmem>>, vector<16xf32>,
      %add3A_706 = arith.constant 74 : i32
      %add3A_707 = arith.addi %mul3A_41, %add3A_706 : i32
      %get3A_708 = arith.index_cast %add3A_707 : i32 to index
      %get3A_709 = arith.constant 0 : index
      %get3A_710 = tpu.vector_load %arg6[%get3A_708, %get3A_709] {strides = array<i32>} : memref<3328x16xf32, #tpu.memory_space<vmem>>, vector<16xf32>,
      %swap3A_711 = arith.constant 10 : i32
      %swap3A_712 = arith.index_cast %swap3A_711 : i32 to index
      %swap3A_713 = arith.constant 96 : index
      %swap3A_714 = tpu.vector_load %arg7[%swap3A_712, %swap3A_713] {strides = array<i32>} : memref<16x128xf32, #tpu.memory_space<vmem>>, vector<16xf32>,
      tpu.vector_store %arg7[%swap3A_712, %swap3A_713], %get3A_710 {strides = array<i32>} : memref<16x128xf32, #tpu.memory_space<vmem>>, vector<16xf32>,
      %add3A_715 = arith.constant 75 : i32
      %add3A_716 = arith.addi %mul3A_41, %add3A_715 : i32
      %get3A_717 = arith.index_cast %add3A_716 : i32 to index
      %get3A_718 = arith.constant 0 : index
      %get3A_719 = tpu.vector_load %arg6[%get3A_717, %get3A_718] {strides = array<i32>} : memref<3328x16xf32, #tpu.memory_space<vmem>>, vector<16xf32>,
      %swap3A_720 = arith.constant 10 : i32
      %swap3A_721 = arith.index_cast %swap3A_720 : i32 to index
      %swap3A_722 = arith.constant 112 : index
      %swap3A_723 = tpu.vector_load %arg7[%swap3A_721, %swap3A_722] {strides = array<i32>} : memref<16x128xf32, #tpu.memory_space<vmem>>, vector<16xf32>,
      tpu.vector_store %arg7[%swap3A_721, %swap3A_722], %get3A_719 {strides = array<i32>} : memref<16x128xf32, #tpu.memory_space<vmem>>, vector<16xf32>,
      %add3A_724 = arith.constant 76 : i32
      %add3A_725 = arith.addi %mul3A_41, %add3A_724 : i32
      %get3A_726 = arith.index_cast %add3A_725 : i32 to index
      %get3A_727 = arith.constant 0 : index
      %get3A_728 = tpu.vector_load %arg6[%get3A_726, %get3A_727] {strides = array<i32>} : memref<3328x16xf32, #tpu.memory_space<vmem>>, vector<16xf32>,
      %swap3A_729 = arith.constant 11 : i32
      %swap3A_730 = arith.index_cast %swap3A_729 : i32 to index
      %swap3A_731 = arith.constant 0 : index
      %swap3A_732 = tpu.vector_load %arg7[%swap3A_730, %swap3A_731] {strides = array<i32>} : memref<16x128xf32, #tpu.memory_space<vmem>>, vector<16xf32>,
      tpu.vector_store %arg7[%swap3A_730, %swap3A_731], %get3A_728 {strides = array<i32>} : memref<16x128xf32, #tpu.memory_space<vmem>>, vector<16xf32>,
      %add3A_733 = arith.constant 77 : i32
      %add3A_734 = arith.addi %mul3A_41, %add3A_733 : i32
      %get3A_735 = arith.index_cast %add3A_734 : i32 to index
      %get3A_736 = arith.constant 0 : index
      %get3A_737 = tpu.vector_load %arg6[%get3A_735, %get3A_736] {strides = array<i32>} : memref<3328x16xf32, #tpu.memory_space<vmem>>, vector<16xf32>,
      %swap3A_738 = arith.constant 11 : i32
      %swap3A_739 = arith.index_cast %swap3A_738 : i32 to index
      %swap3A_740 = arith.constant 16 : index
      %swap3A_741 = tpu.vector_load %arg7[%swap3A_739, %swap3A_740] {strides = array<i32>} : memref<16x128xf32, #tpu.memory_space<vmem>>, vector<16xf32>,
      tpu.vector_store %arg7[%swap3A_739, %swap3A_740], %get3A_737 {strides = array<i32>} : memref<16x128xf32, #tpu.memory_space<vmem>>, vector<16xf32>,
      %add3A_742 = arith.constant 78 : i32
      %add3A_743 = arith.addi %mul3A_41, %add3A_742 : i32
      %get3A_744 = arith.index_cast %add3A_743 : i32 to index
      %get3A_745 = arith.constant 0 : index
      %get3A_746 = tpu.vector_load %arg6[%get3A_744, %get3A_745] {strides = array<i32>} : memref<3328x16xf32, #tpu.memory_space<vmem>>, vector<16xf32>,
      %swap3A_747 = arith.constant 12 : i32
      %swap3A_748 = arith.index_cast %swap3A_747 : i32 to index
      %swap3A_749 = arith.constant 0 : index
      %swap3A_750 = tpu.vector_load %arg7[%swap3A_748, %swap3A_749] {strides = array<i32>} : memref<16x128xf32, #tpu.memory_space<vmem>>, vector<16xf32>,
      tpu.vector_store %arg7[%swap3A_748, %swap3A_749], %get3A_746 {strides = array<i32>} : memref<16x128xf32, #tpu.memory_space<vmem>>, vector<16xf32>,
      %add3A_751 = arith.constant 79 : i32
      %add3A_752 = arith.addi %mul3A_41, %add3A_751 : i32
      %get3A_753 = arith.index_cast %add3A_752 : i32 to index
      %get3A_754 = arith.constant 0 : index
      %get3A_755 = tpu.vector_load %arg6[%get3A_753, %get3A_754] {strides = array<i32>} : memref<3328x16xf32, #tpu.memory_space<vmem>>, vector<16xf32>,
      %swap3A_756 = arith.constant 12 : i32
      %swap3A_757 = arith.index_cast %swap3A_756 : i32 to index
      %swap3A_758 = arith.constant 16 : index
      %swap3A_759 = tpu.vector_load %arg7[%swap3A_757, %swap3A_758] {strides = array<i32>} : memref<16x128xf32, #tpu.memory_space<vmem>>, vector<16xf32>,
      tpu.vector_store %arg7[%swap3A_757, %swap3A_758], %get3A_755 {strides = array<i32>} : memref<16x128xf32, #tpu.memory_space<vmem>>, vector<16xf32>,
      %add3A_760 = arith.constant 80 : i32
      %add3A_761 = arith.addi %mul3A_41, %add3A_760 : i32
      %get3A_762 = arith.index_cast %add3A_761 : i32 to index
      %get3A_763 = arith.constant 0 : index
      %get3A_764 = tpu.vector_load %arg6[%get3A_762, %get3A_763] {strides = array<i32>} : memref<3328x16xf32, #tpu.memory_space<vmem>>, vector<16xf32>,
      %swap3A_765 = arith.constant 12 : i32
      %swap3A_766 = arith.index_cast %swap3A_765 : i32 to index
      %swap3A_767 = arith.constant 32 : index
      %swap3A_768 = tpu.vector_load %arg7[%swap3A_766, %swap3A_767] {strides = array<i32>} : memref<16x128xf32, #tpu.memory_space<vmem>>, vector<16xf32>,
      tpu.vector_store %arg7[%swap3A_766, %swap3A_767], %get3A_764 {strides = array<i32>} : memref<16x128xf32, #tpu.memory_space<vmem>>, vector<16xf32>,
      %add3A_769 = arith.constant 81 : i32
      %add3A_770 = arith.addi %mul3A_41, %add3A_769 : i32
      %get3A_771 = arith.index_cast %add3A_770 : i32 to index
      %get3A_772 = arith.constant 0 : index
      %get3A_773 = tpu.vector_load %arg6[%get3A_771, %get3A_772] {strides = array<i32>} : memref<3328x16xf32, #tpu.memory_space<vmem>>, vector<16xf32>,
      %swap3A_774 = arith.constant 12 : i32
      %swap3A_775 = arith.index_cast %swap3A_774 : i32 to index
      %swap3A_776 = arith.constant 48 : index
      %swap3A_777 = tpu.vector_load %arg7[%swap3A_775, %swap3A_776] {strides = array<i32>} : memref<16x128xf32, #tpu.memory_space<vmem>>, vector<16xf32>,
      tpu.vector_store %arg7[%swap3A_775, %swap3A_776], %get3A_773 {strides = array<i32>} : memref<16x128xf32, #tpu.memory_space<vmem>>, vector<16xf32>,
      %add3A_778 = arith.constant 82 : i32
      %add3A_779 = arith.addi %mul3A_41, %add3A_778 : i32
      %get3A_780 = arith.index_cast %add3A_779 : i32 to index
      %get3A_781 = arith.constant 0 : index
      %get3A_782 = tpu.vector_load %arg6[%get3A_780, %get3A_781] {strides = array<i32>} : memref<3328x16xf32, #tpu.memory_space<vmem>>, vector<16xf32>,
      %swap3A_783 = arith.constant 12 : i32
      %swap3A_784 = arith.index_cast %swap3A_783 : i32 to index
      %swap3A_785 = arith.constant 64 : index
      %swap3A_786 = tpu.vector_load %arg7[%swap3A_784, %swap3A_785] {strides = array<i32>} : memref<16x128xf32, #tpu.memory_space<vmem>>, vector<16xf32>,
      tpu.vector_store %arg7[%swap3A_784, %swap3A_785], %get3A_782 {strides = array<i32>} : memref<16x128xf32, #tpu.memory_space<vmem>>, vector<16xf32>,
      %add3A_787 = arith.constant 83 : i32
      %add3A_788 = arith.addi %mul3A_41, %add3A_787 : i32
      %get3A_789 = arith.index_cast %add3A_788 : i32 to index
      %get3A_790 = arith.constant 0 : index
      %get3A_791 = tpu.vector_load %arg6[%get3A_789, %get3A_790] {strides = array<i32>} : memref<3328x16xf32, #tpu.memory_space<vmem>>, vector<16xf32>,
      %swap3A_792 = arith.constant 12 : i32
      %swap3A_793 = arith.index_cast %swap3A_792 : i32 to index
      %swap3A_794 = arith.constant 80 : index
      %swap3A_795 = tpu.vector_load %arg7[%swap3A_793, %swap3A_794] {strides = array<i32>} : memref<16x128xf32, #tpu.memory_space<vmem>>, vector<16xf32>,
      tpu.vector_store %arg7[%swap3A_793, %swap3A_794], %get3A_791 {strides = array<i32>} : memref<16x128xf32, #tpu.memory_space<vmem>>, vector<16xf32>,
      %add3A_796 = arith.constant 84 : i32
      %add3A_797 = arith.addi %mul3A_41, %add3A_796 : i32
      %get3A_798 = arith.index_cast %add3A_797 : i32 to index
      %get3A_799 = arith.constant 0 : index
      %get3A_800 = tpu.vector_load %arg6[%get3A_798, %get3A_799] {strides = array<i32>} : memref<3328x16xf32, #tpu.memory_space<vmem>>, vector<16xf32>,
      %swap3A_801 = arith.constant 12 : i32
      %swap3A_802 = arith.index_cast %swap3A_801 : i32 to index
      %swap3A_803 = arith.constant 96 : index
      %swap3A_804 = tpu.vector_load %arg7[%swap3A_802, %swap3A_803] {strides = array<i32>} : memref<16x128xf32, #tpu.memory_space<vmem>>, vector<16xf32>,
      tpu.vector_store %arg7[%swap3A_802, %swap3A_803], %get3A_800 {strides = array<i32>} : memref<16x128xf32, #tpu.memory_space<vmem>>, vector<16xf32>,
      %add3A_805 = arith.constant 85 : i32
      %add3A_806 = arith.addi %mul3A_41, %add3A_805 : i32
      %get3A_807 = arith.index_cast %add3A_806 : i32 to index
      %get3A_808 = arith.constant 0 : index
      %get3A_809 = tpu.vector_load %arg6[%get3A_807, %get3A_808] {strides = array<i32>} : memref<3328x16xf32, #tpu.memory_space<vmem>>, vector<16xf32>,
      %swap3A_810 = arith.constant 12 : i32
      %swap3A_811 = arith.index_cast %swap3A_810 : i32 to index
      %swap3A_812 = arith.constant 112 : index
      %swap3A_813 = tpu.vector_load %arg7[%swap3A_811, %swap3A_812] {strides = array<i32>} : memref<16x128xf32, #tpu.memory_space<vmem>>, vector<16xf32>,
      tpu.vector_store %arg7[%swap3A_811, %swap3A_812], %get3A_809 {strides = array<i32>} : memref<16x128xf32, #tpu.memory_space<vmem>>, vector<16xf32>,
      %add3A_814 = arith.constant 86 : i32
      %add3A_815 = arith.addi %mul3A_41, %add3A_814 : i32
      %get3A_816 = arith.index_cast %add3A_815 : i32 to index
      %get3A_817 = arith.constant 0 : index
      %get3A_818 = tpu.vector_load %arg6[%get3A_816, %get3A_817] {strides = array<i32>} : memref<3328x16xf32, #tpu.memory_space<vmem>>, vector<16xf32>,
      %swap3A_819 = arith.constant 13 : i32
      %swap3A_820 = arith.index_cast %swap3A_819 : i32 to index
      %swap3A_821 = arith.constant 0 : index
      %swap3A_822 = tpu.vector_load %arg7[%swap3A_820, %swap3A_821] {strides = array<i32>} : memref<16x128xf32, #tpu.memory_space<vmem>>, vector<16xf32>,
      tpu.vector_store %arg7[%swap3A_820, %swap3A_821], %get3A_818 {strides = array<i32>} : memref<16x128xf32, #tpu.memory_space<vmem>>, vector<16xf32>,
      %add3A_823 = arith.constant 87 : i32
      %add3A_824 = arith.addi %mul3A_41, %add3A_823 : i32
      %get3A_825 = arith.index_cast %add3A_824 : i32 to index
      %get3A_826 = arith.constant 0 : index
      %get3A_827 = tpu.vector_load %arg6[%get3A_825, %get3A_826] {strides = array<i32>} : memref<3328x16xf32, #tpu.memory_space<vmem>>, vector<16xf32>,
      %swap3A_828 = arith.constant 13 : i32
      %swap3A_829 = arith.index_cast %swap3A_828 : i32 to index
      %swap3A_830 = arith.constant 16 : index
      %swap3A_831 = tpu.vector_load %arg7[%swap3A_829, %swap3A_830] {strides = array<i32>} : memref<16x128xf32, #tpu.memory_space<vmem>>, vector<16xf32>,
      tpu.vector_store %arg7[%swap3A_829, %swap3A_830], %get3A_827 {strides = array<i32>} : memref<16x128xf32, #tpu.memory_space<vmem>>, vector<16xf32>,
      %add3A_832 = arith.constant 88 : i32
      %add3A_833 = arith.addi %mul3A_41, %add3A_832 : i32
      %get3A_834 = arith.index_cast %add3A_833 : i32 to index
      %get3A_835 = arith.constant 0 : index
      %get3A_836 = tpu.vector_load %arg6[%get3A_834, %get3A_835] {strides = array<i32>} : memref<3328x16xf32, #tpu.memory_space<vmem>>, vector<16xf32>,
      %swap3A_837 = arith.constant 13 : i32
      %swap3A_838 = arith.index_cast %swap3A_837 : i32 to index
      %swap3A_839 = arith.constant 32 : index
      %swap3A_840 = tpu.vector_load %arg7[%swap3A_838, %swap3A_839] {strides = array<i32>} : memref<16x128xf32, #tpu.memory_space<vmem>>, vector<16xf32>,
      tpu.vector_store %arg7[%swap3A_838, %swap3A_839], %get3A_836 {strides = array<i32>} : memref<16x128xf32, #tpu.memory_space<vmem>>, vector<16xf32>,
      %add3A_841 = arith.constant 89 : i32
      %add3A_842 = arith.addi %mul3A_41, %add3A_841 : i32
      %get3A_843 = arith.index_cast %add3A_842 : i32 to index
      %get3A_844 = arith.constant 0 : index
      %get3A_845 = tpu.vector_load %arg6[%get3A_843, %get3A_844] {strides = array<i32>} : memref<3328x16xf32, #tpu.memory_space<vmem>>, vector<16xf32>,
      %swap3A_846 = arith.constant 13 : i32
      %swap3A_847 = arith.index_cast %swap3A_846 : i32 to index
      %swap3A_848 = arith.constant 48 : index
      %swap3A_849 = tpu.vector_load %arg7[%swap3A_847, %swap3A_848] {strides = array<i32>} : memref<16x128xf32, #tpu.memory_space<vmem>>, vector<16xf32>,
      tpu.vector_store %arg7[%swap3A_847, %swap3A_848], %get3A_845 {strides = array<i32>} : memref<16x128xf32, #tpu.memory_space<vmem>>, vector<16xf32>,
      %add3A_850 = arith.constant 90 : i32
      %add3A_851 = arith.addi %mul3A_41, %add3A_850 : i32
      %get3A_852 = arith.index_cast %add3A_851 : i32 to index
      %get3A_853 = arith.constant 0 : index
      %get3A_854 = tpu.vector_load %arg6[%get3A_852, %get3A_853] {strides = array<i32>} : memref<3328x16xf32, #tpu.memory_space<vmem>>, vector<16xf32>,
      %swap3A_855 = arith.constant 13 : i32
      %swap3A_856 = arith.index_cast %swap3A_855 : i32 to index
      %swap3A_857 = arith.constant 64 : index
      %swap3A_858 = tpu.vector_load %arg7[%swap3A_856, %swap3A_857] {strides = array<i32>} : memref<16x128xf32, #tpu.memory_space<vmem>>, vector<16xf32>,
      tpu.vector_store %arg7[%swap3A_856, %swap3A_857], %get3A_854 {strides = array<i32>} : memref<16x128xf32, #tpu.memory_space<vmem>>, vector<16xf32>,
      %add3A_859 = arith.constant 91 : i32
      %add3A_860 = arith.addi %mul3A_41, %add3A_859 : i32
      %get3A_861 = arith.index_cast %add3A_860 : i32 to index
      %get3A_862 = arith.constant 0 : index
      %get3A_863 = tpu.vector_load %arg6[%get3A_861, %get3A_862] {strides = array<i32>} : memref<3328x16xf32, #tpu.memory_space<vmem>>, vector<16xf32>,
      %swap3A_864 = arith.constant 13 : i32
      %swap3A_865 = arith.index_cast %swap3A_864 : i32 to index
      %swap3A_866 = arith.constant 80 : index
      %swap3A_867 = tpu.vector_load %arg7[%swap3A_865, %swap3A_866] {strides = array<i32>} : memref<16x128xf32, #tpu.memory_space<vmem>>, vector<16xf32>,
      tpu.vector_store %arg7[%swap3A_865, %swap3A_866], %get3A_863 {strides = array<i32>} : memref<16x128xf32, #tpu.memory_space<vmem>>, vector<16xf32>,
      %add3A_868 = arith.constant 92 : i32
      %add3A_869 = arith.addi %mul3A_41, %add3A_868 : i32
      %get3A_870 = arith.index_cast %add3A_869 : i32 to index
      %get3A_871 = arith.constant 0 : index
      %get3A_872 = tpu.vector_load %arg6[%get3A_870, %get3A_871] {strides = array<i32>} : memref<3328x16xf32, #tpu.memory_space<vmem>>, vector<16xf32>,
      %swap3A_873 = arith.constant 13 : i32
      %swap3A_874 = arith.index_cast %swap3A_873 : i32 to index
      %swap3A_875 = arith.constant 96 : index
      %swap3A_876 = tpu.vector_load %arg7[%swap3A_874, %swap3A_875] {strides = array<i32>} : memref<16x128xf32, #tpu.memory_space<vmem>>, vector<16xf32>,
      tpu.vector_store %arg7[%swap3A_874, %swap3A_875], %get3A_872 {strides = array<i32>} : memref<16x128xf32, #tpu.memory_space<vmem>>, vector<16xf32>,
      %add3A_877 = arith.constant 93 : i32
      %add3A_878 = arith.addi %mul3A_41, %add3A_877 : i32
      %get3A_879 = arith.index_cast %add3A_878 : i32 to index
      %get3A_880 = arith.constant 0 : index
      %get3A_881 = tpu.vector_load %arg6[%get3A_879, %get3A_880] {strides = array<i32>} : memref<3328x16xf32, #tpu.memory_space<vmem>>, vector<16xf32>,
      %swap3A_882 = arith.constant 13 : i32
      %swap3A_883 = arith.index_cast %swap3A_882 : i32 to index
      %swap3A_884 = arith.constant 112 : index
      %swap3A_885 = tpu.vector_load %arg7[%swap3A_883, %swap3A_884] {strides = array<i32>} : memref<16x128xf32, #tpu.memory_space<vmem>>, vector<16xf32>,
      tpu.vector_store %arg7[%swap3A_883, %swap3A_884], %get3A_881 {strides = array<i32>} : memref<16x128xf32, #tpu.memory_space<vmem>>, vector<16xf32>,
      %add3A_886 = arith.constant 94 : i32
      %add3A_887 = arith.addi %mul3A_41, %add3A_886 : i32
      %get3A_888 = arith.index_cast %add3A_887 : i32 to index
      %get3A_889 = arith.constant 0 : index
      %get3A_890 = tpu.vector_load %arg6[%get3A_888, %get3A_889] {strides = array<i32>} : memref<3328x16xf32, #tpu.memory_space<vmem>>, vector<16xf32>,
      %swap3A_891 = arith.constant 14 : i32
      %swap3A_892 = arith.index_cast %swap3A_891 : i32 to index
      %swap3A_893 = arith.constant 0 : index
      %swap3A_894 = tpu.vector_load %arg7[%swap3A_892, %swap3A_893] {strides = array<i32>} : memref<16x128xf32, #tpu.memory_space<vmem>>, vector<16xf32>,
      tpu.vector_store %arg7[%swap3A_892, %swap3A_893], %get3A_890 {strides = array<i32>} : memref<16x128xf32, #tpu.memory_space<vmem>>, vector<16xf32>,
      %add3A_895 = arith.constant 95 : i32
      %add3A_896 = arith.addi %mul3A_41, %add3A_895 : i32
      %get3A_897 = arith.index_cast %add3A_896 : i32 to index
      %get3A_898 = arith.constant 0 : index
      %get3A_899 = tpu.vector_load %arg6[%get3A_897, %get3A_898] {strides = array<i32>} : memref<3328x16xf32, #tpu.memory_space<vmem>>, vector<16xf32>,
      %swap3A_900 = arith.constant 14 : i32
      %swap3A_901 = arith.index_cast %swap3A_900 : i32 to index
      %swap3A_902 = arith.constant 16 : index
      %swap3A_903 = tpu.vector_load %arg7[%swap3A_901, %swap3A_902] {strides = array<i32>} : memref<16x128xf32, #tpu.memory_space<vmem>>, vector<16xf32>,
      tpu.vector_store %arg7[%swap3A_901, %swap3A_902], %get3A_899 {strides = array<i32>} : memref<16x128xf32, #tpu.memory_space<vmem>>, vector<16xf32>,
      %add3A_904 = arith.constant 96 : i32
      %add3A_905 = arith.addi %mul3A_41, %add3A_904 : i32
      %get3A_906 = arith.index_cast %add3A_905 : i32 to index
      %get3A_907 = arith.constant 0 : index
      %get3A_908 = tpu.vector_load %arg6[%get3A_906, %get3A_907] {strides = array<i32>} : memref<3328x16xf32, #tpu.memory_space<vmem>>, vector<16xf32>,
      %swap3A_909 = arith.constant 14 : i32
      %swap3A_910 = arith.index_cast %swap3A_909 : i32 to index
      %swap3A_911 = arith.constant 32 : index
      %swap3A_912 = tpu.vector_load %arg7[%swap3A_910, %swap3A_911] {strides = array<i32>} : memref<16x128xf32, #tpu.memory_space<vmem>>, vector<16xf32>,
      tpu.vector_store %arg7[%swap3A_910, %swap3A_911], %get3A_908 {strides = array<i32>} : memref<16x128xf32, #tpu.memory_space<vmem>>, vector<16xf32>,
      %add3A_913 = arith.constant 97 : i32
      %add3A_914 = arith.addi %mul3A_41, %add3A_913 : i32
      %get3A_915 = arith.index_cast %add3A_914 : i32 to index
      %get3A_916 = arith.constant 0 : index
      %get3A_917 = tpu.vector_load %arg6[%get3A_915, %get3A_916] {strides = array<i32>} : memref<3328x16xf32, #tpu.memory_space<vmem>>, vector<16xf32>,
      %swap3A_918 = arith.constant 14 : i32
      %swap3A_919 = arith.index_cast %swap3A_918 : i32 to index
      %swap3A_920 = arith.constant 48 : index
      %swap3A_921 = tpu.vector_load %arg7[%swap3A_919, %swap3A_920] {strides = array<i32>} : memref<16x128xf32, #tpu.memory_space<vmem>>, vector<16xf32>,
      tpu.vector_store %arg7[%swap3A_919, %swap3A_920], %get3A_917 {strides = array<i32>} : memref<16x128xf32, #tpu.memory_space<vmem>>, vector<16xf32>,
      %add3A_922 = arith.constant 98 : i32
      %add3A_923 = arith.addi %mul3A_41, %add3A_922 : i32
      %get3A_924 = arith.index_cast %add3A_923 : i32 to index
      %get3A_925 = arith.constant 0 : index
      %get3A_926 = tpu.vector_load %arg6[%get3A_924, %get3A_925] {strides = array<i32>} : memref<3328x16xf32, #tpu.memory_space<vmem>>, vector<16xf32>,
      %swap3A_927 = arith.constant 14 : i32
      %swap3A_928 = arith.index_cast %swap3A_927 : i32 to index
      %swap3A_929 = arith.constant 64 : index
      %swap3A_930 = tpu.vector_load %arg7[%swap3A_928, %swap3A_929] {strides = array<i32>} : memref<16x128xf32, #tpu.memory_space<vmem>>, vector<16xf32>,
      tpu.vector_store %arg7[%swap3A_928, %swap3A_929], %get3A_926 {strides = array<i32>} : memref<16x128xf32, #tpu.memory_space<vmem>>, vector<16xf32>,
      %add3A_931 = arith.constant 99 : i32
      %add3A_932 = arith.addi %mul3A_41, %add3A_931 : i32
      %get3A_933 = arith.index_cast %add3A_932 : i32 to index
      %get3A_934 = arith.constant 0 : index
      %get3A_935 = tpu.vector_load %arg6[%get3A_933, %get3A_934] {strides = array<i32>} : memref<3328x16xf32, #tpu.memory_space<vmem>>, vector<16xf32>,
      %swap3A_936 = arith.constant 14 : i32
      %swap3A_937 = arith.index_cast %swap3A_936 : i32 to index
      %swap3A_938 = arith.constant 80 : index
      %swap3A_939 = tpu.vector_load %arg7[%swap3A_937, %swap3A_938] {strides = array<i32>} : memref<16x128xf32, #tpu.memory_space<vmem>>, vector<16xf32>,
      tpu.vector_store %arg7[%swap3A_937, %swap3A_938], %get3A_935 {strides = array<i32>} : memref<16x128xf32, #tpu.memory_space<vmem>>, vector<16xf32>,
      %add3A_940 = arith.constant 100 : i32
      %add3A_941 = arith.addi %mul3A_41, %add3A_940 : i32
      %get3A_942 = arith.index_cast %add3A_941 : i32 to index
      %get3A_943 = arith.constant 0 : index
      %get3A_944 = tpu.vector_load %arg6[%get3A_942, %get3A_943] {strides = array<i32>} : memref<3328x16xf32, #tpu.memory_space<vmem>>, vector<16xf32>,
      %swap3A_945 = arith.constant 14 : i32
      %swap3A_946 = arith.index_cast %swap3A_945 : i32 to index
      %swap3A_947 = arith.constant 96 : index
      %swap3A_948 = tpu.vector_load %arg7[%swap3A_946, %swap3A_947] {strides = array<i32>} : memref<16x128xf32, #tpu.memory_space<vmem>>, vector<16xf32>,
      tpu.vector_store %arg7[%swap3A_946, %swap3A_947], %get3A_944 {strides = array<i32>} : memref<16x128xf32, #tpu.memory_space<vmem>>, vector<16xf32>,
      %add3A_949 = arith.constant 101 : i32
      %add3A_950 = arith.addi %mul3A_41, %add3A_949 : i32
      %get3A_951 = arith.index_cast %add3A_950 : i32 to index
      %get3A_952 = arith.constant 0 : index
      %get3A_953 = tpu.vector_load %arg6[%get3A_951, %get3A_952] {strides = array<i32>} : memref<3328x16xf32, #tpu.memory_space<vmem>>, vector<16xf32>,
      %swap3A_954 = arith.constant 14 : i32
      %swap3A_955 = arith.index_cast %swap3A_954 : i32 to index
      %swap3A_956 = arith.constant 112 : index
      %swap3A_957 = tpu.vector_load %arg7[%swap3A_955, %swap3A_956] {strides = array<i32>} : memref<16x128xf32, #tpu.memory_space<vmem>>, vector<16xf32>,
      tpu.vector_store %arg7[%swap3A_955, %swap3A_956], %get3A_953 {strides = array<i32>} : memref<16x128xf32, #tpu.memory_space<vmem>>, vector<16xf32>,
      %add3A_958 = arith.constant 102 : i32
      %add3A_959 = arith.addi %mul3A_41, %add3A_958 : i32
      %get3A_960 = arith.index_cast %add3A_959 : i32 to index
      %get3A_961 = arith.constant 0 : index
      %get3A_962 = tpu.vector_load %arg6[%get3A_960, %get3A_961] {strides = array<i32>} : memref<3328x16xf32, #tpu.memory_space<vmem>>, vector<16xf32>,
      %swap3A_963 = arith.constant 15 : i32
      %swap3A_964 = arith.index_cast %swap3A_963 : i32 to index
      %swap3A_965 = arith.constant 0 : index
      %swap3A_966 = tpu.vector_load %arg7[%swap3A_964, %swap3A_965] {strides = array<i32>} : memref<16x128xf32, #tpu.memory_space<vmem>>, vector<16xf32>,
      tpu.vector_store %arg7[%swap3A_964, %swap3A_965], %get3A_962 {strides = array<i32>} : memref<16x128xf32, #tpu.memory_space<vmem>>, vector<16xf32>,
      %add3A_967 = arith.constant 103 : i32
      %add3A_968 = arith.addi %mul3A_41, %add3A_967 : i32
      %get3A_969 = arith.index_cast %add3A_968 : i32 to index
      %get3A_970 = arith.constant 0 : index
      %get3A_971 = tpu.vector_load %arg6[%get3A_969, %get3A_970] {strides = array<i32>} : memref<3328x16xf32, #tpu.memory_space<vmem>>, vector<16xf32>,
      %swap3A_972 = arith.constant 15 : i32
      %swap3A_973 = arith.index_cast %swap3A_972 : i32 to index
      %swap3A_974 = arith.constant 16 : index
      %swap3A_975 = tpu.vector_load %arg7[%swap3A_973, %swap3A_974] {strides = array<i32>} : memref<16x128xf32, #tpu.memory_space<vmem>>, vector<16xf32>,
      tpu.vector_store %arg7[%swap3A_973, %swap3A_974], %get3A_971 {strides = array<i32>} : memref<16x128xf32, #tpu.memory_space<vmem>>, vector<16xf32>,
      %mul3A_976 = arith.constant 16 : i32
      %mul3A_977 = arith.muli %add3A_37, %mul3A_976 : i32
      %dma_start3A = arith.constant 0 : i32
      %dma_start3A_978 = tpu.memref_slice %arg4[%add3A, %mul3A_977, %dma_start3A] : memref<32x512x128xf32, #tpu.memory_space<hbm>> -> memref<1x16x128xf32, #tpu.memory_space<hbm>>
      %dma_start3A_979 = tpu.memref_squeeze %dma_start3A_978 : memref<1x16x128xf32, #tpu.memory_space<hbm>> -> memref<16x128xf32, #tpu.memory_space<hbm>>
      %dma_start3A_980 = arith.constant 0 : i32
      %dma_start3A_981 = tpu.memref_slice %arg4[%add3A, %mul3A_977, %dma_start3A_980] : memref<32x512x128xf32, #tpu.memory_space<hbm>> -> memref<1x16x128xf32, #tpu.memory_space<hbm>>
      %dma_start3A_982 = tpu.memref_squeeze %dma_start3A_981 : memref<1x16x128xf32, #tpu.memory_space<hbm>> -> memref<16x128xf32, #tpu.memory_space<hbm>>
      tpu.enqueue_dma source(%arg7 : memref<16x128xf32, #tpu.memory_space<vmem>>) target(%dma_start3A_982 : memref<16x128xf32, #tpu.memory_space<hbm>>) target_semaphore(%arg10 : memref<!tpu.dma_semaphore, #tpu.memory_space<semaphore_mem>>)
      %mul3A_983 = arith.constant 2 : i32
      %mul3A_984 = arith.muli %mul3A_983, %scan3A_33 : i32
      %add3A_985 = arith.constant 1 : i32
      %add3A_986 = arith.addi %mul3A_984, %add3A_985 : i32
      %gt3A_987 = arith.constant 0 : i32
      %gt3A_988 = arith.cmpi sgt, %scan3A_33, %gt3A_987 : i32
      %convert_element_type3A_989 = arith.extui %gt3A_988 : i1 to i32
      %cond3A_990 = arith.constant 0 : i32
      %cond3A_991 = arith.cmpi ne, %convert_element_type3A_989, %cond3A_990 : i32
      scf.if %cond3A_991 {
        %dma_wait3A_1938 = arith.constant 0 : i32
        %dma_wait3A_1939 = arith.constant 0 : i32
        %dma_wait3A_1940 = tpu.memref_slice %arg4[%add3A, %dma_wait3A_1938, %dma_wait3A_1939] : memref<32x512x128xf32, #tpu.memory_space<hbm>> -> memref<1x16x128xf32, #tpu.memory_space<hbm>>
        %dma_wait3A_1941 = tpu.memref_squeeze %dma_wait3A_1940 : memref<1x16x128xf32, #tpu.memory_space<hbm>> -> memref<16x128xf32, #tpu.memory_space<hbm>>
        %dma_wait3A_1942 = arith.constant 0 : i32
        %dma_wait3A_1943 = arith.constant 0 : i32
        %dma_wait3A_1944 = tpu.memref_slice %arg4[%add3A, %dma_wait3A_1942, %dma_wait3A_1943] : memref<32x512x128xf32, #tpu.memory_space<hbm>> -> memref<1x16x128xf32, #tpu.memory_space<hbm>>
        %dma_wait3A_1945 = tpu.memref_squeeze %dma_wait3A_1944 : memref<1x16x128xf32, #tpu.memory_space<hbm>> -> memref<16x128xf32, #tpu.memory_space<hbm>>
        tpu.wait_dma2 semaphore(%arg10 : memref<!tpu.dma_semaphore, #tpu.memory_space<semaphore_mem>>) src(%dma_wait3A_1945 : memref<16x128xf32, #tpu.memory_space<hbm>>) dst(%arg8 : memref<16x128xf32, #tpu.memory_space<vmem>>)
      } else {
      }
      %mul3A_992 = arith.constant 104 : i32
      %mul3A_993 = arith.muli %add3A_986, %mul3A_992 : i32
      %add3A_994 = arith.constant 0 : i32
      %add3A_995 = arith.addi %mul3A_993, %add3A_994 : i32
      %get3A_996 = arith.index_cast %add3A_995 : i32 to index
      %get3A_997 = arith.constant 0 : index
      %get3A_998 = tpu.vector_load %arg6[%get3A_996, %get3A_997] {strides = array<i32>} : memref<3328x16xf32, #tpu.memory_space<vmem>>, vector<16xf32>,
      %swap3A_999 = arith.constant 0 : i32
      %swap3A_1000 = arith.index_cast %swap3A_999 : i32 to index
      %swap3A_1001 = arith.constant 0 : index
      %swap3A_1002 = tpu.vector_load %arg8[%swap3A_1000, %swap3A_1001] {strides = array<i32>} : memref<16x128xf32, #tpu.memory_space<vmem>>, vector<16xf32>,
      tpu.vector_store %arg8[%swap3A_1000, %swap3A_1001], %get3A_998 {strides = array<i32>} : memref<16x128xf32, #tpu.memory_space<vmem>>, vector<16xf32>,
      %add3A_1003 = arith.constant 1 : i32
      %add3A_1004 = arith.addi %mul3A_993, %add3A_1003 : i32
      %get3A_1005 = arith.index_cast %add3A_1004 : i32 to index
      %get3A_1006 = arith.constant 0 : index
      %get3A_1007 = tpu.vector_load %arg6[%get3A_1005, %get3A_1006] {strides = array<i32>} : memref<3328x16xf32, #tpu.memory_space<vmem>>, vector<16xf32>,
      %swap3A_1008 = arith.constant 0 : i32
      %swap3A_1009 = arith.index_cast %swap3A_1008 : i32 to index
      %swap3A_1010 = arith.constant 16 : index
      %swap3A_1011 = tpu.vector_load %arg8[%swap3A_1009, %swap3A_1010] {strides = array<i32>} : memref<16x128xf32, #tpu.memory_space<vmem>>, vector<16xf32>,
      tpu.vector_store %arg8[%swap3A_1009, %swap3A_1010], %get3A_1007 {strides = array<i32>} : memref<16x128xf32, #tpu.memory_space<vmem>>, vector<16xf32>,
      %add3A_1012 = arith.constant 2 : i32
      %add3A_1013 = arith.addi %mul3A_993, %add3A_1012 : i32
      %get3A_1014 = arith.index_cast %add3A_1013 : i32 to index
      %get3A_1015 = arith.constant 0 : index
      %get3A_1016 = tpu.vector_load %arg6[%get3A_1014, %get3A_1015] {strides = array<i32>} : memref<3328x16xf32, #tpu.memory_space<vmem>>, vector<16xf32>,
      %swap3A_1017 = arith.constant 0 : i32
      %swap3A_1018 = arith.index_cast %swap3A_1017 : i32 to index
      %swap3A_1019 = arith.constant 32 : index
      %swap3A_1020 = tpu.vector_load %arg8[%swap3A_1018, %swap3A_1019] {strides = array<i32>} : memref<16x128xf32, #tpu.memory_space<vmem>>, vector<16xf32>,
      tpu.vector_store %arg8[%swap3A_1018, %swap3A_1019], %get3A_1016 {strides = array<i32>} : memref<16x128xf32, #tpu.memory_space<vmem>>, vector<16xf32>,
      %add3A_1021 = arith.constant 3 : i32
      %add3A_1022 = arith.addi %mul3A_993, %add3A_1021 : i32
      %get3A_1023 = arith.index_cast %add3A_1022 : i32 to index
      %get3A_1024 = arith.constant 0 : index
      %get3A_1025 = tpu.vector_load %arg6[%get3A_1023, %get3A_1024] {strides = array<i32>} : memref<3328x16xf32, #tpu.memory_space<vmem>>, vector<16xf32>,
      %swap3A_1026 = arith.constant 0 : i32
      %swap3A_1027 = arith.index_cast %swap3A_1026 : i32 to index
      %swap3A_1028 = arith.constant 48 : index
      %swap3A_1029 = tpu.vector_load %arg8[%swap3A_1027, %swap3A_1028] {strides = array<i32>} : memref<16x128xf32, #tpu.memory_space<vmem>>, vector<16xf32>,
      tpu.vector_store %arg8[%swap3A_1027, %swap3A_1028], %get3A_1025 {strides = array<i32>} : memref<16x128xf32, #tpu.memory_space<vmem>>, vector<16xf32>,
      %add3A_1030 = arith.constant 4 : i32
      %add3A_1031 = arith.addi %mul3A_993, %add3A_1030 : i32
      %get3A_1032 = arith.index_cast %add3A_1031 : i32 to index
      %get3A_1033 = arith.constant 0 : index
      %get3A_1034 = tpu.vector_load %arg6[%get3A_1032, %get3A_1033] {strides = array<i32>} : memref<3328x16xf32, #tpu.memory_space<vmem>>, vector<16xf32>,
      %swap3A_1035 = arith.constant 0 : i32
      %swap3A_1036 = arith.index_cast %swap3A_1035 : i32 to index
      %swap3A_1037 = arith.constant 64 : index
      %swap3A_1038 = tpu.vector_load %arg8[%swap3A_1036, %swap3A_1037] {strides = array<i32>} : memref<16x128xf32, #tpu.memory_space<vmem>>, vector<16xf32>,
      tpu.vector_store %arg8[%swap3A_1036, %swap3A_1037], %get3A_1034 {strides = array<i32>} : memref<16x128xf32, #tpu.memory_space<vmem>>, vector<16xf32>,
      %add3A_1039 = arith.constant 5 : i32
      %add3A_1040 = arith.addi %mul3A_993, %add3A_1039 : i32
      %get3A_1041 = arith.index_cast %add3A_1040 : i32 to index
      %get3A_1042 = arith.constant 0 : index
      %get3A_1043 = tpu.vector_load %arg6[%get3A_1041, %get3A_1042] {strides = array<i32>} : memref<3328x16xf32, #tpu.memory_space<vmem>>, vector<16xf32>,
      %swap3A_1044 = arith.constant 0 : i32
      %swap3A_1045 = arith.index_cast %swap3A_1044 : i32 to index
      %swap3A_1046 = arith.constant 80 : index
      %swap3A_1047 = tpu.vector_load %arg8[%swap3A_1045, %swap3A_1046] {strides = array<i32>} : memref<16x128xf32, #tpu.memory_space<vmem>>, vector<16xf32>,
      tpu.vector_store %arg8[%swap3A_1045, %swap3A_1046], %get3A_1043 {strides = array<i32>} : memref<16x128xf32, #tpu.memory_space<vmem>>, vector<16xf32>,
      %add3A_1048 = arith.constant 6 : i32
      %add3A_1049 = arith.addi %mul3A_993, %add3A_1048 : i32
      %get3A_1050 = arith.index_cast %add3A_1049 : i32 to index
      %get3A_1051 = arith.constant 0 : index
      %get3A_1052 = tpu.vector_load %arg6[%get3A_1050, %get3A_1051] {strides = array<i32>} : memref<3328x16xf32, #tpu.memory_space<vmem>>, vector<16xf32>,
      %swap3A_1053 = arith.constant 0 : i32
      %swap3A_1054 = arith.index_cast %swap3A_1053 : i32 to index
      %swap3A_1055 = arith.constant 96 : index
      %swap3A_1056 = tpu.vector_load %arg8[%swap3A_1054, %swap3A_1055] {strides = array<i32>} : memref<16x128xf32, #tpu.memory_space<vmem>>, vector<16xf32>,
      tpu.vector_store %arg8[%swap3A_1054, %swap3A_1055], %get3A_1052 {strides = array<i32>} : memref<16x128xf32, #tpu.memory_space<vmem>>, vector<16xf32>,
      %add3A_1057 = arith.constant 7 : i32
      %add3A_1058 = arith.addi %mul3A_993, %add3A_1057 : i32
      %get3A_1059 = arith.index_cast %add3A_1058 : i32 to index
      %get3A_1060 = arith.constant 0 : index
      %get3A_1061 = tpu.vector_load %arg6[%get3A_1059, %get3A_1060] {strides = array<i32>} : memref<3328x16xf32, #tpu.memory_space<vmem>>, vector<16xf32>,
      %swap3A_1062 = arith.constant 0 : i32
      %swap3A_1063 = arith.index_cast %swap3A_1062 : i32 to index
      %swap3A_1064 = arith.constant 112 : index
      %swap3A_1065 = tpu.vector_load %arg8[%swap3A_1063, %swap3A_1064] {strides = array<i32>} : memref<16x128xf32, #tpu.memory_space<vmem>>, vector<16xf32>,
      tpu.vector_store %arg8[%swap3A_1063, %swap3A_1064], %get3A_1061 {strides = array<i32>} : memref<16x128xf32, #tpu.memory_space<vmem>>, vector<16xf32>,
      %add3A_1066 = arith.constant 8 : i32
      %add3A_1067 = arith.addi %mul3A_993, %add3A_1066 : i32
      %get3A_1068 = arith.index_cast %add3A_1067 : i32 to index
      %get3A_1069 = arith.constant 0 : index
      %get3A_1070 = tpu.vector_load %arg6[%get3A_1068, %get3A_1069] {strides = array<i32>} : memref<3328x16xf32, #tpu.memory_space<vmem>>, vector<16xf32>,
      %swap3A_1071 = arith.constant 1 : i32
      %swap3A_1072 = arith.index_cast %swap3A_1071 : i32 to index
      %swap3A_1073 = arith.constant 0 : index
      %swap3A_1074 = tpu.vector_load %arg8[%swap3A_1072, %swap3A_1073] {strides = array<i32>} : memref<16x128xf32, #tpu.memory_space<vmem>>, vector<16xf32>,
      tpu.vector_store %arg8[%swap3A_1072, %swap3A_1073], %get3A_1070 {strides = array<i32>} : memref<16x128xf32, #tpu.memory_space<vmem>>, vector<16xf32>,
      %add3A_1075 = arith.constant 9 : i32
      %add3A_1076 = arith.addi %mul3A_993, %add3A_1075 : i32
      %get3A_1077 = arith.index_cast %add3A_1076 : i32 to index
      %get3A_1078 = arith.constant 0 : index
      %get3A_1079 = tpu.vector_load %arg6[%get3A_1077, %get3A_1078] {strides = array<i32>} : memref<3328x16xf32, #tpu.memory_space<vmem>>, vector<16xf32>,
      %swap3A_1080 = arith.constant 1 : i32
      %swap3A_1081 = arith.index_cast %swap3A_1080 : i32 to index
      %swap3A_1082 = arith.constant 16 : index
      %swap3A_1083 = tpu.vector_load %arg8[%swap3A_1081, %swap3A_1082] {strides = array<i32>} : memref<16x128xf32, #tpu.memory_space<vmem>>, vector<16xf32>,
      tpu.vector_store %arg8[%swap3A_1081, %swap3A_1082], %get3A_1079 {strides = array<i32>} : memref<16x128xf32, #tpu.memory_space<vmem>>, vector<16xf32>,
      %add3A_1084 = arith.constant 10 : i32
      %add3A_1085 = arith.addi %mul3A_993, %add3A_1084 : i32
      %get3A_1086 = arith.index_cast %add3A_1085 : i32 to index
      %get3A_1087 = arith.constant 0 : index
      %get3A_1088 = tpu.vector_load %arg6[%get3A_1086, %get3A_1087] {strides = array<i32>} : memref<3328x16xf32, #tpu.memory_space<vmem>>, vector<16xf32>,
      %swap3A_1089 = arith.constant 1 : i32
      %swap3A_1090 = arith.index_cast %swap3A_1089 : i32 to index
      %swap3A_1091 = arith.constant 32 : index
      %swap3A_1092 = tpu.vector_load %arg8[%swap3A_1090, %swap3A_1091] {strides = array<i32>} : memref<16x128xf32, #tpu.memory_space<vmem>>, vector<16xf32>,
      tpu.vector_store %arg8[%swap3A_1090, %swap3A_1091], %get3A_1088 {strides = array<i32>} : memref<16x128xf32, #tpu.memory_space<vmem>>, vector<16xf32>,
      %add3A_1093 = arith.constant 11 : i32
      %add3A_1094 = arith.addi %mul3A_993, %add3A_1093 : i32
      %get3A_1095 = arith.index_cast %add3A_1094 : i32 to index
      %get3A_1096 = arith.constant 0 : index
      %get3A_1097 = tpu.vector_load %arg6[%get3A_1095, %get3A_1096] {strides = array<i32>} : memref<3328x16xf32, #tpu.memory_space<vmem>>, vector<16xf32>,
      %swap3A_1098 = arith.constant 1 : i32
      %swap3A_1099 = arith.index_cast %swap3A_1098 : i32 to index
      %swap3A_1100 = arith.constant 48 : index
      %swap3A_1101 = tpu.vector_load %arg8[%swap3A_1099, %swap3A_1100] {strides = array<i32>} : memref<16x128xf32, #tpu.memory_space<vmem>>, vector<16xf32>,
      tpu.vector_store %arg8[%swap3A_1099, %swap3A_1100], %get3A_1097 {strides = array<i32>} : memref<16x128xf32, #tpu.memory_space<vmem>>, vector<16xf32>,
      %add3A_1102 = arith.constant 12 : i32
      %add3A_1103 = arith.addi %mul3A_993, %add3A_1102 : i32
      %get3A_1104 = arith.index_cast %add3A_1103 : i32 to index
      %get3A_1105 = arith.constant 0 : index
      %get3A_1106 = tpu.vector_load %arg6[%get3A_1104, %get3A_1105] {strides = array<i32>} : memref<3328x16xf32, #tpu.memory_space<vmem>>, vector<16xf32>,
      %swap3A_1107 = arith.constant 1 : i32
      %swap3A_1108 = arith.index_cast %swap3A_1107 : i32 to index
      %swap3A_1109 = arith.constant 64 : index
      %swap3A_1110 = tpu.vector_load %arg8[%swap3A_1108, %swap3A_1109] {strides = array<i32>} : memref<16x128xf32, #tpu.memory_space<vmem>>, vector<16xf32>,
      tpu.vector_store %arg8[%swap3A_1108, %swap3A_1109], %get3A_1106 {strides = array<i32>} : memref<16x128xf32, #tpu.memory_space<vmem>>, vector<16xf32>,
      %add3A_1111 = arith.constant 13 : i32
      %add3A_1112 = arith.addi %mul3A_993, %add3A_1111 : i32
      %get3A_1113 = arith.index_cast %add3A_1112 : i32 to index
      %get3A_1114 = arith.constant 0 : index
      %get3A_1115 = tpu.vector_load %arg6[%get3A_1113, %get3A_1114] {strides = array<i32>} : memref<3328x16xf32, #tpu.memory_space<vmem>>, vector<16xf32>,
      %swap3A_1116 = arith.constant 1 : i32
      %swap3A_1117 = arith.index_cast %swap3A_1116 : i32 to index
      %swap3A_1118 = arith.constant 80 : index
      %swap3A_1119 = tpu.vector_load %arg8[%swap3A_1117, %swap3A_1118] {strides = array<i32>} : memref<16x128xf32, #tpu.memory_space<vmem>>, vector<16xf32>,
      tpu.vector_store %arg8[%swap3A_1117, %swap3A_1118], %get3A_1115 {strides = array<i32>} : memref<16x128xf32, #tpu.memory_space<vmem>>, vector<16xf32>,
      %add3A_1120 = arith.constant 14 : i32
      %add3A_1121 = arith.addi %mul3A_993, %add3A_1120 : i32
      %get3A_1122 = arith.index_cast %add3A_1121 : i32 to index
      %get3A_1123 = arith.constant 0 : index
      %get3A_1124 = tpu.vector_load %arg6[%get3A_1122, %get3A_1123] {strides = array<i32>} : memref<3328x16xf32, #tpu.memory_space<vmem>>, vector<16xf32>,
      %swap3A_1125 = arith.constant 1 : i32
      %swap3A_1126 = arith.index_cast %swap3A_1125 : i32 to index
      %swap3A_1127 = arith.constant 96 : index
      %swap3A_1128 = tpu.vector_load %arg8[%swap3A_1126, %swap3A_1127] {strides = array<i32>} : memref<16x128xf32, #tpu.memory_space<vmem>>, vector<16xf32>,
      tpu.vector_store %arg8[%swap3A_1126, %swap3A_1127], %get3A_1124 {strides = array<i32>} : memref<16x128xf32, #tpu.memory_space<vmem>>, vector<16xf32>,
      %add3A_1129 = arith.constant 15 : i32
      %add3A_1130 = arith.addi %mul3A_993, %add3A_1129 : i32
      %get3A_1131 = arith.index_cast %add3A_1130 : i32 to index
      %get3A_1132 = arith.constant 0 : index
      %get3A_1133 = tpu.vector_load %arg6[%get3A_1131, %get3A_1132] {strides = array<i32>} : memref<3328x16xf32, #tpu.memory_space<vmem>>, vector<16xf32>,
      %swap3A_1134 = arith.constant 1 : i32
      %swap3A_1135 = arith.index_cast %swap3A_1134 : i32 to index
      %swap3A_1136 = arith.constant 112 : index
      %swap3A_1137 = tpu.vector_load %arg8[%swap3A_1135, %swap3A_1136] {strides = array<i32>} : memref<16x128xf32, #tpu.memory_space<vmem>>, vector<16xf32>,
      tpu.vector_store %arg8[%swap3A_1135, %swap3A_1136], %get3A_1133 {strides = array<i32>} : memref<16x128xf32, #tpu.memory_space<vmem>>, vector<16xf32>,
      %add3A_1138 = arith.constant 16 : i32
      %add3A_1139 = arith.addi %mul3A_993, %add3A_1138 : i32
      %get3A_1140 = arith.index_cast %add3A_1139 : i32 to index
      %get3A_1141 = arith.constant 0 : index
      %get3A_1142 = tpu.vector_load %arg6[%get3A_1140, %get3A_1141] {strides = array<i32>} : memref<3328x16xf32, #tpu.memory_space<vmem>>, vector<16xf32>,
      %swap3A_1143 = arith.constant 2 : i32
      %swap3A_1144 = arith.index_cast %swap3A_1143 : i32 to index
      %swap3A_1145 = arith.constant 0 : index
      %swap3A_1146 = tpu.vector_load %arg8[%swap3A_1144, %swap3A_1145] {strides = array<i32>} : memref<16x128xf32, #tpu.memory_space<vmem>>, vector<16xf32>,
      tpu.vector_store %arg8[%swap3A_1144, %swap3A_1145], %get3A_1142 {strides = array<i32>} : memref<16x128xf32, #tpu.memory_space<vmem>>, vector<16xf32>,
      %add3A_1147 = arith.constant 17 : i32
      %add3A_1148 = arith.addi %mul3A_993, %add3A_1147 : i32
      %get3A_1149 = arith.index_cast %add3A_1148 : i32 to index
      %get3A_1150 = arith.constant 0 : index
      %get3A_1151 = tpu.vector_load %arg6[%get3A_1149, %get3A_1150] {strides = array<i32>} : memref<3328x16xf32, #tpu.memory_space<vmem>>, vector<16xf32>,
      %swap3A_1152 = arith.constant 2 : i32
      %swap3A_1153 = arith.index_cast %swap3A_1152 : i32 to index
      %swap3A_1154 = arith.constant 16 : index
      %swap3A_1155 = tpu.vector_load %arg8[%swap3A_1153, %swap3A_1154] {strides = array<i32>} : memref<16x128xf32, #tpu.memory_space<vmem>>, vector<16xf32>,
      tpu.vector_store %arg8[%swap3A_1153, %swap3A_1154], %get3A_1151 {strides = array<i32>} : memref<16x128xf32, #tpu.memory_space<vmem>>, vector<16xf32>,
      %add3A_1156 = arith.constant 18 : i32
      %add3A_1157 = arith.addi %mul3A_993, %add3A_1156 : i32
      %get3A_1158 = arith.index_cast %add3A_1157 : i32 to index
      %get3A_1159 = arith.constant 0 : index
      %get3A_1160 = tpu.vector_load %arg6[%get3A_1158, %get3A_1159] {strides = array<i32>} : memref<3328x16xf32, #tpu.memory_space<vmem>>, vector<16xf32>,
      %swap3A_1161 = arith.constant 2 : i32
      %swap3A_1162 = arith.index_cast %swap3A_1161 : i32 to index
      %swap3A_1163 = arith.constant 32 : index
      %swap3A_1164 = tpu.vector_load %arg8[%swap3A_1162, %swap3A_1163] {strides = array<i32>} : memref<16x128xf32, #tpu.memory_space<vmem>>, vector<16xf32>,
      tpu.vector_store %arg8[%swap3A_1162, %swap3A_1163], %get3A_1160 {strides = array<i32>} : memref<16x128xf32, #tpu.memory_space<vmem>>, vector<16xf32>,
      %add3A_1165 = arith.constant 19 : i32
      %add3A_1166 = arith.addi %mul3A_993, %add3A_1165 : i32
      %get3A_1167 = arith.index_cast %add3A_1166 : i32 to index
      %get3A_1168 = arith.constant 0 : index
      %get3A_1169 = tpu.vector_load %arg6[%get3A_1167, %get3A_1168] {strides = array<i32>} : memref<3328x16xf32, #tpu.memory_space<vmem>>, vector<16xf32>,
      %swap3A_1170 = arith.constant 2 : i32
      %swap3A_1171 = arith.index_cast %swap3A_1170 : i32 to index
      %swap3A_1172 = arith.constant 48 : index
      %swap3A_1173 = tpu.vector_load %arg8[%swap3A_1171, %swap3A_1172] {strides = array<i32>} : memref<16x128xf32, #tpu.memory_space<vmem>>, vector<16xf32>,
      tpu.vector_store %arg8[%swap3A_1171, %swap3A_1172], %get3A_1169 {strides = array<i32>} : memref<16x128xf32, #tpu.memory_space<vmem>>, vector<16xf32>,
      %add3A_1174 = arith.constant 20 : i32
      %add3A_1175 = arith.addi %mul3A_993, %add3A_1174 : i32
      %get3A_1176 = arith.index_cast %add3A_1175 : i32 to index
      %get3A_1177 = arith.constant 0 : index
      %get3A_1178 = tpu.vector_load %arg6[%get3A_1176, %get3A_1177] {strides = array<i32>} : memref<3328x16xf32, #tpu.memory_space<vmem>>, vector<16xf32>,
      %swap3A_1179 = arith.constant 2 : i32
      %swap3A_1180 = arith.index_cast %swap3A_1179 : i32 to index
      %swap3A_1181 = arith.constant 64 : index
      %swap3A_1182 = tpu.vector_load %arg8[%swap3A_1180, %swap3A_1181] {strides = array<i32>} : memref<16x128xf32, #tpu.memory_space<vmem>>, vector<16xf32>,
      tpu.vector_store %arg8[%swap3A_1180, %swap3A_1181], %get3A_1178 {strides = array<i32>} : memref<16x128xf32, #tpu.memory_space<vmem>>, vector<16xf32>,
      %add3A_1183 = arith.constant 21 : i32
      %add3A_1184 = arith.addi %mul3A_993, %add3A_1183 : i32
      %get3A_1185 = arith.index_cast %add3A_1184 : i32 to index
      %get3A_1186 = arith.constant 0 : index
      %get3A_1187 = tpu.vector_load %arg6[%get3A_1185, %get3A_1186] {strides = array<i32>} : memref<3328x16xf32, #tpu.memory_space<vmem>>, vector<16xf32>,
      %swap3A_1188 = arith.constant 2 : i32
      %swap3A_1189 = arith.index_cast %swap3A_1188 : i32 to index
      %swap3A_1190 = arith.constant 80 : index
      %swap3A_1191 = tpu.vector_load %arg8[%swap3A_1189, %swap3A_1190] {strides = array<i32>} : memref<16x128xf32, #tpu.memory_space<vmem>>, vector<16xf32>,
      tpu.vector_store %arg8[%swap3A_1189, %swap3A_1190], %get3A_1187 {strides = array<i32>} : memref<16x128xf32, #tpu.memory_space<vmem>>, vector<16xf32>,
      %add3A_1192 = arith.constant 22 : i32
      %add3A_1193 = arith.addi %mul3A_993, %add3A_1192 : i32
      %get3A_1194 = arith.index_cast %add3A_1193 : i32 to index
      %get3A_1195 = arith.constant 0 : index
      %get3A_1196 = tpu.vector_load %arg6[%get3A_1194, %get3A_1195] {strides = array<i32>} : memref<3328x16xf32, #tpu.memory_space<vmem>>, vector<16xf32>,
      %swap3A_1197 = arith.constant 2 : i32
      %swap3A_1198 = arith.index_cast %swap3A_1197 : i32 to index
      %swap3A_1199 = arith.constant 96 : index
      %swap3A_1200 = tpu.vector_load %arg8[%swap3A_1198, %swap3A_1199] {strides = array<i32>} : memref<16x128xf32, #tpu.memory_space<vmem>>, vector<16xf32>,
      tpu.vector_store %arg8[%swap3A_1198, %swap3A_1199], %get3A_1196 {strides = array<i32>} : memref<16x128xf32, #tpu.memory_space<vmem>>, vector<16xf32>,
      %add3A_1201 = arith.constant 23 : i32
      %add3A_1202 = arith.addi %mul3A_993, %add3A_1201 : i32
      %get3A_1203 = arith.index_cast %add3A_1202 : i32 to index
      %get3A_1204 = arith.constant 0 : index
      %get3A_1205 = tpu.vector_load %arg6[%get3A_1203, %get3A_1204] {strides = array<i32>} : memref<3328x16xf32, #tpu.memory_space<vmem>>, vector<16xf32>,
      %swap3A_1206 = arith.constant 2 : i32
      %swap3A_1207 = arith.index_cast %swap3A_1206 : i32 to index
      %swap3A_1208 = arith.constant 112 : index
      %swap3A_1209 = tpu.vector_load %arg8[%swap3A_1207, %swap3A_1208] {strides = array<i32>} : memref<16x128xf32, #tpu.memory_space<vmem>>, vector<16xf32>,
      tpu.vector_store %arg8[%swap3A_1207, %swap3A_1208], %get3A_1205 {strides = array<i32>} : memref<16x128xf32, #tpu.memory_space<vmem>>, vector<16xf32>,
      %add3A_1210 = arith.constant 24 : i32
      %add3A_1211 = arith.addi %mul3A_993, %add3A_1210 : i32
      %get3A_1212 = arith.index_cast %add3A_1211 : i32 to index
      %get3A_1213 = arith.constant 0 : index
      %get3A_1214 = tpu.vector_load %arg6[%get3A_1212, %get3A_1213] {strides = array<i32>} : memref<3328x16xf32, #tpu.memory_space<vmem>>, vector<16xf32>,
      %swap3A_1215 = arith.constant 3 : i32
      %swap3A_1216 = arith.index_cast %swap3A_1215 : i32 to index
      %swap3A_1217 = arith.constant 0 : index
      %swap3A_1218 = tpu.vector_load %arg8[%swap3A_1216, %swap3A_1217] {strides = array<i32>} : memref<16x128xf32, #tpu.memory_space<vmem>>, vector<16xf32>,
      tpu.vector_store %arg8[%swap3A_1216, %swap3A_1217], %get3A_1214 {strides = array<i32>} : memref<16x128xf32, #tpu.memory_space<vmem>>, vector<16xf32>,
      %add3A_1219 = arith.constant 25 : i32
      %add3A_1220 = arith.addi %mul3A_993, %add3A_1219 : i32
      %get3A_1221 = arith.index_cast %add3A_1220 : i32 to index
      %get3A_1222 = arith.constant 0 : index
      %get3A_1223 = tpu.vector_load %arg6[%get3A_1221, %get3A_1222] {strides = array<i32>} : memref<3328x16xf32, #tpu.memory_space<vmem>>, vector<16xf32>,
      %swap3A_1224 = arith.constant 3 : i32
      %swap3A_1225 = arith.index_cast %swap3A_1224 : i32 to index
      %swap3A_1226 = arith.constant 16 : index
      %swap3A_1227 = tpu.vector_load %arg8[%swap3A_1225, %swap3A_1226] {strides = array<i32>} : memref<16x128xf32, #tpu.memory_space<vmem>>, vector<16xf32>,
      tpu.vector_store %arg8[%swap3A_1225, %swap3A_1226], %get3A_1223 {strides = array<i32>} : memref<16x128xf32, #tpu.memory_space<vmem>>, vector<16xf32>,
      %add3A_1228 = arith.constant 26 : i32
      %add3A_1229 = arith.addi %mul3A_993, %add3A_1228 : i32
      %get3A_1230 = arith.index_cast %add3A_1229 : i32 to index
      %get3A_1231 = arith.constant 0 : index
      %get3A_1232 = tpu.vector_load %arg6[%get3A_1230, %get3A_1231] {strides = array<i32>} : memref<3328x16xf32, #tpu.memory_space<vmem>>, vector<16xf32>,
      %swap3A_1233 = arith.constant 4 : i32
      %swap3A_1234 = arith.index_cast %swap3A_1233 : i32 to index
      %swap3A_1235 = arith.constant 0 : index
      %swap3A_1236 = tpu.vector_load %arg8[%swap3A_1234, %swap3A_1235] {strides = array<i32>} : memref<16x128xf32, #tpu.memory_space<vmem>>, vector<16xf32>,
      tpu.vector_store %arg8[%swap3A_1234, %swap3A_1235], %get3A_1232 {strides = array<i32>} : memref<16x128xf32, #tpu.memory_space<vmem>>, vector<16xf32>,
      %add3A_1237 = arith.constant 27 : i32
      %add3A_1238 = arith.addi %mul3A_993, %add3A_1237 : i32
      %get3A_1239 = arith.index_cast %add3A_1238 : i32 to index
      %get3A_1240 = arith.constant 0 : index
      %get3A_1241 = tpu.vector_load %arg6[%get3A_1239, %get3A_1240] {strides = array<i32>} : memref<3328x16xf32, #tpu.memory_space<vmem>>, vector<16xf32>,
      %swap3A_1242 = arith.constant 4 : i32
      %swap3A_1243 = arith.index_cast %swap3A_1242 : i32 to index
      %swap3A_1244 = arith.constant 16 : index
      %swap3A_1245 = tpu.vector_load %arg8[%swap3A_1243, %swap3A_1244] {strides = array<i32>} : memref<16x128xf32, #tpu.memory_space<vmem>>, vector<16xf32>,
      tpu.vector_store %arg8[%swap3A_1243, %swap3A_1244], %get3A_1241 {strides = array<i32>} : memref<16x128xf32, #tpu.memory_space<vmem>>, vector<16xf32>,
      %add3A_1246 = arith.constant 28 : i32
      %add3A_1247 = arith.addi %mul3A_993, %add3A_1246 : i32
      %get3A_1248 = arith.index_cast %add3A_1247 : i32 to index
      %get3A_1249 = arith.constant 0 : index
      %get3A_1250 = tpu.vector_load %arg6[%get3A_1248, %get3A_1249] {strides = array<i32>} : memref<3328x16xf32, #tpu.memory_space<vmem>>, vector<16xf32>,
      %swap3A_1251 = arith.constant 4 : i32
      %swap3A_1252 = arith.index_cast %swap3A_1251 : i32 to index
      %swap3A_1253 = arith.constant 32 : index
      %swap3A_1254 = tpu.vector_load %arg8[%swap3A_1252, %swap3A_1253] {strides = array<i32>} : memref<16x128xf32, #tpu.memory_space<vmem>>, vector<16xf32>,
      tpu.vector_store %arg8[%swap3A_1252, %swap3A_1253], %get3A_1250 {strides = array<i32>} : memref<16x128xf32, #tpu.memory_space<vmem>>, vector<16xf32>,
      %add3A_1255 = arith.constant 29 : i32
      %add3A_1256 = arith.addi %mul3A_993, %add3A_1255 : i32
      %get3A_1257 = arith.index_cast %add3A_1256 : i32 to index
      %get3A_1258 = arith.constant 0 : index
      %get3A_1259 = tpu.vector_load %arg6[%get3A_1257, %get3A_1258] {strides = array<i32>} : memref<3328x16xf32, #tpu.memory_space<vmem>>, vector<16xf32>,
      %swap3A_1260 = arith.constant 4 : i32
      %swap3A_1261 = arith.index_cast %swap3A_1260 : i32 to index
      %swap3A_1262 = arith.constant 48 : index
      %swap3A_1263 = tpu.vector_load %arg8[%swap3A_1261, %swap3A_1262] {strides = array<i32>} : memref<16x128xf32, #tpu.memory_space<vmem>>, vector<16xf32>,
      tpu.vector_store %arg8[%swap3A_1261, %swap3A_1262], %get3A_1259 {strides = array<i32>} : memref<16x128xf32, #tpu.memory_space<vmem>>, vector<16xf32>,
      %add3A_1264 = arith.constant 30 : i32
      %add3A_1265 = arith.addi %mul3A_993, %add3A_1264 : i32
      %get3A_1266 = arith.index_cast %add3A_1265 : i32 to index
      %get3A_1267 = arith.constant 0 : index
      %get3A_1268 = tpu.vector_load %arg6[%get3A_1266, %get3A_1267] {strides = array<i32>} : memref<3328x16xf32, #tpu.memory_space<vmem>>, vector<16xf32>,
      %swap3A_1269 = arith.constant 4 : i32
      %swap3A_1270 = arith.index_cast %swap3A_1269 : i32 to index
      %swap3A_1271 = arith.constant 64 : index
      %swap3A_1272 = tpu.vector_load %arg8[%swap3A_1270, %swap3A_1271] {strides = array<i32>} : memref<16x128xf32, #tpu.memory_space<vmem>>, vector<16xf32>,
      tpu.vector_store %arg8[%swap3A_1270, %swap3A_1271], %get3A_1268 {strides = array<i32>} : memref<16x128xf32, #tpu.memory_space<vmem>>, vector<16xf32>,
      %add3A_1273 = arith.constant 31 : i32
      %add3A_1274 = arith.addi %mul3A_993, %add3A_1273 : i32
      %get3A_1275 = arith.index_cast %add3A_1274 : i32 to index
      %get3A_1276 = arith.constant 0 : index
      %get3A_1277 = tpu.vector_load %arg6[%get3A_1275, %get3A_1276] {strides = array<i32>} : memref<3328x16xf32, #tpu.memory_space<vmem>>, vector<16xf32>,
      %swap3A_1278 = arith.constant 4 : i32
      %swap3A_1279 = arith.index_cast %swap3A_1278 : i32 to index
      %swap3A_1280 = arith.constant 80 : index
      %swap3A_1281 = tpu.vector_load %arg8[%swap3A_1279, %swap3A_1280] {strides = array<i32>} : memref<16x128xf32, #tpu.memory_space<vmem>>, vector<16xf32>,
      tpu.vector_store %arg8[%swap3A_1279, %swap3A_1280], %get3A_1277 {strides = array<i32>} : memref<16x128xf32, #tpu.memory_space<vmem>>, vector<16xf32>,
      %add3A_1282 = arith.constant 32 : i32
      %add3A_1283 = arith.addi %mul3A_993, %add3A_1282 : i32
      %get3A_1284 = arith.index_cast %add3A_1283 : i32 to index
      %get3A_1285 = arith.constant 0 : index
      %get3A_1286 = tpu.vector_load %arg6[%get3A_1284, %get3A_1285] {strides = array<i32>} : memref<3328x16xf32, #tpu.memory_space<vmem>>, vector<16xf32>,
      %swap3A_1287 = arith.constant 4 : i32
      %swap3A_1288 = arith.index_cast %swap3A_1287 : i32 to index
      %swap3A_1289 = arith.constant 96 : index
      %swap3A_1290 = tpu.vector_load %arg8[%swap3A_1288, %swap3A_1289] {strides = array<i32>} : memref<16x128xf32, #tpu.memory_space<vmem>>, vector<16xf32>,
      tpu.vector_store %arg8[%swap3A_1288, %swap3A_1289], %get3A_1286 {strides = array<i32>} : memref<16x128xf32, #tpu.memory_space<vmem>>, vector<16xf32>,
      %add3A_1291 = arith.constant 33 : i32
      %add3A_1292 = arith.addi %mul3A_993, %add3A_1291 : i32
      %get3A_1293 = arith.index_cast %add3A_1292 : i32 to index
      %get3A_1294 = arith.constant 0 : index
      %get3A_1295 = tpu.vector_load %arg6[%get3A_1293, %get3A_1294] {strides = array<i32>} : memref<3328x16xf32, #tpu.memory_space<vmem>>, vector<16xf32>,
      %swap3A_1296 = arith.constant 4 : i32
      %swap3A_1297 = arith.index_cast %swap3A_1296 : i32 to index
      %swap3A_1298 = arith.constant 112 : index
      %swap3A_1299 = tpu.vector_load %arg8[%swap3A_1297, %swap3A_1298] {strides = array<i32>} : memref<16x128xf32, #tpu.memory_space<vmem>>, vector<16xf32>,
      tpu.vector_store %arg8[%swap3A_1297, %swap3A_1298], %get3A_1295 {strides = array<i32>} : memref<16x128xf32, #tpu.memory_space<vmem>>, vector<16xf32>,
      %add3A_1300 = arith.constant 34 : i32
      %add3A_1301 = arith.addi %mul3A_993, %add3A_1300 : i32
      %get3A_1302 = arith.index_cast %add3A_1301 : i32 to index
      %get3A_1303 = arith.constant 0 : index
      %get3A_1304 = tpu.vector_load %arg6[%get3A_1302, %get3A_1303] {strides = array<i32>} : memref<3328x16xf32, #tpu.memory_space<vmem>>, vector<16xf32>,
      %swap3A_1305 = arith.constant 5 : i32
      %swap3A_1306 = arith.index_cast %swap3A_1305 : i32 to index
      %swap3A_1307 = arith.constant 0 : index
      %swap3A_1308 = tpu.vector_load %arg8[%swap3A_1306, %swap3A_1307] {strides = array<i32>} : memref<16x128xf32, #tpu.memory_space<vmem>>, vector<16xf32>,
      tpu.vector_store %arg8[%swap3A_1306, %swap3A_1307], %get3A_1304 {strides = array<i32>} : memref<16x128xf32, #tpu.memory_space<vmem>>, vector<16xf32>,
      %add3A_1309 = arith.constant 35 : i32
      %add3A_1310 = arith.addi %mul3A_993, %add3A_1309 : i32
      %get3A_1311 = arith.index_cast %add3A_1310 : i32 to index
      %get3A_1312 = arith.constant 0 : index
      %get3A_1313 = tpu.vector_load %arg6[%get3A_1311, %get3A_1312] {strides = array<i32>} : memref<3328x16xf32, #tpu.memory_space<vmem>>, vector<16xf32>,
      %swap3A_1314 = arith.constant 5 : i32
      %swap3A_1315 = arith.index_cast %swap3A_1314 : i32 to index
      %swap3A_1316 = arith.constant 16 : index
      %swap3A_1317 = tpu.vector_load %arg8[%swap3A_1315, %swap3A_1316] {strides = array<i32>} : memref<16x128xf32, #tpu.memory_space<vmem>>, vector<16xf32>,
      tpu.vector_store %arg8[%swap3A_1315, %swap3A_1316], %get3A_1313 {strides = array<i32>} : memref<16x128xf32, #tpu.memory_space<vmem>>, vector<16xf32>,
      %add3A_1318 = arith.constant 36 : i32
      %add3A_1319 = arith.addi %mul3A_993, %add3A_1318 : i32
      %get3A_1320 = arith.index_cast %add3A_1319 : i32 to index
      %get3A_1321 = arith.constant 0 : index
      %get3A_1322 = tpu.vector_load %arg6[%get3A_1320, %get3A_1321] {strides = array<i32>} : memref<3328x16xf32, #tpu.memory_space<vmem>>, vector<16xf32>,
      %swap3A_1323 = arith.constant 5 : i32
      %swap3A_1324 = arith.index_cast %swap3A_1323 : i32 to index
      %swap3A_1325 = arith.constant 32 : index
      %swap3A_1326 = tpu.vector_load %arg8[%swap3A_1324, %swap3A_1325] {strides = array<i32>} : memref<16x128xf32, #tpu.memory_space<vmem>>, vector<16xf32>,
      tpu.vector_store %arg8[%swap3A_1324, %swap3A_1325], %get3A_1322 {strides = array<i32>} : memref<16x128xf32, #tpu.memory_space<vmem>>, vector<16xf32>,
      %add3A_1327 = arith.constant 37 : i32
      %add3A_1328 = arith.addi %mul3A_993, %add3A_1327 : i32
      %get3A_1329 = arith.index_cast %add3A_1328 : i32 to index
      %get3A_1330 = arith.constant 0 : index
      %get3A_1331 = tpu.vector_load %arg6[%get3A_1329, %get3A_1330] {strides = array<i32>} : memref<3328x16xf32, #tpu.memory_space<vmem>>, vector<16xf32>,
      %swap3A_1332 = arith.constant 5 : i32
      %swap3A_1333 = arith.index_cast %swap3A_1332 : i32 to index
      %swap3A_1334 = arith.constant 48 : index
      %swap3A_1335 = tpu.vector_load %arg8[%swap3A_1333, %swap3A_1334] {strides = array<i32>} : memref<16x128xf32, #tpu.memory_space<vmem>>, vector<16xf32>,
      tpu.vector_store %arg8[%swap3A_1333, %swap3A_1334], %get3A_1331 {strides = array<i32>} : memref<16x128xf32, #tpu.memory_space<vmem>>, vector<16xf32>,
      %add3A_1336 = arith.constant 38 : i32
      %add3A_1337 = arith.addi %mul3A_993, %add3A_1336 : i32
      %get3A_1338 = arith.index_cast %add3A_1337 : i32 to index
      %get3A_1339 = arith.constant 0 : index
      %get3A_1340 = tpu.vector_load %arg6[%get3A_1338, %get3A_1339] {strides = array<i32>} : memref<3328x16xf32, #tpu.memory_space<vmem>>, vector<16xf32>,
      %swap3A_1341 = arith.constant 5 : i32
      %swap3A_1342 = arith.index_cast %swap3A_1341 : i32 to index
      %swap3A_1343 = arith.constant 64 : index
      %swap3A_1344 = tpu.vector_load %arg8[%swap3A_1342, %swap3A_1343] {strides = array<i32>} : memref<16x128xf32, #tpu.memory_space<vmem>>, vector<16xf32>,
      tpu.vector_store %arg8[%swap3A_1342, %swap3A_1343], %get3A_1340 {strides = array<i32>} : memref<16x128xf32, #tpu.memory_space<vmem>>, vector<16xf32>,
      %add3A_1345 = arith.constant 39 : i32
      %add3A_1346 = arith.addi %mul3A_993, %add3A_1345 : i32
      %get3A_1347 = arith.index_cast %add3A_1346 : i32 to index
      %get3A_1348 = arith.constant 0 : index
      %get3A_1349 = tpu.vector_load %arg6[%get3A_1347, %get3A_1348] {strides = array<i32>} : memref<3328x16xf32, #tpu.memory_space<vmem>>, vector<16xf32>,
      %swap3A_1350 = arith.constant 5 : i32
      %swap3A_1351 = arith.index_cast %swap3A_1350 : i32 to index
      %swap3A_1352 = arith.constant 80 : index
      %swap3A_1353 = tpu.vector_load %arg8[%swap3A_1351, %swap3A_1352] {strides = array<i32>} : memref<16x128xf32, #tpu.memory_space<vmem>>, vector<16xf32>,
      tpu.vector_store %arg8[%swap3A_1351, %swap3A_1352], %get3A_1349 {strides = array<i32>} : memref<16x128xf32, #tpu.memory_space<vmem>>, vector<16xf32>,
      %add3A_1354 = arith.constant 40 : i32
      %add3A_1355 = arith.addi %mul3A_993, %add3A_1354 : i32
      %get3A_1356 = arith.index_cast %add3A_1355 : i32 to index
      %get3A_1357 = arith.constant 0 : index
      %get3A_1358 = tpu.vector_load %arg6[%get3A_1356, %get3A_1357] {strides = array<i32>} : memref<3328x16xf32, #tpu.memory_space<vmem>>, vector<16xf32>,
      %swap3A_1359 = arith.constant 5 : i32
      %swap3A_1360 = arith.index_cast %swap3A_1359 : i32 to index
      %swap3A_1361 = arith.constant 96 : index
      %swap3A_1362 = tpu.vector_load %arg8[%swap3A_1360, %swap3A_1361] {strides = array<i32>} : memref<16x128xf32, #tpu.memory_space<vmem>>, vector<16xf32>,
      tpu.vector_store %arg8[%swap3A_1360, %swap3A_1361], %get3A_1358 {strides = array<i32>} : memref<16x128xf32, #tpu.memory_space<vmem>>, vector<16xf32>,
      %add3A_1363 = arith.constant 41 : i32
      %add3A_1364 = arith.addi %mul3A_993, %add3A_1363 : i32
      %get3A_1365 = arith.index_cast %add3A_1364 : i32 to index
      %get3A_1366 = arith.constant 0 : index
      %get3A_1367 = tpu.vector_load %arg6[%get3A_1365, %get3A_1366] {strides = array<i32>} : memref<3328x16xf32, #tpu.memory_space<vmem>>, vector<16xf32>,
      %swap3A_1368 = arith.constant 5 : i32
      %swap3A_1369 = arith.index_cast %swap3A_1368 : i32 to index
      %swap3A_1370 = arith.constant 112 : index
      %swap3A_1371 = tpu.vector_load %arg8[%swap3A_1369, %swap3A_1370] {strides = array<i32>} : memref<16x128xf32, #tpu.memory_space<vmem>>, vector<16xf32>,
      tpu.vector_store %arg8[%swap3A_1369, %swap3A_1370], %get3A_1367 {strides = array<i32>} : memref<16x128xf32, #tpu.memory_space<vmem>>, vector<16xf32>,
      %add3A_1372 = arith.constant 42 : i32
      %add3A_1373 = arith.addi %mul3A_993, %add3A_1372 : i32
      %get3A_1374 = arith.index_cast %add3A_1373 : i32 to index
      %get3A_1375 = arith.constant 0 : index
      %get3A_1376 = tpu.vector_load %arg6[%get3A_1374, %get3A_1375] {strides = array<i32>} : memref<3328x16xf32, #tpu.memory_space<vmem>>, vector<16xf32>,
      %swap3A_1377 = arith.constant 6 : i32
      %swap3A_1378 = arith.index_cast %swap3A_1377 : i32 to index
      %swap3A_1379 = arith.constant 0 : index
      %swap3A_1380 = tpu.vector_load %arg8[%swap3A_1378, %swap3A_1379] {strides = array<i32>} : memref<16x128xf32, #tpu.memory_space<vmem>>, vector<16xf32>,
      tpu.vector_store %arg8[%swap3A_1378, %swap3A_1379], %get3A_1376 {strides = array<i32>} : memref<16x128xf32, #tpu.memory_space<vmem>>, vector<16xf32>,
      %add3A_1381 = arith.constant 43 : i32
      %add3A_1382 = arith.addi %mul3A_993, %add3A_1381 : i32
      %get3A_1383 = arith.index_cast %add3A_1382 : i32 to index
      %get3A_1384 = arith.constant 0 : index
      %get3A_1385 = tpu.vector_load %arg6[%get3A_1383, %get3A_1384] {strides = array<i32>} : memref<3328x16xf32, #tpu.memory_space<vmem>>, vector<16xf32>,
      %swap3A_1386 = arith.constant 6 : i32
      %swap3A_1387 = arith.index_cast %swap3A_1386 : i32 to index
      %swap3A_1388 = arith.constant 16 : index
      %swap3A_1389 = tpu.vector_load %arg8[%swap3A_1387, %swap3A_1388] {strides = array<i32>} : memref<16x128xf32, #tpu.memory_space<vmem>>, vector<16xf32>,
      tpu.vector_store %arg8[%swap3A_1387, %swap3A_1388], %get3A_1385 {strides = array<i32>} : memref<16x128xf32, #tpu.memory_space<vmem>>, vector<16xf32>,
      %add3A_1390 = arith.constant 44 : i32
      %add3A_1391 = arith.addi %mul3A_993, %add3A_1390 : i32
      %get3A_1392 = arith.index_cast %add3A_1391 : i32 to index
      %get3A_1393 = arith.constant 0 : index
      %get3A_1394 = tpu.vector_load %arg6[%get3A_1392, %get3A_1393] {strides = array<i32>} : memref<3328x16xf32, #tpu.memory_space<vmem>>, vector<16xf32>,
      %swap3A_1395 = arith.constant 6 : i32
      %swap3A_1396 = arith.index_cast %swap3A_1395 : i32 to index
      %swap3A_1397 = arith.constant 32 : index
      %swap3A_1398 = tpu.vector_load %arg8[%swap3A_1396, %swap3A_1397] {strides = array<i32>} : memref<16x128xf32, #tpu.memory_space<vmem>>, vector<16xf32>,
      tpu.vector_store %arg8[%swap3A_1396, %swap3A_1397], %get3A_1394 {strides = array<i32>} : memref<16x128xf32, #tpu.memory_space<vmem>>, vector<16xf32>,
      %add3A_1399 = arith.constant 45 : i32
      %add3A_1400 = arith.addi %mul3A_993, %add3A_1399 : i32
      %get3A_1401 = arith.index_cast %add3A_1400 : i32 to index
      %get3A_1402 = arith.constant 0 : index
      %get3A_1403 = tpu.vector_load %arg6[%get3A_1401, %get3A_1402] {strides = array<i32>} : memref<3328x16xf32, #tpu.memory_space<vmem>>, vector<16xf32>,
      %swap3A_1404 = arith.constant 6 : i32
      %swap3A_1405 = arith.index_cast %swap3A_1404 : i32 to index
      %swap3A_1406 = arith.constant 48 : index
      %swap3A_1407 = tpu.vector_load %arg8[%swap3A_1405, %swap3A_1406] {strides = array<i32>} : memref<16x128xf32, #tpu.memory_space<vmem>>, vector<16xf32>,
      tpu.vector_store %arg8[%swap3A_1405, %swap3A_1406], %get3A_1403 {strides = array<i32>} : memref<16x128xf32, #tpu.memory_space<vmem>>, vector<16xf32>,
      %add3A_1408 = arith.constant 46 : i32
      %add3A_1409 = arith.addi %mul3A_993, %add3A_1408 : i32
      %get3A_1410 = arith.index_cast %add3A_1409 : i32 to index
      %get3A_1411 = arith.constant 0 : index
      %get3A_1412 = tpu.vector_load %arg6[%get3A_1410, %get3A_1411] {strides = array<i32>} : memref<3328x16xf32, #tpu.memory_space<vmem>>, vector<16xf32>,
      %swap3A_1413 = arith.constant 6 : i32
      %swap3A_1414 = arith.index_cast %swap3A_1413 : i32 to index
      %swap3A_1415 = arith.constant 64 : index
      %swap3A_1416 = tpu.vector_load %arg8[%swap3A_1414, %swap3A_1415] {strides = array<i32>} : memref<16x128xf32, #tpu.memory_space<vmem>>, vector<16xf32>,
      tpu.vector_store %arg8[%swap3A_1414, %swap3A_1415], %get3A_1412 {strides = array<i32>} : memref<16x128xf32, #tpu.memory_space<vmem>>, vector<16xf32>,
      %add3A_1417 = arith.constant 47 : i32
      %add3A_1418 = arith.addi %mul3A_993, %add3A_1417 : i32
      %get3A_1419 = arith.index_cast %add3A_1418 : i32 to index
      %get3A_1420 = arith.constant 0 : index
      %get3A_1421 = tpu.vector_load %arg6[%get3A_1419, %get3A_1420] {strides = array<i32>} : memref<3328x16xf32, #tpu.memory_space<vmem>>, vector<16xf32>,
      %swap3A_1422 = arith.constant 6 : i32
      %swap3A_1423 = arith.index_cast %swap3A_1422 : i32 to index
      %swap3A_1424 = arith.constant 80 : index
      %swap3A_1425 = tpu.vector_load %arg8[%swap3A_1423, %swap3A_1424] {strides = array<i32>} : memref<16x128xf32, #tpu.memory_space<vmem>>, vector<16xf32>,
      tpu.vector_store %arg8[%swap3A_1423, %swap3A_1424], %get3A_1421 {strides = array<i32>} : memref<16x128xf32, #tpu.memory_space<vmem>>, vector<16xf32>,
      %add3A_1426 = arith.constant 48 : i32
      %add3A_1427 = arith.addi %mul3A_993, %add3A_1426 : i32
      %get3A_1428 = arith.index_cast %add3A_1427 : i32 to index
      %get3A_1429 = arith.constant 0 : index
      %get3A_1430 = tpu.vector_load %arg6[%get3A_1428, %get3A_1429] {strides = array<i32>} : memref<3328x16xf32, #tpu.memory_space<vmem>>, vector<16xf32>,
      %swap3A_1431 = arith.constant 6 : i32
      %swap3A_1432 = arith.index_cast %swap3A_1431 : i32 to index
      %swap3A_1433 = arith.constant 96 : index
      %swap3A_1434 = tpu.vector_load %arg8[%swap3A_1432, %swap3A_1433] {strides = array<i32>} : memref<16x128xf32, #tpu.memory_space<vmem>>, vector<16xf32>,
      tpu.vector_store %arg8[%swap3A_1432, %swap3A_1433], %get3A_1430 {strides = array<i32>} : memref<16x128xf32, #tpu.memory_space<vmem>>, vector<16xf32>,
      %add3A_1435 = arith.constant 49 : i32
      %add3A_1436 = arith.addi %mul3A_993, %add3A_1435 : i32
      %get3A_1437 = arith.index_cast %add3A_1436 : i32 to index
      %get3A_1438 = arith.constant 0 : index
      %get3A_1439 = tpu.vector_load %arg6[%get3A_1437, %get3A_1438] {strides = array<i32>} : memref<3328x16xf32, #tpu.memory_space<vmem>>, vector<16xf32>,
      %swap3A_1440 = arith.constant 6 : i32
      %swap3A_1441 = arith.index_cast %swap3A_1440 : i32 to index
      %swap3A_1442 = arith.constant 112 : index
      %swap3A_1443 = tpu.vector_load %arg8[%swap3A_1441, %swap3A_1442] {strides = array<i32>} : memref<16x128xf32, #tpu.memory_space<vmem>>, vector<16xf32>,
      tpu.vector_store %arg8[%swap3A_1441, %swap3A_1442], %get3A_1439 {strides = array<i32>} : memref<16x128xf32, #tpu.memory_space<vmem>>, vector<16xf32>,
      %add3A_1444 = arith.constant 50 : i32
      %add3A_1445 = arith.addi %mul3A_993, %add3A_1444 : i32
      %get3A_1446 = arith.index_cast %add3A_1445 : i32 to index
      %get3A_1447 = arith.constant 0 : index
      %get3A_1448 = tpu.vector_load %arg6[%get3A_1446, %get3A_1447] {strides = array<i32>} : memref<3328x16xf32, #tpu.memory_space<vmem>>, vector<16xf32>,
      %swap3A_1449 = arith.constant 7 : i32
      %swap3A_1450 = arith.index_cast %swap3A_1449 : i32 to index
      %swap3A_1451 = arith.constant 0 : index
      %swap3A_1452 = tpu.vector_load %arg8[%swap3A_1450, %swap3A_1451] {strides = array<i32>} : memref<16x128xf32, #tpu.memory_space<vmem>>, vector<16xf32>,
      tpu.vector_store %arg8[%swap3A_1450, %swap3A_1451], %get3A_1448 {strides = array<i32>} : memref<16x128xf32, #tpu.memory_space<vmem>>, vector<16xf32>,
      %add3A_1453 = arith.constant 51 : i32
      %add3A_1454 = arith.addi %mul3A_993, %add3A_1453 : i32
      %get3A_1455 = arith.index_cast %add3A_1454 : i32 to index
      %get3A_1456 = arith.constant 0 : index
      %get3A_1457 = tpu.vector_load %arg6[%get3A_1455, %get3A_1456] {strides = array<i32>} : memref<3328x16xf32, #tpu.memory_space<vmem>>, vector<16xf32>,
      %swap3A_1458 = arith.constant 7 : i32
      %swap3A_1459 = arith.index_cast %swap3A_1458 : i32 to index
      %swap3A_1460 = arith.constant 16 : index
      %swap3A_1461 = tpu.vector_load %arg8[%swap3A_1459, %swap3A_1460] {strides = array<i32>} : memref<16x128xf32, #tpu.memory_space<vmem>>, vector<16xf32>,
      tpu.vector_store %arg8[%swap3A_1459, %swap3A_1460], %get3A_1457 {strides = array<i32>} : memref<16x128xf32, #tpu.memory_space<vmem>>, vector<16xf32>,
      %add3A_1462 = arith.constant 52 : i32
      %add3A_1463 = arith.addi %mul3A_993, %add3A_1462 : i32
      %get3A_1464 = arith.index_cast %add3A_1463 : i32 to index
      %get3A_1465 = arith.constant 0 : index
      %get3A_1466 = tpu.vector_load %arg6[%get3A_1464, %get3A_1465] {strides = array<i32>} : memref<3328x16xf32, #tpu.memory_space<vmem>>, vector<16xf32>,
      %swap3A_1467 = arith.constant 8 : i32
      %swap3A_1468 = arith.index_cast %swap3A_1467 : i32 to index
      %swap3A_1469 = arith.constant 0 : index
      %swap3A_1470 = tpu.vector_load %arg8[%swap3A_1468, %swap3A_1469] {strides = array<i32>} : memref<16x128xf32, #tpu.memory_space<vmem>>, vector<16xf32>,
      tpu.vector_store %arg8[%swap3A_1468, %swap3A_1469], %get3A_1466 {strides = array<i32>} : memref<16x128xf32, #tpu.memory_space<vmem>>, vector<16xf32>,
      %add3A_1471 = arith.constant 53 : i32
      %add3A_1472 = arith.addi %mul3A_993, %add3A_1471 : i32
      %get3A_1473 = arith.index_cast %add3A_1472 : i32 to index
      %get3A_1474 = arith.constant 0 : index
      %get3A_1475 = tpu.vector_load %arg6[%get3A_1473, %get3A_1474] {strides = array<i32>} : memref<3328x16xf32, #tpu.memory_space<vmem>>, vector<16xf32>,
      %swap3A_1476 = arith.constant 8 : i32
      %swap3A_1477 = arith.index_cast %swap3A_1476 : i32 to index
      %swap3A_1478 = arith.constant 16 : index
      %swap3A_1479 = tpu.vector_load %arg8[%swap3A_1477, %swap3A_1478] {strides = array<i32>} : memref<16x128xf32, #tpu.memory_space<vmem>>, vector<16xf32>,
      tpu.vector_store %arg8[%swap3A_1477, %swap3A_1478], %get3A_1475 {strides = array<i32>} : memref<16x128xf32, #tpu.memory_space<vmem>>, vector<16xf32>,
      %add3A_1480 = arith.constant 54 : i32
      %add3A_1481 = arith.addi %mul3A_993, %add3A_1480 : i32
      %get3A_1482 = arith.index_cast %add3A_1481 : i32 to index
      %get3A_1483 = arith.constant 0 : index
      %get3A_1484 = tpu.vector_load %arg6[%get3A_1482, %get3A_1483] {strides = array<i32>} : memref<3328x16xf32, #tpu.memory_space<vmem>>, vector<16xf32>,
      %swap3A_1485 = arith.constant 8 : i32
      %swap3A_1486 = arith.index_cast %swap3A_1485 : i32 to index
      %swap3A_1487 = arith.constant 32 : index
      %swap3A_1488 = tpu.vector_load %arg8[%swap3A_1486, %swap3A_1487] {strides = array<i32>} : memref<16x128xf32, #tpu.memory_space<vmem>>, vector<16xf32>,
      tpu.vector_store %arg8[%swap3A_1486, %swap3A_1487], %get3A_1484 {strides = array<i32>} : memref<16x128xf32, #tpu.memory_space<vmem>>, vector<16xf32>,
      %add3A_1489 = arith.constant 55 : i32
      %add3A_1490 = arith.addi %mul3A_993, %add3A_1489 : i32
      %get3A_1491 = arith.index_cast %add3A_1490 : i32 to index
      %get3A_1492 = arith.constant 0 : index
      %get3A_1493 = tpu.vector_load %arg6[%get3A_1491, %get3A_1492] {strides = array<i32>} : memref<3328x16xf32, #tpu.memory_space<vmem>>, vector<16xf32>,
      %swap3A_1494 = arith.constant 8 : i32
      %swap3A_1495 = arith.index_cast %swap3A_1494 : i32 to index
      %swap3A_1496 = arith.constant 48 : index
      %swap3A_1497 = tpu.vector_load %arg8[%swap3A_1495, %swap3A_1496] {strides = array<i32>} : memref<16x128xf32, #tpu.memory_space<vmem>>, vector<16xf32>,
      tpu.vector_store %arg8[%swap3A_1495, %swap3A_1496], %get3A_1493 {strides = array<i32>} : memref<16x128xf32, #tpu.memory_space<vmem>>, vector<16xf32>,
      %add3A_1498 = arith.constant 56 : i32
      %add3A_1499 = arith.addi %mul3A_993, %add3A_1498 : i32
      %get3A_1500 = arith.index_cast %add3A_1499 : i32 to index
      %get3A_1501 = arith.constant 0 : index
      %get3A_1502 = tpu.vector_load %arg6[%get3A_1500, %get3A_1501] {strides = array<i32>} : memref<3328x16xf32, #tpu.memory_space<vmem>>, vector<16xf32>,
      %swap3A_1503 = arith.constant 8 : i32
      %swap3A_1504 = arith.index_cast %swap3A_1503 : i32 to index
      %swap3A_1505 = arith.constant 64 : index
      %swap3A_1506 = tpu.vector_load %arg8[%swap3A_1504, %swap3A_1505] {strides = array<i32>} : memref<16x128xf32, #tpu.memory_space<vmem>>, vector<16xf32>,
      tpu.vector_store %arg8[%swap3A_1504, %swap3A_1505], %get3A_1502 {strides = array<i32>} : memref<16x128xf32, #tpu.memory_space<vmem>>, vector<16xf32>,
      %add3A_1507 = arith.constant 57 : i32
      %add3A_1508 = arith.addi %mul3A_993, %add3A_1507 : i32
      %get3A_1509 = arith.index_cast %add3A_1508 : i32 to index
      %get3A_1510 = arith.constant 0 : index
      %get3A_1511 = tpu.vector_load %arg6[%get3A_1509, %get3A_1510] {strides = array<i32>} : memref<3328x16xf32, #tpu.memory_space<vmem>>, vector<16xf32>,
      %swap3A_1512 = arith.constant 8 : i32
      %swap3A_1513 = arith.index_cast %swap3A_1512 : i32 to index
      %swap3A_1514 = arith.constant 80 : index
      %swap3A_1515 = tpu.vector_load %arg8[%swap3A_1513, %swap3A_1514] {strides = array<i32>} : memref<16x128xf32, #tpu.memory_space<vmem>>, vector<16xf32>,
      tpu.vector_store %arg8[%swap3A_1513, %swap3A_1514], %get3A_1511 {strides = array<i32>} : memref<16x128xf32, #tpu.memory_space<vmem>>, vector<16xf32>,
      %add3A_1516 = arith.constant 58 : i32
      %add3A_1517 = arith.addi %mul3A_993, %add3A_1516 : i32
      %get3A_1518 = arith.index_cast %add3A_1517 : i32 to index
      %get3A_1519 = arith.constant 0 : index
      %get3A_1520 = tpu.vector_load %arg6[%get3A_1518, %get3A_1519] {strides = array<i32>} : memref<3328x16xf32, #tpu.memory_space<vmem>>, vector<16xf32>,
      %swap3A_1521 = arith.constant 8 : i32
      %swap3A_1522 = arith.index_cast %swap3A_1521 : i32 to index
      %swap3A_1523 = arith.constant 96 : index
      %swap3A_1524 = tpu.vector_load %arg8[%swap3A_1522, %swap3A_1523] {strides = array<i32>} : memref<16x128xf32, #tpu.memory_space<vmem>>, vector<16xf32>,
      tpu.vector_store %arg8[%swap3A_1522, %swap3A_1523], %get3A_1520 {strides = array<i32>} : memref<16x128xf32, #tpu.memory_space<vmem>>, vector<16xf32>,
      %add3A_1525 = arith.constant 59 : i32
      %add3A_1526 = arith.addi %mul3A_993, %add3A_1525 : i32
      %get3A_1527 = arith.index_cast %add3A_1526 : i32 to index
      %get3A_1528 = arith.constant 0 : index
      %get3A_1529 = tpu.vector_load %arg6[%get3A_1527, %get3A_1528] {strides = array<i32>} : memref<3328x16xf32, #tpu.memory_space<vmem>>, vector<16xf32>,
      %swap3A_1530 = arith.constant 8 : i32
      %swap3A_1531 = arith.index_cast %swap3A_1530 : i32 to index
      %swap3A_1532 = arith.constant 112 : index
      %swap3A_1533 = tpu.vector_load %arg8[%swap3A_1531, %swap3A_1532] {strides = array<i32>} : memref<16x128xf32, #tpu.memory_space<vmem>>, vector<16xf32>,
      tpu.vector_store %arg8[%swap3A_1531, %swap3A_1532], %get3A_1529 {strides = array<i32>} : memref<16x128xf32, #tpu.memory_space<vmem>>, vector<16xf32>,
      %add3A_1534 = arith.constant 60 : i32
      %add3A_1535 = arith.addi %mul3A_993, %add3A_1534 : i32
      %get3A_1536 = arith.index_cast %add3A_1535 : i32 to index
      %get3A_1537 = arith.constant 0 : index
      %get3A_1538 = tpu.vector_load %arg6[%get3A_1536, %get3A_1537] {strides = array<i32>} : memref<3328x16xf32, #tpu.memory_space<vmem>>, vector<16xf32>,
      %swap3A_1539 = arith.constant 9 : i32
      %swap3A_1540 = arith.index_cast %swap3A_1539 : i32 to index
      %swap3A_1541 = arith.constant 0 : index
      %swap3A_1542 = tpu.vector_load %arg8[%swap3A_1540, %swap3A_1541] {strides = array<i32>} : memref<16x128xf32, #tpu.memory_space<vmem>>, vector<16xf32>,
      tpu.vector_store %arg8[%swap3A_1540, %swap3A_1541], %get3A_1538 {strides = array<i32>} : memref<16x128xf32, #tpu.memory_space<vmem>>, vector<16xf32>,
      %add3A_1543 = arith.constant 61 : i32
      %add3A_1544 = arith.addi %mul3A_993, %add3A_1543 : i32
      %get3A_1545 = arith.index_cast %add3A_1544 : i32 to index
      %get3A_1546 = arith.constant 0 : index
      %get3A_1547 = tpu.vector_load %arg6[%get3A_1545, %get3A_1546] {strides = array<i32>} : memref<3328x16xf32, #tpu.memory_space<vmem>>, vector<16xf32>,
      %swap3A_1548 = arith.constant 9 : i32
      %swap3A_1549 = arith.index_cast %swap3A_1548 : i32 to index
      %swap3A_1550 = arith.constant 16 : index
      %swap3A_1551 = tpu.vector_load %arg8[%swap3A_1549, %swap3A_1550] {strides = array<i32>} : memref<16x128xf32, #tpu.memory_space<vmem>>, vector<16xf32>,
      tpu.vector_store %arg8[%swap3A_1549, %swap3A_1550], %get3A_1547 {strides = array<i32>} : memref<16x128xf32, #tpu.memory_space<vmem>>, vector<16xf32>,
      %add3A_1552 = arith.constant 62 : i32
      %add3A_1553 = arith.addi %mul3A_993, %add3A_1552 : i32
      %get3A_1554 = arith.index_cast %add3A_1553 : i32 to index
      %get3A_1555 = arith.constant 0 : index
      %get3A_1556 = tpu.vector_load %arg6[%get3A_1554, %get3A_1555] {strides = array<i32>} : memref<3328x16xf32, #tpu.memory_space<vmem>>, vector<16xf32>,
      %swap3A_1557 = arith.constant 9 : i32
      %swap3A_1558 = arith.index_cast %swap3A_1557 : i32 to index
      %swap3A_1559 = arith.constant 32 : index
      %swap3A_1560 = tpu.vector_load %arg8[%swap3A_1558, %swap3A_1559] {strides = array<i32>} : memref<16x128xf32, #tpu.memory_space<vmem>>, vector<16xf32>,
      tpu.vector_store %arg8[%swap3A_1558, %swap3A_1559], %get3A_1556 {strides = array<i32>} : memref<16x128xf32, #tpu.memory_space<vmem>>, vector<16xf32>,
      %add3A_1561 = arith.constant 63 : i32
      %add3A_1562 = arith.addi %mul3A_993, %add3A_1561 : i32
      %get3A_1563 = arith.index_cast %add3A_1562 : i32 to index
      %get3A_1564 = arith.constant 0 : index
      %get3A_1565 = tpu.vector_load %arg6[%get3A_1563, %get3A_1564] {strides = array<i32>} : memref<3328x16xf32, #tpu.memory_space<vmem>>, vector<16xf32>,
      %swap3A_1566 = arith.constant 9 : i32
      %swap3A_1567 = arith.index_cast %swap3A_1566 : i32 to index
      %swap3A_1568 = arith.constant 48 : index
      %swap3A_1569 = tpu.vector_load %arg8[%swap3A_1567, %swap3A_1568] {strides = array<i32>} : memref<16x128xf32, #tpu.memory_space<vmem>>, vector<16xf32>,
      tpu.vector_store %arg8[%swap3A_1567, %swap3A_1568], %get3A_1565 {strides = array<i32>} : memref<16x128xf32, #tpu.memory_space<vmem>>, vector<16xf32>,
      %add3A_1570 = arith.constant 64 : i32
      %add3A_1571 = arith.addi %mul3A_993, %add3A_1570 : i32
      %get3A_1572 = arith.index_cast %add3A_1571 : i32 to index
      %get3A_1573 = arith.constant 0 : index
      %get3A_1574 = tpu.vector_load %arg6[%get3A_1572, %get3A_1573] {strides = array<i32>} : memref<3328x16xf32, #tpu.memory_space<vmem>>, vector<16xf32>,
      %swap3A_1575 = arith.constant 9 : i32
      %swap3A_1576 = arith.index_cast %swap3A_1575 : i32 to index
      %swap3A_1577 = arith.constant 64 : index
      %swap3A_1578 = tpu.vector_load %arg8[%swap3A_1576, %swap3A_1577] {strides = array<i32>} : memref<16x128xf32, #tpu.memory_space<vmem>>, vector<16xf32>,
      tpu.vector_store %arg8[%swap3A_1576, %swap3A_1577], %get3A_1574 {strides = array<i32>} : memref<16x128xf32, #tpu.memory_space<vmem>>, vector<16xf32>,
      %add3A_1579 = arith.constant 65 : i32
      %add3A_1580 = arith.addi %mul3A_993, %add3A_1579 : i32
      %get3A_1581 = arith.index_cast %add3A_1580 : i32 to index
      %get3A_1582 = arith.constant 0 : index
      %get3A_1583 = tpu.vector_load %arg6[%get3A_1581, %get3A_1582] {strides = array<i32>} : memref<3328x16xf32, #tpu.memory_space<vmem>>, vector<16xf32>,
      %swap3A_1584 = arith.constant 9 : i32
      %swap3A_1585 = arith.index_cast %swap3A_1584 : i32 to index
      %swap3A_1586 = arith.constant 80 : index
      %swap3A_1587 = tpu.vector_load %arg8[%swap3A_1585, %swap3A_1586] {strides = array<i32>} : memref<16x128xf32, #tpu.memory_space<vmem>>, vector<16xf32>,
      tpu.vector_store %arg8[%swap3A_1585, %swap3A_1586], %get3A_1583 {strides = array<i32>} : memref<16x128xf32, #tpu.memory_space<vmem>>, vector<16xf32>,
      %add3A_1588 = arith.constant 66 : i32
      %add3A_1589 = arith.addi %mul3A_993, %add3A_1588 : i32
      %get3A_1590 = arith.index_cast %add3A_1589 : i32 to index
      %get3A_1591 = arith.constant 0 : index
      %get3A_1592 = tpu.vector_load %arg6[%get3A_1590, %get3A_1591] {strides = array<i32>} : memref<3328x16xf32, #tpu.memory_space<vmem>>, vector<16xf32>,
      %swap3A_1593 = arith.constant 9 : i32
      %swap3A_1594 = arith.index_cast %swap3A_1593 : i32 to index
      %swap3A_1595 = arith.constant 96 : index
      %swap3A_1596 = tpu.vector_load %arg8[%swap3A_1594, %swap3A_1595] {strides = array<i32>} : memref<16x128xf32, #tpu.memory_space<vmem>>, vector<16xf32>,
      tpu.vector_store %arg8[%swap3A_1594, %swap3A_1595], %get3A_1592 {strides = array<i32>} : memref<16x128xf32, #tpu.memory_space<vmem>>, vector<16xf32>,
      %add3A_1597 = arith.constant 67 : i32
      %add3A_1598 = arith.addi %mul3A_993, %add3A_1597 : i32
      %get3A_1599 = arith.index_cast %add3A_1598 : i32 to index
      %get3A_1600 = arith.constant 0 : index
      %get3A_1601 = tpu.vector_load %arg6[%get3A_1599, %get3A_1600] {strides = array<i32>} : memref<3328x16xf32, #tpu.memory_space<vmem>>, vector<16xf32>,
      %swap3A_1602 = arith.constant 9 : i32
      %swap3A_1603 = arith.index_cast %swap3A_1602 : i32 to index
      %swap3A_1604 = arith.constant 112 : index
      %swap3A_1605 = tpu.vector_load %arg8[%swap3A_1603, %swap3A_1604] {strides = array<i32>} : memref<16x128xf32, #tpu.memory_space<vmem>>, vector<16xf32>,
      tpu.vector_store %arg8[%swap3A_1603, %swap3A_1604], %get3A_1601 {strides = array<i32>} : memref<16x128xf32, #tpu.memory_space<vmem>>, vector<16xf32>,
      %add3A_1606 = arith.constant 68 : i32
      %add3A_1607 = arith.addi %mul3A_993, %add3A_1606 : i32
      %get3A_1608 = arith.index_cast %add3A_1607 : i32 to index
      %get3A_1609 = arith.constant 0 : index
      %get3A_1610 = tpu.vector_load %arg6[%get3A_1608, %get3A_1609] {strides = array<i32>} : memref<3328x16xf32, #tpu.memory_space<vmem>>, vector<16xf32>,
      %swap3A_1611 = arith.constant 10 : i32
      %swap3A_1612 = arith.index_cast %swap3A_1611 : i32 to index
      %swap3A_1613 = arith.constant 0 : index
      %swap3A_1614 = tpu.vector_load %arg8[%swap3A_1612, %swap3A_1613] {strides = array<i32>} : memref<16x128xf32, #tpu.memory_space<vmem>>, vector<16xf32>,
      tpu.vector_store %arg8[%swap3A_1612, %swap3A_1613], %get3A_1610 {strides = array<i32>} : memref<16x128xf32, #tpu.memory_space<vmem>>, vector<16xf32>,
      %add3A_1615 = arith.constant 69 : i32
      %add3A_1616 = arith.addi %mul3A_993, %add3A_1615 : i32
      %get3A_1617 = arith.index_cast %add3A_1616 : i32 to index
      %get3A_1618 = arith.constant 0 : index
      %get3A_1619 = tpu.vector_load %arg6[%get3A_1617, %get3A_1618] {strides = array<i32>} : memref<3328x16xf32, #tpu.memory_space<vmem>>, vector<16xf32>,
      %swap3A_1620 = arith.constant 10 : i32
      %swap3A_1621 = arith.index_cast %swap3A_1620 : i32 to index
      %swap3A_1622 = arith.constant 16 : index
      %swap3A_1623 = tpu.vector_load %arg8[%swap3A_1621, %swap3A_1622] {strides = array<i32>} : memref<16x128xf32, #tpu.memory_space<vmem>>, vector<16xf32>,
      tpu.vector_store %arg8[%swap3A_1621, %swap3A_1622], %get3A_1619 {strides = array<i32>} : memref<16x128xf32, #tpu.memory_space<vmem>>, vector<16xf32>,
      %add3A_1624 = arith.constant 70 : i32
      %add3A_1625 = arith.addi %mul3A_993, %add3A_1624 : i32
      %get3A_1626 = arith.index_cast %add3A_1625 : i32 to index
      %get3A_1627 = arith.constant 0 : index
      %get3A_1628 = tpu.vector_load %arg6[%get3A_1626, %get3A_1627] {strides = array<i32>} : memref<3328x16xf32, #tpu.memory_space<vmem>>, vector<16xf32>,
      %swap3A_1629 = arith.constant 10 : i32
      %swap3A_1630 = arith.index_cast %swap3A_1629 : i32 to index
      %swap3A_1631 = arith.constant 32 : index
      %swap3A_1632 = tpu.vector_load %arg8[%swap3A_1630, %swap3A_1631] {strides = array<i32>} : memref<16x128xf32, #tpu.memory_space<vmem>>, vector<16xf32>,
      tpu.vector_store %arg8[%swap3A_1630, %swap3A_1631], %get3A_1628 {strides = array<i32>} : memref<16x128xf32, #tpu.memory_space<vmem>>, vector<16xf32>,
      %add3A_1633 = arith.constant 71 : i32
      %add3A_1634 = arith.addi %mul3A_993, %add3A_1633 : i32
      %get3A_1635 = arith.index_cast %add3A_1634 : i32 to index
      %get3A_1636 = arith.constant 0 : index
      %get3A_1637 = tpu.vector_load %arg6[%get3A_1635, %get3A_1636] {strides = array<i32>} : memref<3328x16xf32, #tpu.memory_space<vmem>>, vector<16xf32>,
      %swap3A_1638 = arith.constant 10 : i32
      %swap3A_1639 = arith.index_cast %swap3A_1638 : i32 to index
      %swap3A_1640 = arith.constant 48 : index
      %swap3A_1641 = tpu.vector_load %arg8[%swap3A_1639, %swap3A_1640] {strides = array<i32>} : memref<16x128xf32, #tpu.memory_space<vmem>>, vector<16xf32>,
      tpu.vector_store %arg8[%swap3A_1639, %swap3A_1640], %get3A_1637 {strides = array<i32>} : memref<16x128xf32, #tpu.memory_space<vmem>>, vector<16xf32>,
      %add3A_1642 = arith.constant 72 : i32
      %add3A_1643 = arith.addi %mul3A_993, %add3A_1642 : i32
      %get3A_1644 = arith.index_cast %add3A_1643 : i32 to index
      %get3A_1645 = arith.constant 0 : index
      %get3A_1646 = tpu.vector_load %arg6[%get3A_1644, %get3A_1645] {strides = array<i32>} : memref<3328x16xf32, #tpu.memory_space<vmem>>, vector<16xf32>,
      %swap3A_1647 = arith.constant 10 : i32
      %swap3A_1648 = arith.index_cast %swap3A_1647 : i32 to index
      %swap3A_1649 = arith.constant 64 : index
      %swap3A_1650 = tpu.vector_load %arg8[%swap3A_1648, %swap3A_1649] {strides = array<i32>} : memref<16x128xf32, #tpu.memory_space<vmem>>, vector<16xf32>,
      tpu.vector_store %arg8[%swap3A_1648, %swap3A_1649], %get3A_1646 {strides = array<i32>} : memref<16x128xf32, #tpu.memory_space<vmem>>, vector<16xf32>,
      %add3A_1651 = arith.constant 73 : i32
      %add3A_1652 = arith.addi %mul3A_993, %add3A_1651 : i32
      %get3A_1653 = arith.index_cast %add3A_1652 : i32 to index
      %get3A_1654 = arith.constant 0 : index
      %get3A_1655 = tpu.vector_load %arg6[%get3A_1653, %get3A_1654] {strides = array<i32>} : memref<3328x16xf32, #tpu.memory_space<vmem>>, vector<16xf32>,
      %swap3A_1656 = arith.constant 10 : i32
      %swap3A_1657 = arith.index_cast %swap3A_1656 : i32 to index
      %swap3A_1658 = arith.constant 80 : index
      %swap3A_1659 = tpu.vector_load %arg8[%swap3A_1657, %swap3A_1658] {strides = array<i32>} : memref<16x128xf32, #tpu.memory_space<vmem>>, vector<16xf32>,
      tpu.vector_store %arg8[%swap3A_1657, %swap3A_1658], %get3A_1655 {strides = array<i32>} : memref<16x128xf32, #tpu.memory_space<vmem>>, vector<16xf32>,
      %add3A_1660 = arith.constant 74 : i32
      %add3A_1661 = arith.addi %mul3A_993, %add3A_1660 : i32
      %get3A_1662 = arith.index_cast %add3A_1661 : i32 to index
      %get3A_1663 = arith.constant 0 : index
      %get3A_1664 = tpu.vector_load %arg6[%get3A_1662, %get3A_1663] {strides = array<i32>} : memref<3328x16xf32, #tpu.memory_space<vmem>>, vector<16xf32>,
      %swap3A_1665 = arith.constant 10 : i32
      %swap3A_1666 = arith.index_cast %swap3A_1665 : i32 to index
      %swap3A_1667 = arith.constant 96 : index
      %swap3A_1668 = tpu.vector_load %arg8[%swap3A_1666, %swap3A_1667] {strides = array<i32>} : memref<16x128xf32, #tpu.memory_space<vmem>>, vector<16xf32>,
      tpu.vector_store %arg8[%swap3A_1666, %swap3A_1667], %get3A_1664 {strides = array<i32>} : memref<16x128xf32, #tpu.memory_space<vmem>>, vector<16xf32>,
      %add3A_1669 = arith.constant 75 : i32
      %add3A_1670 = arith.addi %mul3A_993, %add3A_1669 : i32
      %get3A_1671 = arith.index_cast %add3A_1670 : i32 to index
      %get3A_1672 = arith.constant 0 : index
      %get3A_1673 = tpu.vector_load %arg6[%get3A_1671, %get3A_1672] {strides = array<i32>} : memref<3328x16xf32, #tpu.memory_space<vmem>>, vector<16xf32>,
      %swap3A_1674 = arith.constant 10 : i32
      %swap3A_1675 = arith.index_cast %swap3A_1674 : i32 to index
      %swap3A_1676 = arith.constant 112 : index
      %swap3A_1677 = tpu.vector_load %arg8[%swap3A_1675, %swap3A_1676] {strides = array<i32>} : memref<16x128xf32, #tpu.memory_space<vmem>>, vector<16xf32>,
      tpu.vector_store %arg8[%swap3A_1675, %swap3A_1676], %get3A_1673 {strides = array<i32>} : memref<16x128xf32, #tpu.memory_space<vmem>>, vector<16xf32>,
      %add3A_1678 = arith.constant 76 : i32
      %add3A_1679 = arith.addi %mul3A_993, %add3A_1678 : i32
      %get3A_1680 = arith.index_cast %add3A_1679 : i32 to index
      %get3A_1681 = arith.constant 0 : index
      %get3A_1682 = tpu.vector_load %arg6[%get3A_1680, %get3A_1681] {strides = array<i32>} : memref<3328x16xf32, #tpu.memory_space<vmem>>, vector<16xf32>,
      %swap3A_1683 = arith.constant 11 : i32
      %swap3A_1684 = arith.index_cast %swap3A_1683 : i32 to index
      %swap3A_1685 = arith.constant 0 : index
      %swap3A_1686 = tpu.vector_load %arg8[%swap3A_1684, %swap3A_1685] {strides = array<i32>} : memref<16x128xf32, #tpu.memory_space<vmem>>, vector<16xf32>,
      tpu.vector_store %arg8[%swap3A_1684, %swap3A_1685], %get3A_1682 {strides = array<i32>} : memref<16x128xf32, #tpu.memory_space<vmem>>, vector<16xf32>,
      %add3A_1687 = arith.constant 77 : i32
      %add3A_1688 = arith.addi %mul3A_993, %add3A_1687 : i32
      %get3A_1689 = arith.index_cast %add3A_1688 : i32 to index
      %get3A_1690 = arith.constant 0 : index
      %get3A_1691 = tpu.vector_load %arg6[%get3A_1689, %get3A_1690] {strides = array<i32>} : memref<3328x16xf32, #tpu.memory_space<vmem>>, vector<16xf32>,
      %swap3A_1692 = arith.constant 11 : i32
      %swap3A_1693 = arith.index_cast %swap3A_1692 : i32 to index
      %swap3A_1694 = arith.constant 16 : index
      %swap3A_1695 = tpu.vector_load %arg8[%swap3A_1693, %swap3A_1694] {strides = array<i32>} : memref<16x128xf32, #tpu.memory_space<vmem>>, vector<16xf32>,
      tpu.vector_store %arg8[%swap3A_1693, %swap3A_1694], %get3A_1691 {strides = array<i32>} : memref<16x128xf32, #tpu.memory_space<vmem>>, vector<16xf32>,
      %add3A_1696 = arith.constant 78 : i32
      %add3A_1697 = arith.addi %mul3A_993, %add3A_1696 : i32
      %get3A_1698 = arith.index_cast %add3A_1697 : i32 to index
      %get3A_1699 = arith.constant 0 : index
      %get3A_1700 = tpu.vector_load %arg6[%get3A_1698, %get3A_1699] {strides = array<i32>} : memref<3328x16xf32, #tpu.memory_space<vmem>>, vector<16xf32>,
      %swap3A_1701 = arith.constant 12 : i32
      %swap3A_1702 = arith.index_cast %swap3A_1701 : i32 to index
      %swap3A_1703 = arith.constant 0 : index
      %swap3A_1704 = tpu.vector_load %arg8[%swap3A_1702, %swap3A_1703] {strides = array<i32>} : memref<16x128xf32, #tpu.memory_space<vmem>>, vector<16xf32>,
      tpu.vector_store %arg8[%swap3A_1702, %swap3A_1703], %get3A_1700 {strides = array<i32>} : memref<16x128xf32, #tpu.memory_space<vmem>>, vector<16xf32>,
      %add3A_1705 = arith.constant 79 : i32
      %add3A_1706 = arith.addi %mul3A_993, %add3A_1705 : i32
      %get3A_1707 = arith.index_cast %add3A_1706 : i32 to index
      %get3A_1708 = arith.constant 0 : index
      %get3A_1709 = tpu.vector_load %arg6[%get3A_1707, %get3A_1708] {strides = array<i32>} : memref<3328x16xf32, #tpu.memory_space<vmem>>, vector<16xf32>,
      %swap3A_1710 = arith.constant 12 : i32
      %swap3A_1711 = arith.index_cast %swap3A_1710 : i32 to index
      %swap3A_1712 = arith.constant 16 : index
      %swap3A_1713 = tpu.vector_load %arg8[%swap3A_1711, %swap3A_1712] {strides = array<i32>} : memref<16x128xf32, #tpu.memory_space<vmem>>, vector<16xf32>,
      tpu.vector_store %arg8[%swap3A_1711, %swap3A_1712], %get3A_1709 {strides = array<i32>} : memref<16x128xf32, #tpu.memory_space<vmem>>, vector<16xf32>,
      %add3A_1714 = arith.constant 80 : i32
      %add3A_1715 = arith.addi %mul3A_993, %add3A_1714 : i32
      %get3A_1716 = arith.index_cast %add3A_1715 : i32 to index
      %get3A_1717 = arith.constant 0 : index
      %get3A_1718 = tpu.vector_load %arg6[%get3A_1716, %get3A_1717] {strides = array<i32>} : memref<3328x16xf32, #tpu.memory_space<vmem>>, vector<16xf32>,
      %swap3A_1719 = arith.constant 12 : i32
      %swap3A_1720 = arith.index_cast %swap3A_1719 : i32 to index
      %swap3A_1721 = arith.constant 32 : index
      %swap3A_1722 = tpu.vector_load %arg8[%swap3A_1720, %swap3A_1721] {strides = array<i32>} : memref<16x128xf32, #tpu.memory_space<vmem>>, vector<16xf32>,
      tpu.vector_store %arg8[%swap3A_1720, %swap3A_1721], %get3A_1718 {strides = array<i32>} : memref<16x128xf32, #tpu.memory_space<vmem>>, vector<16xf32>,
      %add3A_1723 = arith.constant 81 : i32
      %add3A_1724 = arith.addi %mul3A_993, %add3A_1723 : i32
      %get3A_1725 = arith.index_cast %add3A_1724 : i32 to index
      %get3A_1726 = arith.constant 0 : index
      %get3A_1727 = tpu.vector_load %arg6[%get3A_1725, %get3A_1726] {strides = array<i32>} : memref<3328x16xf32, #tpu.memory_space<vmem>>, vector<16xf32>,
      %swap3A_1728 = arith.constant 12 : i32
      %swap3A_1729 = arith.index_cast %swap3A_1728 : i32 to index
      %swap3A_1730 = arith.constant 48 : index
      %swap3A_1731 = tpu.vector_load %arg8[%swap3A_1729, %swap3A_1730] {strides = array<i32>} : memref<16x128xf32, #tpu.memory_space<vmem>>, vector<16xf32>,
      tpu.vector_store %arg8[%swap3A_1729, %swap3A_1730], %get3A_1727 {strides = array<i32>} : memref<16x128xf32, #tpu.memory_space<vmem>>, vector<16xf32>,
      %add3A_1732 = arith.constant 82 : i32
      %add3A_1733 = arith.addi %mul3A_993, %add3A_1732 : i32
      %get3A_1734 = arith.index_cast %add3A_1733 : i32 to index
      %get3A_1735 = arith.constant 0 : index
      %get3A_1736 = tpu.vector_load %arg6[%get3A_1734, %get3A_1735] {strides = array<i32>} : memref<3328x16xf32, #tpu.memory_space<vmem>>, vector<16xf32>,
      %swap3A_1737 = arith.constant 12 : i32
      %swap3A_1738 = arith.index_cast %swap3A_1737 : i32 to index
      %swap3A_1739 = arith.constant 64 : index
      %swap3A_1740 = tpu.vector_load %arg8[%swap3A_1738, %swap3A_1739] {strides = array<i32>} : memref<16x128xf32, #tpu.memory_space<vmem>>, vector<16xf32>,
      tpu.vector_store %arg8[%swap3A_1738, %swap3A_1739], %get3A_1736 {strides = array<i32>} : memref<16x128xf32, #tpu.memory_space<vmem>>, vector<16xf32>,
      %add3A_1741 = arith.constant 83 : i32
      %add3A_1742 = arith.addi %mul3A_993, %add3A_1741 : i32
      %get3A_1743 = arith.index_cast %add3A_1742 : i32 to index
      %get3A_1744 = arith.constant 0 : index
      %get3A_1745 = tpu.vector_load %arg6[%get3A_1743, %get3A_1744] {strides = array<i32>} : memref<3328x16xf32, #tpu.memory_space<vmem>>, vector<16xf32>,
      %swap3A_1746 = arith.constant 12 : i32
      %swap3A_1747 = arith.index_cast %swap3A_1746 : i32 to index
      %swap3A_1748 = arith.constant 80 : index
      %swap3A_1749 = tpu.vector_load %arg8[%swap3A_1747, %swap3A_1748] {strides = array<i32>} : memref<16x128xf32, #tpu.memory_space<vmem>>, vector<16xf32>,
      tpu.vector_store %arg8[%swap3A_1747, %swap3A_1748], %get3A_1745 {strides = array<i32>} : memref<16x128xf32, #tpu.memory_space<vmem>>, vector<16xf32>,
      %add3A_1750 = arith.constant 84 : i32
      %add3A_1751 = arith.addi %mul3A_993, %add3A_1750 : i32
      %get3A_1752 = arith.index_cast %add3A_1751 : i32 to index
      %get3A_1753 = arith.constant 0 : index
      %get3A_1754 = tpu.vector_load %arg6[%get3A_1752, %get3A_1753] {strides = array<i32>} : memref<3328x16xf32, #tpu.memory_space<vmem>>, vector<16xf32>,
      %swap3A_1755 = arith.constant 12 : i32
      %swap3A_1756 = arith.index_cast %swap3A_1755 : i32 to index
      %swap3A_1757 = arith.constant 96 : index
      %swap3A_1758 = tpu.vector_load %arg8[%swap3A_1756, %swap3A_1757] {strides = array<i32>} : memref<16x128xf32, #tpu.memory_space<vmem>>, vector<16xf32>,
      tpu.vector_store %arg8[%swap3A_1756, %swap3A_1757], %get3A_1754 {strides = array<i32>} : memref<16x128xf32, #tpu.memory_space<vmem>>, vector<16xf32>,
      %add3A_1759 = arith.constant 85 : i32
      %add3A_1760 = arith.addi %mul3A_993, %add3A_1759 : i32
      %get3A_1761 = arith.index_cast %add3A_1760 : i32 to index
      %get3A_1762 = arith.constant 0 : index
      %get3A_1763 = tpu.vector_load %arg6[%get3A_1761, %get3A_1762] {strides = array<i32>} : memref<3328x16xf32, #tpu.memory_space<vmem>>, vector<16xf32>,
      %swap3A_1764 = arith.constant 12 : i32
      %swap3A_1765 = arith.index_cast %swap3A_1764 : i32 to index
      %swap3A_1766 = arith.constant 112 : index
      %swap3A_1767 = tpu.vector_load %arg8[%swap3A_1765, %swap3A_1766] {strides = array<i32>} : memref<16x128xf32, #tpu.memory_space<vmem>>, vector<16xf32>,
      tpu.vector_store %arg8[%swap3A_1765, %swap3A_1766], %get3A_1763 {strides = array<i32>} : memref<16x128xf32, #tpu.memory_space<vmem>>, vector<16xf32>,
      %add3A_1768 = arith.constant 86 : i32
      %add3A_1769 = arith.addi %mul3A_993, %add3A_1768 : i32
      %get3A_1770 = arith.index_cast %add3A_1769 : i32 to index
      %get3A_1771 = arith.constant 0 : index
      %get3A_1772 = tpu.vector_load %arg6[%get3A_1770, %get3A_1771] {strides = array<i32>} : memref<3328x16xf32, #tpu.memory_space<vmem>>, vector<16xf32>,
      %swap3A_1773 = arith.constant 13 : i32
      %swap3A_1774 = arith.index_cast %swap3A_1773 : i32 to index
      %swap3A_1775 = arith.constant 0 : index
      %swap3A_1776 = tpu.vector_load %arg8[%swap3A_1774, %swap3A_1775] {strides = array<i32>} : memref<16x128xf32, #tpu.memory_space<vmem>>, vector<16xf32>,
      tpu.vector_store %arg8[%swap3A_1774, %swap3A_1775], %get3A_1772 {strides = array<i32>} : memref<16x128xf32, #tpu.memory_space<vmem>>, vector<16xf32>,
      %add3A_1777 = arith.constant 87 : i32
      %add3A_1778 = arith.addi %mul3A_993, %add3A_1777 : i32
      %get3A_1779 = arith.index_cast %add3A_1778 : i32 to index
      %get3A_1780 = arith.constant 0 : index
      %get3A_1781 = tpu.vector_load %arg6[%get3A_1779, %get3A_1780] {strides = array<i32>} : memref<3328x16xf32, #tpu.memory_space<vmem>>, vector<16xf32>,
      %swap3A_1782 = arith.constant 13 : i32
      %swap3A_1783 = arith.index_cast %swap3A_1782 : i32 to index
      %swap3A_1784 = arith.constant 16 : index
      %swap3A_1785 = tpu.vector_load %arg8[%swap3A_1783, %swap3A_1784] {strides = array<i32>} : memref<16x128xf32, #tpu.memory_space<vmem>>, vector<16xf32>,
      tpu.vector_store %arg8[%swap3A_1783, %swap3A_1784], %get3A_1781 {strides = array<i32>} : memref<16x128xf32, #tpu.memory_space<vmem>>, vector<16xf32>,
      %add3A_1786 = arith.constant 88 : i32
      %add3A_1787 = arith.addi %mul3A_993, %add3A_1786 : i32
      %get3A_1788 = arith.index_cast %add3A_1787 : i32 to index
      %get3A_1789 = arith.constant 0 : index
      %get3A_1790 = tpu.vector_load %arg6[%get3A_1788, %get3A_1789] {strides = array<i32>} : memref<3328x16xf32, #tpu.memory_space<vmem>>, vector<16xf32>,
      %swap3A_1791 = arith.constant 13 : i32
      %swap3A_1792 = arith.index_cast %swap3A_1791 : i32 to index
      %swap3A_1793 = arith.constant 32 : index
      %swap3A_1794 = tpu.vector_load %arg8[%swap3A_1792, %swap3A_1793] {strides = array<i32>} : memref<16x128xf32, #tpu.memory_space<vmem>>, vector<16xf32>,
      tpu.vector_store %arg8[%swap3A_1792, %swap3A_1793], %get3A_1790 {strides = array<i32>} : memref<16x128xf32, #tpu.memory_space<vmem>>, vector<16xf32>,
      %add3A_1795 = arith.constant 89 : i32
      %add3A_1796 = arith.addi %mul3A_993, %add3A_1795 : i32
      %get3A_1797 = arith.index_cast %add3A_1796 : i32 to index
      %get3A_1798 = arith.constant 0 : index
      %get3A_1799 = tpu.vector_load %arg6[%get3A_1797, %get3A_1798] {strides = array<i32>} : memref<3328x16xf32, #tpu.memory_space<vmem>>, vector<16xf32>,
      %swap3A_1800 = arith.constant 13 : i32
      %swap3A_1801 = arith.index_cast %swap3A_1800 : i32 to index
      %swap3A_1802 = arith.constant 48 : index
      %swap3A_1803 = tpu.vector_load %arg8[%swap3A_1801, %swap3A_1802] {strides = array<i32>} : memref<16x128xf32, #tpu.memory_space<vmem>>, vector<16xf32>,
      tpu.vector_store %arg8[%swap3A_1801, %swap3A_1802], %get3A_1799 {strides = array<i32>} : memref<16x128xf32, #tpu.memory_space<vmem>>, vector<16xf32>,
      %add3A_1804 = arith.constant 90 : i32
      %add3A_1805 = arith.addi %mul3A_993, %add3A_1804 : i32
      %get3A_1806 = arith.index_cast %add3A_1805 : i32 to index
      %get3A_1807 = arith.constant 0 : index
      %get3A_1808 = tpu.vector_load %arg6[%get3A_1806, %get3A_1807] {strides = array<i32>} : memref<3328x16xf32, #tpu.memory_space<vmem>>, vector<16xf32>,
      %swap3A_1809 = arith.constant 13 : i32
      %swap3A_1810 = arith.index_cast %swap3A_1809 : i32 to index
      %swap3A_1811 = arith.constant 64 : index
      %swap3A_1812 = tpu.vector_load %arg8[%swap3A_1810, %swap3A_1811] {strides = array<i32>} : memref<16x128xf32, #tpu.memory_space<vmem>>, vector<16xf32>,
      tpu.vector_store %arg8[%swap3A_1810, %swap3A_1811], %get3A_1808 {strides = array<i32>} : memref<16x128xf32, #tpu.memory_space<vmem>>, vector<16xf32>,
      %add3A_1813 = arith.constant 91 : i32
      %add3A_1814 = arith.addi %mul3A_993, %add3A_1813 : i32
      %get3A_1815 = arith.index_cast %add3A_1814 : i32 to index
      %get3A_1816 = arith.constant 0 : index
      %get3A_1817 = tpu.vector_load %arg6[%get3A_1815, %get3A_1816] {strides = array<i32>} : memref<3328x16xf32, #tpu.memory_space<vmem>>, vector<16xf32>,
      %swap3A_1818 = arith.constant 13 : i32
      %swap3A_1819 = arith.index_cast %swap3A_1818 : i32 to index
      %swap3A_1820 = arith.constant 80 : index
      %swap3A_1821 = tpu.vector_load %arg8[%swap3A_1819, %swap3A_1820] {strides = array<i32>} : memref<16x128xf32, #tpu.memory_space<vmem>>, vector<16xf32>,
      tpu.vector_store %arg8[%swap3A_1819, %swap3A_1820], %get3A_1817 {strides = array<i32>} : memref<16x128xf32, #tpu.memory_space<vmem>>, vector<16xf32>,
      %add3A_1822 = arith.constant 92 : i32
      %add3A_1823 = arith.addi %mul3A_993, %add3A_1822 : i32
      %get3A_1824 = arith.index_cast %add3A_1823 : i32 to index
      %get3A_1825 = arith.constant 0 : index
      %get3A_1826 = tpu.vector_load %arg6[%get3A_1824, %get3A_1825] {strides = array<i32>} : memref<3328x16xf32, #tpu.memory_space<vmem>>, vector<16xf32>,
      %swap3A_1827 = arith.constant 13 : i32
      %swap3A_1828 = arith.index_cast %swap3A_1827 : i32 to index
      %swap3A_1829 = arith.constant 96 : index
      %swap3A_1830 = tpu.vector_load %arg8[%swap3A_1828, %swap3A_1829] {strides = array<i32>} : memref<16x128xf32, #tpu.memory_space<vmem>>, vector<16xf32>,
      tpu.vector_store %arg8[%swap3A_1828, %swap3A_1829], %get3A_1826 {strides = array<i32>} : memref<16x128xf32, #tpu.memory_space<vmem>>, vector<16xf32>,
      %add3A_1831 = arith.constant 93 : i32
      %add3A_1832 = arith.addi %mul3A_993, %add3A_1831 : i32
      %get3A_1833 = arith.index_cast %add3A_1832 : i32 to index
      %get3A_1834 = arith.constant 0 : index
      %get3A_1835 = tpu.vector_load %arg6[%get3A_1833, %get3A_1834] {strides = array<i32>} : memref<3328x16xf32, #tpu.memory_space<vmem>>, vector<16xf32>,
      %swap3A_1836 = arith.constant 13 : i32
      %swap3A_1837 = arith.index_cast %swap3A_1836 : i32 to index
      %swap3A_1838 = arith.constant 112 : index
      %swap3A_1839 = tpu.vector_load %arg8[%swap3A_1837, %swap3A_1838] {strides = array<i32>} : memref<16x128xf32, #tpu.memory_space<vmem>>, vector<16xf32>,
      tpu.vector_store %arg8[%swap3A_1837, %swap3A_1838], %get3A_1835 {strides = array<i32>} : memref<16x128xf32, #tpu.memory_space<vmem>>, vector<16xf32>,
      %add3A_1840 = arith.constant 94 : i32
      %add3A_1841 = arith.addi %mul3A_993, %add3A_1840 : i32
      %get3A_1842 = arith.index_cast %add3A_1841 : i32 to index
      %get3A_1843 = arith.constant 0 : index
      %get3A_1844 = tpu.vector_load %arg6[%get3A_1842, %get3A_1843] {strides = array<i32>} : memref<3328x16xf32, #tpu.memory_space<vmem>>, vector<16xf32>,
      %swap3A_1845 = arith.constant 14 : i32
      %swap3A_1846 = arith.index_cast %swap3A_1845 : i32 to index
      %swap3A_1847 = arith.constant 0 : index
      %swap3A_1848 = tpu.vector_load %arg8[%swap3A_1846, %swap3A_1847] {strides = array<i32>} : memref<16x128xf32, #tpu.memory_space<vmem>>, vector<16xf32>,
      tpu.vector_store %arg8[%swap3A_1846, %swap3A_1847], %get3A_1844 {strides = array<i32>} : memref<16x128xf32, #tpu.memory_space<vmem>>, vector<16xf32>,
      %add3A_1849 = arith.constant 95 : i32
      %add3A_1850 = arith.addi %mul3A_993, %add3A_1849 : i32
      %get3A_1851 = arith.index_cast %add3A_1850 : i32 to index
      %get3A_1852 = arith.constant 0 : index
      %get3A_1853 = tpu.vector_load %arg6[%get3A_1851, %get3A_1852] {strides = array<i32>} : memref<3328x16xf32, #tpu.memory_space<vmem>>, vector<16xf32>,
      %swap3A_1854 = arith.constant 14 : i32
      %swap3A_1855 = arith.index_cast %swap3A_1854 : i32 to index
      %swap3A_1856 = arith.constant 16 : index
      %swap3A_1857 = tpu.vector_load %arg8[%swap3A_1855, %swap3A_1856] {strides = array<i32>} : memref<16x128xf32, #tpu.memory_space<vmem>>, vector<16xf32>,
      tpu.vector_store %arg8[%swap3A_1855, %swap3A_1856], %get3A_1853 {strides = array<i32>} : memref<16x128xf32, #tpu.memory_space<vmem>>, vector<16xf32>,
      %add3A_1858 = arith.constant 96 : i32
      %add3A_1859 = arith.addi %mul3A_993, %add3A_1858 : i32
      %get3A_1860 = arith.index_cast %add3A_1859 : i32 to index
      %get3A_1861 = arith.constant 0 : index
      %get3A_1862 = tpu.vector_load %arg6[%get3A_1860, %get3A_1861] {strides = array<i32>} : memref<3328x16xf32, #tpu.memory_space<vmem>>, vector<16xf32>,
      %swap3A_1863 = arith.constant 14 : i32
      %swap3A_1864 = arith.index_cast %swap3A_1863 : i32 to index
      %swap3A_1865 = arith.constant 32 : index
      %swap3A_1866 = tpu.vector_load %arg8[%swap3A_1864, %swap3A_1865] {strides = array<i32>} : memref<16x128xf32, #tpu.memory_space<vmem>>, vector<16xf32>,
      tpu.vector_store %arg8[%swap3A_1864, %swap3A_1865], %get3A_1862 {strides = array<i32>} : memref<16x128xf32, #tpu.memory_space<vmem>>, vector<16xf32>,
      %add3A_1867 = arith.constant 97 : i32
      %add3A_1868 = arith.addi %mul3A_993, %add3A_1867 : i32
      %get3A_1869 = arith.index_cast %add3A_1868 : i32 to index
      %get3A_1870 = arith.constant 0 : index
      %get3A_1871 = tpu.vector_load %arg6[%get3A_1869, %get3A_1870] {strides = array<i32>} : memref<3328x16xf32, #tpu.memory_space<vmem>>, vector<16xf32>,
      %swap3A_1872 = arith.constant 14 : i32
      %swap3A_1873 = arith.index_cast %swap3A_1872 : i32 to index
      %swap3A_1874 = arith.constant 48 : index
      %swap3A_1875 = tpu.vector_load %arg8[%swap3A_1873, %swap3A_1874] {strides = array<i32>} : memref<16x128xf32, #tpu.memory_space<vmem>>, vector<16xf32>,
      tpu.vector_store %arg8[%swap3A_1873, %swap3A_1874], %get3A_1871 {strides = array<i32>} : memref<16x128xf32, #tpu.memory_space<vmem>>, vector<16xf32>,
      %add3A_1876 = arith.constant 98 : i32
      %add3A_1877 = arith.addi %mul3A_993, %add3A_1876 : i32
      %get3A_1878 = arith.index_cast %add3A_1877 : i32 to index
      %get3A_1879 = arith.constant 0 : index
      %get3A_1880 = tpu.vector_load %arg6[%get3A_1878, %get3A_1879] {strides = array<i32>} : memref<3328x16xf32, #tpu.memory_space<vmem>>, vector<16xf32>,
      %swap3A_1881 = arith.constant 14 : i32
      %swap3A_1882 = arith.index_cast %swap3A_1881 : i32 to index
      %swap3A_1883 = arith.constant 64 : index
      %swap3A_1884 = tpu.vector_load %arg8[%swap3A_1882, %swap3A_1883] {strides = array<i32>} : memref<16x128xf32, #tpu.memory_space<vmem>>, vector<16xf32>,
      tpu.vector_store %arg8[%swap3A_1882, %swap3A_1883], %get3A_1880 {strides = array<i32>} : memref<16x128xf32, #tpu.memory_space<vmem>>, vector<16xf32>,
      %add3A_1885 = arith.constant 99 : i32
      %add3A_1886 = arith.addi %mul3A_993, %add3A_1885 : i32
      %get3A_1887 = arith.index_cast %add3A_1886 : i32 to index
      %get3A_1888 = arith.constant 0 : index
      %get3A_1889 = tpu.vector_load %arg6[%get3A_1887, %get3A_1888] {strides = array<i32>} : memref<3328x16xf32, #tpu.memory_space<vmem>>, vector<16xf32>,
      %swap3A_1890 = arith.constant 14 : i32
      %swap3A_1891 = arith.index_cast %swap3A_1890 : i32 to index
      %swap3A_1892 = arith.constant 80 : index
      %swap3A_1893 = tpu.vector_load %arg8[%swap3A_1891, %swap3A_1892] {strides = array<i32>} : memref<16x128xf32, #tpu.memory_space<vmem>>, vector<16xf32>,
      tpu.vector_store %arg8[%swap3A_1891, %swap3A_1892], %get3A_1889 {strides = array<i32>} : memref<16x128xf32, #tpu.memory_space<vmem>>, vector<16xf32>,
      %add3A_1894 = arith.constant 100 : i32
      %add3A_1895 = arith.addi %mul3A_993, %add3A_1894 : i32
      %get3A_1896 = arith.index_cast %add3A_1895 : i32 to index
      %get3A_1897 = arith.constant 0 : index
      %get3A_1898 = tpu.vector_load %arg6[%get3A_1896, %get3A_1897] {strides = array<i32>} : memref<3328x16xf32, #tpu.memory_space<vmem>>, vector<16xf32>,
      %swap3A_1899 = arith.constant 14 : i32
      %swap3A_1900 = arith.index_cast %swap3A_1899 : i32 to index
      %swap3A_1901 = arith.constant 96 : index
      %swap3A_1902 = tpu.vector_load %arg8[%swap3A_1900, %swap3A_1901] {strides = array<i32>} : memref<16x128xf32, #tpu.memory_space<vmem>>, vector<16xf32>,
      tpu.vector_store %arg8[%swap3A_1900, %swap3A_1901], %get3A_1898 {strides = array<i32>} : memref<16x128xf32, #tpu.memory_space<vmem>>, vector<16xf32>,
      %add3A_1903 = arith.constant 101 : i32
      %add3A_1904 = arith.addi %mul3A_993, %add3A_1903 : i32
      %get3A_1905 = arith.index_cast %add3A_1904 : i32 to index
      %get3A_1906 = arith.constant 0 : index
      %get3A_1907 = tpu.vector_load %arg6[%get3A_1905, %get3A_1906] {strides = array<i32>} : memref<3328x16xf32, #tpu.memory_space<vmem>>, vector<16xf32>,
      %swap3A_1908 = arith.constant 14 : i32
      %swap3A_1909 = arith.index_cast %swap3A_1908 : i32 to index
      %swap3A_1910 = arith.constant 112 : index
      %swap3A_1911 = tpu.vector_load %arg8[%swap3A_1909, %swap3A_1910] {strides = array<i32>} : memref<16x128xf32, #tpu.memory_space<vmem>>, vector<16xf32>,
      tpu.vector_store %arg8[%swap3A_1909, %swap3A_1910], %get3A_1907 {strides = array<i32>} : memref<16x128xf32, #tpu.memory_space<vmem>>, vector<16xf32>,
      %add3A_1912 = arith.constant 102 : i32
      %add3A_1913 = arith.addi %mul3A_993, %add3A_1912 : i32
      %get3A_1914 = arith.index_cast %add3A_1913 : i32 to index
      %get3A_1915 = arith.constant 0 : index
      %get3A_1916 = tpu.vector_load %arg6[%get3A_1914, %get3A_1915] {strides = array<i32>} : memref<3328x16xf32, #tpu.memory_space<vmem>>, vector<16xf32>,
      %swap3A_1917 = arith.constant 15 : i32
      %swap3A_1918 = arith.index_cast %swap3A_1917 : i32 to index
      %swap3A_1919 = arith.constant 0 : index
      %swap3A_1920 = tpu.vector_load %arg8[%swap3A_1918, %swap3A_1919] {strides = array<i32>} : memref<16x128xf32, #tpu.memory_space<vmem>>, vector<16xf32>,
      tpu.vector_store %arg8[%swap3A_1918, %swap3A_1919], %get3A_1916 {strides = array<i32>} : memref<16x128xf32, #tpu.memory_space<vmem>>, vector<16xf32>,
      %add3A_1921 = arith.constant 103 : i32
      %add3A_1922 = arith.addi %mul3A_993, %add3A_1921 : i32
      %get3A_1923 = arith.index_cast %add3A_1922 : i32 to index
      %get3A_1924 = arith.constant 0 : index
      %get3A_1925 = tpu.vector_load %arg6[%get3A_1923, %get3A_1924] {strides = array<i32>} : memref<3328x16xf32, #tpu.memory_space<vmem>>, vector<16xf32>,
      %swap3A_1926 = arith.constant 15 : i32
      %swap3A_1927 = arith.index_cast %swap3A_1926 : i32 to index
      %swap3A_1928 = arith.constant 16 : index
      %swap3A_1929 = tpu.vector_load %arg8[%swap3A_1927, %swap3A_1928] {strides = array<i32>} : memref<16x128xf32, #tpu.memory_space<vmem>>, vector<16xf32>,
      tpu.vector_store %arg8[%swap3A_1927, %swap3A_1928], %get3A_1925 {strides = array<i32>} : memref<16x128xf32, #tpu.memory_space<vmem>>, vector<16xf32>,
      %mul3A_1930 = arith.constant 16 : i32
      %mul3A_1931 = arith.muli %add3A_986, %mul3A_1930 : i32
      %dma_start3A_1932 = arith.constant 0 : i32
      %dma_start3A_1933 = tpu.memref_slice %arg4[%add3A, %mul3A_1931, %dma_start3A_1932] : memref<32x512x128xf32, #tpu.memory_space<hbm>> -> memref<1x16x128xf32, #tpu.memory_space<hbm>>
      %dma_start3A_1934 = tpu.memref_squeeze %dma_start3A_1933 : memref<1x16x128xf32, #tpu.memory_space<hbm>> -> memref<16x128xf32, #tpu.memory_space<hbm>>
      %dma_start3A_1935 = arith.constant 0 : i32
      %dma_start3A_1936 = tpu.memref_slice %arg4[%add3A, %mul3A_1931, %dma_start3A_1935] : memref<32x512x128xf32, #tpu.memory_space<hbm>> -> memref<1x16x128xf32, #tpu.memory_space<hbm>>
      %dma_start3A_1937 = tpu.memref_squeeze %dma_start3A_1936 : memref<1x16x128xf32, #tpu.memory_space<hbm>> -> memref<16x128xf32, #tpu.memory_space<hbm>>
      tpu.enqueue_dma source(%arg8 : memref<16x128xf32, #tpu.memory_space<vmem>>) target(%dma_start3A_1937 : memref<16x128xf32, #tpu.memory_space<hbm>>) target_semaphore(%arg10 : memref<!tpu.dma_semaphore, #tpu.memory_space<semaphore_mem>>)
    }
    %scan3A_16 = arith.constant 16 : i32
    %dma_wait3A_17 = arith.constant 0 : i32
    %dma_wait3A_18 = arith.constant 0 : i32
    %dma_wait3A_19 = tpu.memref_slice %arg4[%add3A, %dma_wait3A_17, %dma_wait3A_18] : memref<32x512x128xf32, #tpu.memory_space<hbm>> -> memref<1x16x128xf32, #tpu.memory_space<hbm>>
    %dma_wait3A_20 = tpu.memref_squeeze %dma_wait3A_19 : memref<1x16x128xf32, #tpu.memory_space<hbm>> -> memref<16x128xf32, #tpu.memory_space<hbm>>
    %dma_wait3A_21 = arith.constant 0 : i32
    %dma_wait3A_22 = arith.constant 0 : i32
    %dma_wait3A_23 = tpu.memref_slice %arg4[%add3A, %dma_wait3A_21, %dma_wait3A_22] : memref<32x512x128xf32, #tpu.memory_space<hbm>> -> memref<1x16x128xf32, #tpu.memory_space<hbm>>
    %dma_wait3A_24 = tpu.memref_squeeze %dma_wait3A_23 : memref<1x16x128xf32, #tpu.memory_space<hbm>> -> memref<16x128xf32, #tpu.memory_space<hbm>>
    tpu.wait_dma2 semaphore(%arg10 : memref<!tpu.dma_semaphore, #tpu.memory_space<semaphore_mem>>) src(%dma_wait3A_24 : memref<16x128xf32, #tpu.memory_space<hbm>>) dst(%arg7 : memref<16x128xf32, #tpu.memory_space<vmem>>)
    %dma_wait3A_25 = arith.constant 0 : i32
    %dma_wait3A_26 = arith.constant 0 : i32
    %dma_wait3A_27 = tpu.memref_slice %arg4[%add3A, %dma_wait3A_25, %dma_wait3A_26] : memref<32x512x128xf32, #tpu.memory_space<hbm>> -> memref<1x16x128xf32, #tpu.memory_space<hbm>>
    %dma_wait3A_28 = tpu.memref_squeeze %dma_wait3A_27 : memref<1x16x128xf32, #tpu.memory_space<hbm>> -> memref<16x128xf32, #tpu.memory_space<hbm>>
    %dma_wait3A_29 = arith.constant 0 : i32
    %dma_wait3A_30 = arith.constant 0 : i32
    %dma_wait3A_31 = tpu.memref_slice %arg4[%add3A, %dma_wait3A_29, %dma_wait3A_30] : memref<32x512x128xf32, #tpu.memory_space<hbm>> -> memref<1x16x128xf32, #tpu.memory_space<hbm>>
    %dma_wait3A_32 = tpu.memref_squeeze %dma_wait3A_31 : memref<1x16x128xf32, #tpu.memory_space<hbm>> -> memref<16x128xf32, #tpu.memory_space<hbm>>
    tpu.wait_dma2 semaphore(%arg10 : memref<!tpu.dma_semaphore, #tpu.memory_space<semaphore_mem>>) src(%dma_wait3A_32 : memref<16x128xf32, #tpu.memory_space<hbm>>) dst(%arg8 : memref<16x128xf32, #tpu.memory_space<vmem>>)
    return
  }
}

module attributes {stable_mosaic.version = 14 : i64} {
  func.func @_stats_body(%arg0: i32, %arg1: memref<4x512x128xf32, #tpu.memory_space<vmem>>, %arg2: memref<2x416xf32, #tpu.memory_space<vmem>>) attributes {dimension_semantics = [#tpu.dimension_semantics<arbitrary>], iteration_bounds = array<i64: 8>, scalar_prefetch = 0 : i64, scratch_operands = 0 : i64, tpu.core_type = #tpu.core_type<tc>, window_params = [{transform_indices = @transform_0, window_bounds = array<i64: 4, 512, 128>}, {pipeline_mode = #tpu.pipeline_mode<synchronous>, transform_indices = @transform_1, window_bounds = array<i64: 2, 416>}]} {
    %get3A = arith.constant 0 : index
    %get3A_0 = arith.constant 0 : index
    %get3A_1 = arith.constant 0 : index
    %get3A_2 = vector.load %arg1[%get3A, %get3A_0, %get3A_1] : memref<4x512x128xf32, #tpu.memory_space<vmem>>, vector<4x512x128xf32>
    %reshape3A = vector.shape_cast %get3A_2 : vector<4x512x128xf32> to vector<512x512xf32>
    %slice3A = vector.extract_strided_slice %reshape3A {offsets = [0, 0], sizes = [512, 416], strides = [1, 1]} : vector<512x512xf32> to vector<512x416xf32>
    %reduce_sum3A = arith.constant dense<0.000000e+00> : vector<416xf32>
    %reduce_sum3A_3 = vector.multi_reduction <add>, %slice3A, %reduce_sum3A [0] : vector<512x416xf32> to vector<416xf32>
    %broadcast_in_dim3A = vector.shape_cast %reduce_sum3A_3 : vector<416xf32> to vector<1x416xf32>
    %mul3A = arith.mulf %slice3A, %slice3A : vector<512x416xf32>
    %reduce_sum3A_4 = arith.constant dense<0.000000e+00> : vector<416xf32>
    %reduce_sum3A_5 = vector.multi_reduction <add>, %mul3A, %reduce_sum3A_4 [0] : vector<512x416xf32> to vector<416xf32>
    %broadcast_in_dim3A_6 = vector.shape_cast %reduce_sum3A_5 : vector<416xf32> to vector<1x416xf32>
    %concatenate3A = tpu.concatenate %broadcast_in_dim3A, %broadcast_in_dim3A_6 in 0 : vector<1x416xf32>, vector<1x416xf32> -> vector<2x416xf32>
    %eq3A = arith.constant 0 : i32
    %eq3A_7 = arith.cmpi eq, %arg0, %eq3A : i32
    %convert_element_type3A = arith.extui %eq3A_7 : i1 to i32
    %cond3A = arith.constant 0 : i32
    %cond3A_8 = arith.cmpi ne, %convert_element_type3A, %cond3A : i32
    scf.if %cond3A_8 {
      %swap3A = arith.constant 0 : index
      %swap3A_13 = arith.constant 0 : index
      %swap3A_14 = vector.load %arg2[%swap3A, %swap3A_13] : memref<2x416xf32, #tpu.memory_space<vmem>>, vector<2x416xf32>
      tpu.vector_store %arg2[%swap3A, %swap3A_13], %concatenate3A {strides = array<i32>} : memref<2x416xf32, #tpu.memory_space<vmem>>, vector<2x416xf32>,
    } else {
    }
    %ne3A = arith.constant 0 : i32
    %ne3A_9 = arith.cmpi ne, %arg0, %ne3A : i32
    %convert_element_type3A_10 = arith.extui %ne3A_9 : i1 to i32
    %cond3A_11 = arith.constant 0 : i32
    %cond3A_12 = arith.cmpi ne, %convert_element_type3A_10, %cond3A_11 : i32
    scf.if %cond3A_12 {
      %get3A_13 = arith.constant 0 : index
      %get3A_14 = arith.constant 0 : index
      %get3A_15 = vector.load %arg2[%get3A_13, %get3A_14] : memref<2x416xf32, #tpu.memory_space<vmem>>, vector<2x416xf32>
      %add3A = arith.addf %get3A_15, %concatenate3A : vector<2x416xf32>
      %swap3A = arith.constant 0 : index
      %swap3A_16 = arith.constant 0 : index
      %swap3A_17 = vector.load %arg2[%swap3A, %swap3A_16] : memref<2x416xf32, #tpu.memory_space<vmem>>, vector<2x416xf32>
      tpu.vector_store %arg2[%swap3A, %swap3A_16], %add3A {strides = array<i32>} : memref<2x416xf32, #tpu.memory_space<vmem>>, vector<2x416xf32>,
    } else {
    }
    return
  }
  func.func @transform_0(%arg0: i32) -> (i32, i32, i32) {
    %c0_i32 = arith.constant 0 : i32
    %c0_i32_0 = arith.constant 0 : i32
    %c0_i32_1 = arith.constant 0 : i32
    return %arg0, %c0_i32, %c0_i32_0 : i32, i32, i32
  }
  func.func @transform_1(%arg0: i32) -> (i32, i32) {
    %c0_i32 = arith.constant 0 : i32
    %c0_i32_0 = arith.constant 0 : i32
    %c0_i32_1 = arith.constant 0 : i32
    return %c0_i32, %c0_i32_0 : i32, i32
  }
}

module attributes {stable_mosaic.version = 14 : i64} {
  func.func @_mlp_body(%arg0: i32, %arg1: memref<2x416xf32, #tpu.memory_space<vmem>>, %arg2: memref<1x416xf32, #tpu.memory_space<vmem>>, %arg3: memref<1x416xf32, #tpu.memory_space<vmem>>, %arg4: memref<4x512x128xf32, #tpu.memory_space<vmem>>, %arg5: memref<4x512x128xf32, #tpu.memory_space<vmem>>, %arg6: memref<416x1024xbf16, #tpu.memory_space<vmem>>, %arg7: memref<1x1024xf32, #tpu.memory_space<vmem>>, %arg8: memref<1024x512xbf16, #tpu.memory_space<vmem>>, %arg9: memref<1x512xf32, #tpu.memory_space<vmem>>, %arg10: memref<1x512xf32, #tpu.memory_space<vmem>>, %arg11: memref<1x1xf32, #tpu.memory_space<vmem>>, %arg12: memref<512x416xf32, #tpu.memory_space<vmem>>) attributes {dimension_semantics = [#tpu.dimension_semantics<arbitrary>], iteration_bounds = array<i64: 8>, scalar_prefetch = 0 : i64, scratch_operands = 0 : i64, tpu.core_type = #tpu.core_type<tc>, window_params = [{pipeline_mode = #tpu.pipeline_mode<synchronous>, transform_indices = @transform_0, window_bounds = array<i64: 2, 416>}, {pipeline_mode = #tpu.pipeline_mode<synchronous>, transform_indices = @transform_1, window_bounds = array<i64: 1, 416>}, {pipeline_mode = #tpu.pipeline_mode<synchronous>, transform_indices = @transform_2, window_bounds = array<i64: 1, 416>}, {transform_indices = @transform_3, window_bounds = array<i64: 4, 512, 128>}, {transform_indices = @transform_4, window_bounds = array<i64: 4, 512, 128>}, {pipeline_mode = #tpu.pipeline_mode<synchronous>, transform_indices = @transform_5, window_bounds = array<i64: 416, 1024>}, {pipeline_mode = #tpu.pipeline_mode<synchronous>, transform_indices = @transform_6, window_bounds = array<i64: 1, 1024>}, {pipeline_mode = #tpu.pipeline_mode<synchronous>, transform_indices = @transform_7, window_bounds = array<i64: 1024, 512>}, {pipeline_mode = #tpu.pipeline_mode<synchronous>, transform_indices = @transform_8, window_bounds = array<i64: 1, 512>}, {pipeline_mode = #tpu.pipeline_mode<synchronous>, transform_indices = @transform_9, window_bounds = array<i64: 1, 512>}, {pipeline_mode = #tpu.pipeline_mode<synchronous>, transform_indices = @transform_10, window_bounds = array<i64: 1, 1>}, {transform_indices = @transform_11, window_bounds = array<i64: 512, 416>}]} {
    %get3A = arith.constant 0 : index
    %get3A_0 = arith.constant 0 : index
    %get3A_1 = vector.load %arg1[%get3A, %get3A_0] : memref<2x416xf32, #tpu.memory_space<vmem>>, vector<1x416xf32>
    %mul3A = arith.constant 2.44140625E-4 : f32
    %mul3A_2 = vector.broadcast %mul3A : f32 to vector<1x416xf32>
    %mul3A_3 = arith.mulf %get3A_1, %mul3A_2 : vector<1x416xf32>
    %get3A_4 = arith.constant 1 : index
    %get3A_5 = arith.constant 0 : index
    %get3A_6 = vector.load %arg1[%get3A_4, %get3A_5] : memref<2x416xf32, #tpu.memory_space<vmem>>, vector<1x416xf32>
    %mul3A_7 = arith.constant 2.44140625E-4 : f32
    %mul3A_8 = vector.broadcast %mul3A_7 : f32 to vector<1x416xf32>
    %mul3A_9 = arith.mulf %get3A_6, %mul3A_8 : vector<1x416xf32>
    %mul3A_10 = arith.mulf %mul3A_3, %mul3A_3 : vector<1x416xf32>
    %sub3A = arith.subf %mul3A_9, %mul3A_10 : vector<1x416xf32>
    %get3A_11 = arith.constant 0 : index
    %get3A_12 = arith.constant 0 : index
    %get3A_13 = vector.load %arg2[%get3A_11, %get3A_12] : memref<1x416xf32, #tpu.memory_space<vmem>>, vector<1x416xf32>
    %add3A = arith.constant 9.99999974E-6 : f32
    %add3A_14 = vector.broadcast %add3A : f32 to vector<1x416xf32>
    %add3A_15 = arith.addf %sub3A, %add3A_14 : vector<1x416xf32>
    %rsqrt3A = math.rsqrt %add3A_15 : vector<1x416xf32>
    %mul3A_16 = arith.mulf %get3A_13, %rsqrt3A : vector<1x416xf32>
    %get3A_17 = arith.constant 0 : index
    %get3A_18 = arith.constant 0 : index
    %get3A_19 = vector.load %arg3[%get3A_17, %get3A_18] : memref<1x416xf32, #tpu.memory_space<vmem>>, vector<1x416xf32>
    %mul3A_20 = arith.mulf %mul3A_3, %mul3A_16 : vector<1x416xf32>
    %sub3A_21 = arith.subf %get3A_19, %mul3A_20 : vector<1x416xf32>
    %get3A_22 = arith.constant 0 : index
    %get3A_23 = arith.constant 0 : index
    %get3A_24 = arith.constant 0 : index
    %get3A_25 = vector.load %arg4[%get3A_22, %get3A_23, %get3A_24] : memref<4x512x128xf32, #tpu.memory_space<vmem>>, vector<4x512x128xf32>
    %reshape3A = vector.shape_cast %get3A_25 : vector<4x512x128xf32> to vector<512x512xf32>
    %slice3A = vector.extract_strided_slice %reshape3A {offsets = [0, 0], sizes = [512, 416], strides = [1, 1]} : vector<512x512xf32> to vector<512x416xf32>
    %mul3A_26 = vector.broadcast %mul3A_16 : vector<1x416xf32> to vector<512x416xf32>
    %mul3A_27 = arith.mulf %slice3A, %mul3A_26 : vector<512x416xf32>
    %add3A_28 = vector.broadcast %sub3A_21 : vector<1x416xf32> to vector<512x416xf32>
    %add3A_29 = arith.addf %mul3A_27, %add3A_28 : vector<512x416xf32>
    %convert_element_type3A = arith.truncf %add3A_29 : vector<512x416xf32> to vector<512x416xbf16>
    %get3A_30 = arith.constant 0 : index
    %get3A_31 = arith.constant 0 : index
    %get3A_32 = vector.load %arg6[%get3A_30, %get3A_31] : memref<416x1024xbf16, #tpu.memory_space<vmem>>, vector<416x1024xbf16>
    %dot_general3A = arith.constant dense<0.000000e+00> : vector<512x1024xf32>
    %dot_general3A_33 = tpu.matmul %convert_element_type3A, %get3A_32, %dot_general3A {dimension_numbers = #tpu.dot_dimension_numbers<[1], [0], [0], [1], [0, 0, 1, 1], [], []>, transpose_lhs_hint = false} : vector<512x416xbf16>, vector<416x1024xbf16>, vector<512x1024xf32> -> vector<512x1024xf32>
    %get3A_34 = arith.constant 0 : index
    %get3A_35 = arith.constant 0 : index
    %get3A_36 = vector.load %arg7[%get3A_34, %get3A_35] : memref<1x1024xf32, #tpu.memory_space<vmem>>, vector<1x1024xf32>
    %add3A_37 = vector.broadcast %get3A_36 : vector<1x1024xf32> to vector<512x1024xf32>
    %add3A_38 = arith.addf %dot_general3A_33, %add3A_37 : vector<512x1024xf32>
    %max3A = arith.constant 0.000000e+00 : f32
    %max3A_39 = vector.broadcast %max3A : f32 to vector<512x1024xf32>
    %max3A_40 = arith.maximumf %add3A_38, %max3A_39 : vector<512x1024xf32>
    %convert_element_type3A_41 = arith.truncf %max3A_40 : vector<512x1024xf32> to vector<512x1024xbf16>
    %get3A_42 = arith.constant 0 : index
    %get3A_43 = arith.constant 0 : index
    %get3A_44 = vector.load %arg8[%get3A_42, %get3A_43] : memref<1024x512xbf16, #tpu.memory_space<vmem>>, vector<1024x512xbf16>
    %dot_general3A_45 = arith.constant dense<0.000000e+00> : vector<512x512xf32>
    %dot_general3A_46 = tpu.matmul %convert_element_type3A_41, %get3A_44, %dot_general3A_45 {dimension_numbers = #tpu.dot_dimension_numbers<[1], [0], [0], [1], [0, 0, 1, 1], [], []>, transpose_lhs_hint = false} : vector<512x1024xbf16>, vector<1024x512xbf16>, vector<512x512xf32> -> vector<512x512xf32>
    %get3A_47 = arith.constant 0 : index
    %get3A_48 = arith.constant 0 : index
    %get3A_49 = vector.load %arg9[%get3A_47, %get3A_48] : memref<1x512xf32, #tpu.memory_space<vmem>>, vector<1x512xf32>
    %add3A_50 = vector.broadcast %get3A_49 : vector<1x512xf32> to vector<512x512xf32>
    %add3A_51 = arith.addf %dot_general3A_46, %add3A_50 : vector<512x512xf32>
    %max3A_52 = arith.constant 0.000000e+00 : f32
    %max3A_53 = vector.broadcast %max3A_52 : f32 to vector<512x512xf32>
    %max3A_54 = arith.maximumf %add3A_51, %max3A_53 : vector<512x512xf32>
    %get3A_55 = arith.constant 0 : index
    %get3A_56 = arith.constant 0 : index
    %get3A_57 = vector.load %arg10[%get3A_55, %get3A_56] : memref<1x512xf32, #tpu.memory_space<vmem>>, vector<1x512xf32>
    %mul3A_58 = vector.broadcast %get3A_57 : vector<1x512xf32> to vector<512x512xf32>
    %mul3A_59 = arith.mulf %max3A_54, %mul3A_58 : vector<512x512xf32>
    %reduce_sum3A = arith.constant dense<0.000000e+00> : vector<512xf32>
    %reduce_sum3A_60 = vector.multi_reduction <add>, %mul3A_59, %reduce_sum3A [1] : vector<512x512xf32> to vector<512xf32>
    %broadcast_in_dim3A = vector.shape_cast %reduce_sum3A_60 : vector<512xf32> to vector<512x1xf32>
    %get3A_61 = arith.constant 0 : index
    %get3A_62 = arith.constant 0 : index
    %get3A_63 = vector.load %arg11[%get3A_61, %get3A_62] : memref<1x1xf32, #tpu.memory_space<vmem>>, vector<1x1xf32>
    %add3A_64 = vector.broadcast %get3A_63 : vector<1x1xf32> to vector<512x1xf32>
    %add3A_65 = arith.addf %broadcast_in_dim3A, %add3A_64 : vector<512x1xf32>
    %get3A_66 = arith.constant 0 : index
    %get3A_67 = arith.constant 0 : index
    %get3A_68 = arith.constant 0 : index
    %get3A_69 = vector.load %arg5[%get3A_66, %get3A_67, %get3A_68] : memref<4x512x128xf32, #tpu.memory_space<vmem>>, vector<4x512x128xf32>
    %reshape3A_70 = vector.shape_cast %get3A_69 : vector<4x512x128xf32> to vector<512x512xf32>
    %slice3A_71 = vector.extract_strided_slice %reshape3A_70 {offsets = [0, 0], sizes = [512, 416], strides = [1, 1]} : vector<512x512xf32> to vector<512x416xf32>
    %add3A_72 = vector.broadcast %add3A_65 : vector<512x1xf32> to vector<512x416xf32>
    %add3A_73 = arith.addf %slice3A_71, %add3A_72 : vector<512x416xf32>
    %logistic3A = arith.negf %add3A_73 : vector<512x416xf32>
    %logistic3A_74 = math.exp %logistic3A : vector<512x416xf32>
    %logistic3A_75 = arith.constant 1.000000e+00 : f32
    %logistic3A_76 = vector.broadcast %logistic3A_75 : f32 to vector<512x416xf32>
    %logistic3A_77 = arith.addf %logistic3A_76, %logistic3A_74 : vector<512x416xf32>
    %logistic3A_78 = arith.divf %logistic3A_76, %logistic3A_77 : vector<512x416xf32>
    %swap3A = arith.constant 0 : index
    %swap3A_79 = arith.constant 0 : index
    %swap3A_80 = vector.load %arg12[%swap3A, %swap3A_79] : memref<512x416xf32, #tpu.memory_space<vmem>>, vector<512x416xf32>
    tpu.vector_store %arg12[%swap3A, %swap3A_79], %logistic3A_78 {strides = array<i32>} : memref<512x416xf32, #tpu.memory_space<vmem>>, vector<512x416xf32>,
    return
  }
  func.func @transform_0(%arg0: i32) -> (i32, i32) {
    %c0_i32 = arith.constant 0 : i32
    %c0_i32_0 = arith.constant 0 : i32
    %c0_i32_1 = arith.constant 0 : i32
    return %c0_i32, %c0_i32_0 : i32, i32
  }
  func.func @transform_1(%arg0: i32) -> (i32, i32) {
    %c0_i32 = arith.constant 0 : i32
    %c0_i32_0 = arith.constant 0 : i32
    %c0_i32_1 = arith.constant 0 : i32
    return %c0_i32, %c0_i32_0 : i32, i32
  }
  func.func @transform_2(%arg0: i32) -> (i32, i32) {
    %c0_i32 = arith.constant 0 : i32
    %c0_i32_0 = arith.constant 0 : i32
    %c0_i32_1 = arith.constant 0 : i32
    return %c0_i32, %c0_i32_0 : i32, i32
  }
  func.func @transform_3(%arg0: i32) -> (i32, i32, i32) {
    %c0_i32 = arith.constant 0 : i32
    %c0_i32_0 = arith.constant 0 : i32
    %c0_i32_1 = arith.constant 0 : i32
    return %arg0, %c0_i32, %c0_i32_0 : i32, i32, i32
  }
  func.func @transform_4(%arg0: i32) -> (i32, i32, i32) {
    %c0_i32 = arith.constant 0 : i32
    %c0_i32_0 = arith.constant 0 : i32
    %c0_i32_1 = arith.constant 0 : i32
    return %arg0, %c0_i32, %c0_i32_0 : i32, i32, i32
  }
  func.func @transform_5(%arg0: i32) -> (i32, i32) {
    %c0_i32 = arith.constant 0 : i32
    %c0_i32_0 = arith.constant 0 : i32
    %c0_i32_1 = arith.constant 0 : i32
    return %c0_i32, %c0_i32_0 : i32, i32
  }
  func.func @transform_6(%arg0: i32) -> (i32, i32) {
    %c0_i32 = arith.constant 0 : i32
    %c0_i32_0 = arith.constant 0 : i32
    %c0_i32_1 = arith.constant 0 : i32
    return %c0_i32, %c0_i32_0 : i32, i32
  }
  func.func @transform_7(%arg0: i32) -> (i32, i32) {
    %c0_i32 = arith.constant 0 : i32
    %c0_i32_0 = arith.constant 0 : i32
    %c0_i32_1 = arith.constant 0 : i32
    return %c0_i32, %c0_i32_0 : i32, i32
  }
  func.func @transform_8(%arg0: i32) -> (i32, i32) {
    %c0_i32 = arith.constant 0 : i32
    %c0_i32_0 = arith.constant 0 : i32
    %c0_i32_1 = arith.constant 0 : i32
    return %c0_i32, %c0_i32_0 : i32, i32
  }
  func.func @transform_9(%arg0: i32) -> (i32, i32) {
    %c0_i32 = arith.constant 0 : i32
    %c0_i32_0 = arith.constant 0 : i32
    %c0_i32_1 = arith.constant 0 : i32
    return %c0_i32, %c0_i32_0 : i32, i32
  }
  func.func @transform_10(%arg0: i32) -> (i32, i32) {
    %c0_i32 = arith.constant 0 : i32
    %c0_i32_0 = arith.constant 0 : i32
    %c0_i32_1 = arith.constant 0 : i32
    return %c0_i32, %c0_i32_0 : i32, i32
  }
  func.func @transform_11(%arg0: i32) -> (i32, i32) {
    %c0_i32 = arith.constant 0 : i32
    %c0_i32_0 = arith.constant 0 : i32
    return %arg0, %c0_i32 : i32, i32
  }
}

</mosaic_0001>

<sc_bundles>
// kernel: kernel.6.cloned.1.call-start
scs
__scs_entry_jumppad:
0x0: {  	(pc) =	sbr.rel $0x88, $3  }
0x1: {  	(tag) =	ssettag $0x0;
	lr =	simm.s32 $0x1  }
0x2: {  	[smem:$0x3F96] =	sst lr;
	_ =	strace $0xD0000000  }
0x3: {  	_ = 	snop  }
0x4: {  	_ = 	snop  }
0x5: {  	_ = 	snop  }
0x6: {  	_ = 	snop  }
0x7: {  	_ = 	snop  }
__scs_overlays_trampoline_lowered:
0x8: {  	[smem:$0x3FA5] =	sst s0  }
0x9: {  	[smem:$0x3FA6] =	sst s1  }
0xa: {  	[smem:$0x3FA7] =	sst s2  }
0xb: {  	[smem:$0x3FA8] =	sst s3  }
0xc: {  	[smem:$0x3FA9] =	sst s4  }
0xd: {  	[smem:$0x3FAA] =	sst s5  }
0xe: {  	[smem:$0x3FAB] =	sst s6  }
0xf: {  	[smem:$0x3FAC] =	sst s7  }
0x10: {  	[smem:$0x3FAD] =	sst s8  }
0x11: {  	[smem:$0x3FAE] =	sst s9;
	s0 =	simm.s32 @!p0 $0x0  }
0x12: {  	s1 =	sld [smem:$0x3F94];
	s0 =	simm.s32 @p0 $0x1  }
0x13: {  	[smem:$0x3FAF] =	sst s0;
	s0 =	simm.s32 @!p1 $0x0  }
0x14: {  	s2 =	sld [smem:$0x3F93];
	s0 =	simm.s32 @p1 $0x1  }
0x15: {  	[smem:$0x3FB0] =	sst s0;
	s0 =	simm.s32 @!p2 $0x0  }
0x16: {  	s3 =	sld [smem:$0x3FDB];
	s0 =	simm.s32 @p2 $0x1  }
0x17: {  	s4 =	simm.s32 $0x1BF5;
	[smem:$0x3FB2] =	sst s0  }
0x18: {  	s0 =	sld [smem:$0x3F95];
	_ =	swait.ge [sflag:s4], $0x0  }
0x19: {  	s7 =	sld [smem:$0x3F96]  }
0x1a: {  	s8 =	sadd.s32 $0xFFFFE003, lr  }
0x1b: {  	s9 =	sadd.s32 $0xFFFFFEF7, lr;
	s5 =	simm.s32 $0xFFFFFFFF;
	p2 =	slt.u32 s8, $0xFFFFF086  }
0x1c: {  	p1 =	slt.u32 s9, $0xF7A;
	s5 =	simm.s32 @!p2 $0x0  }
0x1d: {  	s5 =	simm.s32 @p1 $0x1;
	p0 =	seq.s32 s7, s2  }
0x1e: {  	s7 =	smul.u32 @!p0 $0xF7A, s2;
	p2 =	seq.s32 @!p0 s5, $0x0  }
0x1f: {  	s9 =	smul.u32 $0xF7A, s1;
	s8 =	simm.s32 @!p0 $0x1BF5;
	p2 =	por !p2, p0  }
0x20: {  	[sflag:s8] =	ssyncset.s32 @!p0 $0xFFFFF086;
	s6 =	sadd.s32 @!p0 s3, s7;
	s7 =	simm.s32 @!p0 $0x108  }
0x21: {  	s3 =	sadd.s32 s3, s9;
	s6 =	sadd.s32 @!p0 $0x88, s6;
	s7 =	simm.s32 @p2 $0x1082  }
0x22: {  	[simem:s7], [sflag:s8] =	dma.local @!p0 [hbm:s6], $0xF7A  }
0x23: {  	s9 =	sor.u32 $0xD0000000, s2;
	s6 =	simm.s32 $0x108;
	_ =	swait.ge @!p0 [sflag:s8], $0x0  }
0x24: {  	s3 =	sadd.s32 $0x88, s3;
	s6 =	simm.s32 @!p1 $0x1082;
	[sflag:s4] =	ssyncset.s32 $0xFFFFF086  }
0x25: {  	[simem:s6], [sflag:s4] =	dma.local [hbm:s3], $0xF7A  }
0x26: {  	[smem:$0x3F96] =	sst s1;
	(tag) =	ssettag s2;
	_ =	strace s9  }
0x27: {  	s1 =	sld [smem:$0x3FA6]  }
0x28: {  	s2 =	sld [smem:$0x3FA7]  }
0x29: {  	s4 =	sld [smem:$0x3FA9]  }
0x2a: {  	p0 =	seq.s32 s5, $0x0;
	s5 =	sld [smem:$0x3FAA]  }
0x2b: {  	s6 =	sld [smem:$0x3FAB]  }
0x2c: {  	s7 =	sld [smem:$0x3FAC]  }
0x2d: {  	s3 =	simm.s32 $0x108;
	s8 =	sld [smem:$0x3FAD]  }
0x2e: {  	s3 =	simm.s32 @!p0 $0x1082;
	s9 =	sld [smem:$0x3FAE]  }
0x2f: {  	lr =	sadd.s32 s0, s3;
	s0 =	sld [smem:$0x3FA5]  }
0x30: {  	s3 =	sld [smem:$0x3FA8]  }
0x31: {  	[smem:$0x3FB1] =	sst s10  }
0x32: {  	s10 =	sld [smem:$0x3FAF];
	_ =	sdelay $0x3  }
0x33: {  	p0 =	seq.s32 s10, $0x1;
	s10 =	sld [smem:$0x3FB1];
	_ =	sdelay $0x3  }
0x34: {  	[smem:$0x3FB1] =	sst s10  }
0x35: {  	s10 =	sld [smem:$0x3FB0];
	_ =	sdelay $0x3  }
0x36: {  	p1 =	seq.s32 s10, $0x1;
	s10 =	sld [smem:$0x3FB1];
	_ =	sdelay $0x3  }
0x37: {  	[smem:$0x3FB1] =	sst s10  }
0x38: {  	s10 =	sld [smem:$0x3FB2]  }
0x39: {  	_ = 	snop;
	(pc) =	sbr.ind lr, $3  }
0x3a: {  	_ = 	snop  }
0x3b: {  	_ = 	snop  }
0x3c: {  	p2 =	seq.s32 s10, $0x1;
	s10 =	sld [smem:$0x3FB1]  }
0x3d: {  	_ =	shalt  }
0x3e: {  	_ =	shalt  }
0x3f: {  	_ =	shalt  }
0x40: {  	_ =	shalt  }
0x41: {  	_ =	shalt  }
0x42: {  	_ =	shalt  }
0x43: {  	_ =	shalt  }
0x44: {  	_ =	shalt  }
0x45: {  	_ =	shalt  }
0x46: {  	_ =	shalt  }
0x47: {  	_ =	shalt  }
0x48: {  	_ =	shalt  }
0x49: {  	_ =	shalt  }
0x4a: {  	_ =	shalt  }
0x4b: {  	_ =	shalt  }
0x4c: {  	_ =	shalt  }
0x4d: {  	_ =	shalt  }
0x4e: {  	_ =	shalt  }
0x4f: {  	_ =	shalt  }
0x50: {  	_ =	shalt  }
0x51: {  	_ =	shalt  }
0x52: {  	_ =	shalt  }
0x53: {  	_ =	shalt  }
0x54: {  	_ =	shalt  }
0x55: {  	_ =	shalt  }
0x56: {  	_ =	shalt  }
0x57: {  	_ =	shalt  }
0x58: {  	_ =	shalt  }
0x59: {  	_ =	shalt  }
0x5a: {  	_ =	shalt  }
0x5b: {  	_ =	shalt  }
0x5c: {  	_ =	shalt  }
0x5d: {  	_ =	shalt  }
0x5e: {  	_ =	shalt  }
0x5f: {  	_ =	shalt  }
0x60: {  	_ =	shalt  }
0x61: {  	_ =	shalt  }
0x62: {  	_ =	shalt  }
0x63: {  	_ =	shalt  }
0x64: {  	_ =	shalt  }
0x65: {  	_ =	shalt  }
0x66: {  	_ =	shalt  }
0x67: {  	_ =	shalt  }
0x68: {  	_ =	shalt  }
0x69: {  	_ =	shalt  }
0x6a: {  	_ =	shalt  }
0x6b: {  	_ =	shalt  }
0x6c: {  	_ =	shalt  }
0x6d: {  	_ =	shalt  }
0x6e: {  	_ =	shalt  }
0x6f: {  	_ =	shalt  }
0x70: {  	_ =	shalt  }
0x71: {  	_ =	shalt  }
0x72: {  	_ =	shalt  }
0x73: {  	_ =	shalt  }
0x74: {  	_ =	shalt  }
0x75: {  	_ =	shalt  }
0x76: {  	_ =	shalt  }
0x77: {  	_ =	shalt  }
0x78: {  	_ =	shalt  }
0x79: {  	_ =	shalt  }
0x7a: {  	_ =	shalt  }
0x7b: {  	_ =	shalt  }
0x7c: {  	_ =	shalt  }
0x7d: {  	_ =	shalt  }
0x7e: {  	_ =	shalt  }
0x7f: {  	_ =	shalt  }
0x80: {  	_ =	shalt  }
0x81: {  	_ =	shalt  }
0x82: {  	_ =	shalt  }
0x83: {  	_ =	shalt  }
0x84: {  	_ =	shalt  }
0x85: {  	_ =	shalt  }
0x86: {  	_ =	shalt  }
0x87: {  	_ =	shalt  }
.Lfunc_end0:
.L_simem_size_0:
called_computation_lowered:
.L_overlay_start_0:
0x88: {  	s2 =	sld [smem:$0x3FD9]  }
0x89: {  	s3 =	sld [smem:$0x3FFE];
	_ =	sdelay $0x1  }
0x8a: {  	s1 =	srdreg.scid  }
0x8b: {  	s0 =	sand.u32 $0x1, s1  }
0x8c: {  	s17 =	sshll.u32 s0, $0xA;
	s2 =	sadd.s32 s3, s2  }
0x8d: {  	s2 =	sadd.s32 s2, s17  }
0x8e: {  	[smem:$0x3FBD] =	sst s2  }
0x8f: {  	_ = 	snop  }
0x90: {  	s2 =	sld [smem:$0x3FD0];
	(tm) =	ssettm $0x1  }
0x91: {  	s18 =	sld [smem:$0x3FFB];
	_ =	sdelay $0x3  }
0x92: {  	_ =	strace s18  }
0x93: {  	s3 =	sld [smem:$0x3FFC];
	_ =	sdelay $0x3  }
0x94: {  	_ =	strace s3  }
0x95: {  	s3 =	sld [smem:$0x3FFD];
	_ =	sdelay $0x3  }
0x96: {  	_ =	strace s3  }
0x97: {  	_ =	strace $0x8FFFFFFF  }
0x98: {  	s19 =	sld [smem:$0x3FDB];
	_ =	sdelay $0x1  }
0x99: {  	s4 =	simm.s32 $_scs_section_size  }
0x9a: {  	s5 =	simm.s32 $_size__tile_overlayer_lowered;
	s6 =	simm.s32 $_tile_overlayer_lowered  }
0x9b: {  	s22 =	simm.s32 $0x1BFF;
	s21 =	sshll.u32 s6, $0x1;
	s3 =	sadd.s32 s4, s19  }
0x9c: {  	s7 =	simm.s32 $0x0;
	s20 =	sshll.u32 s5, $0x1;
	s5 =	sadd.s32 s21, s3  }
0x9d: {  	[timem:s7], [sflag:s22] =	dma.local [hbm:s5], s20  }
0x9e: {  	_ =	swait.ge [sflag:s22], s20  }
0x9f: {  	s4 =	ssub.s32 $0x0, s20;
	[sflag:s22] =	ssyncset.done $0x0  }
0xa0: {  	[sflag:s22] =	ssyncadd.s32 s4;
	_ =	sdelay $0x1  }
0xa1: {  	s23 =	simm.s32 $0x1B8B  }
0xa2: {  	_ =	swait.ge [sflag:s23], $0x1  }
0xa3: {  	[sflag:s23] =	ssyncset.done $0x0  }
0xa4: {  	s25 =	simm.s32 $0x1B8E;
	s24 =	sld [smem:$0x3FFE];
	[sflag:s23] =	ssyncadd.s32 $0xFFFFFFFF  }
0xa5: {  	s26 =	simm.s32 $execute0_lowered;
	[smem:$0x3FD2] =	sst s25  }
0xa6: {  	s5 =	sshll.u32 s26, $0x1;
	_ =	strace $0x80000046;
	[dreg:$0x1] =	wrdreg $0xFFFFFFFF  }
0xa7: {  	s28 =	simm.s32 $_size_execute0_lowered;
	s3 =	sadd.s32 s3, s5;
	[dreg:$0x0] =	wrdreg $0x0  }
0xa8: {  	s5 =	sshll.u32 s28, $0x1;
	[dreg:$0x2] =	wrdreg s3  }
0xa9: {  	[dreg:$0x3] =	wrdreg s5  }
0xaa: {  	[dreg:$0x4] =	wrdreg $0xC0  }
0xab: {  	_ =	task [dreg:s7], $0x5FFFF  }
0xac: {  	[dreg:$0x1] =	wrdreg $0xFFFFFFFF  }
0xad: {  	[dreg:$0x0] =	wrdreg $0x60  }
0xae: {  	[dreg:$0x2] =	wrdreg s24  }
0xaf: {  	[dreg:$0x3] =	wrdreg s2  }
0xb0: {  	[dreg:$0x4] =	wrdreg $0x9  }
0xb1: {  	_ =	task.clear_ibuf [dreg:s7], $0x5FFFF;
	_ =	strace $0x90000046  }
0xb2: {  	s29 =	simm.s32 $0x9;
	_ =	strace $0x80000048  }
0xb3: {  	_ =	swait.ge [sflag:s29], $0x1  }
0xb4: {  	[sflag:s29] =	ssyncadd.s32 $0xFFFFFFFF  }
0xb5: {  	_ =	strace $0x90000048  }
0xb6: {  	_ =	sfence  }
0xb7: {  	s30 =	sld [smem:$0x0];
	_ =	sdelay $0x2  }
0xb8: {  	s31 =	sshll.u32 s1, $0xD;
	s1 =	sshrl.u32 s1, $0x2  }
0xb9: {  	s3 =	sand.u32 $0x4000, s31;
	s1 =	sadd.s32 s1, s30  }
0xba: {  	s0 =	sor.u32 s3, s0;
	s1 =	sshll.u32 s1, $0x11  }
0xbb: {  	s0 =	sor.u32 s1, s0  }
0xbc: {  	s0 =	sadd.s32 $0x8F2B, s0  }
0xbd: {  	[sflag:s0] =	ssyncadd.remote.s32 $0x1  }
0xbe: {  	_ =	sfence.sel $0xFFFF  }
0xbf: {  	[dreg:$0x0] =	wrdreg $0xFFFFFFFF;
	(pc) =	sbr.abs _section_cstart, $3  }
0xc0: {  	[dreg:$0x1] =	wrdreg $0xFFFFFFFF  }
0xc1: {  	_ =	task.clear_ibuf [dreg:s7], $0x2FFFF;
	_ =	strace $0x9FFFFFFF  }
0xc2: {  	(tm) =	ssettm $0x7FFFFFFF  }
0xc3: {  	_ =	shalt  }
tec
execute0_lowered:
.L_overlay_start_1:
0x0: {  	(tag) =	ssettag $0x1  }
0x1: {  	s0 =	rddreg [dreg:$0x0];
	s1 =	srdreg.scid  }
0x2: {  	s3 =	stileid.u32;
	s2 =	rddreg [dreg:$0x1]  }
0x3: {  	s8 =	simm.s32 $0x3;
	s9 =	simm.s32 $0x68;
	s12 =	simm.s32 $0xA28  }
0x4: {  	s13 =	simm.s32 $0xAF80;
	s14 =	simm.s32 $0xA90;
	s15 =	simm.s32 $0xB600  }
0x5: {  	s16 =	simm.s32 $0xAF8;
	s17 =	simm.s32 $0xBC80;
	s18 =	simm.s32 $0xB60  }
0x6: {  	s19 =	simm.s32 $0xC300;
	s20 =	simm.s32 $0xBC8;
	s21 =	simm.s32 $0xC980  }
0x7: {  	s22 =	simm.s32 $0xC30;
	s23 =	simm.s32 $0xD000;
	s24 =	simm.s32 $0xC98  }
0x8: {  	s25 =	simm.s32 $0xD680;
	s28 =	simm.s32 $0xDD00;
	s29 =	simm.s32 $0xE500  }
0x9: {  	s30 =	simm.s32 $0x2;
	s1 =	sand.u32 $0x1, s1;
	s4 =	sshll.u32 s3, $0x1  }
0xa: {  	s31 =	simm.s32 $0x0;
	s3 =	simm.s32 $0x0;
	s6 =	sor.u32 s1, s4  }
0xb: {  	[smem:$0x7FF] =	sst s3;
	s1 =	ssub.s32 $0x2, s1;
	s4 =	smul.u32 $0x1A0, s6  }
0xc: {  	_ =	strace $0x80000047;
	s5 =	sshrl.u32 s1, $0x1;
	s6 =	sshll.u32 s6, $0x10  }
0xd: {  	s26 =	ssub.s32 s1, s5;
	s7 =	sadd.s32 s4, s0;
	s4 =	sadd.s32 $0x5400, s0  }
0xe: {  	s5 =	sadd.s32 $0x2000, s7;
	s7 =	smax.u32 s26, $0x1;
	s26 =	simm.s32 $0x1  }
.LBB2_1:
0xf: {  	[tilespmem:s3], [sflag:$0x3] =	stream.linear.gather [hbm4b:s5+s3], $0xD00, $0x38;
	[tilespmem:$0xED00] =	vst v63  }
0x10: {  	_ =	swait.ge [sflag:s8], $0xD00  }
0x11: {  	[sflag:s8] =	ssyncset.done $0x0  }
0x12: {  	s0 =	simm.s32 $0xD00;
	[sflag:s8] =	ssyncadd.s32 $0xFFFFF300  }
0x13: {  	[tilespmem:s0], [sflag:$0x1] =	stream.indirect.gather [hbm4b:s2+s9], $0x10, s3, s9, $0xb8;
	[tilespmem:$0xED00] =	vst v63  }
0x14: {  	s10 =	simm.s32 $0x1380  }
0x15: {  	[tilespmem:s10], [sflag:$0x1] =	stream.indirect.gather [hbm4b:s2+s9], $0x10, s9, s9, $0xb8;
	[tilespmem:$0xED00] =	vst v63  }
0x16: {  	s11 =	simm.s32 $0xD0;
	s1 =	simm.s32 $0x1A00  }
0x17: {  	[tilespmem:s1], [sflag:$0x1] =	stream.indirect.gather [hbm4b:s2+s9], $0x10, s11, s9, $0xb8;
	[tilespmem:$0xED00] =	vst v63  }
0x18: {  	s10 =	simm.s32 $0x138;
	s11 =	simm.s32 $0x2080  }
0x19: {  	[tilespmem:s11], [sflag:$0x1] =	stream.indirect.gather [hbm4b:s2+s9], $0x10, s10, s9, $0xb8;
	[tilespmem:$0xED00] =	vst v63  }
0x1a: {  	s10 =	simm.s32 $0x1A0;
	s11 =	simm.s32 $0x2700  }
0x1b: {  	[tilespmem:s11], [sflag:$0x1] =	stream.indirect.gather [hbm4b:s2+s9], $0x10, s10, s9, $0xb8;
	[tilespmem:$0xED00] =	vst v63  }
0x1c: {  	s10 =	simm.s32 $0x208;
	s11 =	simm.s32 $0x2D80  }
0x1d: {  	[tilespmem:s11], [sflag:$0x1] =	stream.indirect.gather [hbm4b:s2+s9], $0x10, s10, s9, $0xb8;
	[tilespmem:$0xED00] =	vst v63  }
0x1e: {  	s10 =	simm.s32 $0x270;
	s11 =	simm.s32 $0x3400  }
0x1f: {  	[tilespmem:s11], [sflag:$0x1] =	stream.indirect.gather [hbm4b:s2+s9], $0x10, s10, s9, $0xb8;
	[tilespmem:$0xED00] =	vst v63  }
0x20: {  	s10 =	simm.s32 $0x2D8;
	s11 =	simm.s32 $0x3A80  }
0x21: {  	[tilespmem:s11], [sflag:$0x1] =	stream.indirect.gather [hbm4b:s2+s9], $0x10, s10, s9, $0xb8;
	[tilespmem:$0xED00] =	vst v63  }
0x22: {  	s10 =	simm.s32 $0x340;
	s11 =	simm.s32 $0x4100  }
0x23: {  	[tilespmem:s11], [sflag:$0x1] =	stream.indirect.gather [hbm4b:s2+s9], $0x10, s10, s9, $0xb8;
	[tilespmem:$0xED00] =	vst v63  }
0x24: {  	s10 =	simm.s32 $0x3A8;
	s11 =	simm.s32 $0x4780  }
0x25: {  	[tilespmem:s11], [sflag:$0x1] =	stream.indirect.gather [hbm4b:s2+s9], $0x10, s10, s9, $0xb8;
	[tilespmem:$0xED00] =	vst v63  }
0x26: {  	s10 =	simm.s32 $0x410;
	s11 =	simm.s32 $0x4E00  }
0x27: {  	[tilespmem:s11], [sflag:$0x1] =	stream.indirect.gather [hbm4b:s2+s9], $0x10, s10, s9, $0xb8;
	[tilespmem:$0xED00] =	vst v63  }
0x28: {  	s10 =	simm.s32 $0x478;
	s11 =	simm.s32 $0x5480  }
0x29: {  	[tilespmem:s11], [sflag:$0x1] =	stream.indirect.gather [hbm4b:s2+s9], $0x10, s10, s9, $0xb8;
	[tilespmem:$0xED00] =	vst v63  }
0x2a: {  	s10 =	simm.s32 $0x4E0;
	s11 =	simm.s32 $0x5B00  }
0x2b: {  	[tilespmem:s11], [sflag:$0x1] =	stream.indirect.gather [hbm4b:s2+s9], $0x10, s10, s9, $0xb8;
	[tilespmem:$0xED00] =	vst v63  }
0x2c: {  	s10 =	simm.s32 $0x548;
	s11 =	simm.s32 $0x6180  }
0x2d: {  	[tilespmem:s11], [sflag:$0x1] =	stream.indirect.gather [hbm4b:s2+s9], $0x10, s10, s9, $0xb8;
	[tilespmem:$0xED00] =	vst v63  }
0x2e: {  	s10 =	simm.s32 $0x5B0;
	s11 =	simm.s32 $0x6800  }
0x2f: {  	[tilespmem:s11], [sflag:$0x1] =	stream.indirect.gather [hbm4b:s2+s9], $0x10, s10, s9, $0xb8;
	[tilespmem:$0xED00] =	vst v63  }
0x30: {  	s10 =	simm.s32 $0x618;
	s11 =	simm.s32 $0x6E80  }
0x31: {  	[tilespmem:s11], [sflag:$0x1] =	stream.indirect.gather [hbm4b:s2+s9], $0x10, s10, s9, $0xb8;
	[tilespmem:$0xED00] =	vst v63  }
0x32: {  	s10 =	simm.s32 $0x680;
	s11 =	simm.s32 $0x7500  }
0x33: {  	[tilespmem:s11], [sflag:$0x1] =	stream.indirect.gather [hbm4b:s2+s9], $0x10, s10, s9, $0xb8;
	[tilespmem:$0xED00] =	vst v63  }
0x34: {  	s10 =	simm.s32 $0x6E8;
	s11 =	simm.s32 $0x7B80  }
0x35: {  	[tilespmem:s11], [sflag:$0x1] =	stream.indirect.gather [hbm4b:s2+s9], $0x10, s10, s9, $0xb8;
	[tilespmem:$0xED00] =	vst v63  }
0x36: {  	s10 =	simm.s32 $0x750;
	s11 =	simm.s32 $0x8200  }
0x37: {  	[tilespmem:s11], [sflag:$0x1] =	stream.indirect.gather [hbm4b:s2+s9], $0x10, s10, s9, $0xb8;
	[tilespmem:$0xED00] =	vst v63  }
0x38: {  	s10 =	simm.s32 $0x7B8;
	s11 =	simm.s32 $0x8880  }
0x39: {  	[tilespmem:s11], [sflag:$0x1] =	stream.indirect.gather [hbm4b:s2+s9], $0x10, s10, s9, $0xb8;
	[tilespmem:$0xED00] =	vst v63  }
0x3a: {  	s10 =	simm.s32 $0x820;
	s11 =	simm.s32 $0x8F00  }
0x3b: {  	[tilespmem:s11], [sflag:$0x1] =	stream.indirect.gather [hbm4b:s2+s9], $0x10, s10, s9, $0xb8;
	[tilespmem:$0xED00] =	vst v63  }
0x3c: {  	s10 =	simm.s32 $0x888;
	s11 =	simm.s32 $0x9580  }
0x3d: {  	[tilespmem:s11], [sflag:$0x1] =	stream.indirect.gather [hbm4b:s2+s9], $0x10, s10, s9, $0xb8;
	[tilespmem:$0xED00] =	vst v63  }
0x3e: {  	s10 =	simm.s32 $0x8F0;
	s11 =	simm.s32 $0x9C00  }
0x3f: {  	[tilespmem:s11], [sflag:$0x1] =	stream.indirect.gather [hbm4b:s2+s9], $0x10, s10, s9, $0xb8;
	[tilespmem:$0xED00] =	vst v63  }
0x40: {  	s10 =	simm.s32 $0x958;
	s11 =	simm.s32 $0xA280  }
0x41: {  	[tilespmem:s11], [sflag:$0x1] =	stream.indirect.gather [hbm4b:s2+s9], $0x10, s10, s9, $0xb8;
	[tilespmem:$0xED00] =	vst v63  }
0x42: {  	s10 =	simm.s32 $0x9C0;
	s11 =	simm.s32 $0xA900  }
0x43: {  	[tilespmem:s11], [sflag:$0x1] =	stream.indirect.gather [hbm4b:s2+s9], $0x10, s10, s9, $0xb8;
	[tilespmem:$0xED00] =	vst v63  }
0x44: {  	_ = 	snop  }
0x45: {  	[tilespmem:s13], [sflag:$0x1] =	stream.indirect.gather [hbm4b:s2+s9], $0x10, s12, s9, $0xb8;
	[tilespmem:$0xED00] =	vst v63  }
0x46: {  	_ = 	snop  }
0x47: {  	[tilespmem:s15], [sflag:$0x1] =	stream.indirect.gather [hbm4b:s2+s9], $0x10, s14, s9, $0xb8;
	[tilespmem:$0xED00] =	vst v63  }
0x48: {  	_ = 	snop  }
0x49: {  	[tilespmem:s17], [sflag:$0x1] =	stream.indirect.gather [hbm4b:s2+s9], $0x10, s16, s9, $0xb8;
	[tilespmem:$0xED00] =	vst v63  }
0x4a: {  	_ = 	snop  }
0x4b: {  	[tilespmem:s19], [sflag:$0x1] =	stream.indirect.gather [hbm4b:s2+s9], $0x10, s18, s9, $0xb8;
	[tilespmem:$0xED00] =	vst v63  }
0x4c: {  	_ = 	snop  }
0x4d: {  	[tilespmem:s21], [sflag:$0x1] =	stream.indirect.gather [hbm4b:s2+s9], $0x10, s20, s9, $0xb8;
	[tilespmem:$0xED00] =	vst v63  }
0x4e: {  	_ = 	snop  }
0x4f: {  	[tilespmem:s23], [sflag:$0x1] =	stream.indirect.gather [hbm4b:s2+s9], $0x10, s22, s9, $0xb8;
	[tilespmem:$0xED00] =	vst v63  }
0x50: {  	_ = 	snop  }
0x51: {  	[tilespmem:s25], [sflag:$0x1] =	stream.indirect.gather [hbm4b:s2+s9], $0x10, s24, s9, $0xb8;
	[tilespmem:$0xED00] =	vst v63  }
0x52: {  	_ =	swait.ge [sflag:s26], $0xD000  }
0x53: {  	[sflag:s26] =	ssyncset.done $0x0  }
0x54: {  	s1 =	simm.s32 $0x0;
	[sflag:s26] =	ssyncadd.s32 $0xFFFF3000  }
.LBB2_2:
0x55: {  	p0 =	seq.s32 s1, $0x0  }
0x56: {  	s0 =	simm.s32 @!p0 $0x2  }
0x57: {  	s10 =	smul.u32 $0x3400, s1;
	_ =	swait.ge @!p0 [sflag:s0], $0x800  }
0x58: {  	[sflag:s0] =	ssyncset.done @!p0 $0x0  }
0x59: {  	s10 =	sshra.s32 s10, $0x2;
	[sflag:s0] =	ssyncadd.s32 @!p0 $0xFFFFF800  }
0x5a: {  	v0 =	vld [tilespmem:s10+$0xD00];
	_ =	sdelay $0x4  }
0x5b: {  	[tilespmem:$0xDD00] =	vst v0  }
0x5c: {  	v0 =	vld [tilespmem:s10+$0xD10];
	_ =	sdelay $0x4  }
0x5d: {  	[tilespmem:$0xDD10] =	vst v0  }
0x5e: {  	v0 =	vld [tilespmem:s10+$0xD20];
	_ =	sdelay $0x4  }
0x5f: {  	[tilespmem:$0xDD20] =	vst v0  }
0x60: {  	v0 =	vld [tilespmem:s10+$0xD30];
	_ =	sdelay $0x4  }
0x61: {  	[tilespmem:$0xDD30] =	vst v0  }
0x62: {  	v0 =	vld [tilespmem:s10+$0xD40];
	_ =	sdelay $0x4  }
0x63: {  	[tilespmem:$0xDD40] =	vst v0  }
0x64: {  	v0 =	vld [tilespmem:s10+$0xD50];
	_ =	sdelay $0x4  }
0x65: {  	[tilespmem:$0xDD50] =	vst v0  }
0x66: {  	v0 =	vld [tilespmem:s10+$0xD60];
	_ =	sdelay $0x4  }
0x67: {  	[tilespmem:$0xDD60] =	vst v0  }
0x68: {  	v0 =	vld [tilespmem:s10+$0xD70];
	_ =	sdelay $0x4  }
0x69: {  	[tilespmem:$0xDD70] =	vst v0  }
0x6a: {  	v0 =	vld [tilespmem:s10+$0xD80];
	_ =	sdelay $0x4  }
0x6b: {  	[tilespmem:$0xDD80] =	vst v0  }
0x6c: {  	v0 =	vld [tilespmem:s10+$0xD90];
	_ =	sdelay $0x4  }
0x6d: {  	[tilespmem:$0xDD90] =	vst v0  }
0x6e: {  	v0 =	vld [tilespmem:s10+$0xDA0];
	_ =	sdelay $0x4  }
0x6f: {  	[tilespmem:$0xDDA0] =	vst v0  }
0x70: {  	v0 =	vld [tilespmem:s10+$0xDB0];
	_ =	sdelay $0x4  }
0x71: {  	[tilespmem:$0xDDB0] =	vst v0  }
0x72: {  	v0 =	vld [tilespmem:s10+$0xDC0];
	_ =	sdelay $0x4  }
0x73: {  	[tilespmem:$0xDDC0] =	vst v0  }
0x74: {  	v0 =	vld [tilespmem:s10+$0xDD0];
	_ =	sdelay $0x4  }
0x75: {  	[tilespmem:$0xDDD0] =	vst v0  }
0x76: {  	v0 =	vld [tilespmem:s10+$0xDE0];
	_ =	sdelay $0x4  }
0x77: {  	[tilespmem:$0xDDE0] =	vst v0  }
0x78: {  	v0 =	vld [tilespmem:s10+$0xDF0];
	_ =	sdelay $0x4  }
0x79: {  	[tilespmem:$0xDDF0] =	vst v0  }
0x7a: {  	v0 =	vld [tilespmem:s10+$0xE00];
	_ =	sdelay $0x4  }
0x7b: {  	[tilespmem:$0xDE00] =	vst v0  }
0x7c: {  	v0 =	vld [tilespmem:s10+$0xE10];
	_ =	sdelay $0x4  }
0x7d: {  	[tilespmem:$0xDE10] =	vst v0  }
0x7e: {  	v0 =	vld [tilespmem:s10+$0xE20];
	_ =	sdelay $0x4  }
0x7f: {  	[tilespmem:$0xDE20] =	vst v0  }
0x80: {  	v0 =	vld [tilespmem:s10+$0xE30];
	_ =	sdelay $0x4  }
0x81: {  	[tilespmem:$0xDE30] =	vst v0  }
0x82: {  	v0 =	vld [tilespmem:s10+$0xE40];
	_ =	sdelay $0x4  }
0x83: {  	[tilespmem:$0xDE40] =	vst v0  }
0x84: {  	v0 =	vld [tilespmem:s10+$0xE50];
	_ =	sdelay $0x4  }
0x85: {  	[tilespmem:$0xDE50] =	vst v0  }
0x86: {  	v0 =	vld [tilespmem:s10+$0xE60];
	_ =	sdelay $0x4  }
0x87: {  	[tilespmem:$0xDE60] =	vst v0  }
0x88: {  	v0 =	vld [tilespmem:s10+$0xE70];
	_ =	sdelay $0x4  }
0x89: {  	[tilespmem:$0xDE70] =	vst v0  }
0x8a: {  	v0 =	vld [tilespmem:s10+$0xE80];
	_ =	sdelay $0x4  }
0x8b: {  	[tilespmem:$0xDE80] =	vst v0  }
0x8c: {  	v0 =	vld [tilespmem:s10+$0xE90];
	_ =	sdelay $0x4  }
0x8d: {  	[tilespmem:$0xDE90] =	vst v0  }
0x8e: {  	v0 =	vld [tilespmem:s10+$0xEA0];
	_ =	sdelay $0x4  }
0x8f: {  	[tilespmem:$0xDF00] =	vst v0  }
0x90: {  	v0 =	vld [tilespmem:s10+$0xEB0];
	_ =	sdelay $0x4  }
0x91: {  	[tilespmem:$0xDF10] =	vst v0  }
0x92: {  	v0 =	vld [tilespmem:s10+$0xEC0];
	_ =	sdelay $0x4  }
0x93: {  	[tilespmem:$0xDF20] =	vst v0  }
0x94: {  	v0 =	vld [tilespmem:s10+$0xED0];
	_ =	sdelay $0x4  }
0x95: {  	[tilespmem:$0xDF30] =	vst v0  }
0x96: {  	v0 =	vld [tilespmem:s10+$0xEE0];
	_ =	sdelay $0x4  }
0x97: {  	[tilespmem:$0xDF40] =	vst v0  }
0x98: {  	v0 =	vld [tilespmem:s10+$0xEF0];
	_ =	sdelay $0x4  }
0x99: {  	[tilespmem:$0xDF50] =	vst v0  }
0x9a: {  	v0 =	vld [tilespmem:s10+$0xF00];
	_ =	sdelay $0x4  }
0x9b: {  	[tilespmem:$0xDF60] =	vst v0  }
0x9c: {  	v0 =	vld [tilespmem:s10+$0xF10];
	_ =	sdelay $0x4  }
0x9d: {  	[tilespmem:$0xDF70] =	vst v0  }
0x9e: {  	v0 =	vld [tilespmem:s10+$0xF20];
	_ =	sdelay $0x4  }
0x9f: {  	[tilespmem:$0xDF80] =	vst v0  }
0xa0: {  	v0 =	vld [tilespmem:s10+$0xF30];
	_ =	sdelay $0x4  }
0xa1: {  	[tilespmem:$0xDF90] =	vst v0  }
0xa2: {  	v0 =	vld [tilespmem:s10+$0xF40];
	_ =	sdelay $0x4  }
0xa3: {  	[tilespmem:$0xDFA0] =	vst v0  }
0xa4: {  	v0 =	vld [tilespmem:s10+$0xF50];
	_ =	sdelay $0x4  }
0xa5: {  	[tilespmem:$0xDFB0] =	vst v0  }
0xa6: {  	v0 =	vld [tilespmem:s10+$0xF60];
	_ =	sdelay $0x4  }
0xa7: {  	[tilespmem:$0xDFC0] =	vst v0  }
0xa8: {  	v0 =	vld [tilespmem:s10+$0xF70];
	_ =	sdelay $0x4  }
0xa9: {  	[tilespmem:$0xDFD0] =	vst v0  }
0xaa: {  	v0 =	vld [tilespmem:s10+$0xF80];
	_ =	sdelay $0x4  }
0xab: {  	[tilespmem:$0xDFE0] =	vst v0  }
0xac: {  	v0 =	vld [tilespmem:s10+$0xF90];
	_ =	sdelay $0x4  }
0xad: {  	[tilespmem:$0xDFF0] =	vst v0  }
0xae: {  	v0 =	vld [tilespmem:s10+$0xFA0];
	_ =	sdelay $0x4  }
0xaf: {  	[tilespmem:$0xE000] =	vst v0  }
0xb0: {  	v0 =	vld [tilespmem:s10+$0xFB0];
	_ =	sdelay $0x4  }
0xb1: {  	[tilespmem:$0xE010] =	vst v0  }
0xb2: {  	v0 =	vld [tilespmem:s10+$0xFC0];
	_ =	sdelay $0x4  }
0xb3: {  	[tilespmem:$0xE020] =	vst v0  }
0xb4: {  	v0 =	vld [tilespmem:s10+$0xFD0];
	_ =	sdelay $0x4  }
0xb5: {  	[tilespmem:$0xE030] =	vst v0  }
0xb6: {  	v0 =	vld [tilespmem:s10+$0xFE0];
	_ =	sdelay $0x4  }
0xb7: {  	[tilespmem:$0xE040] =	vst v0  }
0xb8: {  	v0 =	vld [tilespmem:s10+$0xFF0];
	_ =	sdelay $0x4  }
0xb9: {  	[tilespmem:$0xE050] =	vst v0  }
0xba: {  	v0 =	vld [tilespmem:s10+$0x1000];
	_ =	sdelay $0x4  }
0xbb: {  	[tilespmem:$0xE060] =	vst v0  }
0xbc: {  	v0 =	vld [tilespmem:s10+$0x1010];
	_ =	sdelay $0x4  }
0xbd: {  	[tilespmem:$0xE070] =	vst v0  }
0xbe: {  	v0 =	vld [tilespmem:s10+$0x1020];
	_ =	sdelay $0x4  }
0xbf: {  	[tilespmem:$0xE080] =	vst v0  }
0xc0: {  	v0 =	vld [tilespmem:s10+$0x1030];
	_ =	sdelay $0x4  }
0xc1: {  	[tilespmem:$0xE090] =	vst v0  }
0xc2: {  	v0 =	vld [tilespmem:s10+$0x1040];
	_ =	sdelay $0x4  }
0xc3: {  	[tilespmem:$0xE100] =	vst v0  }
0xc4: {  	v0 =	vld [tilespmem:s10+$0x1050];
	_ =	sdelay $0x4  }
0xc5: {  	[tilespmem:$0xE110] =	vst v0  }
0xc6: {  	v0 =	vld [tilespmem:s10+$0x1060];
	_ =	sdelay $0x4  }
0xc7: {  	[tilespmem:$0xE120] =	vst v0  }
0xc8: {  	v0 =	vld [tilespmem:s10+$0x1070];
	_ =	sdelay $0x4  }
0xc9: {  	[tilespmem:$0xE130] =	vst v0  }
0xca: {  	v0 =	vld [tilespmem:s10+$0x1080];
	_ =	sdelay $0x4  }
0xcb: {  	[tilespmem:$0xE140] =	vst v0  }
0xcc: {  	v0 =	vld [tilespmem:s10+$0x1090];
	_ =	sdelay $0x4  }
0xcd: {  	[tilespmem:$0xE150] =	vst v0  }
0xce: {  	v0 =	vld [tilespmem:s10+$0x10A0];
	_ =	sdelay $0x4  }
0xcf: {  	[tilespmem:$0xE160] =	vst v0  }
0xd0: {  	v0 =	vld [tilespmem:s10+$0x10B0];
	_ =	sdelay $0x4  }
0xd1: {  	[tilespmem:$0xE170] =	vst v0  }
0xd2: {  	v0 =	vld [tilespmem:s10+$0x10C0];
	_ =	sdelay $0x4  }
0xd3: {  	[tilespmem:$0xE180] =	vst v0  }
0xd4: {  	v0 =	vld [tilespmem:s10+$0x10D0];
	_ =	sdelay $0x4  }
0xd5: {  	[tilespmem:$0xE190] =	vst v0  }
0xd6: {  	v0 =	vld [tilespmem:s10+$0x10E0];
	_ =	sdelay $0x4  }
0xd7: {  	[tilespmem:$0xE1A0] =	vst v0  }
0xd8: {  	v0 =	vld [tilespmem:s10+$0x10F0];
	_ =	sdelay $0x4  }
0xd9: {  	[tilespmem:$0xE1B0] =	vst v0  }
0xda: {  	v0 =	vld [tilespmem:s10+$0x1100];
	_ =	sdelay $0x4  }
0xdb: {  	[tilespmem:$0xE1C0] =	vst v0  }
0xdc: {  	v0 =	vld [tilespmem:s10+$0x1110];
	_ =	sdelay $0x4  }
0xdd: {  	[tilespmem:$0xE1D0] =	vst v0  }
0xde: {  	v0 =	vld [tilespmem:s10+$0x1120];
	_ =	sdelay $0x4  }
0xdf: {  	[tilespmem:$0xE1E0] =	vst v0  }
0xe0: {  	v0 =	vld [tilespmem:s10+$0x1130];
	_ =	sdelay $0x4  }
0xe1: {  	[tilespmem:$0xE1F0] =	vst v0  }
0xe2: {  	v0 =	vld [tilespmem:s10+$0x1140];
	_ =	sdelay $0x4  }
0xe3: {  	[tilespmem:$0xE200] =	vst v0  }
0xe4: {  	v0 =	vld [tilespmem:s10+$0x1150];
	_ =	sdelay $0x4  }
0xe5: {  	[tilespmem:$0xE210] =	vst v0  }
0xe6: {  	v0 =	vld [tilespmem:s10+$0x1160];
	_ =	sdelay $0x4  }
0xe7: {  	[tilespmem:$0xE220] =	vst v0  }
0xe8: {  	v0 =	vld [tilespmem:s10+$0x1170];
	_ =	sdelay $0x4  }
0xe9: {  	[tilespmem:$0xE230] =	vst v0  }
0xea: {  	v0 =	vld [tilespmem:s10+$0x1180];
	_ =	sdelay $0x4  }
0xeb: {  	[tilespmem:$0xE240] =	vst v0  }
0xec: {  	v0 =	vld [tilespmem:s10+$0x1190];
	_ =	sdelay $0x4  }
0xed: {  	[tilespmem:$0xE250] =	vst v0  }
0xee: {  	v0 =	vld [tilespmem:s10+$0x11A0];
	_ =	sdelay $0x4  }
0xef: {  	[tilespmem:$0xE260] =	vst v0  }
0xf0: {  	v0 =	vld [tilespmem:s10+$0x11B0];
	_ =	sdelay $0x4  }
0xf1: {  	[tilespmem:$0xE270] =	vst v0  }
0xf2: {  	v0 =	vld [tilespmem:s10+$0x11C0];
	_ =	sdelay $0x4  }
0xf3: {  	[tilespmem:$0xE280] =	vst v0  }
0xf4: {  	v0 =	vld [tilespmem:s10+$0x11D0];
	_ =	sdelay $0x4  }
0xf5: {  	[tilespmem:$0xE290] =	vst v0  }
0xf6: {  	v0 =	vld [tilespmem:s10+$0x11E0];
	_ =	sdelay $0x4  }
0xf7: {  	[tilespmem:$0xE300] =	vst v0  }
0xf8: {  	v0 =	vld [tilespmem:s10+$0x11F0];
	_ =	sdelay $0x4  }
0xf9: {  	[tilespmem:$0xE310] =	vst v0  }
0xfa: {  	v0 =	vld [tilespmem:s10+$0x1200];
	_ =	sdelay $0x4  }
0xfb: {  	[tilespmem:$0xE320] =	vst v0  }
0xfc: {  	v0 =	vld [tilespmem:s10+$0x1210];
	_ =	sdelay $0x4  }
0xfd: {  	[tilespmem:$0xE330] =	vst v0  }
0xfe: {  	v0 =	vld [tilespmem:s10+$0x1220];
	_ =	sdelay $0x4  }
0xff: {  	[tilespmem:$0xE340] =	vst v0  }
0x100: {  	v0 =	vld [tilespmem:s10+$0x1230];
	_ =	sdelay $0x4  }
0x101: {  	[tilespmem:$0xE350] =	vst v0  }
0x102: {  	v0 =	vld [tilespmem:s10+$0x1240];
	_ =	sdelay $0x4  }
0x103: {  	[tilespmem:$0xE360] =	vst v0  }
0x104: {  	v0 =	vld [tilespmem:s10+$0x1250];
	_ =	sdelay $0x4  }
0x105: {  	[tilespmem:$0xE370] =	vst v0  }
0x106: {  	v0 =	vld [tilespmem:s10+$0x1260];
	_ =	sdelay $0x4  }
0x107: {  	[tilespmem:$0xE380] =	vst v0  }
0x108: {  	v0 =	vld [tilespmem:s10+$0x1270];
	_ =	sdelay $0x4  }
0x109: {  	[tilespmem:$0xE390] =	vst v0  }
0x10a: {  	v0 =	vld [tilespmem:s10+$0x1280];
	_ =	sdelay $0x4  }
0x10b: {  	[tilespmem:$0xE3A0] =	vst v0  }
0x10c: {  	v0 =	vld [tilespmem:s10+$0x1290];
	_ =	sdelay $0x4  }
0x10d: {  	[tilespmem:$0xE3B0] =	vst v0  }
0x10e: {  	v0 =	vld [tilespmem:s10+$0x12A0];
	_ =	sdelay $0x4  }
0x10f: {  	[tilespmem:$0xE3C0] =	vst v0  }
0x110: {  	v0 =	vld [tilespmem:s10+$0x12B0];
	_ =	sdelay $0x4  }
0x111: {  	[tilespmem:$0xE3D0] =	vst v0  }
0x112: {  	v0 =	vld [tilespmem:s10+$0x12C0];
	_ =	sdelay $0x4  }
0x113: {  	[tilespmem:$0xE3E0] =	vst v0  }
0x114: {  	v0 =	vld [tilespmem:s10+$0x12D0];
	_ =	sdelay $0x4  }
0x115: {  	[tilespmem:$0xE3F0] =	vst v0  }
0x116: {  	v0 =	vld [tilespmem:s10+$0x12E0];
	_ =	sdelay $0x4  }
0x117: {  	[tilespmem:$0xE400] =	vst v0  }
0x118: {  	v0 =	vld [tilespmem:s10+$0x12F0];
	_ =	sdelay $0x4  }
0x119: {  	[tilespmem:$0xE410] =	vst v0  }
0x11a: {  	v0 =	vld [tilespmem:s10+$0x1300];
	_ =	sdelay $0x4  }
0x11b: {  	[tilespmem:$0xE420] =	vst v0  }
0x11c: {  	v0 =	vld [tilespmem:s10+$0x1310];
	_ =	sdelay $0x4  }
0x11d: {  	[tilespmem:$0xE430] =	vst v0  }
0x11e: {  	v0 =	vld [tilespmem:s10+$0x1320];
	_ =	sdelay $0x4  }
0x11f: {  	[tilespmem:$0xE440] =	vst v0  }
0x120: {  	v0 =	vld [tilespmem:s10+$0x1330];
	_ =	sdelay $0x4  }
0x121: {  	[tilespmem:$0xE450] =	vst v0  }
0x122: {  	v0 =	vld [tilespmem:s10+$0x1340];
	_ =	sdelay $0x4  }
0x123: {  	[tilespmem:$0xE460] =	vst v0  }
0x124: {  	v0 =	vld [tilespmem:s10+$0x1350];
	_ =	sdelay $0x4  }
0x125: {  	[tilespmem:$0xE470] =	vst v0  }
0x126: {  	v0 =	vld [tilespmem:s10+$0x1360];
	_ =	sdelay $0x4  }
0x127: {  	[tilespmem:$0xE480] =	vst v0  }
0x128: {  	v0 =	vld [tilespmem:s10+$0x1370];
	_ =	sdelay $0x1  }
0x129: {  	s11 =	sshll.u32 s1, $0xC  }
0x12a: {  	s10 =	sadd.s32 s6, s11  }
0x12b: {  	s10 =	sshrl.u32 s10, $0x3  }
0x12c: {  	s10 =	sadd.s32 s4, s10;
	[tilespmem:$0xE490] =	vst v0  }
0x12d: {  	[hbm4b:s10+s3] =	stream.linear.scatter [tilespmem:s28], [sflag:$0x2], $0x800, $0x38;
	[tilespmem:$0xED00] =	vst v63  }
0x12e: {  	s10 =	sshllo.u32 s1, $0x1  }
0x12f: {  	_ =	swait.ge @!p0 [sflag:s0], $0x800;
	s11 =	smul.u32 $0x1A00, s10  }
0x130: {  	[sflag:s0] =	ssyncset.done @!p0 $0x0  }
0x131: {  	[sflag:s0] =	ssyncadd.s32 @!p0 $0xFFFFF800;
	s11 =	sshra.s32 s11, $0x2  }
0x132: {  	v63 =	vld [tilespmem:s11+$0xD00];
	_ =	sdelay $0x4  }
0x133: {  	[tilespmem:$0xE500] =	vst v63  }
0x134: {  	v0 =	vld [tilespmem:s11+$0xD10];
	_ =	sdelay $0x4  }
0x135: {  	[tilespmem:$0xE510] =	vst v0  }
0x136: {  	v0 =	vld [tilespmem:s11+$0xD20];
	_ =	sdelay $0x4  }
0x137: {  	[tilespmem:$0xE520] =	vst v0  }
0x138: {  	v0 =	vld [tilespmem:s11+$0xD30];
	_ =	sdelay $0x4  }
0x139: {  	[tilespmem:$0xE530] =	vst v0  }
0x13a: {  	v0 =	vld [tilespmem:s11+$0xD40];
	_ =	sdelay $0x4  }
0x13b: {  	[tilespmem:$0xE540] =	vst v0  }
0x13c: {  	v0 =	vld [tilespmem:s11+$0xD50];
	_ =	sdelay $0x4  }
0x13d: {  	[tilespmem:$0xE550] =	vst v0  }
0x13e: {  	v0 =	vld [tilespmem:s11+$0xD60];
	_ =	sdelay $0x4  }
0x13f: {  	[tilespmem:$0xE560] =	vst v0  }
0x140: {  	v0 =	vld [tilespmem:s11+$0xD70];
	_ =	sdelay $0x4  }
0x141: {  	[tilespmem:$0xE570] =	vst v0  }
0x142: {  	v0 =	vld [tilespmem:s11+$0xD80];
	_ =	sdelay $0x4  }
0x143: {  	[tilespmem:$0xE580] =	vst v0  }
0x144: {  	v0 =	vld [tilespmem:s11+$0xD90];
	_ =	sdelay $0x4  }
0x145: {  	[tilespmem:$0xE590] =	vst v0  }
0x146: {  	v0 =	vld [tilespmem:s11+$0xDA0];
	_ =	sdelay $0x4  }
0x147: {  	[tilespmem:$0xE5A0] =	vst v0  }
0x148: {  	v0 =	vld [tilespmem:s11+$0xDB0];
	_ =	sdelay $0x4  }
0x149: {  	[tilespmem:$0xE5B0] =	vst v0  }
0x14a: {  	v0 =	vld [tilespmem:s11+$0xDC0];
	_ =	sdelay $0x4  }
0x14b: {  	[tilespmem:$0xE5C0] =	vst v0  }
0x14c: {  	v0 =	vld [tilespmem:s11+$0xDD0];
	_ =	sdelay $0x4  }
0x14d: {  	[tilespmem:$0xE5D0] =	vst v0  }
0x14e: {  	v0 =	vld [tilespmem:s11+$0xDE0];
	_ =	sdelay $0x4  }
0x14f: {  	[tilespmem:$0xE5E0] =	vst v0  }
0x150: {  	v0 =	vld [tilespmem:s11+$0xDF0];
	_ =	sdelay $0x4  }
0x151: {  	[tilespmem:$0xE5F0] =	vst v0  }
0x152: {  	v0 =	vld [tilespmem:s11+$0xE00];
	_ =	sdelay $0x4  }
0x153: {  	[tilespmem:$0xE600] =	vst v0  }
0x154: {  	v0 =	vld [tilespmem:s11+$0xE10];
	_ =	sdelay $0x4  }
0x155: {  	[tilespmem:$0xE610] =	vst v0  }
0x156: {  	v0 =	vld [tilespmem:s11+$0xE20];
	_ =	sdelay $0x4  }
0x157: {  	[tilespmem:$0xE620] =	vst v0  }
0x158: {  	v0 =	vld [tilespmem:s11+$0xE30];
	_ =	sdelay $0x4  }
0x159: {  	[tilespmem:$0xE630] =	vst v0  }
0x15a: {  	v0 =	vld [tilespmem:s11+$0xE40];
	_ =	sdelay $0x4  }
0x15b: {  	[tilespmem:$0xE640] =	vst v0  }
0x15c: {  	v0 =	vld [tilespmem:s11+$0xE50];
	_ =	sdelay $0x4  }
0x15d: {  	[tilespmem:$0xE650] =	vst v0  }
0x15e: {  	v0 =	vld [tilespmem:s11+$0xE60];
	_ =	sdelay $0x4  }
0x15f: {  	[tilespmem:$0xE660] =	vst v0  }
0x160: {  	v0 =	vld [tilespmem:s11+$0xE70];
	_ =	sdelay $0x4  }
0x161: {  	[tilespmem:$0xE670] =	vst v0  }
0x162: {  	v0 =	vld [tilespmem:s11+$0xE80];
	_ =	sdelay $0x4  }
0x163: {  	[tilespmem:$0xE680] =	vst v0  }
0x164: {  	v0 =	vld [tilespmem:s11+$0xE90];
	_ =	sdelay $0x4  }
0x165: {  	[tilespmem:$0xE690] =	vst v0  }
0x166: {  	v0 =	vld [tilespmem:s11+$0xEA0];
	_ =	sdelay $0x4  }
0x167: {  	[tilespmem:$0xE700] =	vst v0  }
0x168: {  	v0 =	vld [tilespmem:s11+$0xEB0];
	_ =	sdelay $0x4  }
0x169: {  	[tilespmem:$0xE710] =	vst v0  }
0x16a: {  	v0 =	vld [tilespmem:s11+$0xEC0];
	_ =	sdelay $0x4  }
0x16b: {  	[tilespmem:$0xE720] =	vst v0  }
0x16c: {  	v0 =	vld [tilespmem:s11+$0xED0];
	_ =	sdelay $0x4  }
0x16d: {  	[tilespmem:$0xE730] =	vst v0  }
0x16e: {  	v0 =	vld [tilespmem:s11+$0xEE0];
	_ =	sdelay $0x4  }
0x16f: {  	[tilespmem:$0xE740] =	vst v0  }
0x170: {  	v0 =	vld [tilespmem:s11+$0xEF0];
	_ =	sdelay $0x4  }
0x171: {  	[tilespmem:$0xE750] =	vst v0  }
0x172: {  	v0 =	vld [tilespmem:s11+$0xF00];
	_ =	sdelay $0x4  }
0x173: {  	[tilespmem:$0xE760] =	vst v0  }
0x174: {  	v0 =	vld [tilespmem:s11+$0xF10];
	_ =	sdelay $0x4  }
0x175: {  	[tilespmem:$0xE770] =	vst v0  }
0x176: {  	v0 =	vld [tilespmem:s11+$0xF20];
	_ =	sdelay $0x4  }
0x177: {  	[tilespmem:$0xE780] =	vst v0  }
0x178: {  	v0 =	vld [tilespmem:s11+$0xF30];
	_ =	sdelay $0x4  }
0x179: {  	[tilespmem:$0xE790] =	vst v0  }
0x17a: {  	v0 =	vld [tilespmem:s11+$0xF40];
	_ =	sdelay $0x4  }
0x17b: {  	[tilespmem:$0xE7A0] =	vst v0  }
0x17c: {  	v0 =	vld [tilespmem:s11+$0xF50];
	_ =	sdelay $0x4  }
0x17d: {  	[tilespmem:$0xE7B0] =	vst v0  }
0x17e: {  	v0 =	vld [tilespmem:s11+$0xF60];
	_ =	sdelay $0x4  }
0x17f: {  	[tilespmem:$0xE7C0] =	vst v0  }
0x180: {  	v0 =	vld [tilespmem:s11+$0xF70];
	_ =	sdelay $0x4  }
0x181: {  	[tilespmem:$0xE7D0] =	vst v0  }
0x182: {  	v0 =	vld [tilespmem:s11+$0xF80];
	_ =	sdelay $0x4  }
0x183: {  	[tilespmem:$0xE7E0] =	vst v0  }
0x184: {  	v0 =	vld [tilespmem:s11+$0xF90];
	_ =	sdelay $0x4  }
0x185: {  	[tilespmem:$0xE7F0] =	vst v0  }
0x186: {  	v0 =	vld [tilespmem:s11+$0xFA0];
	_ =	sdelay $0x4  }
0x187: {  	[tilespmem:$0xE800] =	vst v0  }
0x188: {  	v0 =	vld [tilespmem:s11+$0xFB0];
	_ =	sdelay $0x4  }
0x189: {  	[tilespmem:$0xE810] =	vst v0  }
0x18a: {  	v0 =	vld [tilespmem:s11+$0xFC0];
	_ =	sdelay $0x4  }
0x18b: {  	[tilespmem:$0xE820] =	vst v0  }
0x18c: {  	v0 =	vld [tilespmem:s11+$0xFD0];
	_ =	sdelay $0x4  }
0x18d: {  	[tilespmem:$0xE830] =	vst v0  }
0x18e: {  	v0 =	vld [tilespmem:s11+$0xFE0];
	_ =	sdelay $0x4  }
0x18f: {  	[tilespmem:$0xE840] =	vst v0  }
0x190: {  	v0 =	vld [tilespmem:s11+$0xFF0];
	_ =	sdelay $0x4  }
0x191: {  	[tilespmem:$0xE850] =	vst v0  }
0x192: {  	v0 =	vld [tilespmem:s11+$0x1000];
	_ =	sdelay $0x4  }
0x193: {  	[tilespmem:$0xE860] =	vst v0  }
0x194: {  	v0 =	vld [tilespmem:s11+$0x1010];
	_ =	sdelay $0x4  }
0x195: {  	[tilespmem:$0xE870] =	vst v0  }
0x196: {  	v0 =	vld [tilespmem:s11+$0x1020];
	_ =	sdelay $0x4  }
0x197: {  	[tilespmem:$0xE880] =	vst v0  }
0x198: {  	v0 =	vld [tilespmem:s11+$0x1030];
	_ =	sdelay $0x4  }
0x199: {  	[tilespmem:$0xE890] =	vst v0  }
0x19a: {  	v0 =	vld [tilespmem:s11+$0x1040];
	_ =	sdelay $0x4  }
0x19b: {  	[tilespmem:$0xE900] =	vst v0  }
0x19c: {  	v0 =	vld [tilespmem:s11+$0x1050];
	_ =	sdelay $0x4  }
0x19d: {  	[tilespmem:$0xE910] =	vst v0  }
0x19e: {  	v0 =	vld [tilespmem:s11+$0x1060];
	_ =	sdelay $0x4  }
0x19f: {  	[tilespmem:$0xE920] =	vst v0  }
0x1a0: {  	v0 =	vld [tilespmem:s11+$0x1070];
	_ =	sdelay $0x4  }
0x1a1: {  	[tilespmem:$0xE930] =	vst v0  }
0x1a2: {  	v0 =	vld [tilespmem:s11+$0x1080];
	_ =	sdelay $0x4  }
0x1a3: {  	[tilespmem:$0xE940] =	vst v0  }
0x1a4: {  	v0 =	vld [tilespmem:s11+$0x1090];
	_ =	sdelay $0x4  }
0x1a5: {  	[tilespmem:$0xE950] =	vst v0  }
0x1a6: {  	v0 =	vld [tilespmem:s11+$0x10A0];
	_ =	sdelay $0x4  }
0x1a7: {  	[tilespmem:$0xE960] =	vst v0  }
0x1a8: {  	v0 =	vld [tilespmem:s11+$0x10B0];
	_ =	sdelay $0x4  }
0x1a9: {  	[tilespmem:$0xE970] =	vst v0  }
0x1aa: {  	v0 =	vld [tilespmem:s11+$0x10C0];
	_ =	sdelay $0x4  }
0x1ab: {  	[tilespmem:$0xE980] =	vst v0  }
0x1ac: {  	v0 =	vld [tilespmem:s11+$0x10D0];
	_ =	sdelay $0x4  }
0x1ad: {  	[tilespmem:$0xE990] =	vst v0  }
0x1ae: {  	v0 =	vld [tilespmem:s11+$0x10E0];
	_ =	sdelay $0x4  }
0x1af: {  	[tilespmem:$0xE9A0] =	vst v0  }
0x1b0: {  	v0 =	vld [tilespmem:s11+$0x10F0];
	_ =	sdelay $0x4  }
0x1b1: {  	[tilespmem:$0xE9B0] =	vst v0  }
0x1b2: {  	v0 =	vld [tilespmem:s11+$0x1100];
	_ =	sdelay $0x4  }
0x1b3: {  	[tilespmem:$0xE9C0] =	vst v0  }
0x1b4: {  	v0 =	vld [tilespmem:s11+$0x1110];
	_ =	sdelay $0x4  }
0x1b5: {  	[tilespmem:$0xE9D0] =	vst v0  }
0x1b6: {  	v0 =	vld [tilespmem:s11+$0x1120];
	_ =	sdelay $0x4  }
0x1b7: {  	[tilespmem:$0xE9E0] =	vst v0  }
0x1b8: {  	v0 =	vld [tilespmem:s11+$0x1130];
	_ =	sdelay $0x4  }
0x1b9: {  	[tilespmem:$0xE9F0] =	vst v0  }
0x1ba: {  	v0 =	vld [tilespmem:s11+$0x1140];
	_ =	sdelay $0x4  }
0x1bb: {  	[tilespmem:$0xEA00] =	vst v0  }
0x1bc: {  	v0 =	vld [tilespmem:s11+$0x1150];
	_ =	sdelay $0x4  }
0x1bd: {  	[tilespmem:$0xEA10] =	vst v0  }
0x1be: {  	v0 =	vld [tilespmem:s11+$0x1160];
	_ =	sdelay $0x4  }
0x1bf: {  	[tilespmem:$0xEA20] =	vst v0  }
0x1c0: {  	v0 =	vld [tilespmem:s11+$0x1170];
	_ =	sdelay $0x4  }
0x1c1: {  	[tilespmem:$0xEA30] =	vst v0  }
0x1c2: {  	v0 =	vld [tilespmem:s11+$0x1180];
	_ =	sdelay $0x4  }
0x1c3: {  	[tilespmem:$0xEA40] =	vst v0  }
0x1c4: {  	v0 =	vld [tilespmem:s11+$0x1190];
	_ =	sdelay $0x4  }
0x1c5: {  	[tilespmem:$0xEA50] =	vst v0  }
0x1c6: {  	v0 =	vld [tilespmem:s11+$0x11A0];
	_ =	sdelay $0x4  }
0x1c7: {  	[tilespmem:$0xEA60] =	vst v0  }
0x1c8: {  	v0 =	vld [tilespmem:s11+$0x11B0];
	_ =	sdelay $0x4  }
0x1c9: {  	[tilespmem:$0xEA70] =	vst v0  }
0x1ca: {  	v0 =	vld [tilespmem:s11+$0x11C0];
	_ =	sdelay $0x4  }
0x1cb: {  	[tilespmem:$0xEA80] =	vst v0  }
0x1cc: {  	v0 =	vld [tilespmem:s11+$0x11D0];
	_ =	sdelay $0x4  }
0x1cd: {  	[tilespmem:$0xEA90] =	vst v0  }
0x1ce: {  	v0 =	vld [tilespmem:s11+$0x11E0];
	_ =	sdelay $0x4  }
0x1cf: {  	[tilespmem:$0xEB00] =	vst v0  }
0x1d0: {  	v0 =	vld [tilespmem:s11+$0x11F0];
	_ =	sdelay $0x4  }
0x1d1: {  	[tilespmem:$0xEB10] =	vst v0  }
0x1d2: {  	v0 =	vld [tilespmem:s11+$0x1200];
	_ =	sdelay $0x4  }
0x1d3: {  	[tilespmem:$0xEB20] =	vst v0  }
0x1d4: {  	v0 =	vld [tilespmem:s11+$0x1210];
	_ =	sdelay $0x4  }
0x1d5: {  	[tilespmem:$0xEB30] =	vst v0  }
0x1d6: {  	v0 =	vld [tilespmem:s11+$0x1220];
	_ =	sdelay $0x4  }
0x1d7: {  	[tilespmem:$0xEB40] =	vst v0  }
0x1d8: {  	v0 =	vld [tilespmem:s11+$0x1230];
	_ =	sdelay $0x4  }
0x1d9: {  	[tilespmem:$0xEB50] =	vst v0  }
0x1da: {  	v0 =	vld [tilespmem:s11+$0x1240];
	_ =	sdelay $0x4  }
0x1db: {  	[tilespmem:$0xEB60] =	vst v0  }
0x1dc: {  	v0 =	vld [tilespmem:s11+$0x1250];
	_ =	sdelay $0x4  }
0x1dd: {  	[tilespmem:$0xEB70] =	vst v0  }
0x1de: {  	v0 =	vld [tilespmem:s11+$0x1260];
	_ =	sdelay $0x4  }
0x1df: {  	[tilespmem:$0xEB80] =	vst v0  }
0x1e0: {  	v0 =	vld [tilespmem:s11+$0x1270];
	_ =	sdelay $0x4  }
0x1e1: {  	[tilespmem:$0xEB90] =	vst v0  }
0x1e2: {  	v0 =	vld [tilespmem:s11+$0x1280];
	_ =	sdelay $0x4  }
0x1e3: {  	[tilespmem:$0xEBA0] =	vst v0  }
0x1e4: {  	v0 =	vld [tilespmem:s11+$0x1290];
	_ =	sdelay $0x4  }
0x1e5: {  	[tilespmem:$0xEBB0] =	vst v0  }
0x1e6: {  	v0 =	vld [tilespmem:s11+$0x12A0];
	_ =	sdelay $0x4  }
0x1e7: {  	[tilespmem:$0xEBC0] =	vst v0  }
0x1e8: {  	v0 =	vld [tilespmem:s11+$0x12B0];
	_ =	sdelay $0x4  }
0x1e9: {  	[tilespmem:$0xEBD0] =	vst v0  }
0x1ea: {  	v0 =	vld [tilespmem:s11+$0x12C0];
	_ =	sdelay $0x4  }
0x1eb: {  	[tilespmem:$0xEBE0] =	vst v0  }
0x1ec: {  	v0 =	vld [tilespmem:s11+$0x12D0];
	_ =	sdelay $0x4  }
0x1ed: {  	[tilespmem:$0xEBF0] =	vst v0  }
0x1ee: {  	v0 =	vld [tilespmem:s11+$0x12E0];
	_ =	sdelay $0x4  }
0x1ef: {  	[tilespmem:$0xEC00] =	vst v0  }
0x1f0: {  	v0 =	vld [tilespmem:s11+$0x12F0];
	_ =	sdelay $0x4  }
0x1f1: {  	[tilespmem:$0xEC10] =	vst v0  }
0x1f2: {  	v0 =	vld [tilespmem:s11+$0x1300];
	_ =	sdelay $0x4  }
0x1f3: {  	[tilespmem:$0xEC20] =	vst v0  }
0x1f4: {  	v0 =	vld [tilespmem:s11+$0x1310];
	_ =	sdelay $0x4  }
0x1f5: {  	[tilespmem:$0xEC30] =	vst v0  }
0x1f6: {  	v0 =	vld [tilespmem:s11+$0x1320];
	_ =	sdelay $0x4  }
0x1f7: {  	[tilespmem:$0xEC40] =	vst v0  }
0x1f8: {  	v0 =	vld [tilespmem:s11+$0x1330];
	_ =	sdelay $0x4  }
0x1f9: {  	[tilespmem:$0xEC50] =	vst v0  }
0x1fa: {  	v0 =	vld [tilespmem:s11+$0x1340];
	_ =	sdelay $0x4  }
0x1fb: {  	[tilespmem:$0xEC60] =	vst v0  }
0x1fc: {  	v0 =	vld [tilespmem:s11+$0x1350];
	_ =	sdelay $0x4  }
0x1fd: {  	[tilespmem:$0xEC70] =	vst v0  }
0x1fe: {  	v0 =	vld [tilespmem:s11+$0x1360];
	_ =	sdelay $0x4  }
0x1ff: {  	[tilespmem:$0xEC80] =	vst v0  }
0x200: {  	s1 =	sadd.s32 $0x1, s1;
	v0 =	vld [tilespmem:s11+$0x1370]  }
0x201: {  	p0 =	sne.s32 s1, $0x10  }
.Ltmp0:
0x202: {  	s11 =	sshll.u32 s10, $0xB;
	(pc) =	sbr.rel @p0 .LBB2_2-.Ltmp0, $4  }
0x203: {  	s0 =	sadd.s32 s6, s11  }
0x204: {  	s0 =	sshrl.u32 s0, $0x3  }
0x205: {  	s0 =	sadd.s32 s4, s0;
	[tilespmem:$0xEC90] =	vst v0  }
0x206: {  	[hbm4b:s0+s3] =	stream.linear.scatter [tilespmem:s29], [sflag:$0x2], $0x800, $0x38;
	[tilespmem:$0xED00] =	vst v63  }
0x207: {  	s31 =	sadd.s32 $0x1, s31  }
0x208: {  	_ =	swait.ge [sflag:s30], $0x800;
	p0 =	sne.s32 s31, s7  }
.Ltmp1:
0x209: {  	[sflag:s30] =	ssyncset.done $0x0;
	(pc) =	sbr.rel @p0 .LBB2_1-.Ltmp1, $4  }
0x20a: {  	[sflag:s30] =	ssyncadd.s32 $0xFFFFF800  }
0x20b: {  	_ =	swait.ge [sflag:s30], $0x800  }
0x20c: {  	[sflag:s30] =	ssyncset.done $0x0  }
0x20d: {  	[sflag:s30] =	ssyncadd.s32 $0xFFFFF800  }
0x20e: {  	_ =	sfence.sel $0x180000  }
0x20f: {  	[bflag:$0x0] =	sbarrier.arrive $0xFFFF  }
0x210: {  	_ =	strace $0x90000047  }
0x211: {  	s0 =	stileid.u32;
	[bflag:$0x2] =	sbarrier.arrive $0xFFFF  }
0x212: {  	p0 =	sne.s32 s0, $0x0;
	s0 =	rddreg [dreg:$0x2]  }
0x213: {  	s0 =	sadd.s32 @!p0 $0x100000, s0  }
0x214: {  	[sflag:s0] =	ssyncadd.tile.s32 @!p0 $0x1;
	_ =	shalt  }
.Lfunc_end2:
_tile_overlayer_lowered:
.L_overlay_start_2:
0x215: {  	(tag) =	ssettag $0x2  }
0x216: {  	s0 =	rddreg [dreg:$0x0];
	s2 =	stileid.u32  }
0x217: {  	s1 =	rddreg [dreg:$0x1];
	p0 =	sne.s32 s2, $0x0  }
0x218: {  	s3 =	rddreg [dreg:$0x2];
	[bflag:$0x3] =	sbarrier.arrive $0xFFFF;
	s2 =	simm.s32 @!p0 $0x1C03  }
0x219: {  	[timem:s3], [sflag:s2] =	dma.local @!p0 [hbm:s0], s1  }
0x21a: {  	s0 =	simm.s32 @!p0 $0x3  }
0x21b: {  	_ =	swait.ge @!p0 [sflag:s0], s1  }
0x21c: {  	s1 =	ssub.s32 @!p0 $0x0, s1;
	[sflag:s0] =	ssyncset.done @!p0 $0x0  }
0x21d: {  	[sflag:s0] =	ssyncadd.s32 @!p0 s1  }
0x21e: {  	[bflag:$0x3] =	sbarrier.arrive $0xFFFF  }
0x21f: {  	_ =	shalt  }

// kernel: kernel.9.cloned.1.call-start
scs
__scs_entry_jumppad:
0x0: {  	(pc) =	sbr.rel $0x88, $3  }
0x1: {  	(tag) =	ssettag $0x0;
	lr =	simm.s32 $0x1  }
0x2: {  	[smem:$0x3F96] =	sst lr;
	_ =	strace $0xD0000000  }
0x3: {  	_ = 	snop  }
0x4: {  	_ = 	snop  }
0x5: {  	_ = 	snop  }
0x6: {  	_ = 	snop  }
0x7: {  	_ = 	snop  }
__scs_overlays_trampoline_lowered:
0x8: {  	[smem:$0x3FA5] =	sst s0  }
0x9: {  	[smem:$0x3FA6] =	sst s1  }
0xa: {  	[smem:$0x3FA7] =	sst s2  }
0xb: {  	[smem:$0x3FA8] =	sst s3  }
0xc: {  	[smem:$0x3FA9] =	sst s4  }
0xd: {  	[smem:$0x3FAA] =	sst s5  }
0xe: {  	[smem:$0x3FAB] =	sst s6  }
0xf: {  	[smem:$0x3FAC] =	sst s7  }
0x10: {  	[smem:$0x3FAD] =	sst s8  }
0x11: {  	[smem:$0x3FAE] =	sst s9;
	s0 =	simm.s32 @!p0 $0x0  }
0x12: {  	s1 =	sld [smem:$0x3F94];
	s0 =	simm.s32 @p0 $0x1  }
0x13: {  	[smem:$0x3FAF] =	sst s0;
	s0 =	simm.s32 @!p1 $0x0  }
0x14: {  	s2 =	sld [smem:$0x3F93];
	s0 =	simm.s32 @p1 $0x1  }
0x15: {  	[smem:$0x3FB0] =	sst s0;
	s0 =	simm.s32 @!p2 $0x0  }
0x16: {  	s3 =	sld [smem:$0x3FDB];
	s0 =	simm.s32 @p2 $0x1  }
0x17: {  	s4 =	simm.s32 $0x1BF5;
	[smem:$0x3FB2] =	sst s0  }
0x18: {  	s0 =	sld [smem:$0x3F95];
	_ =	swait.ge [sflag:s4], $0x0  }
0x19: {  	s7 =	sld [smem:$0x3F96]  }
0x1a: {  	s8 =	sadd.s32 $0xFFFFE003, lr  }
0x1b: {  	s9 =	sadd.s32 $0xFFFFFEF7, lr;
	s5 =	simm.s32 $0xFFFFFFFF;
	p2 =	slt.u32 s8, $0xFFFFF086  }
0x1c: {  	p1 =	slt.u32 s9, $0xF7A;
	s5 =	simm.s32 @!p2 $0x0  }
0x1d: {  	s5 =	simm.s32 @p1 $0x1;
	p0 =	seq.s32 s7, s2  }
0x1e: {  	s7 =	smul.u32 @!p0 $0xF7A, s2;
	p2 =	seq.s32 @!p0 s5, $0x0  }
0x1f: {  	s9 =	smul.u32 $0xF7A, s1;
	s8 =	simm.s32 @!p0 $0x1BF5;
	p2 =	por !p2, p0  }
0x20: {  	[sflag:s8] =	ssyncset.s32 @!p0 $0xFFFFF086;
	s6 =	sadd.s32 @!p0 s3, s7;
	s7 =	simm.s32 @!p0 $0x108  }
0x21: {  	s3 =	sadd.s32 s3, s9;
	s6 =	sadd.s32 @!p0 $0x88, s6;
	s7 =	simm.s32 @p2 $0x1082  }
0x22: {  	[simem:s7], [sflag:s8] =	dma.local @!p0 [hbm:s6], $0xF7A  }
0x23: {  	s9 =	sor.u32 $0xD0000000, s2;
	s6 =	simm.s32 $0x108;
	_ =	swait.ge @!p0 [sflag:s8], $0x0  }
0x24: {  	s3 =	sadd.s32 $0x88, s3;
	s6 =	simm.s32 @!p1 $0x1082;
	[sflag:s4] =	ssyncset.s32 $0xFFFFF086  }
0x25: {  	[simem:s6], [sflag:s4] =	dma.local [hbm:s3], $0xF7A  }
0x26: {  	[smem:$0x3F96] =	sst s1;
	(tag) =	ssettag s2;
	_ =	strace s9  }
0x27: {  	s1 =	sld [smem:$0x3FA6]  }
0x28: {  	s2 =	sld [smem:$0x3FA7]  }
0x29: {  	s4 =	sld [smem:$0x3FA9]  }
0x2a: {  	p0 =	seq.s32 s5, $0x0;
	s5 =	sld [smem:$0x3FAA]  }
0x2b: {  	s6 =	sld [smem:$0x3FAB]  }
0x2c: {  	s7 =	sld [smem:$0x3FAC]  }
0x2d: {  	s3 =	simm.s32 $0x108;
	s8 =	sld [smem:$0x3FAD]  }
0x2e: {  	s3 =	simm.s32 @!p0 $0x1082;
	s9 =	sld [smem:$0x3FAE]  }
0x2f: {  	lr =	sadd.s32 s0, s3;
	s0 =	sld [smem:$0x3FA5]  }
0x30: {  	s3 =	sld [smem:$0x3FA8]  }
0x31: {  	[smem:$0x3FB1] =	sst s10  }
0x32: {  	s10 =	sld [smem:$0x3FAF];
	_ =	sdelay $0x3  }
0x33: {  	p0 =	seq.s32 s10, $0x1;
	s10 =	sld [smem:$0x3FB1];
	_ =	sdelay $0x3  }
0x34: {  	[smem:$0x3FB1] =	sst s10  }
0x35: {  	s10 =	sld [smem:$0x3FB0];
	_ =	sdelay $0x3  }
0x36: {  	p1 =	seq.s32 s10, $0x1;
	s10 =	sld [smem:$0x3FB1];
	_ =	sdelay $0x3  }
0x37: {  	[smem:$0x3FB1] =	sst s10  }
0x38: {  	s10 =	sld [smem:$0x3FB2]  }
0x39: {  	_ = 	snop;
	(pc) =	sbr.ind lr, $3  }
0x3a: {  	_ = 	snop  }
0x3b: {  	_ = 	snop  }
0x3c: {  	p2 =	seq.s32 s10, $0x1;
	s10 =	sld [smem:$0x3FB1]  }
0x3d: {  	_ =	shalt  }
0x3e: {  	_ =	shalt  }
0x3f: {  	_ =	shalt  }
0x40: {  	_ =	shalt  }
0x41: {  	_ =	shalt  }
0x42: {  	_ =	shalt  }
0x43: {  	_ =	shalt  }
0x44: {  	_ =	shalt  }
0x45: {  	_ =	shalt  }
0x46: {  	_ =	shalt  }
0x47: {  	_ =	shalt  }
0x48: {  	_ =	shalt  }
0x49: {  	_ =	shalt  }
0x4a: {  	_ =	shalt  }
0x4b: {  	_ =	shalt  }
0x4c: {  	_ =	shalt  }
0x4d: {  	_ =	shalt  }
0x4e: {  	_ =	shalt  }
0x4f: {  	_ =	shalt  }
0x50: {  	_ =	shalt  }
0x51: {  	_ =	shalt  }
0x52: {  	_ =	shalt  }
0x53: {  	_ =	shalt  }
0x54: {  	_ =	shalt  }
0x55: {  	_ =	shalt  }
0x56: {  	_ =	shalt  }
0x57: {  	_ =	shalt  }
0x58: {  	_ =	shalt  }
0x59: {  	_ =	shalt  }
0x5a: {  	_ =	shalt  }
0x5b: {  	_ =	shalt  }
0x5c: {  	_ =	shalt  }
0x5d: {  	_ =	shalt  }
0x5e: {  	_ =	shalt  }
0x5f: {  	_ =	shalt  }
0x60: {  	_ =	shalt  }
0x61: {  	_ =	shalt  }
0x62: {  	_ =	shalt  }
0x63: {  	_ =	shalt  }
0x64: {  	_ =	shalt  }
0x65: {  	_ =	shalt  }
0x66: {  	_ =	shalt  }
0x67: {  	_ =	shalt  }
0x68: {  	_ =	shalt  }
0x69: {  	_ =	shalt  }
0x6a: {  	_ =	shalt  }
0x6b: {  	_ =	shalt  }
0x6c: {  	_ =	shalt  }
0x6d: {  	_ =	shalt  }
0x6e: {  	_ =	shalt  }
0x6f: {  	_ =	shalt  }
0x70: {  	_ =	shalt  }
0x71: {  	_ =	shalt  }
0x72: {  	_ =	shalt  }
0x73: {  	_ =	shalt  }
0x74: {  	_ =	shalt  }
0x75: {  	_ =	shalt  }
0x76: {  	_ =	shalt  }
0x77: {  	_ =	shalt  }
0x78: {  	_ =	shalt  }
0x79: {  	_ =	shalt  }
0x7a: {  	_ =	shalt  }
0x7b: {  	_ =	shalt  }
0x7c: {  	_ =	shalt  }
0x7d: {  	_ =	shalt  }
0x7e: {  	_ =	shalt  }
0x7f: {  	_ =	shalt  }
0x80: {  	_ =	shalt  }
0x81: {  	_ =	shalt  }
0x82: {  	_ =	shalt  }
0x83: {  	_ =	shalt  }
0x84: {  	_ =	shalt  }
0x85: {  	_ =	shalt  }
0x86: {  	_ =	shalt  }
0x87: {  	_ =	shalt  }
.Lfunc_end0:
.L_simem_size_0:
called_computation.1_lowered:
.L_overlay_start_0:
0x88: {  	s2 =	sld [smem:$0x3FD9]  }
0x89: {  	s3 =	sld [smem:$0x3FFE];
	_ =	sdelay $0x1  }
0x8a: {  	s1 =	srdreg.scid  }
0x8b: {  	s0 =	sand.u32 $0x1, s1  }
0x8c: {  	s17 =	sshll.u32 s0, $0xA;
	s2 =	sadd.s32 s3, s2  }
0x8d: {  	s2 =	sadd.s32 s2, s17  }
0x8e: {  	[smem:$0x3FBD] =	sst s2  }
0x8f: {  	_ = 	snop  }
0x90: {  	(tm) =	ssettm $0x1  }
0x91: {  	s18 =	sld [smem:$0x3FFB];
	_ =	sdelay $0x3  }
0x92: {  	_ =	strace s18  }
0x93: {  	s2 =	sld [smem:$0x3FFC];
	_ =	sdelay $0x3  }
0x94: {  	_ =	strace s2  }
0x95: {  	s2 =	sld [smem:$0x3FFD];
	_ =	sdelay $0x3  }
0x96: {  	_ =	strace s2  }
0x97: {  	_ =	strace $0x8FFFFFFF  }
0x98: {  	s19 =	sld [smem:$0x3FDB];
	_ =	sdelay $0x1  }
0x99: {  	s20 =	simm.s32 $_scs_section_size  }
0x9a: {  	s4 =	simm.s32 $_size__tile_overlayer_lowered;
	s5 =	simm.s32 $_tile_overlayer_lowered  }
0x9b: {  	s6 =	simm.s32 $0x1BFF;
	s21 =	sshll.u32 s5, $0x1;
	s3 =	sadd.s32 s20, s19  }
0x9c: {  	s22 =	simm.s32 $0x0;
	s4 =	sshll.u32 s4, $0x1;
	s5 =	sadd.s32 s21, s3  }
0x9d: {  	[timem:s22], [sflag:s6] =	dma.local [hbm:s5], s4  }
0x9e: {  	_ =	swait.ge [sflag:s6], s4  }
0x9f: {  	s4 =	ssub.s32 $0x0, s4;
	[sflag:s6] =	ssyncset.done $0x0  }
0xa0: {  	[sflag:s6] =	ssyncadd.s32 s4;
	_ =	sdelay $0x1  }
0xa1: {  	s23 =	simm.s32 $0x1B8B  }
0xa2: {  	_ =	swait.ge [sflag:s23], $0x1  }
0xa3: {  	[sflag:s23] =	ssyncset.done $0x0  }
0xa4: {  	[sflag:s23] =	ssyncadd.s32 $0xFFFFFFFF  }
0xa5: {  	s4 =	sld [smem:$0x0]  }
0xa6: {  	s5 =	sand.u32 $0xFFFFFFFE, s1  }
0xa7: {  	p0 =	sne.s32 s1, s5  }
0xa8: {  	s5 =	sshll.u32 @p0 s5, $0xE  }
0xa9: {  	s5 =	sadd.s32 @p0 $0x11B8D, s5;
	s6 =	sshll.u32 @p0 s4, $0x11  }
0xaa: {  	s5 =	sor.u32 @p0 s6, s5  }
0xab: {  	[sflag:s5] =	ssyncadd.remote.s32 @p0 $0x1;
	_ =	sdelay $0x1  }
0xac: {  	s5 =	simm.s32 @p0 $0x1B8D  }
0xad: {  	_ =	swait.eq @p0 [sflag:s5], $0x1  }
0xae: {  	[sflag:s5] =	ssyncadd.s32 @p0 $0xFFFFFFFF  }
0xaf: {  	s6 =	sshll.u32 @!p0 s1, $0xE  }
0xb0: {  	s6 =	sor.u32 @!p0 $0x4000, s6;
	s5 =	simm.s32 @!p0 $0x1B8D  }
0xb1: {  	s4 =	sshll.u32 @!p0 s4, $0x11;
	s6 =	sadd.s32 @!p0 $0x11B8D, s6;
	_ =	swait.eq @!p0 [sflag:s5], $0x1  }
0xb2: {  	s4 =	sor.u32 @!p0 s4, s6;
	[sflag:s5] =	ssyncadd.s32 @!p0 $0xFFFFFFFF  }
0xb3: {  	s25 =	simm.s32 $0x1B8E;
	s24 =	sld [smem:$0x3FFE];
	[sflag:s4] =	ssyncadd.remote.s32 @!p0 $0x1  }
0xb4: {  	s26 =	simm.s32 $execute0_lowered;
	[smem:$0x3FD2] =	sst s25  }
0xb5: {  	s5 =	sshll.u32 s26, $0x1;
	_ =	strace $0x80000049;
	[dreg:$0x1] =	wrdreg $0xFFFFFFFF  }
0xb6: {  	s28 =	simm.s32 $_size_execute0_lowered;
	s3 =	sadd.s32 s3, s5;
	[dreg:$0x0] =	wrdreg $0x0  }
0xb7: {  	s5 =	sshll.u32 s28, $0x1;
	[dreg:$0x2] =	wrdreg s3  }
0xb8: {  	[dreg:$0x3] =	wrdreg s5  }
0xb9: {  	[dreg:$0x4] =	wrdreg $0xC0  }
0xba: {  	_ =	task [dreg:s22], $0x5FFFF  }
0xbb: {  	[dreg:$0x1] =	wrdreg $0xFFFFFFFF  }
0xbc: {  	[dreg:$0x0] =	wrdreg $0x60  }
0xbd: {  	[dreg:$0x2] =	wrdreg s24  }
0xbe: {  	[dreg:$0x3] =	wrdreg $0xA  }
0xbf: {  	_ =	task.clear_ibuf [dreg:s22], $0x4FFFF;
	_ =	strace $0x90000049  }
0xc0: {  	s29 =	simm.s32 $0xA;
	_ =	strace $0x8000004B  }
0xc1: {  	_ =	swait.ge [sflag:s29], $0x1  }
0xc2: {  	[sflag:s29] =	ssyncadd.s32 $0xFFFFFFFF  }
0xc3: {  	_ =	strace $0x9000004B  }
0xc4: {  	_ =	sfence  }
0xc5: {  	s30 =	sld [smem:$0x0];
	_ =	sdelay $0x2  }
0xc6: {  	s31 =	sshll.u32 s1, $0xD;
	s1 =	sshrl.u32 s1, $0x2  }
0xc7: {  	s4 =	sand.u32 $0x4000, s31;
	s1 =	sadd.s32 s1, s30  }
0xc8: {  	s0 =	sor.u32 s4, s0;
	s1 =	sshll.u32 s1, $0x11  }
0xc9: {  	s0 =	sor.u32 s1, s0  }
0xca: {  	s0 =	sadd.s32 $0x8F2B, s0  }
0xcb: {  	[sflag:s0] =	ssyncadd.remote.s32 $0x1  }
0xcc: {  	_ =	sfence.sel $0xFFFF  }
0xcd: {  	[dreg:$0x0] =	wrdreg $0xFFFFFFFF;
	(pc) =	sbr.abs _section_cstart, $3  }
0xce: {  	[dreg:$0x1] =	wrdreg $0xFFFFFFFF  }
0xcf: {  	_ =	task.clear_ibuf [dreg:s22], $0x2FFFF;
	_ =	strace $0x9FFFFFFF  }
0xd0: {  	(tm) =	ssettm $0x7FFFFFFF  }
0xd1: {  	_ =	shalt  }
tec
execute0_lowered:
.L_overlay_start_1:
0x0: {  	(tag) =	ssettag $0x1  }
0x1: {  	s0 =	srdreg.scid  }
0x2: {  	s1 =	stileid.u32;
	s4 =	rddreg [dreg:$0x0];
	s2 =	simm.s32 $0x0  }
0x3: {  	s8 =	simm.s32 $0x3;
	s9 =	simm.s32 $0x68;
	s12 =	simm.s32 $0xA28  }
0x4: {  	s13 =	simm.s32 $0xAF80;
	s14 =	simm.s32 $0xA90;
	s15 =	simm.s32 $0xB600  }
0x5: {  	s16 =	simm.s32 $0xAF8;
	s17 =	simm.s32 $0xBC80;
	s18 =	simm.s32 $0xB60  }
0x6: {  	s19 =	simm.s32 $0xC300;
	s20 =	simm.s32 $0xBC8;
	s21 =	simm.s32 $0xC980  }
0x7: {  	s22 =	simm.s32 $0xC30;
	s23 =	simm.s32 $0xD000;
	s24 =	simm.s32 $0xC98  }
0x8: {  	s25 =	simm.s32 $0xD680;
	s26 =	simm.s32 $0x1;
	s28 =	simm.s32 $0xDD00  }
0x9: {  	s29 =	simm.s32 $0xE500;
	s0 =	sand.u32 $0x1, s0;
	s1 =	sshll.u32 s1, $0x1  }
0xa: {  	s30 =	simm.s32 $0x2;
	s1 =	sor.u32 s0, s1;
	s0 =	ssub.s32 $0x2, s0  }
0xb: {  	[smem:$0x7FF] =	sst s2;
	s3 =	smul.u32 $0x1A0, s1;
	s6 =	sshrl.u32 s0, $0x1  }
0xc: {  	s31 =	simm.s32 $0x0;
	_ =	strace $0x8000004A;
	s0 =	ssub.s32 s0, s6  }
0xd: {  	s6 =	sshll.u32 s1, $0x10;
	s5 =	sadd.s32 s3, s4;
	s3 =	sadd.s32 $0x1CBE00, s4  }
0xe: {  	s4 =	sadd.s32 $0x45400, s4;
	s7 =	smax.u32 s0, $0x1;
	s5 =	sadd.s32 $0x2000, s5  }
.LBB2_1:
0xf: {  	[tilespmem:s2], [sflag:$0x3] =	stream.linear.gather [hbm4b:s5+s2], $0xD00, $0x38;
	[tilespmem:$0xED00] =	vst v63  }
0x10: {  	_ =	swait.ge [sflag:s8], $0xD00  }
0x11: {  	[sflag:s8] =	ssyncset.done $0x0  }
0x12: {  	s0 =	simm.s32 $0xD00;
	[sflag:s8] =	ssyncadd.s32 $0xFFFFF300  }
0x13: {  	[tilespmem:s0], [sflag:$0x1] =	stream.indirect.gather [hbm4b:s3+s9], $0x10, s2, s9, $0xb8;
	[tilespmem:$0xED00] =	vst v63  }
0x14: {  	s10 =	simm.s32 $0x1380  }
0x15: {  	[tilespmem:s10], [sflag:$0x1] =	stream.indirect.gather [hbm4b:s3+s9], $0x10, s9, s9, $0xb8;
	[tilespmem:$0xED00] =	vst v63  }
0x16: {  	s11 =	simm.s32 $0xD0;
	s1 =	simm.s32 $0x1A00  }
0x17: {  	[tilespmem:s1], [sflag:$0x1] =	stream.indirect.gather [hbm4b:s3+s9], $0x10, s11, s9, $0xb8;
	[tilespmem:$0xED00] =	vst v63  }
0x18: {  	s10 =	simm.s32 $0x138;
	s11 =	simm.s32 $0x2080  }
0x19: {  	[tilespmem:s11], [sflag:$0x1] =	stream.indirect.gather [hbm4b:s3+s9], $0x10, s10, s9, $0xb8;
	[tilespmem:$0xED00] =	vst v63  }
0x1a: {  	s10 =	simm.s32 $0x1A0;
	s11 =	simm.s32 $0x2700  }
0x1b: {  	[tilespmem:s11], [sflag:$0x1] =	stream.indirect.gather [hbm4b:s3+s9], $0x10, s10, s9, $0xb8;
	[tilespmem:$0xED00] =	vst v63  }
0x1c: {  	s10 =	simm.s32 $0x208;
	s11 =	simm.s32 $0x2D80  }
0x1d: {  	[tilespmem:s11], [sflag:$0x1] =	stream.indirect.gather [hbm4b:s3+s9], $0x10, s10, s9, $0xb8;
	[tilespmem:$0xED00] =	vst v63  }
0x1e: {  	s10 =	simm.s32 $0x270;
	s11 =	simm.s32 $0x3400  }
0x1f: {  	[tilespmem:s11], [sflag:$0x1] =	stream.indirect.gather [hbm4b:s3+s9], $0x10, s10, s9, $0xb8;
	[tilespmem:$0xED00] =	vst v63  }
0x20: {  	s10 =	simm.s32 $0x2D8;
	s11 =	simm.s32 $0x3A80  }
0x21: {  	[tilespmem:s11], [sflag:$0x1] =	stream.indirect.gather [hbm4b:s3+s9], $0x10, s10, s9, $0xb8;
	[tilespmem:$0xED00] =	vst v63  }
0x22: {  	s10 =	simm.s32 $0x340;
	s11 =	simm.s32 $0x4100  }
0x23: {  	[tilespmem:s11], [sflag:$0x1] =	stream.indirect.gather [hbm4b:s3+s9], $0x10, s10, s9, $0xb8;
	[tilespmem:$0xED00] =	vst v63  }
0x24: {  	s10 =	simm.s32 $0x3A8;
	s11 =	simm.s32 $0x4780  }
0x25: {  	[tilespmem:s11], [sflag:$0x1] =	stream.indirect.gather [hbm4b:s3+s9], $0x10, s10, s9, $0xb8;
	[tilespmem:$0xED00] =	vst v63  }
0x26: {  	s10 =	simm.s32 $0x410;
	s11 =	simm.s32 $0x4E00  }
0x27: {  	[tilespmem:s11], [sflag:$0x1] =	stream.indirect.gather [hbm4b:s3+s9], $0x10, s10, s9, $0xb8;
	[tilespmem:$0xED00] =	vst v63  }
0x28: {  	s10 =	simm.s32 $0x478;
	s11 =	simm.s32 $0x5480  }
0x29: {  	[tilespmem:s11], [sflag:$0x1] =	stream.indirect.gather [hbm4b:s3+s9], $0x10, s10, s9, $0xb8;
	[tilespmem:$0xED00] =	vst v63  }
0x2a: {  	s10 =	simm.s32 $0x4E0;
	s11 =	simm.s32 $0x5B00  }
0x2b: {  	[tilespmem:s11], [sflag:$0x1] =	stream.indirect.gather [hbm4b:s3+s9], $0x10, s10, s9, $0xb8;
	[tilespmem:$0xED00] =	vst v63  }
0x2c: {  	s10 =	simm.s32 $0x548;
	s11 =	simm.s32 $0x6180  }
0x2d: {  	[tilespmem:s11], [sflag:$0x1] =	stream.indirect.gather [hbm4b:s3+s9], $0x10, s10, s9, $0xb8;
	[tilespmem:$0xED00] =	vst v63  }
0x2e: {  	s10 =	simm.s32 $0x5B0;
	s11 =	simm.s32 $0x6800  }
0x2f: {  	[tilespmem:s11], [sflag:$0x1] =	stream.indirect.gather [hbm4b:s3+s9], $0x10, s10, s9, $0xb8;
	[tilespmem:$0xED00] =	vst v63  }
0x30: {  	s10 =	simm.s32 $0x618;
	s11 =	simm.s32 $0x6E80  }
0x31: {  	[tilespmem:s11], [sflag:$0x1] =	stream.indirect.gather [hbm4b:s3+s9], $0x10, s10, s9, $0xb8;
	[tilespmem:$0xED00] =	vst v63  }
0x32: {  	s10 =	simm.s32 $0x680;
	s11 =	simm.s32 $0x7500  }
0x33: {  	[tilespmem:s11], [sflag:$0x1] =	stream.indirect.gather [hbm4b:s3+s9], $0x10, s10, s9, $0xb8;
	[tilespmem:$0xED00] =	vst v63  }
0x34: {  	s10 =	simm.s32 $0x6E8;
	s11 =	simm.s32 $0x7B80  }
0x35: {  	[tilespmem:s11], [sflag:$0x1] =	stream.indirect.gather [hbm4b:s3+s9], $0x10, s10, s9, $0xb8;
	[tilespmem:$0xED00] =	vst v63  }
0x36: {  	s10 =	simm.s32 $0x750;
	s11 =	simm.s32 $0x8200  }
0x37: {  	[tilespmem:s11], [sflag:$0x1] =	stream.indirect.gather [hbm4b:s3+s9], $0x10, s10, s9, $0xb8;
	[tilespmem:$0xED00] =	vst v63  }
0x38: {  	s10 =	simm.s32 $0x7B8;
	s11 =	simm.s32 $0x8880  }
0x39: {  	[tilespmem:s11], [sflag:$0x1] =	stream.indirect.gather [hbm4b:s3+s9], $0x10, s10, s9, $0xb8;
	[tilespmem:$0xED00] =	vst v63  }
0x3a: {  	s10 =	simm.s32 $0x820;
	s11 =	simm.s32 $0x8F00  }
0x3b: {  	[tilespmem:s11], [sflag:$0x1] =	stream.indirect.gather [hbm4b:s3+s9], $0x10, s10, s9, $0xb8;
	[tilespmem:$0xED00] =	vst v63  }
0x3c: {  	s10 =	simm.s32 $0x888;
	s11 =	simm.s32 $0x9580  }
0x3d: {  	[tilespmem:s11], [sflag:$0x1] =	stream.indirect.gather [hbm4b:s3+s9], $0x10, s10, s9, $0xb8;
	[tilespmem:$0xED00] =	vst v63  }
0x3e: {  	s10 =	simm.s32 $0x8F0;
	s11 =	simm.s32 $0x9C00  }
0x3f: {  	[tilespmem:s11], [sflag:$0x1] =	stream.indirect.gather [hbm4b:s3+s9], $0x10, s10, s9, $0xb8;
	[tilespmem:$0xED00] =	vst v63  }
0x40: {  	s10 =	simm.s32 $0x958;
	s11 =	simm.s32 $0xA280  }
0x41: {  	[tilespmem:s11], [sflag:$0x1] =	stream.indirect.gather [hbm4b:s3+s9], $0x10, s10, s9, $0xb8;
	[tilespmem:$0xED00] =	vst v63  }
0x42: {  	s10 =	simm.s32 $0x9C0;
	s11 =	simm.s32 $0xA900  }
0x43: {  	[tilespmem:s11], [sflag:$0x1] =	stream.indirect.gather [hbm4b:s3+s9], $0x10, s10, s9, $0xb8;
	[tilespmem:$0xED00] =	vst v63  }
0x44: {  	_ = 	snop  }
0x45: {  	[tilespmem:s13], [sflag:$0x1] =	stream.indirect.gather [hbm4b:s3+s9], $0x10, s12, s9, $0xb8;
	[tilespmem:$0xED00] =	vst v63  }
0x46: {  	_ = 	snop  }
0x47: {  	[tilespmem:s15], [sflag:$0x1] =	stream.indirect.gather [hbm4b:s3+s9], $0x10, s14, s9, $0xb8;
	[tilespmem:$0xED00] =	vst v63  }
0x48: {  	_ = 	snop  }
0x49: {  	[tilespmem:s17], [sflag:$0x1] =	stream.indirect.gather [hbm4b:s3+s9], $0x10, s16, s9, $0xb8;
	[tilespmem:$0xED00] =	vst v63  }
0x4a: {  	_ = 	snop  }
0x4b: {  	[tilespmem:s19], [sflag:$0x1] =	stream.indirect.gather [hbm4b:s3+s9], $0x10, s18, s9, $0xb8;
	[tilespmem:$0xED00] =	vst v63  }
0x4c: {  	_ = 	snop  }
0x4d: {  	[tilespmem:s21], [sflag:$0x1] =	stream.indirect.gather [hbm4b:s3+s9], $0x10, s20, s9, $0xb8;
	[tilespmem:$0xED00] =	vst v63  }
0x4e: {  	_ = 	snop  }
0x4f: {  	[tilespmem:s23], [sflag:$0x1] =	stream.indirect.gather [hbm4b:s3+s9], $0x10, s22, s9, $0xb8;
	[tilespmem:$0xED00] =	vst v63  }
0x50: {  	_ = 	snop  }
0x51: {  	[tilespmem:s25], [sflag:$0x1] =	stream.indirect.gather [hbm4b:s3+s9], $0x10, s24, s9, $0xb8;
	[tilespmem:$0xED00] =	vst v63  }
0x52: {  	_ =	swait.ge [sflag:s26], $0xD000  }
0x53: {  	[sflag:s26] =	ssyncset.done $0x0  }
0x54: {  	s1 =	simm.s32 $0x0;
	[sflag:s26] =	ssyncadd.s32 $0xFFFF3000  }
.LBB2_2:
0x55: {  	p0 =	seq.s32 s1, $0x0  }
0x56: {  	s0 =	simm.s32 @!p0 $0x2  }
0x57: {  	s10 =	smul.u32 $0x3400, s1;
	_ =	swait.ge @!p0 [sflag:s0], $0x800  }
0x58: {  	[sflag:s0] =	ssyncset.done @!p0 $0x0  }
0x59: {  	s10 =	sshra.s32 s10, $0x2;
	[sflag:s0] =	ssyncadd.s32 @!p0 $0xFFFFF800  }
0x5a: {  	v0 =	vld [tilespmem:s10+$0xD00];
	_ =	sdelay $0x4  }
0x5b: {  	[tilespmem:$0xDD00] =	vst v0  }
0x5c: {  	v0 =	vld [tilespmem:s10+$0xD10];
	_ =	sdelay $0x4  }
0x5d: {  	[tilespmem:$0xDD10] =	vst v0  }
0x5e: {  	v0 =	vld [tilespmem:s10+$0xD20];
	_ =	sdelay $0x4  }
0x5f: {  	[tilespmem:$0xDD20] =	vst v0  }
0x60: {  	v0 =	vld [tilespmem:s10+$0xD30];
	_ =	sdelay $0x4  }
0x61: {  	[tilespmem:$0xDD30] =	vst v0  }
0x62: {  	v0 =	vld [tilespmem:s10+$0xD40];
	_ =	sdelay $0x4  }
0x63: {  	[tilespmem:$0xDD40] =	vst v0  }
0x64: {  	v0 =	vld [tilespmem:s10+$0xD50];
	_ =	sdelay $0x4  }
0x65: {  	[tilespmem:$0xDD50] =	vst v0  }
0x66: {  	v0 =	vld [tilespmem:s10+$0xD60];
	_ =	sdelay $0x4  }
0x67: {  	[tilespmem:$0xDD60] =	vst v0  }
0x68: {  	v0 =	vld [tilespmem:s10+$0xD70];
	_ =	sdelay $0x4  }
0x69: {  	[tilespmem:$0xDD70] =	vst v0  }
0x6a: {  	v0 =	vld [tilespmem:s10+$0xD80];
	_ =	sdelay $0x4  }
0x6b: {  	[tilespmem:$0xDD80] =	vst v0  }
0x6c: {  	v0 =	vld [tilespmem:s10+$0xD90];
	_ =	sdelay $0x4  }
0x6d: {  	[tilespmem:$0xDD90] =	vst v0  }
0x6e: {  	v0 =	vld [tilespmem:s10+$0xDA0];
	_ =	sdelay $0x4  }
0x6f: {  	[tilespmem:$0xDDA0] =	vst v0  }
0x70: {  	v0 =	vld [tilespmem:s10+$0xDB0];
	_ =	sdelay $0x4  }
0x71: {  	[tilespmem:$0xDDB0] =	vst v0  }
0x72: {  	v0 =	vld [tilespmem:s10+$0xDC0];
	_ =	sdelay $0x4  }
0x73: {  	[tilespmem:$0xDDC0] =	vst v0  }
0x74: {  	v0 =	vld [tilespmem:s10+$0xDD0];
	_ =	sdelay $0x4  }
0x75: {  	[tilespmem:$0xDDD0] =	vst v0  }
0x76: {  	v0 =	vld [tilespmem:s10+$0xDE0];
	_ =	sdelay $0x4  }
0x77: {  	[tilespmem:$0xDDE0] =	vst v0  }
0x78: {  	v0 =	vld [tilespmem:s10+$0xDF0];
	_ =	sdelay $0x4  }
0x79: {  	[tilespmem:$0xDDF0] =	vst v0  }
0x7a: {  	v0 =	vld [tilespmem:s10+$0xE00];
	_ =	sdelay $0x4  }
0x7b: {  	[tilespmem:$0xDE00] =	vst v0  }
0x7c: {  	v0 =	vld [tilespmem:s10+$0xE10];
	_ =	sdelay $0x4  }
0x7d: {  	[tilespmem:$0xDE10] =	vst v0  }
0x7e: {  	v0 =	vld [tilespmem:s10+$0xE20];
	_ =	sdelay $0x4  }
0x7f: {  	[tilespmem:$0xDE20] =	vst v0  }
0x80: {  	v0 =	vld [tilespmem:s10+$0xE30];
	_ =	sdelay $0x4  }
0x81: {  	[tilespmem:$0xDE30] =	vst v0  }
0x82: {  	v0 =	vld [tilespmem:s10+$0xE40];
	_ =	sdelay $0x4  }
0x83: {  	[tilespmem:$0xDE40] =	vst v0  }
0x84: {  	v0 =	vld [tilespmem:s10+$0xE50];
	_ =	sdelay $0x4  }
0x85: {  	[tilespmem:$0xDE50] =	vst v0  }
0x86: {  	v0 =	vld [tilespmem:s10+$0xE60];
	_ =	sdelay $0x4  }
0x87: {  	[tilespmem:$0xDE60] =	vst v0  }
0x88: {  	v0 =	vld [tilespmem:s10+$0xE70];
	_ =	sdelay $0x4  }
0x89: {  	[tilespmem:$0xDE70] =	vst v0  }
0x8a: {  	v0 =	vld [tilespmem:s10+$0xE80];
	_ =	sdelay $0x4  }
0x8b: {  	[tilespmem:$0xDE80] =	vst v0  }
0x8c: {  	v0 =	vld [tilespmem:s10+$0xE90];
	_ =	sdelay $0x4  }
0x8d: {  	[tilespmem:$0xDE90] =	vst v0  }
0x8e: {  	v0 =	vld [tilespmem:s10+$0xEA0];
	_ =	sdelay $0x4  }
0x8f: {  	[tilespmem:$0xDF00] =	vst v0  }
0x90: {  	v0 =	vld [tilespmem:s10+$0xEB0];
	_ =	sdelay $0x4  }
0x91: {  	[tilespmem:$0xDF10] =	vst v0  }
0x92: {  	v0 =	vld [tilespmem:s10+$0xEC0];
	_ =	sdelay $0x4  }
0x93: {  	[tilespmem:$0xDF20] =	vst v0  }
0x94: {  	v0 =	vld [tilespmem:s10+$0xED0];
	_ =	sdelay $0x4  }
0x95: {  	[tilespmem:$0xDF30] =	vst v0  }
0x96: {  	v0 =	vld [tilespmem:s10+$0xEE0];
	_ =	sdelay $0x4  }
0x97: {  	[tilespmem:$0xDF40] =	vst v0  }
0x98: {  	v0 =	vld [tilespmem:s10+$0xEF0];
	_ =	sdelay $0x4  }
0x99: {  	[tilespmem:$0xDF50] =	vst v0  }
0x9a: {  	v0 =	vld [tilespmem:s10+$0xF00];
	_ =	sdelay $0x4  }
0x9b: {  	[tilespmem:$0xDF60] =	vst v0  }
0x9c: {  	v0 =	vld [tilespmem:s10+$0xF10];
	_ =	sdelay $0x4  }
0x9d: {  	[tilespmem:$0xDF70] =	vst v0  }
0x9e: {  	v0 =	vld [tilespmem:s10+$0xF20];
	_ =	sdelay $0x4  }
0x9f: {  	[tilespmem:$0xDF80] =	vst v0  }
0xa0: {  	v0 =	vld [tilespmem:s10+$0xF30];
	_ =	sdelay $0x4  }
0xa1: {  	[tilespmem:$0xDF90] =	vst v0  }
0xa2: {  	v0 =	vld [tilespmem:s10+$0xF40];
	_ =	sdelay $0x4  }
0xa3: {  	[tilespmem:$0xDFA0] =	vst v0  }
0xa4: {  	v0 =	vld [tilespmem:s10+$0xF50];
	_ =	sdelay $0x4  }
0xa5: {  	[tilespmem:$0xDFB0] =	vst v0  }
0xa6: {  	v0 =	vld [tilespmem:s10+$0xF60];
	_ =	sdelay $0x4  }
0xa7: {  	[tilespmem:$0xDFC0] =	vst v0  }
0xa8: {  	v0 =	vld [tilespmem:s10+$0xF70];
	_ =	sdelay $0x4  }
0xa9: {  	[tilespmem:$0xDFD0] =	vst v0  }
0xaa: {  	v0 =	vld [tilespmem:s10+$0xF80];
	_ =	sdelay $0x4  }
0xab: {  	[tilespmem:$0xDFE0] =	vst v0  }
0xac: {  	v0 =	vld [tilespmem:s10+$0xF90];
	_ =	sdelay $0x4  }
0xad: {  	[tilespmem:$0xDFF0] =	vst v0  }
0xae: {  	v0 =	vld [tilespmem:s10+$0xFA0];
	_ =	sdelay $0x4  }
0xaf: {  	[tilespmem:$0xE000] =	vst v0  }
0xb0: {  	v0 =	vld [tilespmem:s10+$0xFB0];
	_ =	sdelay $0x4  }
0xb1: {  	[tilespmem:$0xE010] =	vst v0  }
0xb2: {  	v0 =	vld [tilespmem:s10+$0xFC0];
	_ =	sdelay $0x4  }
0xb3: {  	[tilespmem:$0xE020] =	vst v0  }
0xb4: {  	v0 =	vld [tilespmem:s10+$0xFD0];
	_ =	sdelay $0x4  }
0xb5: {  	[tilespmem:$0xE030] =	vst v0  }
0xb6: {  	v0 =	vld [tilespmem:s10+$0xFE0];
	_ =	sdelay $0x4  }
0xb7: {  	[tilespmem:$0xE040] =	vst v0  }
0xb8: {  	v0 =	vld [tilespmem:s10+$0xFF0];
	_ =	sdelay $0x4  }
0xb9: {  	[tilespmem:$0xE050] =	vst v0  }
0xba: {  	v0 =	vld [tilespmem:s10+$0x1000];
	_ =	sdelay $0x4  }
0xbb: {  	[tilespmem:$0xE060] =	vst v0  }
0xbc: {  	v0 =	vld [tilespmem:s10+$0x1010];
	_ =	sdelay $0x4  }
0xbd: {  	[tilespmem:$0xE070] =	vst v0  }
0xbe: {  	v0 =	vld [tilespmem:s10+$0x1020];
	_ =	sdelay $0x4  }
0xbf: {  	[tilespmem:$0xE080] =	vst v0  }
0xc0: {  	v0 =	vld [tilespmem:s10+$0x1030];
	_ =	sdelay $0x4  }
0xc1: {  	[tilespmem:$0xE090] =	vst v0  }
0xc2: {  	v0 =	vld [tilespmem:s10+$0x1040];
	_ =	sdelay $0x4  }
0xc3: {  	[tilespmem:$0xE100] =	vst v0  }
0xc4: {  	v0 =	vld [tilespmem:s10+$0x1050];
	_ =	sdelay $0x4  }
0xc5: {  	[tilespmem:$0xE110] =	vst v0  }
0xc6: {  	v0 =	vld [tilespmem:s10+$0x1060];
	_ =	sdelay $0x4  }
0xc7: {  	[tilespmem:$0xE120] =	vst v0  }
0xc8: {  	v0 =	vld [tilespmem:s10+$0x1070];
	_ =	sdelay $0x4  }
0xc9: {  	[tilespmem:$0xE130] =	vst v0  }
0xca: {  	v0 =	vld [tilespmem:s10+$0x1080];
	_ =	sdelay $0x4  }
0xcb: {  	[tilespmem:$0xE140] =	vst v0  }
0xcc: {  	v0 =	vld [tilespmem:s10+$0x1090];
	_ =	sdelay $0x4  }
0xcd: {  	[tilespmem:$0xE150] =	vst v0  }
0xce: {  	v0 =	vld [tilespmem:s10+$0x10A0];
	_ =	sdelay $0x4  }
0xcf: {  	[tilespmem:$0xE160] =	vst v0  }
0xd0: {  	v0 =	vld [tilespmem:s10+$0x10B0];
	_ =	sdelay $0x4  }
0xd1: {  	[tilespmem:$0xE170] =	vst v0  }
0xd2: {  	v0 =	vld [tilespmem:s10+$0x10C0];
	_ =	sdelay $0x4  }
0xd3: {  	[tilespmem:$0xE180] =	vst v0  }
0xd4: {  	v0 =	vld [tilespmem:s10+$0x10D0];
	_ =	sdelay $0x4  }
0xd5: {  	[tilespmem:$0xE190] =	vst v0  }
0xd6: {  	v0 =	vld [tilespmem:s10+$0x10E0];
	_ =	sdelay $0x4  }
0xd7: {  	[tilespmem:$0xE1A0] =	vst v0  }
0xd8: {  	v0 =	vld [tilespmem:s10+$0x10F0];
	_ =	sdelay $0x4  }
0xd9: {  	[tilespmem:$0xE1B0] =	vst v0  }
0xda: {  	v0 =	vld [tilespmem:s10+$0x1100];
	_ =	sdelay $0x4  }
0xdb: {  	[tilespmem:$0xE1C0] =	vst v0  }
0xdc: {  	v0 =	vld [tilespmem:s10+$0x1110];
	_ =	sdelay $0x4  }
0xdd: {  	[tilespmem:$0xE1D0] =	vst v0  }
0xde: {  	v0 =	vld [tilespmem:s10+$0x1120];
	_ =	sdelay $0x4  }
0xdf: {  	[tilespmem:$0xE1E0] =	vst v0  }
0xe0: {  	v0 =	vld [tilespmem:s10+$0x1130];
	_ =	sdelay $0x4  }
0xe1: {  	[tilespmem:$0xE1F0] =	vst v0  }
0xe2: {  	v0 =	vld [tilespmem:s10+$0x1140];
	_ =	sdelay $0x4  }
0xe3: {  	[tilespmem:$0xE200] =	vst v0  }
0xe4: {  	v0 =	vld [tilespmem:s10+$0x1150];
	_ =	sdelay $0x4  }
0xe5: {  	[tilespmem:$0xE210] =	vst v0  }
0xe6: {  	v0 =	vld [tilespmem:s10+$0x1160];
	_ =	sdelay $0x4  }
0xe7: {  	[tilespmem:$0xE220] =	vst v0  }
0xe8: {  	v0 =	vld [tilespmem:s10+$0x1170];
	_ =	sdelay $0x4  }
0xe9: {  	[tilespmem:$0xE230] =	vst v0  }
0xea: {  	v0 =	vld [tilespmem:s10+$0x1180];
	_ =	sdelay $0x4  }
0xeb: {  	[tilespmem:$0xE240] =	vst v0  }
0xec: {  	v0 =	vld [tilespmem:s10+$0x1190];
	_ =	sdelay $0x4  }
0xed: {  	[tilespmem:$0xE250] =	vst v0  }
0xee: {  	v0 =	vld [tilespmem:s10+$0x11A0];
	_ =	sdelay $0x4  }
0xef: {  	[tilespmem:$0xE260] =	vst v0  }
0xf0: {  	v0 =	vld [tilespmem:s10+$0x11B0];
	_ =	sdelay $0x4  }
0xf1: {  	[tilespmem:$0xE270] =	vst v0  }
0xf2: {  	v0 =	vld [tilespmem:s10+$0x11C0];
	_ =	sdelay $0x4  }
0xf3: {  	[tilespmem:$0xE280] =	vst v0  }
0xf4: {  	v0 =	vld [tilespmem:s10+$0x11D0];
	_ =	sdelay $0x4  }
0xf5: {  	[tilespmem:$0xE290] =	vst v0  }
0xf6: {  	v0 =	vld [tilespmem:s10+$0x11E0];
	_ =	sdelay $0x4  }
0xf7: {  	[tilespmem:$0xE300] =	vst v0  }
0xf8: {  	v0 =	vld [tilespmem:s10+$0x11F0];
	_ =	sdelay $0x4  }
0xf9: {  	[tilespmem:$0xE310] =	vst v0  }
0xfa: {  	v0 =	vld [tilespmem:s10+$0x1200];
	_ =	sdelay $0x4  }
0xfb: {  	[tilespmem:$0xE320] =	vst v0  }
0xfc: {  	v0 =	vld [tilespmem:s10+$0x1210];
	_ =	sdelay $0x4  }
0xfd: {  	[tilespmem:$0xE330] =	vst v0  }
0xfe: {  	v0 =	vld [tilespmem:s10+$0x1220];
	_ =	sdelay $0x4  }
0xff: {  	[tilespmem:$0xE340] =	vst v0  }
0x100: {  	v0 =	vld [tilespmem:s10+$0x1230];
	_ =	sdelay $0x4  }
0x101: {  	[tilespmem:$0xE350] =	vst v0  }
0x102: {  	v0 =	vld [tilespmem:s10+$0x1240];
	_ =	sdelay $0x4  }
0x103: {  	[tilespmem:$0xE360] =	vst v0  }
0x104: {  	v0 =	vld [tilespmem:s10+$0x1250];
	_ =	sdelay $0x4  }
0x105: {  	[tilespmem:$0xE370] =	vst v0  }
0x106: {  	v0 =	vld [tilespmem:s10+$0x1260];
	_ =	sdelay $0x4  }
0x107: {  	[tilespmem:$0xE380] =	vst v0  }
0x108: {  	v0 =	vld [tilespmem:s10+$0x1270];
	_ =	sdelay $0x4  }
0x109: {  	[tilespmem:$0xE390] =	vst v0  }
0x10a: {  	v0 =	vld [tilespmem:s10+$0x1280];
	_ =	sdelay $0x4  }
0x10b: {  	[tilespmem:$0xE3A0] =	vst v0  }
0x10c: {  	v0 =	vld [tilespmem:s10+$0x1290];
	_ =	sdelay $0x4  }
0x10d: {  	[tilespmem:$0xE3B0] =	vst v0  }
0x10e: {  	v0 =	vld [tilespmem:s10+$0x12A0];
	_ =	sdelay $0x4  }
0x10f: {  	[tilespmem:$0xE3C0] =	vst v0  }
0x110: {  	v0 =	vld [tilespmem:s10+$0x12B0];
	_ =	sdelay $0x4  }
0x111: {  	[tilespmem:$0xE3D0] =	vst v0  }
0x112: {  	v0 =	vld [tilespmem:s10+$0x12C0];
	_ =	sdelay $0x4  }
0x113: {  	[tilespmem:$0xE3E0] =	vst v0  }
0x114: {  	v0 =	vld [tilespmem:s10+$0x12D0];
	_ =	sdelay $0x4  }
0x115: {  	[tilespmem:$0xE3F0] =	vst v0  }
0x116: {  	v0 =	vld [tilespmem:s10+$0x12E0];
	_ =	sdelay $0x4  }
0x117: {  	[tilespmem:$0xE400] =	vst v0  }
0x118: {  	v0 =	vld [tilespmem:s10+$0x12F0];
	_ =	sdelay $0x4  }
0x119: {  	[tilespmem:$0xE410] =	vst v0  }
0x11a: {  	v0 =	vld [tilespmem:s10+$0x1300];
	_ =	sdelay $0x4  }
0x11b: {  	[tilespmem:$0xE420] =	vst v0  }
0x11c: {  	v0 =	vld [tilespmem:s10+$0x1310];
	_ =	sdelay $0x4  }
0x11d: {  	[tilespmem:$0xE430] =	vst v0  }
0x11e: {  	v0 =	vld [tilespmem:s10+$0x1320];
	_ =	sdelay $0x4  }
0x11f: {  	[tilespmem:$0xE440] =	vst v0  }
0x120: {  	v0 =	vld [tilespmem:s10+$0x1330];
	_ =	sdelay $0x4  }
0x121: {  	[tilespmem:$0xE450] =	vst v0  }
0x122: {  	v0 =	vld [tilespmem:s10+$0x1340];
	_ =	sdelay $0x4  }
0x123: {  	[tilespmem:$0xE460] =	vst v0  }
0x124: {  	v0 =	vld [tilespmem:s10+$0x1350];
	_ =	sdelay $0x4  }
0x125: {  	[tilespmem:$0xE470] =	vst v0  }
0x126: {  	v0 =	vld [tilespmem:s10+$0x1360];
	_ =	sdelay $0x4  }
0x127: {  	[tilespmem:$0xE480] =	vst v0  }
0x128: {  	v0 =	vld [tilespmem:s10+$0x1370];
	_ =	sdelay $0x1  }
0x129: {  	s11 =	sshll.u32 s1, $0xC  }
0x12a: {  	s10 =	sadd.s32 s6, s11  }
0x12b: {  	s10 =	sshrl.u32 s10, $0x3  }
0x12c: {  	s10 =	sadd.s32 s4, s10;
	[tilespmem:$0xE490] =	vst v0  }
0x12d: {  	[hbm4b:s10+s2] =	stream.linear.scatter [tilespmem:s28], [sflag:$0x2], $0x800, $0x38;
	[tilespmem:$0xED00] =	vst v63  }
0x12e: {  	s10 =	sshllo.u32 s1, $0x1  }
0x12f: {  	_ =	swait.ge @!p0 [sflag:s0], $0x800;
	s11 =	smul.u32 $0x1A00, s10  }
0x130: {  	[sflag:s0] =	ssyncset.done @!p0 $0x0  }
0x131: {  	[sflag:s0] =	ssyncadd.s32 @!p0 $0xFFFFF800;
	s11 =	sshra.s32 s11, $0x2  }
0x132: {  	v63 =	vld [tilespmem:s11+$0xD00];
	_ =	sdelay $0x4  }
0x133: {  	[tilespmem:$0xE500] =	vst v63  }
0x134: {  	v0 =	vld [tilespmem:s11+$0xD10];
	_ =	sdelay $0x4  }
0x135: {  	[tilespmem:$0xE510] =	vst v0  }
0x136: {  	v0 =	vld [tilespmem:s11+$0xD20];
	_ =	sdelay $0x4  }
0x137: {  	[tilespmem:$0xE520] =	vst v0  }
0x138: {  	v0 =	vld [tilespmem:s11+$0xD30];
	_ =	sdelay $0x4  }
0x139: {  	[tilespmem:$0xE530] =	vst v0  }
0x13a: {  	v0 =	vld [tilespmem:s11+$0xD40];
	_ =	sdelay $0x4  }
0x13b: {  	[tilespmem:$0xE540] =	vst v0  }
0x13c: {  	v0 =	vld [tilespmem:s11+$0xD50];
	_ =	sdelay $0x4  }
0x13d: {  	[tilespmem:$0xE550] =	vst v0  }
0x13e: {  	v0 =	vld [tilespmem:s11+$0xD60];
	_ =	sdelay $0x4  }
0x13f: {  	[tilespmem:$0xE560] =	vst v0  }
0x140: {  	v0 =	vld [tilespmem:s11+$0xD70];
	_ =	sdelay $0x4  }
0x141: {  	[tilespmem:$0xE570] =	vst v0  }
0x142: {  	v0 =	vld [tilespmem:s11+$0xD80];
	_ =	sdelay $0x4  }
0x143: {  	[tilespmem:$0xE580] =	vst v0  }
0x144: {  	v0 =	vld [tilespmem:s11+$0xD90];
	_ =	sdelay $0x4  }
0x145: {  	[tilespmem:$0xE590] =	vst v0  }
0x146: {  	v0 =	vld [tilespmem:s11+$0xDA0];
	_ =	sdelay $0x4  }
0x147: {  	[tilespmem:$0xE5A0] =	vst v0  }
0x148: {  	v0 =	vld [tilespmem:s11+$0xDB0];
	_ =	sdelay $0x4  }
0x149: {  	[tilespmem:$0xE5B0] =	vst v0  }
0x14a: {  	v0 =	vld [tilespmem:s11+$0xDC0];
	_ =	sdelay $0x4  }
0x14b: {  	[tilespmem:$0xE5C0] =	vst v0  }
0x14c: {  	v0 =	vld [tilespmem:s11+$0xDD0];
	_ =	sdelay $0x4  }
0x14d: {  	[tilespmem:$0xE5D0] =	vst v0  }
0x14e: {  	v0 =	vld [tilespmem:s11+$0xDE0];
	_ =	sdelay $0x4  }
0x14f: {  	[tilespmem:$0xE5E0] =	vst v0  }
0x150: {  	v0 =	vld [tilespmem:s11+$0xDF0];
	_ =	sdelay $0x4  }
0x151: {  	[tilespmem:$0xE5F0] =	vst v0  }
0x152: {  	v0 =	vld [tilespmem:s11+$0xE00];
	_ =	sdelay $0x4  }
0x153: {  	[tilespmem:$0xE600] =	vst v0  }
0x154: {  	v0 =	vld [tilespmem:s11+$0xE10];
	_ =	sdelay $0x4  }
0x155: {  	[tilespmem:$0xE610] =	vst v0  }
0x156: {  	v0 =	vld [tilespmem:s11+$0xE20];
	_ =	sdelay $0x4  }
0x157: {  	[tilespmem:$0xE620] =	vst v0  }
0x158: {  	v0 =	vld [tilespmem:s11+$0xE30];
	_ =	sdelay $0x4  }
0x159: {  	[tilespmem:$0xE630] =	vst v0  }
0x15a: {  	v0 =	vld [tilespmem:s11+$0xE40];
	_ =	sdelay $0x4  }
0x15b: {  	[tilespmem:$0xE640] =	vst v0  }
0x15c: {  	v0 =	vld [tilespmem:s11+$0xE50];
	_ =	sdelay $0x4  }
0x15d: {  	[tilespmem:$0xE650] =	vst v0  }
0x15e: {  	v0 =	vld [tilespmem:s11+$0xE60];
	_ =	sdelay $0x4  }
0x15f: {  	[tilespmem:$0xE660] =	vst v0  }
0x160: {  	v0 =	vld [tilespmem:s11+$0xE70];
	_ =	sdelay $0x4  }
0x161: {  	[tilespmem:$0xE670] =	vst v0  }
0x162: {  	v0 =	vld [tilespmem:s11+$0xE80];
	_ =	sdelay $0x4  }
0x163: {  	[tilespmem:$0xE680] =	vst v0  }
0x164: {  	v0 =	vld [tilespmem:s11+$0xE90];
	_ =	sdelay $0x4  }
0x165: {  	[tilespmem:$0xE690] =	vst v0  }
0x166: {  	v0 =	vld [tilespmem:s11+$0xEA0];
	_ =	sdelay $0x4  }
0x167: {  	[tilespmem:$0xE700] =	vst v0  }
0x168: {  	v0 =	vld [tilespmem:s11+$0xEB0];
	_ =	sdelay $0x4  }
0x169: {  	[tilespmem:$0xE710] =	vst v0  }
0x16a: {  	v0 =	vld [tilespmem:s11+$0xEC0];
	_ =	sdelay $0x4  }
0x16b: {  	[tilespmem:$0xE720] =	vst v0  }
0x16c: {  	v0 =	vld [tilespmem:s11+$0xED0];
	_ =	sdelay $0x4  }
0x16d: {  	[tilespmem:$0xE730] =	vst v0  }
0x16e: {  	v0 =	vld [tilespmem:s11+$0xEE0];
	_ =	sdelay $0x4  }
0x16f: {  	[tilespmem:$0xE740] =	vst v0  }
0x170: {  	v0 =	vld [tilespmem:s11+$0xEF0];
	_ =	sdelay $0x4  }
0x171: {  	[tilespmem:$0xE750] =	vst v0  }
0x172: {  	v0 =	vld [tilespmem:s11+$0xF00];
	_ =	sdelay $0x4  }
0x173: {  	[tilespmem:$0xE760] =	vst v0  }
0x174: {  	v0 =	vld [tilespmem:s11+$0xF10];
	_ =	sdelay $0x4  }
0x175: {  	[tilespmem:$0xE770] =	vst v0  }
0x176: {  	v0 =	vld [tilespmem:s11+$0xF20];
	_ =	sdelay $0x4  }
0x177: {  	[tilespmem:$0xE780] =	vst v0  }
0x178: {  	v0 =	vld [tilespmem:s11+$0xF30];
	_ =	sdelay $0x4  }
0x179: {  	[tilespmem:$0xE790] =	vst v0  }
0x17a: {  	v0 =	vld [tilespmem:s11+$0xF40];
	_ =	sdelay $0x4  }
0x17b: {  	[tilespmem:$0xE7A0] =	vst v0  }
0x17c: {  	v0 =	vld [tilespmem:s11+$0xF50];
	_ =	sdelay $0x4  }
0x17d: {  	[tilespmem:$0xE7B0] =	vst v0  }
0x17e: {  	v0 =	vld [tilespmem:s11+$0xF60];
	_ =	sdelay $0x4  }
0x17f: {  	[tilespmem:$0xE7C0] =	vst v0  }
0x180: {  	v0 =	vld [tilespmem:s11+$0xF70];
	_ =	sdelay $0x4  }
0x181: {  	[tilespmem:$0xE7D0] =	vst v0  }
0x182: {  	v0 =	vld [tilespmem:s11+$0xF80];
	_ =	sdelay $0x4  }
0x183: {  	[tilespmem:$0xE7E0] =	vst v0  }
0x184: {  	v0 =	vld [tilespmem:s11+$0xF90];
	_ =	sdelay $0x4  }
0x185: {  	[tilespmem:$0xE7F0] =	vst v0  }
0x186: {  	v0 =	vld [tilespmem:s11+$0xFA0];
	_ =	sdelay $0x4  }
0x187: {  	[tilespmem:$0xE800] =	vst v0  }
0x188: {  	v0 =	vld [tilespmem:s11+$0xFB0];
	_ =	sdelay $0x4  }
0x189: {  	[tilespmem:$0xE810] =	vst v0  }
0x18a: {  	v0 =	vld [tilespmem:s11+$0xFC0];
	_ =	sdelay $0x4  }
0x18b: {  	[tilespmem:$0xE820] =	vst v0  }
0x18c: {  	v0 =	vld [tilespmem:s11+$0xFD0];
	_ =	sdelay $0x4  }
0x18d: {  	[tilespmem:$0xE830] =	vst v0  }
0x18e: {  	v0 =	vld [tilespmem:s11+$0xFE0];
	_ =	sdelay $0x4  }
0x18f: {  	[tilespmem:$0xE840] =	vst v0  }
0x190: {  	v0 =	vld [tilespmem:s11+$0xFF0];
	_ =	sdelay $0x4  }
0x191: {  	[tilespmem:$0xE850] =	vst v0  }
0x192: {  	v0 =	vld [tilespmem:s11+$0x1000];
	_ =	sdelay $0x4  }
0x193: {  	[tilespmem:$0xE860] =	vst v0  }
0x194: {  	v0 =	vld [tilespmem:s11+$0x1010];
	_ =	sdelay $0x4  }
0x195: {  	[tilespmem:$0xE870] =	vst v0  }
0x196: {  	v0 =	vld [tilespmem:s11+$0x1020];
	_ =	sdelay $0x4  }
0x197: {  	[tilespmem:$0xE880] =	vst v0  }
0x198: {  	v0 =	vld [tilespmem:s11+$0x1030];
	_ =	sdelay $0x4  }
0x199: {  	[tilespmem:$0xE890] =	vst v0  }
0x19a: {  	v0 =	vld [tilespmem:s11+$0x1040];
	_ =	sdelay $0x4  }
0x19b: {  	[tilespmem:$0xE900] =	vst v0  }
0x19c: {  	v0 =	vld [tilespmem:s11+$0x1050];
	_ =	sdelay $0x4  }
0x19d: {  	[tilespmem:$0xE910] =	vst v0  }
0x19e: {  	v0 =	vld [tilespmem:s11+$0x1060];
	_ =	sdelay $0x4  }
0x19f: {  	[tilespmem:$0xE920] =	vst v0  }
0x1a0: {  	v0 =	vld [tilespmem:s11+$0x1070];
	_ =	sdelay $0x4  }
0x1a1: {  	[tilespmem:$0xE930] =	vst v0  }
0x1a2: {  	v0 =	vld [tilespmem:s11+$0x1080];
	_ =	sdelay $0x4  }
0x1a3: {  	[tilespmem:$0xE940] =	vst v0  }
0x1a4: {  	v0 =	vld [tilespmem:s11+$0x1090];
	_ =	sdelay $0x4  }
0x1a5: {  	[tilespmem:$0xE950] =	vst v0  }
0x1a6: {  	v0 =	vld [tilespmem:s11+$0x10A0];
	_ =	sdelay $0x4  }
0x1a7: {  	[tilespmem:$0xE960] =	vst v0  }
0x1a8: {  	v0 =	vld [tilespmem:s11+$0x10B0];
	_ =	sdelay $0x4  }
0x1a9: {  	[tilespmem:$0xE970] =	vst v0  }
0x1aa: {  	v0 =	vld [tilespmem:s11+$0x10C0];
	_ =	sdelay $0x4  }
0x1ab: {  	[tilespmem:$0xE980] =	vst v0  }
0x1ac: {  	v0 =	vld [tilespmem:s11+$0x10D0];
	_ =	sdelay $0x4  }
0x1ad: {  	[tilespmem:$0xE990] =	vst v0  }
0x1ae: {  	v0 =	vld [tilespmem:s11+$0x10E0];
	_ =	sdelay $0x4  }
0x1af: {  	[tilespmem:$0xE9A0] =	vst v0  }
0x1b0: {  	v0 =	vld [tilespmem:s11+$0x10F0];
	_ =	sdelay $0x4  }
0x1b1: {  	[tilespmem:$0xE9B0] =	vst v0  }
0x1b2: {  	v0 =	vld [tilespmem:s11+$0x1100];
	_ =	sdelay $0x4  }
0x1b3: {  	[tilespmem:$0xE9C0] =	vst v0  }
0x1b4: {  	v0 =	vld [tilespmem:s11+$0x1110];
	_ =	sdelay $0x4  }
0x1b5: {  	[tilespmem:$0xE9D0] =	vst v0  }
0x1b6: {  	v0 =	vld [tilespmem:s11+$0x1120];
	_ =	sdelay $0x4  }
0x1b7: {  	[tilespmem:$0xE9E0] =	vst v0  }
0x1b8: {  	v0 =	vld [tilespmem:s11+$0x1130];
	_ =	sdelay $0x4  }
0x1b9: {  	[tilespmem:$0xE9F0] =	vst v0  }
0x1ba: {  	v0 =	vld [tilespmem:s11+$0x1140];
	_ =	sdelay $0x4  }
0x1bb: {  	[tilespmem:$0xEA00] =	vst v0  }
0x1bc: {  	v0 =	vld [tilespmem:s11+$0x1150];
	_ =	sdelay $0x4  }
0x1bd: {  	[tilespmem:$0xEA10] =	vst v0  }
0x1be: {  	v0 =	vld [tilespmem:s11+$0x1160];
	_ =	sdelay $0x4  }
0x1bf: {  	[tilespmem:$0xEA20] =	vst v0  }
0x1c0: {  	v0 =	vld [tilespmem:s11+$0x1170];
	_ =	sdelay $0x4  }
0x1c1: {  	[tilespmem:$0xEA30] =	vst v0  }
0x1c2: {  	v0 =	vld [tilespmem:s11+$0x1180];
	_ =	sdelay $0x4  }
0x1c3: {  	[tilespmem:$0xEA40] =	vst v0  }
0x1c4: {  	v0 =	vld [tilespmem:s11+$0x1190];
	_ =	sdelay $0x4  }
0x1c5: {  	[tilespmem:$0xEA50] =	vst v0  }
0x1c6: {  	v0 =	vld [tilespmem:s11+$0x11A0];
	_ =	sdelay $0x4  }
0x1c7: {  	[tilespmem:$0xEA60] =	vst v0  }
0x1c8: {  	v0 =	vld [tilespmem:s11+$0x11B0];
	_ =	sdelay $0x4  }
0x1c9: {  	[tilespmem:$0xEA70] =	vst v0  }
0x1ca: {  	v0 =	vld [tilespmem:s11+$0x11C0];
	_ =	sdelay $0x4  }
0x1cb: {  	[tilespmem:$0xEA80] =	vst v0  }
0x1cc: {  	v0 =	vld [tilespmem:s11+$0x11D0];
	_ =	sdelay $0x4  }
0x1cd: {  	[tilespmem:$0xEA90] =	vst v0  }
0x1ce: {  	v0 =	vld [tilespmem:s11+$0x11E0];
	_ =	sdelay $0x4  }
0x1cf: {  	[tilespmem:$0xEB00] =	vst v0  }
0x1d0: {  	v0 =	vld [tilespmem:s11+$0x11F0];
	_ =	sdelay $0x4  }
0x1d1: {  	[tilespmem:$0xEB10] =	vst v0  }
0x1d2: {  	v0 =	vld [tilespmem:s11+$0x1200];
	_ =	sdelay $0x4  }
0x1d3: {  	[tilespmem:$0xEB20] =	vst v0  }
0x1d4: {  	v0 =	vld [tilespmem:s11+$0x1210];
	_ =	sdelay $0x4  }
0x1d5: {  	[tilespmem:$0xEB30] =	vst v0  }
0x1d6: {  	v0 =	vld [tilespmem:s11+$0x1220];
	_ =	sdelay $0x4  }
0x1d7: {  	[tilespmem:$0xEB40] =	vst v0  }
0x1d8: {  	v0 =	vld [tilespmem:s11+$0x1230];
	_ =	sdelay $0x4  }
0x1d9: {  	[tilespmem:$0xEB50] =	vst v0  }
0x1da: {  	v0 =	vld [tilespmem:s11+$0x1240];
	_ =	sdelay $0x4  }
0x1db: {  	[tilespmem:$0xEB60] =	vst v0  }
0x1dc: {  	v0 =	vld [tilespmem:s11+$0x1250];
	_ =	sdelay $0x4  }
0x1dd: {  	[tilespmem:$0xEB70] =	vst v0  }
0x1de: {  	v0 =	vld [tilespmem:s11+$0x1260];
	_ =	sdelay $0x4  }
0x1df: {  	[tilespmem:$0xEB80] =	vst v0  }
0x1e0: {  	v0 =	vld [tilespmem:s11+$0x1270];
	_ =	sdelay $0x4  }
0x1e1: {  	[tilespmem:$0xEB90] =	vst v0  }
0x1e2: {  	v0 =	vld [tilespmem:s11+$0x1280];
	_ =	sdelay $0x4  }
0x1e3: {  	[tilespmem:$0xEBA0] =	vst v0  }
0x1e4: {  	v0 =	vld [tilespmem:s11+$0x1290];
	_ =	sdelay $0x4  }
0x1e5: {  	[tilespmem:$0xEBB0] =	vst v0  }
0x1e6: {  	v0 =	vld [tilespmem:s11+$0x12A0];
	_ =	sdelay $0x4  }
0x1e7: {  	[tilespmem:$0xEBC0] =	vst v0  }
0x1e8: {  	v0 =	vld [tilespmem:s11+$0x12B0];
	_ =	sdelay $0x4  }
0x1e9: {  	[tilespmem:$0xEBD0] =	vst v0  }
0x1ea: {  	v0 =	vld [tilespmem:s11+$0x12C0];
	_ =	sdelay $0x4  }
0x1eb: {  	[tilespmem:$0xEBE0] =	vst v0  }
0x1ec: {  	v0 =	vld [tilespmem:s11+$0x12D0];
	_ =	sdelay $0x4  }
0x1ed: {  	[tilespmem:$0xEBF0] =	vst v0  }
0x1ee: {  	v0 =	vld [tilespmem:s11+$0x12E0];
	_ =	sdelay $0x4  }
0x1ef: {  	[tilespmem:$0xEC00] =	vst v0  }
0x1f0: {  	v0 =	vld [tilespmem:s11+$0x12F0];
	_ =	sdelay $0x4  }
0x1f1: {  	[tilespmem:$0xEC10] =	vst v0  }
0x1f2: {  	v0 =	vld [tilespmem:s11+$0x1300];
	_ =	sdelay $0x4  }
0x1f3: {  	[tilespmem:$0xEC20] =	vst v0  }
0x1f4: {  	v0 =	vld [tilespmem:s11+$0x1310];
	_ =	sdelay $0x4  }
0x1f5: {  	[tilespmem:$0xEC30] =	vst v0  }
0x1f6: {  	v0 =	vld [tilespmem:s11+$0x1320];
	_ =	sdelay $0x4  }
0x1f7: {  	[tilespmem:$0xEC40] =	vst v0  }
0x1f8: {  	v0 =	vld [tilespmem:s11+$0x1330];
	_ =	sdelay $0x4  }
0x1f9: {  	[tilespmem:$0xEC50] =	vst v0  }
0x1fa: {  	v0 =	vld [tilespmem:s11+$0x1340];
	_ =	sdelay $0x4  }
0x1fb: {  	[tilespmem:$0xEC60] =	vst v0  }
0x1fc: {  	v0 =	vld [tilespmem:s11+$0x1350];
	_ =	sdelay $0x4  }
0x1fd: {  	[tilespmem:$0xEC70] =	vst v0  }
0x1fe: {  	v0 =	vld [tilespmem:s11+$0x1360];
	_ =	sdelay $0x4  }
0x1ff: {  	[tilespmem:$0xEC80] =	vst v0  }
0x200: {  	s1 =	sadd.s32 $0x1, s1;
	v0 =	vld [tilespmem:s11+$0x1370]  }
0x201: {  	p0 =	sne.s32 s1, $0x10  }
.Ltmp0:
0x202: {  	s11 =	sshll.u32 s10, $0xB;
	(pc) =	sbr.rel @p0 .LBB2_2-.Ltmp0, $4  }
0x203: {  	s0 =	sadd.s32 s6, s11  }
0x204: {  	s0 =	sshrl.u32 s0, $0x3  }
0x205: {  	s0 =	sadd.s32 s4, s0;
	[tilespmem:$0xEC90] =	vst v0  }
0x206: {  	[hbm4b:s0+s2] =	stream.linear.scatter [tilespmem:s29], [sflag:$0x2], $0x800, $0x38;
	[tilespmem:$0xED00] =	vst v63  }
0x207: {  	s31 =	sadd.s32 $0x1, s31  }
0x208: {  	_ =	swait.ge [sflag:s30], $0x800;
	p0 =	sne.s32 s31, s7  }
.Ltmp1:
0x209: {  	[sflag:s30] =	ssyncset.done $0x0;
	(pc) =	sbr.rel @p0 .LBB2_1-.Ltmp1, $4  }
0x20a: {  	[sflag:s30] =	ssyncadd.s32 $0xFFFFF800  }
0x20b: {  	_ =	swait.ge [sflag:s30], $0x800  }
0x20c: {  	[sflag:s30] =	ssyncset.done $0x0  }
0x20d: {  	[sflag:s30] =	ssyncadd.s32 $0xFFFFF800  }
0x20e: {  	_ =	sfence.sel $0x180000  }
0x20f: {  	[bflag:$0x0] =	sbarrier.arrive $0xFFFF  }
0x210: {  	_ =	strace $0x9000004A  }
0x211: {  	s0 =	stileid.u32;
	[bflag:$0x2] =	sbarrier.arrive $0xFFFF  }
0x212: {  	p0 =	sne.s32 s0, $0x0;
	s0 =	rddreg [dreg:$0x1]  }
0x213: {  	s0 =	sadd.s32 @!p0 $0x100000, s0  }
0x214: {  	[sflag:s0] =	ssyncadd.tile.s32 @!p0 $0x1;
	_ =	shalt  }
.Lfunc_end2:
_tile_overlayer_lowered:
.L_overlay_start_2:
0x215: {  	(tag) =	ssettag $0x2  }
0x216: {  	s0 =	rddreg [dreg:$0x0];
	s2 =	stileid.u32  }
0x217: {  	s1 =	rddreg [dreg:$0x1];
	p0 =	sne.s32 s2, $0x0  }
0x218: {  	s3 =	rddreg [dreg:$0x2];
	[bflag:$0x3] =	sbarrier.arrive $0xFFFF;
	s2 =	simm.s32 @!p0 $0x1C03  }
0x219: {  	[timem:s3], [sflag:s2] =	dma.local @!p0 [hbm:s0], s1  }
0x21a: {  	s0 =	simm.s32 @!p0 $0x3  }
0x21b: {  	_ =	swait.ge @!p0 [sflag:s0], s1  }
0x21c: {  	s1 =	ssub.s32 @!p0 $0x0, s1;
	[sflag:s0] =	ssyncset.done @!p0 $0x0  }
0x21d: {  	[sflag:s0] =	ssyncadd.s32 @!p0 s1  }
0x21e: {  	[bflag:$0x3] =	sbarrier.arrive $0xFFFF  }
0x21f: {  	_ =	shalt  }

</sc_bundles>
